<compile_context>
chip_gen: v7x
topology: tpu7x:2x2x1
jax: 0.10.2.dev20260603
libtpu: 0.0.44.dev20260713+nightly
codegen_flags: <defaults>
</compile_context>

<pallas_src>
import functools

import jax
import jax.numpy as jnp
from jax import lax
from jax.experimental import pallas as pl
from jax.experimental.pallas import tpu as pltpu
from jax.experimental.pallas import tpu_sc as plsc

NP = 10240
HD = 128
NG = 64
CH = 128
NCH = 80
TILES = 32
EPAD = TILES * NCH * CH
DUMMY = 10000
RPT = NP // 16
BR = 1024
GRID = NP // BR

NCHF = 120
NCHS = 38
EDGF = 16 * NCHF * CH
EPAD_A = 16 * (NCHF + NCHS) * CH



def _agg_body(v_hbm, src_hbm, dst_hbm, z_hbm, out_hbm,
              acc, srci, dsti, rows, s0, s1):
    sems = (s0, s1)
    c = lax.axis_index("c")
    s = lax.axis_index("s")
    wid = c * 16 + s

    pltpu.sync_copy(z_hbm, acc.at[pl.ds(s * RPT, RPT)])
    plsc.subcore_barrier()

    def group(g, carry):
        pltpu.sync_copy(src_hbm.at[wid, pl.ds(2 * g, 2)], srci)
        pltpu.sync_copy(dst_hbm.at[wid, pl.ds(2 * g, 2)], dsti)
        handles = [pltpu.async_copy(v_hbm.at[srci.at[b]], rows.at[b], sems[b])
                   for b in range(2)]
        for b in range(2):
            handles[b].wait()
            pltpu.sync_copy(rows.at[b], acc.at[dsti.at[b]], add=True)
        return carry

    ngroups = lax.select(c == 0, NCHF // 2, NCHS // 2)
    lax.fori_loop(0, ngroups, group, 0)
    plsc.subcore_barrier()

    for i in range(RPT // CH):
        r0 = s * RPT + i * CH
        pltpu.sync_copy(acc.at[pl.ds(r0, CH)], rows.at[0])
        pltpu.sync_copy(rows.at[0], out_hbm.at[c, pl.ds(r0, CH)])


@functools.lru_cache(maxsize=None)
def _get_agg():
    return pl.kernel(
        _agg_body,
        out_type=jax.ShapeDtypeStruct((2, NP, HD), jnp.float32),
        mesh=plsc.VectorSubcoreMesh(core_axis_name="c", subcore_axis_name="s"),
        scratch_types=[
            pltpu.VMEM_SHARED((NP, HD), jnp.float32),
            pltpu.VMEM((2, CH), jnp.int32),
            pltpu.VMEM((2, CH), jnp.int32),
            pltpu.VMEM((2, CH, HD), jnp.float32),
            pltpu.SemaphoreType.DMA,
            pltpu.SemaphoreType.DMA,
        ],
    )


def _deg_body(dst_hbm, z_hbm, ones_hbm, dout_hbm, dacc, dsti, ones_v):
    c = lax.axis_index("c")
    s = lax.axis_index("s")
    wid = c * 16 + s

    pltpu.sync_copy(z_hbm, dacc.at[pl.ds(s * RPT, RPT)])
    pltpu.sync_copy(ones_hbm, ones_v)
    plsc.subcore_barrier()

    def group(g, carry):
        pltpu.sync_copy(dst_hbm.at[wid, pl.ds(2 * g, 2)], dsti)
        for b in range(2):
            pltpu.sync_copy(ones_v, dacc.at[dsti.at[b]], add=True)
        return carry

    lax.fori_loop(0, NCH // 2, group, 0)
    plsc.subcore_barrier()

    for i in range(RPT // CH):
        r0 = s * RPT + i * CH
        pltpu.sync_copy(dacc.at[pl.ds(r0, CH)], ones_v)
        pltpu.sync_copy(ones_v, dout_hbm.at[c, pl.ds(r0, CH)])


@functools.lru_cache(maxsize=None)
def _get_deg():
    return pl.kernel(
        _deg_body,
        out_type=jax.ShapeDtypeStruct((2, NP, HD), jnp.float32),
        mesh=plsc.VectorSubcoreMesh(core_axis_name="c", subcore_axis_name="s"),
        scratch_types=[
            pltpu.VMEM_SHARED((NP, HD), jnp.float32),
            pltpu.VMEM((2, CH), jnp.int32),
            pltpu.VMEM((CH, HD), jnp.float32),
        ],
    )



def _dense_body(x_ref, w_ref, b_ref, o_ref):
    y = jnp.dot(x_ref[...], w_ref[...], preferred_element_type=jnp.float32)
    o_ref[...] = jnp.maximum(y + b_ref[...], 0.0)


_dense = pl.pallas_call(
    _dense_body,
    grid=(GRID,),
    in_specs=[
        pl.BlockSpec((BR, HD), lambda i: (i, 0)),
        pl.BlockSpec((HD, HD), lambda i: (0, 0)),
        pl.BlockSpec((1, HD), lambda i: (0, 0)),
    ],
    out_specs=pl.BlockSpec((BR, HD), lambda i: (i, 0)),
    out_shape=jax.ShapeDtypeStruct((NP, HD), jnp.float32),
)



def _sage_step(t_ref, p_ref, d_ref, wl_ref, wr_ref, b_ref):
    t = t_ref[...]
    agg = p_ref[0] + p_ref[1]
    deg = d_ref[0, :, 0:1] + d_ref[1, :, 0:1]
    mean = agg / jnp.maximum(deg, 1.0)
    y = jnp.dot(t, wl_ref[...], preferred_element_type=jnp.float32)
    y = y + jnp.dot(mean, wr_ref[...], preferred_element_type=jnp.float32)
    h = jnp.maximum(y + b_ref[...], 0.0)
    return t + h


def _combine_body(t_ref, p_ref, d_ref, wl_ref, wr_ref, b_ref, s_ref):
    s_ref[...] = _sage_step(t_ref, p_ref, d_ref, wl_ref, wr_ref, b_ref)


def _combine_dense_body(t_ref, p_ref, d_ref, wl_ref, wr_ref, b_ref,
                        w2_ref, b2_ref, o_ref):
    r = _sage_step(t_ref, p_ref, d_ref, wl_ref, wr_ref, b_ref)
    y = jnp.dot(r, w2_ref[...], preferred_element_type=jnp.float32)
    o_ref[...] = jnp.maximum(y + b2_ref[...], 0.0)


_combine = pl.pallas_call(
    _combine_body,
    grid=(GRID,),
    in_specs=[
        pl.BlockSpec((BR, HD), lambda i: (i, 0)),
        pl.BlockSpec((2, BR, HD), lambda i: (0, i, 0)),
        pl.BlockSpec((2, BR, HD), lambda i: (0, i, 0)),
        pl.BlockSpec((HD, HD), lambda i: (0, 0)),
        pl.BlockSpec((HD, HD), lambda i: (0, 0)),
        pl.BlockSpec((1, HD), lambda i: (0, 0)),
    ],
    out_specs=pl.BlockSpec((BR, HD), lambda i: (i, 0)),
    out_shape=jax.ShapeDtypeStruct((NP, HD), jnp.float32),
)


_combine_dense = pl.pallas_call(
    _combine_dense_body,
    grid=(GRID,),
    in_specs=[
        pl.BlockSpec((BR, HD), lambda i: (i, 0)),
        pl.BlockSpec((2, BR, HD), lambda i: (0, i, 0)),
        pl.BlockSpec((2, BR, HD), lambda i: (0, i, 0)),
        pl.BlockSpec((HD, HD), lambda i: (0, 0)),
        pl.BlockSpec((HD, HD), lambda i: (0, 0)),
        pl.BlockSpec((1, HD), lambda i: (0, 0)),
        pl.BlockSpec((HD, HD), lambda i: (0, 0)),
        pl.BlockSpec((1, HD), lambda i: (0, 0)),
    ],
    out_specs=pl.BlockSpec((BR, HD), lambda i: (i, 0)),
    out_shape=jax.ShapeDtypeStruct((NP, HD), jnp.float32),
)



def _tail_body(t_ref, p_ref, d_ref, wl_ref, wr_ref, b_ref, w2_ref, b2_ref,
               bat_ref, row_ref, rob_ref, clw_ref, clb_ref,
               o_ref, accy, accc):
    i = pl.program_id(0)
    r = _sage_step(t_ref, p_ref, d_ref, wl_ref, wr_ref, b_ref)
    y = jnp.dot(r, w2_ref[...], preferred_element_type=jnp.float32)
    h = jnp.maximum(y + b2_ref[...], 0.0)
    bids = bat_ref[0, 0, :]
    onehot = (bids[:, None] ==
              lax.broadcasted_iota(jnp.int32, (BR, NG), 1)).astype(jnp.float32)
    dn = (((0,), (0,)), ((), ()))
    py = lax.dot_general(onehot, h, dn,
                         preferred_element_type=jnp.float32)
    pc = lax.dot_general(onehot, jnp.ones((BR, HD), jnp.float32), dn,
                         preferred_element_type=jnp.float32)

    @pl.when(i == 0)
    def _init():
        accy[...] = py
        accc[...] = pc

    @pl.when(i > 0)
    def _accum():
        accy[...] = accy[...] + py
        accc[...] = accc[...] + pc

    @pl.when(i == GRID - 1)
    def _final():
        pooled = accy[...] / jnp.maximum(accc[...], 1.0)
        r = jnp.maximum(
            jnp.dot(pooled, row_ref[...], preferred_element_type=jnp.float32)
            + rob_ref[...], 0.0)
        o_ref[...] = (jnp.dot(r, clw_ref[...],
                              preferred_element_type=jnp.float32)
                      + clb_ref[...])


_tail = pl.pallas_call(
    _tail_body,
    grid=(GRID,),
    in_specs=[
        pl.BlockSpec((BR, HD), lambda i: (i, 0)),
        pl.BlockSpec((2, BR, HD), lambda i: (0, i, 0)),
        pl.BlockSpec((2, BR, HD), lambda i: (0, i, 0)),
        pl.BlockSpec((HD, HD), lambda i: (0, 0)),
        pl.BlockSpec((HD, HD), lambda i: (0, 0)),
        pl.BlockSpec((1, HD), lambda i: (0, 0)),
        pl.BlockSpec((HD, HD), lambda i: (0, 0)),
        pl.BlockSpec((1, HD), lambda i: (0, 0)),
        pl.BlockSpec((1, 1, BR), lambda i: (i, 0, 0)),
        pl.BlockSpec((HD, HD), lambda i: (0, 0)),
        pl.BlockSpec((1, HD), lambda i: (0, 0)),
        pl.BlockSpec((HD, HD), lambda i: (0, 0)),
        pl.BlockSpec((1, HD), lambda i: (0, 0)),
    ],
    out_specs=pl.BlockSpec((NG, HD), lambda i: (0, 0)),
    out_shape=jax.ShapeDtypeStruct((NG, HD), jnp.float32),
    scratch_shapes=[
        pltpu.VMEM((NG, HD), jnp.float32),
        pltpu.VMEM((NG, HD), jnp.float32),
    ],
)



def kernel(x, edge_index, batch, lin1_W, lin1_b, sage_Wl, sage_Wr, sage_b,
           cell_W, cell_b, ro_W, ro_b, cls_W, cls_b):
    n, d = x.shape
    e = edge_index.shape[1]
    out_dim = cls_W.shape[1]

    xp = jnp.pad(x, ((0, NP - n), (0, 0)))
    dst3 = jnp.pad(edge_index[1], (0, EPAD - e),
                   constant_values=DUMMY).reshape(TILES, NCH, CH)

    def asym(idx, fill):
        fast = idx[:EDGF].reshape(16, NCHF, CH)
        slow = jnp.pad(idx[EDGF:], (0, EPAD_A - EDGF - (e - EDGF)),
                       constant_values=fill).reshape(16, NCHS, CH)
        slow = jnp.pad(slow, ((0, 0), (0, NCHF - NCHS), (0, 0)),
                       constant_values=fill)
        return jnp.concatenate([fast, slow], axis=0)

    srcA = asym(edge_index[0], 0)
    dstA = asym(edge_index[1], DUMMY)
    bat3 = jnp.pad(batch, (0, NP - n),
                   constant_values=NG).reshape(GRID, 1, BR)

    zrows = jnp.zeros((RPT, HD), jnp.float32)
    ones_rows = jnp.ones((CH, HD), jnp.float32)

    l1b = lin1_b.reshape(1, HD)
    sgb = sage_b.reshape(4, 1, HD)
    clb = cell_b.reshape(2, 1, HD)
    rob = ro_b.reshape(1, HD)
    clsWp = jnp.pad(cls_W, ((0, 0), (0, HD - out_dim)))
    clsbp = jnp.pad(cls_b, (0, HD - out_dim)).reshape(1, HD)

    _agg = _get_agg()
    _deg = _get_deg()

    dp = _deg(dst3, zrows, ones_rows)
    h0 = _dense(xp, lin1_W, l1b)

    p = _agg(h0, srcA, dstA, zrows)
    r1 = _combine(h0, p, dp, sage_Wl[0], sage_Wr[0], sgb[0])

    p = _agg(r1, srcA, dstA, zrows)
    h3 = _combine_dense(r1, p, dp, sage_Wl[1], sage_Wr[1], sgb[1],
                        cell_W[0], clb[0])

    p = _agg(h3, srcA, dstA, zrows)
    r4 = _combine(h3, p, dp, sage_Wl[2], sage_Wr[2], sgb[2])

    p = _agg(r4, srcA, dstA, zrows)
    out = _tail(r4, p, dp, sage_Wl[3], sage_Wr[3], sgb[3],
                cell_W[1], clb[1], bat3, ro_W, rob, clsWp, clsbp)
    return out[:, :out_dim]

# --- scband reference (transcript-rebuilt; emitter-appended) ---
"""Pipeline reference for scband-network-gnn-27410481283137 (READ-ONLY COPY).

The authoritative reference and input builder live on the scoring server;
editing this copy changes nothing except your own understanding.
"""

import jax, jax.numpy as jnp
import numpy as np

N = 10000
E = 320000
D = 128
H = 128
OUT = 10
G = 64
NUM_CELLS = 2
NODES_PER_CELL = 2


def setup_inputs(seed: int = 0):
    key = jax.random.key(seed)
    ks = jax.random.split(key, 12)
    s = 0.05
    x = jax.random.normal(ks[0], (N, D), dtype=jnp.float32)
    edge_index = jax.random.randint(ks[1], (2, E), 0, N, dtype=jnp.int32)
    batch = jnp.sort(jax.random.randint(ks[2], (N,), 0, G, dtype=jnp.int32))
    lin1_W = jax.random.normal(ks[3], (D, H), dtype=jnp.float32) * s
    lin1_b = jnp.zeros((H,), dtype=jnp.float32)
    sage_Wl = jax.random.normal(ks[4], (4, H, H), dtype=jnp.float32) * s
    sage_Wr = jax.random.normal(ks[5], (4, H, H), dtype=jnp.float32) * s
    sage_b = jnp.zeros((4, H), dtype=jnp.float32)
    cell_W = jax.random.normal(ks[6], (2, H, H), dtype=jnp.float32) * s
    cell_b = jnp.zeros((2, H), dtype=jnp.float32)
    ro_W = jax.random.normal(ks[7], (H, H), dtype=jnp.float32) * s
    ro_b = jnp.zeros((H,), dtype=jnp.float32)
    cls_W = jax.random.normal(ks[8], (H, OUT), dtype=jnp.float32) * s
    cls_b = jnp.zeros((OUT,), dtype=jnp.float32)
    return {"x": x, "edge_index": edge_index, "batch": batch,
            "lin1_W": lin1_W, "lin1_b": lin1_b,
            "sage_Wl": sage_Wl, "sage_Wr": sage_Wr, "sage_b": sage_b,
            "cell_W": cell_W, "cell_b": cell_b,
            "ro_W": ro_W, "ro_b": ro_b, "cls_W": cls_W, "cls_b": cls_b}


def _sage(h, src, dst, Wl, Wr, b):
    agg = jax.ops.segment_sum(h[src], dst, num_segments=N)
    deg = jax.ops.segment_sum(jnp.ones((src.shape[0],), dtype=h.dtype), dst, num_segments=N)
    mean = agg / jnp.clip(deg, 1.0, None)[:, None]
    return h @ Wl + mean @ Wr + b


def reference(x, edge_index, batch, lin1_W, lin1_b, sage_Wl, sage_Wr, sage_b,
              cell_W, cell_b, ro_W, ro_b, cls_W, cls_b):
    src, dst = edge_index[0], edge_index[1]
    h = jax.nn.relu(x @ lin1_W + lin1_b)  # lin1 + relu (dropout off in eval)
    features = [h]
    for cell in range(NUM_CELLS):
        for node in range(NODES_PER_CELL + 1):
            # skip ops are identity ('skip' primitive); fuse 'sum' then LaOp relu
            layer_input = [features[i] for i in range(node + 1)]
            tmp = jax.nn.relu(sum(layer_input))
            if node == NODES_PER_CELL:
                h = tmp @ cell_W[cell] + cell_b[cell]
            else:
                agg_id = cell * NODES_PER_CELL + node
                h = _sage(tmp, src, dst, sage_Wl[agg_id], sage_Wr[agg_id], sage_b[agg_id])
            h = jax.nn.relu(h)
            features.append(h)
        features = [h]
    # global mean pool readout per graph
    pooled_sum = jax.ops.segment_sum(h, batch, num_segments=G)
    counts = jax.ops.segment_sum(jnp.ones((N,), dtype=h.dtype), batch, num_segments=G)
    pooled = pooled_sum / jnp.clip(counts, 1.0, None)[:, None]
    out = jax.nn.relu(pooled @ ro_W + ro_b)
    return out @ cls_W + cls_b

if __name__ == "__main__":
    import jax
    _d = setup_inputs()
    print(jax.jit(kernel)(*tuple(_d.values())))

</pallas_src>

<mosaic_0001>
#map = affine_map<(d0, d1) -> (0, 0, 0)>
#map1 = affine_map<(d0, d1) -> (0, 0)>
module attributes {stable_mosaic.version = 14 : i64} {
  func.func @_deg_body(%arg0: i32, %arg1: i32, %arg2: memref<32x80x128xi32, #tpu.memory_space<hbm>>, %arg3: memref<640x128xf32, #tpu.memory_space<hbm>>, %arg4: memref<128x128xf32, #tpu.memory_space<hbm>>, %arg5: memref<2x10240x128xf32, #tpu.memory_space<hbm>>, %arg6: memref<10240x128xf32, #tpu.memory_space<vmem_shared>>, %arg7: memref<2x128xi32, #tpu.memory_space<vmem>>, %arg8: memref<128x128xf32, #tpu.memory_space<vmem>>) attributes {dimension_semantics = [#tpu.dimension_semantics<core_parallel>, #tpu.dimension_semantics<subcore_parallel>], iteration_bounds = array<i64: 2, 16>, scalar_prefetch = 0 : i64, scratch_operands = 3 : i64, tpu.core_type = #tpu.core_type<sc_vector_subcore>, window_params = [{transform_indices = #map}, {transform_indices = #map1}, {transform_indices = #map1}, {transform_indices = #map}]} {
    %mul3A = arith.constant 16 : i32
    %mul3A_0 = arith.muli %arg0, %mul3A : i32
    %add3A = arith.addi %mul3A_0, %arg1 : i32
    %mul3A_1 = arith.constant 640 : i32
    %mul3A_2 = arith.muli %arg1, %mul3A_1 : i32
    "tpu.region"() ({
      %run_scoped3A = tpu.sem_alloc : memref<!tpu.dma_semaphore, #tpu.memory_space<semaphore_mem>>
      %dma_start3A = arith.constant 0 : i32
      %dma_start3A_29 = tpu.memref_slice %arg6[%mul3A_2, %dma_start3A] : memref<10240x128xf32, #tpu.memory_space<vmem_shared>> -> memref<640x128xf32, #tpu.memory_space<vmem_shared>>
      tpu.enqueue_dma source(%arg3 : memref<640x128xf32, #tpu.memory_space<hbm>>) target(%dma_start3A_29 : memref<640x128xf32, #tpu.memory_space<vmem_shared>>) target_semaphore(%run_scoped3A : memref<!tpu.dma_semaphore, #tpu.memory_space<semaphore_mem>>)
      %dma_wait3A = arith.constant 0 : i32
      %dma_wait3A_30 = tpu.memref_slice %arg6[%mul3A_2, %dma_wait3A] : memref<10240x128xf32, #tpu.memory_space<vmem_shared>> -> memref<640x128xf32, #tpu.memory_space<vmem_shared>>
      tpu.wait_dma2 semaphore(%run_scoped3A : memref<!tpu.dma_semaphore, #tpu.memory_space<semaphore_mem>>) src(%arg3 : memref<640x128xf32, #tpu.memory_space<hbm>>) dst(%dma_wait3A_30 : memref<640x128xf32, #tpu.memory_space<vmem_shared>>)
      tpu.yield
    }) : () -> ()
    "tpu.region"() ({
      %run_scoped3A = tpu.sem_alloc : memref<!tpu.dma_semaphore, #tpu.memory_space<semaphore_mem>>
      tpu.enqueue_dma source(%arg4 : memref<128x128xf32, #tpu.memory_space<hbm>>) target(%arg8 : memref<128x128xf32, #tpu.memory_space<vmem>>) target_semaphore(%run_scoped3A : memref<!tpu.dma_semaphore, #tpu.memory_space<semaphore_mem>>)
      tpu.wait_dma2 semaphore(%run_scoped3A : memref<!tpu.dma_semaphore, #tpu.memory_space<semaphore_mem>>) src(%arg4 : memref<128x128xf32, #tpu.memory_space<hbm>>) dst(%arg8 : memref<128x128xf32, #tpu.memory_space<vmem>>)
      tpu.yield
    }) : () -> ()
    %barrier3A = arith.constant 0 : index
    tpu.barrier barrier_id(%barrier3A)
    %scan3A = arith.constant 0 : i32
    %scan3A_3 = arith.constant 0 : i32
    %scan3A_4 = arith.constant 40 : i32
    %scan3A_5 = arith.addi %scan3A_3, %scan3A_4 : i32
    %scan3A_6 = arith.constant 1 : i32
    scf.for %scan3A_29 = %scan3A_3 to %scan3A_5 step %scan3A_6  : i32 {
      %mul3A_30 = arith.constant 2 : i32
      %mul3A_31 = arith.muli %mul3A_30, %scan3A_29 : i32
      "tpu.region"() ({
        %run_scoped3A_33 = tpu.sem_alloc : memref<!tpu.dma_semaphore, #tpu.memory_space<semaphore_mem>>
        %dma_start3A = arith.constant 0 : i32
        %dma_start3A_34 = tpu.memref_slice %arg2[%add3A, %mul3A_31, %dma_start3A] : memref<32x80x128xi32, #tpu.memory_space<hbm>> -> memref<1x2x128xi32, #tpu.memory_space<hbm>>
        %dma_start3A_35 = tpu.memref_squeeze %dma_start3A_34 : memref<1x2x128xi32, #tpu.memory_space<hbm>> -> memref<2x128xi32, #tpu.memory_space<hbm>>
        %dma_start3A_36 = arith.constant 0 : i32
        %dma_start3A_37 = tpu.memref_slice %arg2[%add3A, %mul3A_31, %dma_start3A_36] : memref<32x80x128xi32, #tpu.memory_space<hbm>> -> memref<1x2x128xi32, #tpu.memory_space<hbm>>
        %dma_start3A_38 = tpu.memref_squeeze %dma_start3A_37 : memref<1x2x128xi32, #tpu.memory_space<hbm>> -> memref<2x128xi32, #tpu.memory_space<hbm>>
        tpu.enqueue_dma source(%dma_start3A_38 : memref<2x128xi32, #tpu.memory_space<hbm>>) target(%arg7 : memref<2x128xi32, #tpu.memory_space<vmem>>) target_semaphore(%run_scoped3A_33 : memref<!tpu.dma_semaphore, #tpu.memory_space<semaphore_mem>>)
        %dma_wait3A = arith.constant 0 : i32
        %dma_wait3A_39 = tpu.memref_slice %arg2[%add3A, %mul3A_31, %dma_wait3A] : memref<32x80x128xi32, #tpu.memory_space<hbm>> -> memref<1x2x128xi32, #tpu.memory_space<hbm>>
        %dma_wait3A_40 = tpu.memref_squeeze %dma_wait3A_39 : memref<1x2x128xi32, #tpu.memory_space<hbm>> -> memref<2x128xi32, #tpu.memory_space<hbm>>
        %dma_wait3A_41 = arith.constant 0 : i32
        %dma_wait3A_42 = tpu.memref_slice %arg2[%add3A, %mul3A_31, %dma_wait3A_41] : memref<32x80x128xi32, #tpu.memory_space<hbm>> -> memref<1x2x128xi32, #tpu.memory_space<hbm>>
        %dma_wait3A_43 = tpu.memref_squeeze %dma_wait3A_42 : memref<1x2x128xi32, #tpu.memory_space<hbm>> -> memref<2x128xi32, #tpu.memory_space<hbm>>
        tpu.wait_dma2 semaphore(%run_scoped3A_33 : memref<!tpu.dma_semaphore, #tpu.memory_space<semaphore_mem>>) src(%dma_wait3A_43 : memref<2x128xi32, #tpu.memory_space<hbm>>) dst(%arg7 : memref<2x128xi32, #tpu.memory_space<vmem>>)
        tpu.yield
      }) : () -> ()
      %run_scoped3A = arith.constant 0 : i32
      "tpu.region"() ({
        %run_scoped3A_33 = tpu.sem_alloc : memref<!tpu.dma_semaphore, #tpu.memory_space<semaphore_mem>>
        %dma_start3A = arith.constant 0 : i32
        %dma_start3A_34 = tpu.memref_slice %arg7[%run_scoped3A, %dma_start3A] : memref<2x128xi32, #tpu.memory_space<vmem>> -> memref<1x128xi32, #tpu.memory_space<vmem>>
        %dma_start3A_35 = tpu.memref_squeeze %dma_start3A_34 : memref<1x128xi32, #tpu.memory_space<vmem>> -> memref<128xi32, #tpu.memory_space<vmem>>
        %dma_start3A_36 = arith.constant 0 : i32
        %dma_start3A_37 = arith.constant 0 : i32
        %dma_start3A_38 = tpu.memref_slice %arg6[%dma_start3A_36, %dma_start3A_37] : memref<10240x128xf32, #tpu.memory_space<vmem_shared>> -> memref<10240x128xf32, #tpu.memory_space<vmem_shared>>
        tpu.enqueue_indirect_dma source(%arg8 : memref<128x128xf32, #tpu.memory_space<vmem>>) target(%dma_start3A_38 : memref<10240x128xf32, #tpu.memory_space<vmem_shared>>) offsets(%dma_start3A_35 : memref<128xi32, #tpu.memory_space<vmem>>) semaphore(%run_scoped3A_33 : memref<!tpu.dma_semaphore, #tpu.memory_space<semaphore_mem>>) {add = true}
        %dma_wait3A = arith.constant 0 : i32
        %dma_wait3A_39 = tpu.memref_slice %arg7[%run_scoped3A, %dma_wait3A] : memref<2x128xi32, #tpu.memory_space<vmem>> -> memref<1x128xi32, #tpu.memory_space<vmem>>
        %dma_wait3A_40 = tpu.memref_squeeze %dma_wait3A_39 : memref<1x128xi32, #tpu.memory_space<vmem>> -> memref<128xi32, #tpu.memory_space<vmem>>
        %dma_wait3A_41 = arith.constant 0 : i32
        %dma_wait3A_42 = arith.constant 0 : i32
        %dma_wait3A_43 = tpu.memref_slice %arg6[%dma_wait3A_41, %dma_wait3A_42] : memref<10240x128xf32, #tpu.memory_space<vmem_shared>> -> memref<10240x128xf32, #tpu.memory_space<vmem_shared>>
        tpu.wait_indirect_dma semaphore(%run_scoped3A_33 : memref<!tpu.dma_semaphore, #tpu.memory_space<semaphore_mem>>) src(%arg8 : memref<128x128xf32, #tpu.memory_space<vmem>>) dst(%dma_wait3A_43 : memref<10240x128xf32, #tpu.memory_space<vmem_shared>>)
        tpu.yield
      }) : () -> ()
      %run_scoped3A_32 = arith.constant 1 : i32
      "tpu.region"() ({
        %run_scoped3A_33 = tpu.sem_alloc : memref<!tpu.dma_semaphore, #tpu.memory_space<semaphore_mem>>
        %dma_start3A = arith.constant 0 : i32
        %dma_start3A_34 = tpu.memref_slice %arg7[%run_scoped3A_32, %dma_start3A] : memref<2x128xi32, #tpu.memory_space<vmem>> -> memref<1x128xi32, #tpu.memory_space<vmem>>
        %dma_start3A_35 = tpu.memref_squeeze %dma_start3A_34 : memref<1x128xi32, #tpu.memory_space<vmem>> -> memref<128xi32, #tpu.memory_space<vmem>>
        %dma_start3A_36 = arith.constant 0 : i32
        %dma_start3A_37 = arith.constant 0 : i32
        %dma_start3A_38 = tpu.memref_slice %arg6[%dma_start3A_36, %dma_start3A_37] : memref<10240x128xf32, #tpu.memory_space<vmem_shared>> -> memref<10240x128xf32, #tpu.memory_space<vmem_shared>>
        tpu.enqueue_indirect_dma source(%arg8 : memref<128x128xf32, #tpu.memory_space<vmem>>) target(%dma_start3A_38 : memref<10240x128xf32, #tpu.memory_space<vmem_shared>>) offsets(%dma_start3A_35 : memref<128xi32, #tpu.memory_space<vmem>>) semaphore(%run_scoped3A_33 : memref<!tpu.dma_semaphore, #tpu.memory_space<semaphore_mem>>) {add = true}
        %dma_wait3A = arith.constant 0 : i32
        %dma_wait3A_39 = tpu.memref_slice %arg7[%run_scoped3A_32, %dma_wait3A] : memref<2x128xi32, #tpu.memory_space<vmem>> -> memref<1x128xi32, #tpu.memory_space<vmem>>
        %dma_wait3A_40 = tpu.memref_squeeze %dma_wait3A_39 : memref<1x128xi32, #tpu.memory_space<vmem>> -> memref<128xi32, #tpu.memory_space<vmem>>
        %dma_wait3A_41 = arith.constant 0 : i32
        %dma_wait3A_42 = arith.constant 0 : i32
        %dma_wait3A_43 = tpu.memref_slice %arg6[%dma_wait3A_41, %dma_wait3A_42] : memref<10240x128xf32, #tpu.memory_space<vmem_shared>> -> memref<10240x128xf32, #tpu.memory_space<vmem_shared>>
        tpu.wait_indirect_dma semaphore(%run_scoped3A_33 : memref<!tpu.dma_semaphore, #tpu.memory_space<semaphore_mem>>) src(%arg8 : memref<128x128xf32, #tpu.memory_space<vmem>>) dst(%dma_wait3A_43 : memref<10240x128xf32, #tpu.memory_space<vmem_shared>>)
        tpu.yield
      }) : () -> ()
    }
    %scan3A_7 = arith.constant 40 : i32
    %barrier3A_8 = arith.constant 0 : index
    tpu.barrier barrier_id(%barrier3A_8)
    %mul3A_9 = arith.constant 640 : i32
    %mul3A_10 = arith.muli %arg1, %mul3A_9 : i32
    %add3A_11 = arith.constant 0 : i32
    %add3A_12 = arith.addi %mul3A_10, %add3A_11 : i32
    "tpu.region"() ({
      %run_scoped3A = tpu.sem_alloc : memref<!tpu.dma_semaphore, #tpu.memory_space<semaphore_mem>>
      %dma_start3A = arith.constant 0 : i32
      %dma_start3A_29 = tpu.memref_slice %arg6[%add3A_12, %dma_start3A] : memref<10240x128xf32, #tpu.memory_space<vmem_shared>> -> memref<128x128xf32, #tpu.memory_space<vmem_shared>>
      %dma_start3A_30 = arith.constant 0 : i32
      %dma_start3A_31 = tpu.memref_slice %arg6[%add3A_12, %dma_start3A_30] : memref<10240x128xf32, #tpu.memory_space<vmem_shared>> -> memref<128x128xf32, #tpu.memory_space<vmem_shared>>
      tpu.enqueue_dma source(%dma_start3A_31 : memref<128x128xf32, #tpu.memory_space<vmem_shared>>) target(%arg8 : memref<128x128xf32, #tpu.memory_space<vmem>>) target_semaphore(%run_scoped3A : memref<!tpu.dma_semaphore, #tpu.memory_space<semaphore_mem>>)
      %dma_wait3A = arith.constant 0 : i32
      %dma_wait3A_32 = tpu.memref_slice %arg6[%add3A_12, %dma_wait3A] : memref<10240x128xf32, #tpu.memory_space<vmem_shared>> -> memref<128x128xf32, #tpu.memory_space<vmem_shared>>
      %dma_wait3A_33 = arith.constant 0 : i32
      %dma_wait3A_34 = tpu.memref_slice %arg6[%add3A_12, %dma_wait3A_33] : memref<10240x128xf32, #tpu.memory_space<vmem_shared>> -> memref<128x128xf32, #tpu.memory_space<vmem_shared>>
      tpu.wait_dma2 semaphore(%run_scoped3A : memref<!tpu.dma_semaphore, #tpu.memory_space<semaphore_mem>>) src(%dma_wait3A_34 : memref<128x128xf32, #tpu.memory_space<vmem_shared>>) dst(%arg8 : memref<128x128xf32, #tpu.memory_space<vmem>>)
      tpu.yield
    }) : () -> ()
    "tpu.region"() ({
      %run_scoped3A = tpu.sem_alloc : memref<!tpu.dma_semaphore, #tpu.memory_space<semaphore_mem>>
      %dma_start3A = arith.constant 0 : i32
      %dma_start3A_29 = tpu.memref_slice %arg5[%arg0, %add3A_12, %dma_start3A] : memref<2x10240x128xf32, #tpu.memory_space<hbm>> -> memref<1x128x128xf32, #tpu.memory_space<hbm>>
      %dma_start3A_30 = tpu.memref_squeeze %dma_start3A_29 : memref<1x128x128xf32, #tpu.memory_space<hbm>> -> memref<128x128xf32, #tpu.memory_space<hbm>>
      %dma_start3A_31 = arith.constant 0 : i32
      %dma_start3A_32 = tpu.memref_slice %arg5[%arg0, %add3A_12, %dma_start3A_31] : memref<2x10240x128xf32, #tpu.memory_space<hbm>> -> memref<1x128x128xf32, #tpu.memory_space<hbm>>
      %dma_start3A_33 = tpu.memref_squeeze %dma_start3A_32 : memref<1x128x128xf32, #tpu.memory_space<hbm>> -> memref<128x128xf32, #tpu.memory_space<hbm>>
      tpu.enqueue_dma source(%arg8 : memref<128x128xf32, #tpu.memory_space<vmem>>) target(%dma_start3A_33 : memref<128x128xf32, #tpu.memory_space<hbm>>) target_semaphore(%run_scoped3A : memref<!tpu.dma_semaphore, #tpu.memory_space<semaphore_mem>>)
      %dma_wait3A = arith.constant 0 : i32
      %dma_wait3A_34 = tpu.memref_slice %arg5[%arg0, %add3A_12, %dma_wait3A] : memref<2x10240x128xf32, #tpu.memory_space<hbm>> -> memref<1x128x128xf32, #tpu.memory_space<hbm>>
      %dma_wait3A_35 = tpu.memref_squeeze %dma_wait3A_34 : memref<1x128x128xf32, #tpu.memory_space<hbm>> -> memref<128x128xf32, #tpu.memory_space<hbm>>
      %dma_wait3A_36 = arith.constant 0 : i32
      %dma_wait3A_37 = tpu.memref_slice %arg5[%arg0, %add3A_12, %dma_wait3A_36] : memref<2x10240x128xf32, #tpu.memory_space<hbm>> -> memref<1x128x128xf32, #tpu.memory_space<hbm>>
      %dma_wait3A_38 = tpu.memref_squeeze %dma_wait3A_37 : memref<1x128x128xf32, #tpu.memory_space<hbm>> -> memref<128x128xf32, #tpu.memory_space<hbm>>
      tpu.wait_dma2 semaphore(%run_scoped3A : memref<!tpu.dma_semaphore, #tpu.memory_space<semaphore_mem>>) src(%arg8 : memref<128x128xf32, #tpu.memory_space<vmem>>) dst(%dma_wait3A_38 : memref<128x128xf32, #tpu.memory_space<hbm>>)
      tpu.yield
    }) : () -> ()
    %mul3A_13 = arith.constant 640 : i32
    %mul3A_14 = arith.muli %arg1, %mul3A_13 : i32
    %add3A_15 = arith.constant 128 : i32
    %add3A_16 = arith.addi %mul3A_14, %add3A_15 : i32
    "tpu.region"() ({
      %run_scoped3A = tpu.sem_alloc : memref<!tpu.dma_semaphore, #tpu.memory_space<semaphore_mem>>
      %dma_start3A = arith.constant 0 : i32
      %dma_start3A_29 = tpu.memref_slice %arg6[%add3A_16, %dma_start3A] : memref<10240x128xf32, #tpu.memory_space<vmem_shared>> -> memref<128x128xf32, #tpu.memory_space<vmem_shared>>
      %dma_start3A_30 = arith.constant 0 : i32
      %dma_start3A_31 = tpu.memref_slice %arg6[%add3A_16, %dma_start3A_30] : memref<10240x128xf32, #tpu.memory_space<vmem_shared>> -> memref<128x128xf32, #tpu.memory_space<vmem_shared>>
      tpu.enqueue_dma source(%dma_start3A_31 : memref<128x128xf32, #tpu.memory_space<vmem_shared>>) target(%arg8 : memref<128x128xf32, #tpu.memory_space<vmem>>) target_semaphore(%run_scoped3A : memref<!tpu.dma_semaphore, #tpu.memory_space<semaphore_mem>>)
      %dma_wait3A = arith.constant 0 : i32
      %dma_wait3A_32 = tpu.memref_slice %arg6[%add3A_16, %dma_wait3A] : memref<10240x128xf32, #tpu.memory_space<vmem_shared>> -> memref<128x128xf32, #tpu.memory_space<vmem_shared>>
      %dma_wait3A_33 = arith.constant 0 : i32
      %dma_wait3A_34 = tpu.memref_slice %arg6[%add3A_16, %dma_wait3A_33] : memref<10240x128xf32, #tpu.memory_space<vmem_shared>> -> memref<128x128xf32, #tpu.memory_space<vmem_shared>>
      tpu.wait_dma2 semaphore(%run_scoped3A : memref<!tpu.dma_semaphore, #tpu.memory_space<semaphore_mem>>) src(%dma_wait3A_34 : memref<128x128xf32, #tpu.memory_space<vmem_shared>>) dst(%arg8 : memref<128x128xf32, #tpu.memory_space<vmem>>)
      tpu.yield
    }) : () -> ()
    "tpu.region"() ({
      %run_scoped3A = tpu.sem_alloc : memref<!tpu.dma_semaphore, #tpu.memory_space<semaphore_mem>>
      %dma_start3A = arith.constant 0 : i32
      %dma_start3A_29 = tpu.memref_slice %arg5[%arg0, %add3A_16, %dma_start3A] : memref<2x10240x128xf32, #tpu.memory_space<hbm>> -> memref<1x128x128xf32, #tpu.memory_space<hbm>>
      %dma_start3A_30 = tpu.memref_squeeze %dma_start3A_29 : memref<1x128x128xf32, #tpu.memory_space<hbm>> -> memref<128x128xf32, #tpu.memory_space<hbm>>
      %dma_start3A_31 = arith.constant 0 : i32
      %dma_start3A_32 = tpu.memref_slice %arg5[%arg0, %add3A_16, %dma_start3A_31] : memref<2x10240x128xf32, #tpu.memory_space<hbm>> -> memref<1x128x128xf32, #tpu.memory_space<hbm>>
      %dma_start3A_33 = tpu.memref_squeeze %dma_start3A_32 : memref<1x128x128xf32, #tpu.memory_space<hbm>> -> memref<128x128xf32, #tpu.memory_space<hbm>>
      tpu.enqueue_dma source(%arg8 : memref<128x128xf32, #tpu.memory_space<vmem>>) target(%dma_start3A_33 : memref<128x128xf32, #tpu.memory_space<hbm>>) target_semaphore(%run_scoped3A : memref<!tpu.dma_semaphore, #tpu.memory_space<semaphore_mem>>)
      %dma_wait3A = arith.constant 0 : i32
      %dma_wait3A_34 = tpu.memref_slice %arg5[%arg0, %add3A_16, %dma_wait3A] : memref<2x10240x128xf32, #tpu.memory_space<hbm>> -> memref<1x128x128xf32, #tpu.memory_space<hbm>>
      %dma_wait3A_35 = tpu.memref_squeeze %dma_wait3A_34 : memref<1x128x128xf32, #tpu.memory_space<hbm>> -> memref<128x128xf32, #tpu.memory_space<hbm>>
      %dma_wait3A_36 = arith.constant 0 : i32
      %dma_wait3A_37 = tpu.memref_slice %arg5[%arg0, %add3A_16, %dma_wait3A_36] : memref<2x10240x128xf32, #tpu.memory_space<hbm>> -> memref<1x128x128xf32, #tpu.memory_space<hbm>>
      %dma_wait3A_38 = tpu.memref_squeeze %dma_wait3A_37 : memref<1x128x128xf32, #tpu.memory_space<hbm>> -> memref<128x128xf32, #tpu.memory_space<hbm>>
      tpu.wait_dma2 semaphore(%run_scoped3A : memref<!tpu.dma_semaphore, #tpu.memory_space<semaphore_mem>>) src(%arg8 : memref<128x128xf32, #tpu.memory_space<vmem>>) dst(%dma_wait3A_38 : memref<128x128xf32, #tpu.memory_space<hbm>>)
      tpu.yield
    }) : () -> ()
    %mul3A_17 = arith.constant 640 : i32
    %mul3A_18 = arith.muli %arg1, %mul3A_17 : i32
    %add3A_19 = arith.constant 256 : i32
    %add3A_20 = arith.addi %mul3A_18, %add3A_19 : i32
    "tpu.region"() ({
      %run_scoped3A = tpu.sem_alloc : memref<!tpu.dma_semaphore, #tpu.memory_space<semaphore_mem>>
      %dma_start3A = arith.constant 0 : i32
      %dma_start3A_29 = tpu.memref_slice %arg6[%add3A_20, %dma_start3A] : memref<10240x128xf32, #tpu.memory_space<vmem_shared>> -> memref<128x128xf32, #tpu.memory_space<vmem_shared>>
      %dma_start3A_30 = arith.constant 0 : i32
      %dma_start3A_31 = tpu.memref_slice %arg6[%add3A_20, %dma_start3A_30] : memref<10240x128xf32, #tpu.memory_space<vmem_shared>> -> memref<128x128xf32, #tpu.memory_space<vmem_shared>>
      tpu.enqueue_dma source(%dma_start3A_31 : memref<128x128xf32, #tpu.memory_space<vmem_shared>>) target(%arg8 : memref<128x128xf32, #tpu.memory_space<vmem>>) target_semaphore(%run_scoped3A : memref<!tpu.dma_semaphore, #tpu.memory_space<semaphore_mem>>)
      %dma_wait3A = arith.constant 0 : i32
      %dma_wait3A_32 = tpu.memref_slice %arg6[%add3A_20, %dma_wait3A] : memref<10240x128xf32, #tpu.memory_space<vmem_shared>> -> memref<128x128xf32, #tpu.memory_space<vmem_shared>>
      %dma_wait3A_33 = arith.constant 0 : i32
      %dma_wait3A_34 = tpu.memref_slice %arg6[%add3A_20, %dma_wait3A_33] : memref<10240x128xf32, #tpu.memory_space<vmem_shared>> -> memref<128x128xf32, #tpu.memory_space<vmem_shared>>
      tpu.wait_dma2 semaphore(%run_scoped3A : memref<!tpu.dma_semaphore, #tpu.memory_space<semaphore_mem>>) src(%dma_wait3A_34 : memref<128x128xf32, #tpu.memory_space<vmem_shared>>) dst(%arg8 : memref<128x128xf32, #tpu.memory_space<vmem>>)
      tpu.yield
    }) : () -> ()
    "tpu.region"() ({
      %run_scoped3A = tpu.sem_alloc : memref<!tpu.dma_semaphore, #tpu.memory_space<semaphore_mem>>
      %dma_start3A = arith.constant 0 : i32
      %dma_start3A_29 = tpu.memref_slice %arg5[%arg0, %add3A_20, %dma_start3A] : memref<2x10240x128xf32, #tpu.memory_space<hbm>> -> memref<1x128x128xf32, #tpu.memory_space<hbm>>
      %dma_start3A_30 = tpu.memref_squeeze %dma_start3A_29 : memref<1x128x128xf32, #tpu.memory_space<hbm>> -> memref<128x128xf32, #tpu.memory_space<hbm>>
      %dma_start3A_31 = arith.constant 0 : i32
      %dma_start3A_32 = tpu.memref_slice %arg5[%arg0, %add3A_20, %dma_start3A_31] : memref<2x10240x128xf32, #tpu.memory_space<hbm>> -> memref<1x128x128xf32, #tpu.memory_space<hbm>>
      %dma_start3A_33 = tpu.memref_squeeze %dma_start3A_32 : memref<1x128x128xf32, #tpu.memory_space<hbm>> -> memref<128x128xf32, #tpu.memory_space<hbm>>
      tpu.enqueue_dma source(%arg8 : memref<128x128xf32, #tpu.memory_space<vmem>>) target(%dma_start3A_33 : memref<128x128xf32, #tpu.memory_space<hbm>>) target_semaphore(%run_scoped3A : memref<!tpu.dma_semaphore, #tpu.memory_space<semaphore_mem>>)
      %dma_wait3A = arith.constant 0 : i32
      %dma_wait3A_34 = tpu.memref_slice %arg5[%arg0, %add3A_20, %dma_wait3A] : memref<2x10240x128xf32, #tpu.memory_space<hbm>> -> memref<1x128x128xf32, #tpu.memory_space<hbm>>
      %dma_wait3A_35 = tpu.memref_squeeze %dma_wait3A_34 : memref<1x128x128xf32, #tpu.memory_space<hbm>> -> memref<128x128xf32, #tpu.memory_space<hbm>>
      %dma_wait3A_36 = arith.constant 0 : i32
      %dma_wait3A_37 = tpu.memref_slice %arg5[%arg0, %add3A_20, %dma_wait3A_36] : memref<2x10240x128xf32, #tpu.memory_space<hbm>> -> memref<1x128x128xf32, #tpu.memory_space<hbm>>
      %dma_wait3A_38 = tpu.memref_squeeze %dma_wait3A_37 : memref<1x128x128xf32, #tpu.memory_space<hbm>> -> memref<128x128xf32, #tpu.memory_space<hbm>>
      tpu.wait_dma2 semaphore(%run_scoped3A : memref<!tpu.dma_semaphore, #tpu.memory_space<semaphore_mem>>) src(%arg8 : memref<128x128xf32, #tpu.memory_space<vmem>>) dst(%dma_wait3A_38 : memref<128x128xf32, #tpu.memory_space<hbm>>)
      tpu.yield
    }) : () -> ()
    %mul3A_21 = arith.constant 640 : i32
    %mul3A_22 = arith.muli %arg1, %mul3A_21 : i32
    %add3A_23 = arith.constant 384 : i32
    %add3A_24 = arith.addi %mul3A_22, %add3A_23 : i32
    "tpu.region"() ({
      %run_scoped3A = tpu.sem_alloc : memref<!tpu.dma_semaphore, #tpu.memory_space<semaphore_mem>>
      %dma_start3A = arith.constant 0 : i32
      %dma_start3A_29 = tpu.memref_slice %arg6[%add3A_24, %dma_start3A] : memref<10240x128xf32, #tpu.memory_space<vmem_shared>> -> memref<128x128xf32, #tpu.memory_space<vmem_shared>>
      %dma_start3A_30 = arith.constant 0 : i32
      %dma_start3A_31 = tpu.memref_slice %arg6[%add3A_24, %dma_start3A_30] : memref<10240x128xf32, #tpu.memory_space<vmem_shared>> -> memref<128x128xf32, #tpu.memory_space<vmem_shared>>
      tpu.enqueue_dma source(%dma_start3A_31 : memref<128x128xf32, #tpu.memory_space<vmem_shared>>) target(%arg8 : memref<128x128xf32, #tpu.memory_space<vmem>>) target_semaphore(%run_scoped3A : memref<!tpu.dma_semaphore, #tpu.memory_space<semaphore_mem>>)
      %dma_wait3A = arith.constant 0 : i32
      %dma_wait3A_32 = tpu.memref_slice %arg6[%add3A_24, %dma_wait3A] : memref<10240x128xf32, #tpu.memory_space<vmem_shared>> -> memref<128x128xf32, #tpu.memory_space<vmem_shared>>
      %dma_wait3A_33 = arith.constant 0 : i32
      %dma_wait3A_34 = tpu.memref_slice %arg6[%add3A_24, %dma_wait3A_33] : memref<10240x128xf32, #tpu.memory_space<vmem_shared>> -> memref<128x128xf32, #tpu.memory_space<vmem_shared>>
      tpu.wait_dma2 semaphore(%run_scoped3A : memref<!tpu.dma_semaphore, #tpu.memory_space<semaphore_mem>>) src(%dma_wait3A_34 : memref<128x128xf32, #tpu.memory_space<vmem_shared>>) dst(%arg8 : memref<128x128xf32, #tpu.memory_space<vmem>>)
      tpu.yield
    }) : () -> ()
    "tpu.region"() ({
      %run_scoped3A = tpu.sem_alloc : memref<!tpu.dma_semaphore, #tpu.memory_space<semaphore_mem>>
      %dma_start3A = arith.constant 0 : i32
      %dma_start3A_29 = tpu.memref_slice %arg5[%arg0, %add3A_24, %dma_start3A] : memref<2x10240x128xf32, #tpu.memory_space<hbm>> -> memref<1x128x128xf32, #tpu.memory_space<hbm>>
      %dma_start3A_30 = tpu.memref_squeeze %dma_start3A_29 : memref<1x128x128xf32, #tpu.memory_space<hbm>> -> memref<128x128xf32, #tpu.memory_space<hbm>>
      %dma_start3A_31 = arith.constant 0 : i32
      %dma_start3A_32 = tpu.memref_slice %arg5[%arg0, %add3A_24, %dma_start3A_31] : memref<2x10240x128xf32, #tpu.memory_space<hbm>> -> memref<1x128x128xf32, #tpu.memory_space<hbm>>
      %dma_start3A_33 = tpu.memref_squeeze %dma_start3A_32 : memref<1x128x128xf32, #tpu.memory_space<hbm>> -> memref<128x128xf32, #tpu.memory_space<hbm>>
      tpu.enqueue_dma source(%arg8 : memref<128x128xf32, #tpu.memory_space<vmem>>) target(%dma_start3A_33 : memref<128x128xf32, #tpu.memory_space<hbm>>) target_semaphore(%run_scoped3A : memref<!tpu.dma_semaphore, #tpu.memory_space<semaphore_mem>>)
      %dma_wait3A = arith.constant 0 : i32
      %dma_wait3A_34 = tpu.memref_slice %arg5[%arg0, %add3A_24, %dma_wait3A] : memref<2x10240x128xf32, #tpu.memory_space<hbm>> -> memref<1x128x128xf32, #tpu.memory_space<hbm>>
      %dma_wait3A_35 = tpu.memref_squeeze %dma_wait3A_34 : memref<1x128x128xf32, #tpu.memory_space<hbm>> -> memref<128x128xf32, #tpu.memory_space<hbm>>
      %dma_wait3A_36 = arith.constant 0 : i32
      %dma_wait3A_37 = tpu.memref_slice %arg5[%arg0, %add3A_24, %dma_wait3A_36] : memref<2x10240x128xf32, #tpu.memory_space<hbm>> -> memref<1x128x128xf32, #tpu.memory_space<hbm>>
      %dma_wait3A_38 = tpu.memref_squeeze %dma_wait3A_37 : memref<1x128x128xf32, #tpu.memory_space<hbm>> -> memref<128x128xf32, #tpu.memory_space<hbm>>
      tpu.wait_dma2 semaphore(%run_scoped3A : memref<!tpu.dma_semaphore, #tpu.memory_space<semaphore_mem>>) src(%arg8 : memref<128x128xf32, #tpu.memory_space<vmem>>) dst(%dma_wait3A_38 : memref<128x128xf32, #tpu.memory_space<hbm>>)
      tpu.yield
    }) : () -> ()
    %mul3A_25 = arith.constant 640 : i32
    %mul3A_26 = arith.muli %arg1, %mul3A_25 : i32
    %add3A_27 = arith.constant 512 : i32
    %add3A_28 = arith.addi %mul3A_26, %add3A_27 : i32
    "tpu.region"() ({
      %run_scoped3A = tpu.sem_alloc : memref<!tpu.dma_semaphore, #tpu.memory_space<semaphore_mem>>
      %dma_start3A = arith.constant 0 : i32
      %dma_start3A_29 = tpu.memref_slice %arg6[%add3A_28, %dma_start3A] : memref<10240x128xf32, #tpu.memory_space<vmem_shared>> -> memref<128x128xf32, #tpu.memory_space<vmem_shared>>
      %dma_start3A_30 = arith.constant 0 : i32
      %dma_start3A_31 = tpu.memref_slice %arg6[%add3A_28, %dma_start3A_30] : memref<10240x128xf32, #tpu.memory_space<vmem_shared>> -> memref<128x128xf32, #tpu.memory_space<vmem_shared>>
      tpu.enqueue_dma source(%dma_start3A_31 : memref<128x128xf32, #tpu.memory_space<vmem_shared>>) target(%arg8 : memref<128x128xf32, #tpu.memory_space<vmem>>) target_semaphore(%run_scoped3A : memref<!tpu.dma_semaphore, #tpu.memory_space<semaphore_mem>>)
      %dma_wait3A = arith.constant 0 : i32
      %dma_wait3A_32 = tpu.memref_slice %arg6[%add3A_28, %dma_wait3A] : memref<10240x128xf32, #tpu.memory_space<vmem_shared>> -> memref<128x128xf32, #tpu.memory_space<vmem_shared>>
      %dma_wait3A_33 = arith.constant 0 : i32
      %dma_wait3A_34 = tpu.memref_slice %arg6[%add3A_28, %dma_wait3A_33] : memref<10240x128xf32, #tpu.memory_space<vmem_shared>> -> memref<128x128xf32, #tpu.memory_space<vmem_shared>>
      tpu.wait_dma2 semaphore(%run_scoped3A : memref<!tpu.dma_semaphore, #tpu.memory_space<semaphore_mem>>) src(%dma_wait3A_34 : memref<128x128xf32, #tpu.memory_space<vmem_shared>>) dst(%arg8 : memref<128x128xf32, #tpu.memory_space<vmem>>)
      tpu.yield
    }) : () -> ()
    "tpu.region"() ({
      %run_scoped3A = tpu.sem_alloc : memref<!tpu.dma_semaphore, #tpu.memory_space<semaphore_mem>>
      %dma_start3A = arith.constant 0 : i32
      %dma_start3A_29 = tpu.memref_slice %arg5[%arg0, %add3A_28, %dma_start3A] : memref<2x10240x128xf32, #tpu.memory_space<hbm>> -> memref<1x128x128xf32, #tpu.memory_space<hbm>>
      %dma_start3A_30 = tpu.memref_squeeze %dma_start3A_29 : memref<1x128x128xf32, #tpu.memory_space<hbm>> -> memref<128x128xf32, #tpu.memory_space<hbm>>
      %dma_start3A_31 = arith.constant 0 : i32
      %dma_start3A_32 = tpu.memref_slice %arg5[%arg0, %add3A_28, %dma_start3A_31] : memref<2x10240x128xf32, #tpu.memory_space<hbm>> -> memref<1x128x128xf32, #tpu.memory_space<hbm>>
      %dma_start3A_33 = tpu.memref_squeeze %dma_start3A_32 : memref<1x128x128xf32, #tpu.memory_space<hbm>> -> memref<128x128xf32, #tpu.memory_space<hbm>>
      tpu.enqueue_dma source(%arg8 : memref<128x128xf32, #tpu.memory_space<vmem>>) target(%dma_start3A_33 : memref<128x128xf32, #tpu.memory_space<hbm>>) target_semaphore(%run_scoped3A : memref<!tpu.dma_semaphore, #tpu.memory_space<semaphore_mem>>)
      %dma_wait3A = arith.constant 0 : i32
      %dma_wait3A_34 = tpu.memref_slice %arg5[%arg0, %add3A_28, %dma_wait3A] : memref<2x10240x128xf32, #tpu.memory_space<hbm>> -> memref<1x128x128xf32, #tpu.memory_space<hbm>>
      %dma_wait3A_35 = tpu.memref_squeeze %dma_wait3A_34 : memref<1x128x128xf32, #tpu.memory_space<hbm>> -> memref<128x128xf32, #tpu.memory_space<hbm>>
      %dma_wait3A_36 = arith.constant 0 : i32
      %dma_wait3A_37 = tpu.memref_slice %arg5[%arg0, %add3A_28, %dma_wait3A_36] : memref<2x10240x128xf32, #tpu.memory_space<hbm>> -> memref<1x128x128xf32, #tpu.memory_space<hbm>>
      %dma_wait3A_38 = tpu.memref_squeeze %dma_wait3A_37 : memref<1x128x128xf32, #tpu.memory_space<hbm>> -> memref<128x128xf32, #tpu.memory_space<hbm>>
      tpu.wait_dma2 semaphore(%run_scoped3A : memref<!tpu.dma_semaphore, #tpu.memory_space<semaphore_mem>>) src(%arg8 : memref<128x128xf32, #tpu.memory_space<vmem>>) dst(%dma_wait3A_38 : memref<128x128xf32, #tpu.memory_space<hbm>>)
      tpu.yield
    }) : () -> ()
    return
  }
}

#map = affine_map<(d0, d1) -> (0, 0)>
#map1 = affine_map<(d0, d1) -> (0, 0, 0)>
module attributes {stable_mosaic.version = 14 : i64} {
  func.func @_agg_body(%arg0: i32, %arg1: i32, %arg2: memref<10240x128xf32, #tpu.memory_space<hbm>>, %arg3: memref<32x120x128xi32, #tpu.memory_space<hbm>>, %arg4: memref<32x120x128xi32, #tpu.memory_space<hbm>>, %arg5: memref<640x128xf32, #tpu.memory_space<hbm>>, %arg6: memref<2x10240x128xf32, #tpu.memory_space<hbm>>, %arg7: memref<10240x128xf32, #tpu.memory_space<vmem_shared>>, %arg8: memref<2x128xi32, #tpu.memory_space<vmem>>, %arg9: memref<2x128xi32, #tpu.memory_space<vmem>>, %arg10: memref<2x128x128xf32, #tpu.memory_space<vmem>>, %arg11: memref<!tpu.dma_semaphore, #tpu.memory_space<semaphore_mem>>, %arg12: memref<!tpu.dma_semaphore, #tpu.memory_space<semaphore_mem>>) attributes {dimension_semantics = [#tpu.dimension_semantics<core_parallel>, #tpu.dimension_semantics<subcore_parallel>], iteration_bounds = array<i64: 2, 16>, scalar_prefetch = 0 : i64, scratch_operands = 6 : i64, tpu.core_type = #tpu.core_type<sc_vector_subcore>, window_params = [{transform_indices = #map}, {transform_indices = #map1}, {transform_indices = #map1}, {transform_indices = #map}, {transform_indices = #map1}]} {
    %mul3A = arith.constant 16 : i32
    %mul3A_0 = arith.muli %arg0, %mul3A : i32
    %add3A = arith.addi %mul3A_0, %arg1 : i32
    %mul3A_1 = arith.constant 640 : i32
    %mul3A_2 = arith.muli %arg1, %mul3A_1 : i32
    "tpu.region"() ({
      %run_scoped3A_45 = tpu.sem_alloc : memref<!tpu.dma_semaphore, #tpu.memory_space<semaphore_mem>>
      %dma_start3A = arith.constant 0 : i32
      %dma_start3A_46 = tpu.memref_slice %arg7[%mul3A_2, %dma_start3A] : memref<10240x128xf32, #tpu.memory_space<vmem_shared>> -> memref<640x128xf32, #tpu.memory_space<vmem_shared>>
      tpu.enqueue_dma source(%arg5 : memref<640x128xf32, #tpu.memory_space<hbm>>) target(%dma_start3A_46 : memref<640x128xf32, #tpu.memory_space<vmem_shared>>) target_semaphore(%run_scoped3A_45 : memref<!tpu.dma_semaphore, #tpu.memory_space<semaphore_mem>>)
      %dma_wait3A = arith.constant 0 : i32
      %dma_wait3A_47 = tpu.memref_slice %arg7[%mul3A_2, %dma_wait3A] : memref<10240x128xf32, #tpu.memory_space<vmem_shared>> -> memref<640x128xf32, #tpu.memory_space<vmem_shared>>
      tpu.wait_dma2 semaphore(%run_scoped3A_45 : memref<!tpu.dma_semaphore, #tpu.memory_space<semaphore_mem>>) src(%arg5 : memref<640x128xf32, #tpu.memory_space<hbm>>) dst(%dma_wait3A_47 : memref<640x128xf32, #tpu.memory_space<vmem_shared>>)
      tpu.yield
    }) : () -> ()
    %barrier3A = arith.constant 0 : index
    tpu.barrier barrier_id(%barrier3A)
    %eq3A = arith.constant 0 : i32
    %eq3A_3 = arith.cmpi eq, %arg0, %eq3A : i32
    %select_n3A = arith.constant 19 : i32
    %select_n3A_4 = arith.constant 60 : i32
    %select_n3A_5 = arith.select %eq3A_3, %select_n3A_4, %select_n3A : i32
    %while3A = arith.constant 0 : i32
    %while3A_6 = arith.constant 0 : i32
    %while3A_7 = arith.subi %select_n3A_5, %while3A_6 : i32
    %while3A_8 = arith.addi %while3A_6, %while3A_7 : i32
    %while3A_9 = arith.constant 1 : i32
    %while3A_10 = arith.divsi %while3A_7, %while3A_9 : i32
    %while3A_11 = arith.muli %while3A_10, %while3A_9 : i32
    %while3A_12 = arith.addi %while3A_6, %while3A_11 : i32
    %while3A_13 = arith.constant 1 : i32
    scf.for %while3A_45 = %while3A_6 to %while3A_12 step %while3A_13  : i32 {
      %mul3A_46 = arith.constant 2 : i32
      %mul3A_47 = arith.muli %mul3A_46, %while3A_45 : i32
      "tpu.region"() ({
        %run_scoped3A_100 = tpu.sem_alloc : memref<!tpu.dma_semaphore, #tpu.memory_space<semaphore_mem>>
        %dma_start3A_101 = arith.constant 0 : i32
        %dma_start3A_102 = tpu.memref_slice %arg3[%add3A, %mul3A_47, %dma_start3A_101] : memref<32x120x128xi32, #tpu.memory_space<hbm>> -> memref<1x2x128xi32, #tpu.memory_space<hbm>>
        %dma_start3A_103 = tpu.memref_squeeze %dma_start3A_102 : memref<1x2x128xi32, #tpu.memory_space<hbm>> -> memref<2x128xi32, #tpu.memory_space<hbm>>
        %dma_start3A_104 = arith.constant 0 : i32
        %dma_start3A_105 = tpu.memref_slice %arg3[%add3A, %mul3A_47, %dma_start3A_104] : memref<32x120x128xi32, #tpu.memory_space<hbm>> -> memref<1x2x128xi32, #tpu.memory_space<hbm>>
        %dma_start3A_106 = tpu.memref_squeeze %dma_start3A_105 : memref<1x2x128xi32, #tpu.memory_space<hbm>> -> memref<2x128xi32, #tpu.memory_space<hbm>>
        tpu.enqueue_dma source(%dma_start3A_106 : memref<2x128xi32, #tpu.memory_space<hbm>>) target(%arg8 : memref<2x128xi32, #tpu.memory_space<vmem>>) target_semaphore(%run_scoped3A_100 : memref<!tpu.dma_semaphore, #tpu.memory_space<semaphore_mem>>)
        %dma_wait3A_107 = arith.constant 0 : i32
        %dma_wait3A_108 = tpu.memref_slice %arg3[%add3A, %mul3A_47, %dma_wait3A_107] : memref<32x120x128xi32, #tpu.memory_space<hbm>> -> memref<1x2x128xi32, #tpu.memory_space<hbm>>
        %dma_wait3A_109 = tpu.memref_squeeze %dma_wait3A_108 : memref<1x2x128xi32, #tpu.memory_space<hbm>> -> memref<2x128xi32, #tpu.memory_space<hbm>>
        %dma_wait3A_110 = arith.constant 0 : i32
        %dma_wait3A_111 = tpu.memref_slice %arg3[%add3A, %mul3A_47, %dma_wait3A_110] : memref<32x120x128xi32, #tpu.memory_space<hbm>> -> memref<1x2x128xi32, #tpu.memory_space<hbm>>
        %dma_wait3A_112 = tpu.memref_squeeze %dma_wait3A_111 : memref<1x2x128xi32, #tpu.memory_space<hbm>> -> memref<2x128xi32, #tpu.memory_space<hbm>>
        tpu.wait_dma2 semaphore(%run_scoped3A_100 : memref<!tpu.dma_semaphore, #tpu.memory_space<semaphore_mem>>) src(%dma_wait3A_112 : memref<2x128xi32, #tpu.memory_space<hbm>>) dst(%arg8 : memref<2x128xi32, #tpu.memory_space<vmem>>)
        tpu.yield
      }) : () -> ()
      %mul3A_48 = arith.constant 2 : i32
      %mul3A_49 = arith.muli %mul3A_48, %while3A_45 : i32
      "tpu.region"() ({
        %run_scoped3A_100 = tpu.sem_alloc : memref<!tpu.dma_semaphore, #tpu.memory_space<semaphore_mem>>
        %dma_start3A_101 = arith.constant 0 : i32
        %dma_start3A_102 = tpu.memref_slice %arg4[%add3A, %mul3A_49, %dma_start3A_101] : memref<32x120x128xi32, #tpu.memory_space<hbm>> -> memref<1x2x128xi32, #tpu.memory_space<hbm>>
        %dma_start3A_103 = tpu.memref_squeeze %dma_start3A_102 : memref<1x2x128xi32, #tpu.memory_space<hbm>> -> memref<2x128xi32, #tpu.memory_space<hbm>>
        %dma_start3A_104 = arith.constant 0 : i32
        %dma_start3A_105 = tpu.memref_slice %arg4[%add3A, %mul3A_49, %dma_start3A_104] : memref<32x120x128xi32, #tpu.memory_space<hbm>> -> memref<1x2x128xi32, #tpu.memory_space<hbm>>
        %dma_start3A_106 = tpu.memref_squeeze %dma_start3A_105 : memref<1x2x128xi32, #tpu.memory_space<hbm>> -> memref<2x128xi32, #tpu.memory_space<hbm>>
        tpu.enqueue_dma source(%dma_start3A_106 : memref<2x128xi32, #tpu.memory_space<hbm>>) target(%arg9 : memref<2x128xi32, #tpu.memory_space<vmem>>) target_semaphore(%run_scoped3A_100 : memref<!tpu.dma_semaphore, #tpu.memory_space<semaphore_mem>>)
        %dma_wait3A_107 = arith.constant 0 : i32
        %dma_wait3A_108 = tpu.memref_slice %arg4[%add3A, %mul3A_49, %dma_wait3A_107] : memref<32x120x128xi32, #tpu.memory_space<hbm>> -> memref<1x2x128xi32, #tpu.memory_space<hbm>>
        %dma_wait3A_109 = tpu.memref_squeeze %dma_wait3A_108 : memref<1x2x128xi32, #tpu.memory_space<hbm>> -> memref<2x128xi32, #tpu.memory_space<hbm>>
        %dma_wait3A_110 = arith.constant 0 : i32
        %dma_wait3A_111 = tpu.memref_slice %arg4[%add3A, %mul3A_49, %dma_wait3A_110] : memref<32x120x128xi32, #tpu.memory_space<hbm>> -> memref<1x2x128xi32, #tpu.memory_space<hbm>>
        %dma_wait3A_112 = tpu.memref_squeeze %dma_wait3A_111 : memref<1x2x128xi32, #tpu.memory_space<hbm>> -> memref<2x128xi32, #tpu.memory_space<hbm>>
        tpu.wait_dma2 semaphore(%run_scoped3A_100 : memref<!tpu.dma_semaphore, #tpu.memory_space<semaphore_mem>>) src(%dma_wait3A_112 : memref<2x128xi32, #tpu.memory_space<hbm>>) dst(%arg9 : memref<2x128xi32, #tpu.memory_space<vmem>>)
        tpu.yield
      }) : () -> ()
      %dma_start3A = arith.constant 0 : i32
      %dma_start3A_50 = arith.constant 0 : i32
      %dma_start3A_51 = arith.constant 0 : i32
      %dma_start3A_52 = arith.constant 0 : i32
      %dma_start3A_53 = tpu.memref_slice %arg10[%dma_start3A_50, %dma_start3A_51, %dma_start3A_52] : memref<2x128x128xf32, #tpu.memory_space<vmem>> -> memref<1x128x128xf32, #tpu.memory_space<vmem>>
      %dma_start3A_54 = tpu.memref_squeeze %dma_start3A_53 : memref<1x128x128xf32, #tpu.memory_space<vmem>> -> memref<128x128xf32, #tpu.memory_space<vmem>>
      %dma_start3A_55 = arith.constant 0 : i32
      %dma_start3A_56 = tpu.memref_slice %arg8[%dma_start3A, %dma_start3A_55] : memref<2x128xi32, #tpu.memory_space<vmem>> -> memref<1x128xi32, #tpu.memory_space<vmem>>
      %dma_start3A_57 = tpu.memref_squeeze %dma_start3A_56 : memref<1x128xi32, #tpu.memory_space<vmem>> -> memref<128xi32, #tpu.memory_space<vmem>>
      %dma_start3A_58 = arith.constant 0 : i32
      %dma_start3A_59 = arith.constant 0 : i32
      %dma_start3A_60 = tpu.memref_slice %arg2[%dma_start3A_58, %dma_start3A_59] : memref<10240x128xf32, #tpu.memory_space<hbm>> -> memref<10240x128xf32, #tpu.memory_space<hbm>>
      tpu.enqueue_indirect_dma source(%dma_start3A_60 : memref<10240x128xf32, #tpu.memory_space<hbm>>) target(%dma_start3A_54 : memref<128x128xf32, #tpu.memory_space<vmem>>) offsets(%dma_start3A_57 : memref<128xi32, #tpu.memory_space<vmem>>) semaphore(%arg11 : memref<!tpu.dma_semaphore, #tpu.memory_space<semaphore_mem>>)
      %dma_start3A_61 = arith.constant 1 : i32
      %dma_start3A_62 = arith.constant 1 : i32
      %dma_start3A_63 = arith.constant 0 : i32
      %dma_start3A_64 = arith.constant 0 : i32
      %dma_start3A_65 = tpu.memref_slice %arg10[%dma_start3A_62, %dma_start3A_63, %dma_start3A_64] : memref<2x128x128xf32, #tpu.memory_space<vmem>> -> memref<1x128x128xf32, #tpu.memory_space<vmem>>
      %dma_start3A_66 = tpu.memref_squeeze %dma_start3A_65 : memref<1x128x128xf32, #tpu.memory_space<vmem>> -> memref<128x128xf32, #tpu.memory_space<vmem>>
      %dma_start3A_67 = arith.constant 0 : i32
      %dma_start3A_68 = tpu.memref_slice %arg8[%dma_start3A_61, %dma_start3A_67] : memref<2x128xi32, #tpu.memory_space<vmem>> -> memref<1x128xi32, #tpu.memory_space<vmem>>
      %dma_start3A_69 = tpu.memref_squeeze %dma_start3A_68 : memref<1x128xi32, #tpu.memory_space<vmem>> -> memref<128xi32, #tpu.memory_space<vmem>>
      %dma_start3A_70 = arith.constant 0 : i32
      %dma_start3A_71 = arith.constant 0 : i32
      %dma_start3A_72 = tpu.memref_slice %arg2[%dma_start3A_70, %dma_start3A_71] : memref<10240x128xf32, #tpu.memory_space<hbm>> -> memref<10240x128xf32, #tpu.memory_space<hbm>>
      tpu.enqueue_indirect_dma source(%dma_start3A_72 : memref<10240x128xf32, #tpu.memory_space<hbm>>) target(%dma_start3A_66 : memref<128x128xf32, #tpu.memory_space<vmem>>) offsets(%dma_start3A_69 : memref<128xi32, #tpu.memory_space<vmem>>) semaphore(%arg12 : memref<!tpu.dma_semaphore, #tpu.memory_space<semaphore_mem>>)
      %dma_wait3A = arith.constant 0 : i32
      %dma_wait3A_73 = arith.constant 0 : i32
      %dma_wait3A_74 = arith.constant 0 : i32
      %dma_wait3A_75 = arith.constant 0 : i32
      %dma_wait3A_76 = tpu.memref_slice %arg10[%dma_wait3A_73, %dma_wait3A_74, %dma_wait3A_75] : memref<2x128x128xf32, #tpu.memory_space<vmem>> -> memref<1x128x128xf32, #tpu.memory_space<vmem>>
      %dma_wait3A_77 = tpu.memref_squeeze %dma_wait3A_76 : memref<1x128x128xf32, #tpu.memory_space<vmem>> -> memref<128x128xf32, #tpu.memory_space<vmem>>
      %dma_wait3A_78 = arith.constant 0 : i32
      %dma_wait3A_79 = tpu.memref_slice %arg8[%dma_wait3A, %dma_wait3A_78] : memref<2x128xi32, #tpu.memory_space<vmem>> -> memref<1x128xi32, #tpu.memory_space<vmem>>
      %dma_wait3A_80 = tpu.memref_squeeze %dma_wait3A_79 : memref<1x128xi32, #tpu.memory_space<vmem>> -> memref<128xi32, #tpu.memory_space<vmem>>
      %dma_wait3A_81 = arith.constant 0 : i32
      %dma_wait3A_82 = arith.constant 0 : i32
      %dma_wait3A_83 = tpu.memref_slice %arg2[%dma_wait3A_81, %dma_wait3A_82] : memref<10240x128xf32, #tpu.memory_space<hbm>> -> memref<10240x128xf32, #tpu.memory_space<hbm>>
      tpu.wait_indirect_dma semaphore(%arg11 : memref<!tpu.dma_semaphore, #tpu.memory_space<semaphore_mem>>) src(%dma_wait3A_83 : memref<10240x128xf32, #tpu.memory_space<hbm>>) dst(%dma_wait3A_77 : memref<128x128xf32, #tpu.memory_space<vmem>>)
      %run_scoped3A_84 = arith.constant 0 : i32
      %run_scoped3A_85 = arith.constant 0 : i32
      "tpu.region"() ({
        %run_scoped3A_100 = tpu.sem_alloc : memref<!tpu.dma_semaphore, #tpu.memory_space<semaphore_mem>>
        %dma_start3A_101 = arith.constant 0 : i32
        %dma_start3A_102 = arith.constant 0 : i32
        %dma_start3A_103 = tpu.memref_slice %arg10[%run_scoped3A_84, %dma_start3A_101, %dma_start3A_102] : memref<2x128x128xf32, #tpu.memory_space<vmem>> -> memref<1x128x128xf32, #tpu.memory_space<vmem>>
        %dma_start3A_104 = tpu.memref_squeeze %dma_start3A_103 : memref<1x128x128xf32, #tpu.memory_space<vmem>> -> memref<128x128xf32, #tpu.memory_space<vmem>>
        %dma_start3A_105 = arith.constant 0 : i32
        %dma_start3A_106 = tpu.memref_slice %arg9[%run_scoped3A_85, %dma_start3A_105] : memref<2x128xi32, #tpu.memory_space<vmem>> -> memref<1x128xi32, #tpu.memory_space<vmem>>
        %dma_start3A_107 = tpu.memref_squeeze %dma_start3A_106 : memref<1x128xi32, #tpu.memory_space<vmem>> -> memref<128xi32, #tpu.memory_space<vmem>>
        %dma_start3A_108 = arith.constant 0 : i32
        %dma_start3A_109 = arith.constant 0 : i32
        %dma_start3A_110 = tpu.memref_slice %arg7[%dma_start3A_108, %dma_start3A_109] : memref<10240x128xf32, #tpu.memory_space<vmem_shared>> -> memref<10240x128xf32, #tpu.memory_space<vmem_shared>>
        tpu.enqueue_indirect_dma source(%dma_start3A_104 : memref<128x128xf32, #tpu.memory_space<vmem>>) target(%dma_start3A_110 : memref<10240x128xf32, #tpu.memory_space<vmem_shared>>) offsets(%dma_start3A_107 : memref<128xi32, #tpu.memory_space<vmem>>) semaphore(%run_scoped3A_100 : memref<!tpu.dma_semaphore, #tpu.memory_space<semaphore_mem>>) {add = true}
        %dma_wait3A_111 = arith.constant 0 : i32
        %dma_wait3A_112 = arith.constant 0 : i32
        %dma_wait3A_113 = tpu.memref_slice %arg10[%run_scoped3A_84, %dma_wait3A_111, %dma_wait3A_112] : memref<2x128x128xf32, #tpu.memory_space<vmem>> -> memref<1x128x128xf32, #tpu.memory_space<vmem>>
        %dma_wait3A_114 = tpu.memref_squeeze %dma_wait3A_113 : memref<1x128x128xf32, #tpu.memory_space<vmem>> -> memref<128x128xf32, #tpu.memory_space<vmem>>
        %dma_wait3A_115 = arith.constant 0 : i32
        %dma_wait3A_116 = tpu.memref_slice %arg9[%run_scoped3A_85, %dma_wait3A_115] : memref<2x128xi32, #tpu.memory_space<vmem>> -> memref<1x128xi32, #tpu.memory_space<vmem>>
        %dma_wait3A_117 = tpu.memref_squeeze %dma_wait3A_116 : memref<1x128xi32, #tpu.memory_space<vmem>> -> memref<128xi32, #tpu.memory_space<vmem>>
        %dma_wait3A_118 = arith.constant 0 : i32
        %dma_wait3A_119 = arith.constant 0 : i32
        %dma_wait3A_120 = tpu.memref_slice %arg7[%dma_wait3A_118, %dma_wait3A_119] : memref<10240x128xf32, #tpu.memory_space<vmem_shared>> -> memref<10240x128xf32, #tpu.memory_space<vmem_shared>>
        tpu.wait_indirect_dma semaphore(%run_scoped3A_100 : memref<!tpu.dma_semaphore, #tpu.memory_space<semaphore_mem>>) src(%dma_wait3A_114 : memref<128x128xf32, #tpu.memory_space<vmem>>) dst(%dma_wait3A_120 : memref<10240x128xf32, #tpu.memory_space<vmem_shared>>)
        tpu.yield
      }) : () -> ()
      %dma_wait3A_86 = arith.constant 1 : i32
      %dma_wait3A_87 = arith.constant 1 : i32
      %dma_wait3A_88 = arith.constant 0 : i32
      %dma_wait3A_89 = arith.constant 0 : i32
      %dma_wait3A_90 = tpu.memref_slice %arg10[%dma_wait3A_87, %dma_wait3A_88, %dma_wait3A_89] : memref<2x128x128xf32, #tpu.memory_space<vmem>> -> memref<1x128x128xf32, #tpu.memory_space<vmem>>
      %dma_wait3A_91 = tpu.memref_squeeze %dma_wait3A_90 : memref<1x128x128xf32, #tpu.memory_space<vmem>> -> memref<128x128xf32, #tpu.memory_space<vmem>>
      %dma_wait3A_92 = arith.constant 0 : i32
      %dma_wait3A_93 = tpu.memref_slice %arg8[%dma_wait3A_86, %dma_wait3A_92] : memref<2x128xi32, #tpu.memory_space<vmem>> -> memref<1x128xi32, #tpu.memory_space<vmem>>
      %dma_wait3A_94 = tpu.memref_squeeze %dma_wait3A_93 : memref<1x128xi32, #tpu.memory_space<vmem>> -> memref<128xi32, #tpu.memory_space<vmem>>
      %dma_wait3A_95 = arith.constant 0 : i32
      %dma_wait3A_96 = arith.constant 0 : i32
      %dma_wait3A_97 = tpu.memref_slice %arg2[%dma_wait3A_95, %dma_wait3A_96] : memref<10240x128xf32, #tpu.memory_space<hbm>> -> memref<10240x128xf32, #tpu.memory_space<hbm>>
      tpu.wait_indirect_dma semaphore(%arg12 : memref<!tpu.dma_semaphore, #tpu.memory_space<semaphore_mem>>) src(%dma_wait3A_97 : memref<10240x128xf32, #tpu.memory_space<hbm>>) dst(%dma_wait3A_91 : memref<128x128xf32, #tpu.memory_space<vmem>>)
      %run_scoped3A_98 = arith.constant 1 : i32
      %run_scoped3A_99 = arith.constant 1 : i32
      "tpu.region"() ({
        %run_scoped3A_100 = tpu.sem_alloc : memref<!tpu.dma_semaphore, #tpu.memory_space<semaphore_mem>>
        %dma_start3A_101 = arith.constant 0 : i32
        %dma_start3A_102 = arith.constant 0 : i32
        %dma_start3A_103 = tpu.memref_slice %arg10[%run_scoped3A_98, %dma_start3A_101, %dma_start3A_102] : memref<2x128x128xf32, #tpu.memory_space<vmem>> -> memref<1x128x128xf32, #tpu.memory_space<vmem>>
        %dma_start3A_104 = tpu.memref_squeeze %dma_start3A_103 : memref<1x128x128xf32, #tpu.memory_space<vmem>> -> memref<128x128xf32, #tpu.memory_space<vmem>>
        %dma_start3A_105 = arith.constant 0 : i32
        %dma_start3A_106 = tpu.memref_slice %arg9[%run_scoped3A_99, %dma_start3A_105] : memref<2x128xi32, #tpu.memory_space<vmem>> -> memref<1x128xi32, #tpu.memory_space<vmem>>
        %dma_start3A_107 = tpu.memref_squeeze %dma_start3A_106 : memref<1x128xi32, #tpu.memory_space<vmem>> -> memref<128xi32, #tpu.memory_space<vmem>>
        %dma_start3A_108 = arith.constant 0 : i32
        %dma_start3A_109 = arith.constant 0 : i32
        %dma_start3A_110 = tpu.memref_slice %arg7[%dma_start3A_108, %dma_start3A_109] : memref<10240x128xf32, #tpu.memory_space<vmem_shared>> -> memref<10240x128xf32, #tpu.memory_space<vmem_shared>>
        tpu.enqueue_indirect_dma source(%dma_start3A_104 : memref<128x128xf32, #tpu.memory_space<vmem>>) target(%dma_start3A_110 : memref<10240x128xf32, #tpu.memory_space<vmem_shared>>) offsets(%dma_start3A_107 : memref<128xi32, #tpu.memory_space<vmem>>) semaphore(%run_scoped3A_100 : memref<!tpu.dma_semaphore, #tpu.memory_space<semaphore_mem>>) {add = true}
        %dma_wait3A_111 = arith.constant 0 : i32
        %dma_wait3A_112 = arith.constant 0 : i32
        %dma_wait3A_113 = tpu.memref_slice %arg10[%run_scoped3A_98, %dma_wait3A_111, %dma_wait3A_112] : memref<2x128x128xf32, #tpu.memory_space<vmem>> -> memref<1x128x128xf32, #tpu.memory_space<vmem>>
        %dma_wait3A_114 = tpu.memref_squeeze %dma_wait3A_113 : memref<1x128x128xf32, #tpu.memory_space<vmem>> -> memref<128x128xf32, #tpu.memory_space<vmem>>
        %dma_wait3A_115 = arith.constant 0 : i32
        %dma_wait3A_116 = tpu.memref_slice %arg9[%run_scoped3A_99, %dma_wait3A_115] : memref<2x128xi32, #tpu.memory_space<vmem>> -> memref<1x128xi32, #tpu.memory_space<vmem>>
        %dma_wait3A_117 = tpu.memref_squeeze %dma_wait3A_116 : memref<1x128xi32, #tpu.memory_space<vmem>> -> memref<128xi32, #tpu.memory_space<vmem>>
        %dma_wait3A_118 = arith.constant 0 : i32
        %dma_wait3A_119 = arith.constant 0 : i32
        %dma_wait3A_120 = tpu.memref_slice %arg7[%dma_wait3A_118, %dma_wait3A_119] : memref<10240x128xf32, #tpu.memory_space<vmem_shared>> -> memref<10240x128xf32, #tpu.memory_space<vmem_shared>>
        tpu.wait_indirect_dma semaphore(%run_scoped3A_100 : memref<!tpu.dma_semaphore, #tpu.memory_space<semaphore_mem>>) src(%dma_wait3A_114 : memref<128x128xf32, #tpu.memory_space<vmem>>) dst(%dma_wait3A_120 : memref<10240x128xf32, #tpu.memory_space<vmem_shared>>)
        tpu.yield
      }) : () -> ()
    }
    %while3A_14 = arith.constant 1 : i32
    scf.for %while3A_45 = %while3A_12 to %while3A_8 step %while3A_14  : i32 {
      %mul3A_46 = arith.constant 2 : i32
      %mul3A_47 = arith.muli %mul3A_46, %while3A_45 : i32
      "tpu.region"() ({
        %run_scoped3A_100 = tpu.sem_alloc : memref<!tpu.dma_semaphore, #tpu.memory_space<semaphore_mem>>
        %dma_start3A_101 = arith.constant 0 : i32
        %dma_start3A_102 = tpu.memref_slice %arg3[%add3A, %mul3A_47, %dma_start3A_101] : memref<32x120x128xi32, #tpu.memory_space<hbm>> -> memref<1x2x128xi32, #tpu.memory_space<hbm>>
        %dma_start3A_103 = tpu.memref_squeeze %dma_start3A_102 : memref<1x2x128xi32, #tpu.memory_space<hbm>> -> memref<2x128xi32, #tpu.memory_space<hbm>>
        %dma_start3A_104 = arith.constant 0 : i32
        %dma_start3A_105 = tpu.memref_slice %arg3[%add3A, %mul3A_47, %dma_start3A_104] : memref<32x120x128xi32, #tpu.memory_space<hbm>> -> memref<1x2x128xi32, #tpu.memory_space<hbm>>
        %dma_start3A_106 = tpu.memref_squeeze %dma_start3A_105 : memref<1x2x128xi32, #tpu.memory_space<hbm>> -> memref<2x128xi32, #tpu.memory_space<hbm>>
        tpu.enqueue_dma source(%dma_start3A_106 : memref<2x128xi32, #tpu.memory_space<hbm>>) target(%arg8 : memref<2x128xi32, #tpu.memory_space<vmem>>) target_semaphore(%run_scoped3A_100 : memref<!tpu.dma_semaphore, #tpu.memory_space<semaphore_mem>>)
        %dma_wait3A_107 = arith.constant 0 : i32
        %dma_wait3A_108 = tpu.memref_slice %arg3[%add3A, %mul3A_47, %dma_wait3A_107] : memref<32x120x128xi32, #tpu.memory_space<hbm>> -> memref<1x2x128xi32, #tpu.memory_space<hbm>>
        %dma_wait3A_109 = tpu.memref_squeeze %dma_wait3A_108 : memref<1x2x128xi32, #tpu.memory_space<hbm>> -> memref<2x128xi32, #tpu.memory_space<hbm>>
        %dma_wait3A_110 = arith.constant 0 : i32
        %dma_wait3A_111 = tpu.memref_slice %arg3[%add3A, %mul3A_47, %dma_wait3A_110] : memref<32x120x128xi32, #tpu.memory_space<hbm>> -> memref<1x2x128xi32, #tpu.memory_space<hbm>>
        %dma_wait3A_112 = tpu.memref_squeeze %dma_wait3A_111 : memref<1x2x128xi32, #tpu.memory_space<hbm>> -> memref<2x128xi32, #tpu.memory_space<hbm>>
        tpu.wait_dma2 semaphore(%run_scoped3A_100 : memref<!tpu.dma_semaphore, #tpu.memory_space<semaphore_mem>>) src(%dma_wait3A_112 : memref<2x128xi32, #tpu.memory_space<hbm>>) dst(%arg8 : memref<2x128xi32, #tpu.memory_space<vmem>>)
        tpu.yield
      }) : () -> ()
      %mul3A_48 = arith.constant 2 : i32
      %mul3A_49 = arith.muli %mul3A_48, %while3A_45 : i32
      "tpu.region"() ({
        %run_scoped3A_100 = tpu.sem_alloc : memref<!tpu.dma_semaphore, #tpu.memory_space<semaphore_mem>>
        %dma_start3A_101 = arith.constant 0 : i32
        %dma_start3A_102 = tpu.memref_slice %arg4[%add3A, %mul3A_49, %dma_start3A_101] : memref<32x120x128xi32, #tpu.memory_space<hbm>> -> memref<1x2x128xi32, #tpu.memory_space<hbm>>
        %dma_start3A_103 = tpu.memref_squeeze %dma_start3A_102 : memref<1x2x128xi32, #tpu.memory_space<hbm>> -> memref<2x128xi32, #tpu.memory_space<hbm>>
        %dma_start3A_104 = arith.constant 0 : i32
        %dma_start3A_105 = tpu.memref_slice %arg4[%add3A, %mul3A_49, %dma_start3A_104] : memref<32x120x128xi32, #tpu.memory_space<hbm>> -> memref<1x2x128xi32, #tpu.memory_space<hbm>>
        %dma_start3A_106 = tpu.memref_squeeze %dma_start3A_105 : memref<1x2x128xi32, #tpu.memory_space<hbm>> -> memref<2x128xi32, #tpu.memory_space<hbm>>
        tpu.enqueue_dma source(%dma_start3A_106 : memref<2x128xi32, #tpu.memory_space<hbm>>) target(%arg9 : memref<2x128xi32, #tpu.memory_space<vmem>>) target_semaphore(%run_scoped3A_100 : memref<!tpu.dma_semaphore, #tpu.memory_space<semaphore_mem>>)
        %dma_wait3A_107 = arith.constant 0 : i32
        %dma_wait3A_108 = tpu.memref_slice %arg4[%add3A, %mul3A_49, %dma_wait3A_107] : memref<32x120x128xi32, #tpu.memory_space<hbm>> -> memref<1x2x128xi32, #tpu.memory_space<hbm>>
        %dma_wait3A_109 = tpu.memref_squeeze %dma_wait3A_108 : memref<1x2x128xi32, #tpu.memory_space<hbm>> -> memref<2x128xi32, #tpu.memory_space<hbm>>
        %dma_wait3A_110 = arith.constant 0 : i32
        %dma_wait3A_111 = tpu.memref_slice %arg4[%add3A, %mul3A_49, %dma_wait3A_110] : memref<32x120x128xi32, #tpu.memory_space<hbm>> -> memref<1x2x128xi32, #tpu.memory_space<hbm>>
        %dma_wait3A_112 = tpu.memref_squeeze %dma_wait3A_111 : memref<1x2x128xi32, #tpu.memory_space<hbm>> -> memref<2x128xi32, #tpu.memory_space<hbm>>
        tpu.wait_dma2 semaphore(%run_scoped3A_100 : memref<!tpu.dma_semaphore, #tpu.memory_space<semaphore_mem>>) src(%dma_wait3A_112 : memref<2x128xi32, #tpu.memory_space<hbm>>) dst(%arg9 : memref<2x128xi32, #tpu.memory_space<vmem>>)
        tpu.yield
      }) : () -> ()
      %dma_start3A = arith.constant 0 : i32
      %dma_start3A_50 = arith.constant 0 : i32
      %dma_start3A_51 = arith.constant 0 : i32
      %dma_start3A_52 = arith.constant 0 : i32
      %dma_start3A_53 = tpu.memref_slice %arg10[%dma_start3A_50, %dma_start3A_51, %dma_start3A_52] : memref<2x128x128xf32, #tpu.memory_space<vmem>> -> memref<1x128x128xf32, #tpu.memory_space<vmem>>
      %dma_start3A_54 = tpu.memref_squeeze %dma_start3A_53 : memref<1x128x128xf32, #tpu.memory_space<vmem>> -> memref<128x128xf32, #tpu.memory_space<vmem>>
      %dma_start3A_55 = arith.constant 0 : i32
      %dma_start3A_56 = tpu.memref_slice %arg8[%dma_start3A, %dma_start3A_55] : memref<2x128xi32, #tpu.memory_space<vmem>> -> memref<1x128xi32, #tpu.memory_space<vmem>>
      %dma_start3A_57 = tpu.memref_squeeze %dma_start3A_56 : memref<1x128xi32, #tpu.memory_space<vmem>> -> memref<128xi32, #tpu.memory_space<vmem>>
      %dma_start3A_58 = arith.constant 0 : i32
      %dma_start3A_59 = arith.constant 0 : i32
      %dma_start3A_60 = tpu.memref_slice %arg2[%dma_start3A_58, %dma_start3A_59] : memref<10240x128xf32, #tpu.memory_space<hbm>> -> memref<10240x128xf32, #tpu.memory_space<hbm>>
      tpu.enqueue_indirect_dma source(%dma_start3A_60 : memref<10240x128xf32, #tpu.memory_space<hbm>>) target(%dma_start3A_54 : memref<128x128xf32, #tpu.memory_space<vmem>>) offsets(%dma_start3A_57 : memref<128xi32, #tpu.memory_space<vmem>>) semaphore(%arg11 : memref<!tpu.dma_semaphore, #tpu.memory_space<semaphore_mem>>)
      %dma_start3A_61 = arith.constant 1 : i32
      %dma_start3A_62 = arith.constant 1 : i32
      %dma_start3A_63 = arith.constant 0 : i32
      %dma_start3A_64 = arith.constant 0 : i32
      %dma_start3A_65 = tpu.memref_slice %arg10[%dma_start3A_62, %dma_start3A_63, %dma_start3A_64] : memref<2x128x128xf32, #tpu.memory_space<vmem>> -> memref<1x128x128xf32, #tpu.memory_space<vmem>>
      %dma_start3A_66 = tpu.memref_squeeze %dma_start3A_65 : memref<1x128x128xf32, #tpu.memory_space<vmem>> -> memref<128x128xf32, #tpu.memory_space<vmem>>
      %dma_start3A_67 = arith.constant 0 : i32
      %dma_start3A_68 = tpu.memref_slice %arg8[%dma_start3A_61, %dma_start3A_67] : memref<2x128xi32, #tpu.memory_space<vmem>> -> memref<1x128xi32, #tpu.memory_space<vmem>>
      %dma_start3A_69 = tpu.memref_squeeze %dma_start3A_68 : memref<1x128xi32, #tpu.memory_space<vmem>> -> memref<128xi32, #tpu.memory_space<vmem>>
      %dma_start3A_70 = arith.constant 0 : i32
      %dma_start3A_71 = arith.constant 0 : i32
      %dma_start3A_72 = tpu.memref_slice %arg2[%dma_start3A_70, %dma_start3A_71] : memref<10240x128xf32, #tpu.memory_space<hbm>> -> memref<10240x128xf32, #tpu.memory_space<hbm>>
      tpu.enqueue_indirect_dma source(%dma_start3A_72 : memref<10240x128xf32, #tpu.memory_space<hbm>>) target(%dma_start3A_66 : memref<128x128xf32, #tpu.memory_space<vmem>>) offsets(%dma_start3A_69 : memref<128xi32, #tpu.memory_space<vmem>>) semaphore(%arg12 : memref<!tpu.dma_semaphore, #tpu.memory_space<semaphore_mem>>)
      %dma_wait3A = arith.constant 0 : i32
      %dma_wait3A_73 = arith.constant 0 : i32
      %dma_wait3A_74 = arith.constant 0 : i32
      %dma_wait3A_75 = arith.constant 0 : i32
      %dma_wait3A_76 = tpu.memref_slice %arg10[%dma_wait3A_73, %dma_wait3A_74, %dma_wait3A_75] : memref<2x128x128xf32, #tpu.memory_space<vmem>> -> memref<1x128x128xf32, #tpu.memory_space<vmem>>
      %dma_wait3A_77 = tpu.memref_squeeze %dma_wait3A_76 : memref<1x128x128xf32, #tpu.memory_space<vmem>> -> memref<128x128xf32, #tpu.memory_space<vmem>>
      %dma_wait3A_78 = arith.constant 0 : i32
      %dma_wait3A_79 = tpu.memref_slice %arg8[%dma_wait3A, %dma_wait3A_78] : memref<2x128xi32, #tpu.memory_space<vmem>> -> memref<1x128xi32, #tpu.memory_space<vmem>>
      %dma_wait3A_80 = tpu.memref_squeeze %dma_wait3A_79 : memref<1x128xi32, #tpu.memory_space<vmem>> -> memref<128xi32, #tpu.memory_space<vmem>>
      %dma_wait3A_81 = arith.constant 0 : i32
      %dma_wait3A_82 = arith.constant 0 : i32
      %dma_wait3A_83 = tpu.memref_slice %arg2[%dma_wait3A_81, %dma_wait3A_82] : memref<10240x128xf32, #tpu.memory_space<hbm>> -> memref<10240x128xf32, #tpu.memory_space<hbm>>
      tpu.wait_indirect_dma semaphore(%arg11 : memref<!tpu.dma_semaphore, #tpu.memory_space<semaphore_mem>>) src(%dma_wait3A_83 : memref<10240x128xf32, #tpu.memory_space<hbm>>) dst(%dma_wait3A_77 : memref<128x128xf32, #tpu.memory_space<vmem>>)
      %run_scoped3A_84 = arith.constant 0 : i32
      %run_scoped3A_85 = arith.constant 0 : i32
      "tpu.region"() ({
        %run_scoped3A_100 = tpu.sem_alloc : memref<!tpu.dma_semaphore, #tpu.memory_space<semaphore_mem>>
        %dma_start3A_101 = arith.constant 0 : i32
        %dma_start3A_102 = arith.constant 0 : i32
        %dma_start3A_103 = tpu.memref_slice %arg10[%run_scoped3A_84, %dma_start3A_101, %dma_start3A_102] : memref<2x128x128xf32, #tpu.memory_space<vmem>> -> memref<1x128x128xf32, #tpu.memory_space<vmem>>
        %dma_start3A_104 = tpu.memref_squeeze %dma_start3A_103 : memref<1x128x128xf32, #tpu.memory_space<vmem>> -> memref<128x128xf32, #tpu.memory_space<vmem>>
        %dma_start3A_105 = arith.constant 0 : i32
        %dma_start3A_106 = tpu.memref_slice %arg9[%run_scoped3A_85, %dma_start3A_105] : memref<2x128xi32, #tpu.memory_space<vmem>> -> memref<1x128xi32, #tpu.memory_space<vmem>>
        %dma_start3A_107 = tpu.memref_squeeze %dma_start3A_106 : memref<1x128xi32, #tpu.memory_space<vmem>> -> memref<128xi32, #tpu.memory_space<vmem>>
        %dma_start3A_108 = arith.constant 0 : i32
        %dma_start3A_109 = arith.constant 0 : i32
        %dma_start3A_110 = tpu.memref_slice %arg7[%dma_start3A_108, %dma_start3A_109] : memref<10240x128xf32, #tpu.memory_space<vmem_shared>> -> memref<10240x128xf32, #tpu.memory_space<vmem_shared>>
        tpu.enqueue_indirect_dma source(%dma_start3A_104 : memref<128x128xf32, #tpu.memory_space<vmem>>) target(%dma_start3A_110 : memref<10240x128xf32, #tpu.memory_space<vmem_shared>>) offsets(%dma_start3A_107 : memref<128xi32, #tpu.memory_space<vmem>>) semaphore(%run_scoped3A_100 : memref<!tpu.dma_semaphore, #tpu.memory_space<semaphore_mem>>) {add = true}
        %dma_wait3A_111 = arith.constant 0 : i32
        %dma_wait3A_112 = arith.constant 0 : i32
        %dma_wait3A_113 = tpu.memref_slice %arg10[%run_scoped3A_84, %dma_wait3A_111, %dma_wait3A_112] : memref<2x128x128xf32, #tpu.memory_space<vmem>> -> memref<1x128x128xf32, #tpu.memory_space<vmem>>
        %dma_wait3A_114 = tpu.memref_squeeze %dma_wait3A_113 : memref<1x128x128xf32, #tpu.memory_space<vmem>> -> memref<128x128xf32, #tpu.memory_space<vmem>>
        %dma_wait3A_115 = arith.constant 0 : i32
        %dma_wait3A_116 = tpu.memref_slice %arg9[%run_scoped3A_85, %dma_wait3A_115] : memref<2x128xi32, #tpu.memory_space<vmem>> -> memref<1x128xi32, #tpu.memory_space<vmem>>
        %dma_wait3A_117 = tpu.memref_squeeze %dma_wait3A_116 : memref<1x128xi32, #tpu.memory_space<vmem>> -> memref<128xi32, #tpu.memory_space<vmem>>
        %dma_wait3A_118 = arith.constant 0 : i32
        %dma_wait3A_119 = arith.constant 0 : i32
        %dma_wait3A_120 = tpu.memref_slice %arg7[%dma_wait3A_118, %dma_wait3A_119] : memref<10240x128xf32, #tpu.memory_space<vmem_shared>> -> memref<10240x128xf32, #tpu.memory_space<vmem_shared>>
        tpu.wait_indirect_dma semaphore(%run_scoped3A_100 : memref<!tpu.dma_semaphore, #tpu.memory_space<semaphore_mem>>) src(%dma_wait3A_114 : memref<128x128xf32, #tpu.memory_space<vmem>>) dst(%dma_wait3A_120 : memref<10240x128xf32, #tpu.memory_space<vmem_shared>>)
        tpu.yield
      }) : () -> ()
      %dma_wait3A_86 = arith.constant 1 : i32
      %dma_wait3A_87 = arith.constant 1 : i32
      %dma_wait3A_88 = arith.constant 0 : i32
      %dma_wait3A_89 = arith.constant 0 : i32
      %dma_wait3A_90 = tpu.memref_slice %arg10[%dma_wait3A_87, %dma_wait3A_88, %dma_wait3A_89] : memref<2x128x128xf32, #tpu.memory_space<vmem>> -> memref<1x128x128xf32, #tpu.memory_space<vmem>>
      %dma_wait3A_91 = tpu.memref_squeeze %dma_wait3A_90 : memref<1x128x128xf32, #tpu.memory_space<vmem>> -> memref<128x128xf32, #tpu.memory_space<vmem>>
      %dma_wait3A_92 = arith.constant 0 : i32
      %dma_wait3A_93 = tpu.memref_slice %arg8[%dma_wait3A_86, %dma_wait3A_92] : memref<2x128xi32, #tpu.memory_space<vmem>> -> memref<1x128xi32, #tpu.memory_space<vmem>>
      %dma_wait3A_94 = tpu.memref_squeeze %dma_wait3A_93 : memref<1x128xi32, #tpu.memory_space<vmem>> -> memref<128xi32, #tpu.memory_space<vmem>>
      %dma_wait3A_95 = arith.constant 0 : i32
      %dma_wait3A_96 = arith.constant 0 : i32
      %dma_wait3A_97 = tpu.memref_slice %arg2[%dma_wait3A_95, %dma_wait3A_96] : memref<10240x128xf32, #tpu.memory_space<hbm>> -> memref<10240x128xf32, #tpu.memory_space<hbm>>
      tpu.wait_indirect_dma semaphore(%arg12 : memref<!tpu.dma_semaphore, #tpu.memory_space<semaphore_mem>>) src(%dma_wait3A_97 : memref<10240x128xf32, #tpu.memory_space<hbm>>) dst(%dma_wait3A_91 : memref<128x128xf32, #tpu.memory_space<vmem>>)
      %run_scoped3A_98 = arith.constant 1 : i32
      %run_scoped3A_99 = arith.constant 1 : i32
      "tpu.region"() ({
        %run_scoped3A_100 = tpu.sem_alloc : memref<!tpu.dma_semaphore, #tpu.memory_space<semaphore_mem>>
        %dma_start3A_101 = arith.constant 0 : i32
        %dma_start3A_102 = arith.constant 0 : i32
        %dma_start3A_103 = tpu.memref_slice %arg10[%run_scoped3A_98, %dma_start3A_101, %dma_start3A_102] : memref<2x128x128xf32, #tpu.memory_space<vmem>> -> memref<1x128x128xf32, #tpu.memory_space<vmem>>
        %dma_start3A_104 = tpu.memref_squeeze %dma_start3A_103 : memref<1x128x128xf32, #tpu.memory_space<vmem>> -> memref<128x128xf32, #tpu.memory_space<vmem>>
        %dma_start3A_105 = arith.constant 0 : i32
        %dma_start3A_106 = tpu.memref_slice %arg9[%run_scoped3A_99, %dma_start3A_105] : memref<2x128xi32, #tpu.memory_space<vmem>> -> memref<1x128xi32, #tpu.memory_space<vmem>>
        %dma_start3A_107 = tpu.memref_squeeze %dma_start3A_106 : memref<1x128xi32, #tpu.memory_space<vmem>> -> memref<128xi32, #tpu.memory_space<vmem>>
        %dma_start3A_108 = arith.constant 0 : i32
        %dma_start3A_109 = arith.constant 0 : i32
        %dma_start3A_110 = tpu.memref_slice %arg7[%dma_start3A_108, %dma_start3A_109] : memref<10240x128xf32, #tpu.memory_space<vmem_shared>> -> memref<10240x128xf32, #tpu.memory_space<vmem_shared>>
        tpu.enqueue_indirect_dma source(%dma_start3A_104 : memref<128x128xf32, #tpu.memory_space<vmem>>) target(%dma_start3A_110 : memref<10240x128xf32, #tpu.memory_space<vmem_shared>>) offsets(%dma_start3A_107 : memref<128xi32, #tpu.memory_space<vmem>>) semaphore(%run_scoped3A_100 : memref<!tpu.dma_semaphore, #tpu.memory_space<semaphore_mem>>) {add = true}
        %dma_wait3A_111 = arith.constant 0 : i32
        %dma_wait3A_112 = arith.constant 0 : i32
        %dma_wait3A_113 = tpu.memref_slice %arg10[%run_scoped3A_98, %dma_wait3A_111, %dma_wait3A_112] : memref<2x128x128xf32, #tpu.memory_space<vmem>> -> memref<1x128x128xf32, #tpu.memory_space<vmem>>
        %dma_wait3A_114 = tpu.memref_squeeze %dma_wait3A_113 : memref<1x128x128xf32, #tpu.memory_space<vmem>> -> memref<128x128xf32, #tpu.memory_space<vmem>>
        %dma_wait3A_115 = arith.constant 0 : i32
        %dma_wait3A_116 = tpu.memref_slice %arg9[%run_scoped3A_99, %dma_wait3A_115] : memref<2x128xi32, #tpu.memory_space<vmem>> -> memref<1x128xi32, #tpu.memory_space<vmem>>
        %dma_wait3A_117 = tpu.memref_squeeze %dma_wait3A_116 : memref<1x128xi32, #tpu.memory_space<vmem>> -> memref<128xi32, #tpu.memory_space<vmem>>
        %dma_wait3A_118 = arith.constant 0 : i32
        %dma_wait3A_119 = arith.constant 0 : i32
        %dma_wait3A_120 = tpu.memref_slice %arg7[%dma_wait3A_118, %dma_wait3A_119] : memref<10240x128xf32, #tpu.memory_space<vmem_shared>> -> memref<10240x128xf32, #tpu.memory_space<vmem_shared>>
        tpu.wait_indirect_dma semaphore(%run_scoped3A_100 : memref<!tpu.dma_semaphore, #tpu.memory_space<semaphore_mem>>) src(%dma_wait3A_114 : memref<128x128xf32, #tpu.memory_space<vmem>>) dst(%dma_wait3A_120 : memref<10240x128xf32, #tpu.memory_space<vmem_shared>>)
        tpu.yield
      }) : () -> ()
    }
    %barrier3A_15 = arith.constant 0 : index
    tpu.barrier barrier_id(%barrier3A_15)
    %mul3A_16 = arith.constant 640 : i32
    %mul3A_17 = arith.muli %arg1, %mul3A_16 : i32
    %add3A_18 = arith.constant 0 : i32
    %add3A_19 = arith.addi %mul3A_17, %add3A_18 : i32
    %run_scoped3A = arith.constant 0 : i32
    "tpu.region"() ({
      %run_scoped3A_45 = tpu.sem_alloc : memref<!tpu.dma_semaphore, #tpu.memory_space<semaphore_mem>>
      %dma_start3A = arith.constant 0 : i32
      %dma_start3A_46 = arith.constant 0 : i32
      %dma_start3A_47 = tpu.memref_slice %arg10[%run_scoped3A, %dma_start3A, %dma_start3A_46] : memref<2x128x128xf32, #tpu.memory_space<vmem>> -> memref<1x128x128xf32, #tpu.memory_space<vmem>>
      %dma_start3A_48 = tpu.memref_squeeze %dma_start3A_47 : memref<1x128x128xf32, #tpu.memory_space<vmem>> -> memref<128x128xf32, #tpu.memory_space<vmem>>
      %dma_start3A_49 = arith.constant 0 : i32
      %dma_start3A_50 = tpu.memref_slice %arg7[%add3A_19, %dma_start3A_49] : memref<10240x128xf32, #tpu.memory_space<vmem_shared>> -> memref<128x128xf32, #tpu.memory_space<vmem_shared>>
      %dma_start3A_51 = arith.constant 0 : i32
      %dma_start3A_52 = arith.constant 0 : i32
      %dma_start3A_53 = tpu.memref_slice %arg10[%run_scoped3A, %dma_start3A_51, %dma_start3A_52] : memref<2x128x128xf32, #tpu.memory_space<vmem>> -> memref<1x128x128xf32, #tpu.memory_space<vmem>>
      %dma_start3A_54 = tpu.memref_squeeze %dma_start3A_53 : memref<1x128x128xf32, #tpu.memory_space<vmem>> -> memref<128x128xf32, #tpu.memory_space<vmem>>
      %dma_start3A_55 = arith.constant 0 : i32
      %dma_start3A_56 = tpu.memref_slice %arg7[%add3A_19, %dma_start3A_55] : memref<10240x128xf32, #tpu.memory_space<vmem_shared>> -> memref<128x128xf32, #tpu.memory_space<vmem_shared>>
      tpu.enqueue_dma source(%dma_start3A_56 : memref<128x128xf32, #tpu.memory_space<vmem_shared>>) target(%dma_start3A_54 : memref<128x128xf32, #tpu.memory_space<vmem>>) target_semaphore(%run_scoped3A_45 : memref<!tpu.dma_semaphore, #tpu.memory_space<semaphore_mem>>)
      %dma_wait3A = arith.constant 0 : i32
      %dma_wait3A_57 = arith.constant 0 : i32
      %dma_wait3A_58 = tpu.memref_slice %arg10[%run_scoped3A, %dma_wait3A, %dma_wait3A_57] : memref<2x128x128xf32, #tpu.memory_space<vmem>> -> memref<1x128x128xf32, #tpu.memory_space<vmem>>
      %dma_wait3A_59 = tpu.memref_squeeze %dma_wait3A_58 : memref<1x128x128xf32, #tpu.memory_space<vmem>> -> memref<128x128xf32, #tpu.memory_space<vmem>>
      %dma_wait3A_60 = arith.constant 0 : i32
      %dma_wait3A_61 = tpu.memref_slice %arg7[%add3A_19, %dma_wait3A_60] : memref<10240x128xf32, #tpu.memory_space<vmem_shared>> -> memref<128x128xf32, #tpu.memory_space<vmem_shared>>
      %dma_wait3A_62 = arith.constant 0 : i32
      %dma_wait3A_63 = arith.constant 0 : i32
      %dma_wait3A_64 = tpu.memref_slice %arg10[%run_scoped3A, %dma_wait3A_62, %dma_wait3A_63] : memref<2x128x128xf32, #tpu.memory_space<vmem>> -> memref<1x128x128xf32, #tpu.memory_space<vmem>>
      %dma_wait3A_65 = tpu.memref_squeeze %dma_wait3A_64 : memref<1x128x128xf32, #tpu.memory_space<vmem>> -> memref<128x128xf32, #tpu.memory_space<vmem>>
      %dma_wait3A_66 = arith.constant 0 : i32
      %dma_wait3A_67 = tpu.memref_slice %arg7[%add3A_19, %dma_wait3A_66] : memref<10240x128xf32, #tpu.memory_space<vmem_shared>> -> memref<128x128xf32, #tpu.memory_space<vmem_shared>>
      tpu.wait_dma2 semaphore(%run_scoped3A_45 : memref<!tpu.dma_semaphore, #tpu.memory_space<semaphore_mem>>) src(%dma_wait3A_67 : memref<128x128xf32, #tpu.memory_space<vmem_shared>>) dst(%dma_wait3A_65 : memref<128x128xf32, #tpu.memory_space<vmem>>)
      tpu.yield
    }) : () -> ()
    %run_scoped3A_20 = arith.constant 0 : i32
    "tpu.region"() ({
      %run_scoped3A_45 = tpu.sem_alloc : memref<!tpu.dma_semaphore, #tpu.memory_space<semaphore_mem>>
      %dma_start3A = arith.constant 0 : i32
      %dma_start3A_46 = arith.constant 0 : i32
      %dma_start3A_47 = tpu.memref_slice %arg10[%run_scoped3A_20, %dma_start3A, %dma_start3A_46] : memref<2x128x128xf32, #tpu.memory_space<vmem>> -> memref<1x128x128xf32, #tpu.memory_space<vmem>>
      %dma_start3A_48 = tpu.memref_squeeze %dma_start3A_47 : memref<1x128x128xf32, #tpu.memory_space<vmem>> -> memref<128x128xf32, #tpu.memory_space<vmem>>
      %dma_start3A_49 = arith.constant 0 : i32
      %dma_start3A_50 = tpu.memref_slice %arg6[%arg0, %add3A_19, %dma_start3A_49] : memref<2x10240x128xf32, #tpu.memory_space<hbm>> -> memref<1x128x128xf32, #tpu.memory_space<hbm>>
      %dma_start3A_51 = tpu.memref_squeeze %dma_start3A_50 : memref<1x128x128xf32, #tpu.memory_space<hbm>> -> memref<128x128xf32, #tpu.memory_space<hbm>>
      %dma_start3A_52 = arith.constant 0 : i32
      %dma_start3A_53 = tpu.memref_slice %arg6[%arg0, %add3A_19, %dma_start3A_52] : memref<2x10240x128xf32, #tpu.memory_space<hbm>> -> memref<1x128x128xf32, #tpu.memory_space<hbm>>
      %dma_start3A_54 = tpu.memref_squeeze %dma_start3A_53 : memref<1x128x128xf32, #tpu.memory_space<hbm>> -> memref<128x128xf32, #tpu.memory_space<hbm>>
      %dma_start3A_55 = arith.constant 0 : i32
      %dma_start3A_56 = arith.constant 0 : i32
      %dma_start3A_57 = tpu.memref_slice %arg10[%run_scoped3A_20, %dma_start3A_55, %dma_start3A_56] : memref<2x128x128xf32, #tpu.memory_space<vmem>> -> memref<1x128x128xf32, #tpu.memory_space<vmem>>
      %dma_start3A_58 = tpu.memref_squeeze %dma_start3A_57 : memref<1x128x128xf32, #tpu.memory_space<vmem>> -> memref<128x128xf32, #tpu.memory_space<vmem>>
      tpu.enqueue_dma source(%dma_start3A_58 : memref<128x128xf32, #tpu.memory_space<vmem>>) target(%dma_start3A_54 : memref<128x128xf32, #tpu.memory_space<hbm>>) target_semaphore(%run_scoped3A_45 : memref<!tpu.dma_semaphore, #tpu.memory_space<semaphore_mem>>)
      %dma_wait3A = arith.constant 0 : i32
      %dma_wait3A_59 = arith.constant 0 : i32
      %dma_wait3A_60 = tpu.memref_slice %arg10[%run_scoped3A_20, %dma_wait3A, %dma_wait3A_59] : memref<2x128x128xf32, #tpu.memory_space<vmem>> -> memref<1x128x128xf32, #tpu.memory_space<vmem>>
      %dma_wait3A_61 = tpu.memref_squeeze %dma_wait3A_60 : memref<1x128x128xf32, #tpu.memory_space<vmem>> -> memref<128x128xf32, #tpu.memory_space<vmem>>
      %dma_wait3A_62 = arith.constant 0 : i32
      %dma_wait3A_63 = tpu.memref_slice %arg6[%arg0, %add3A_19, %dma_wait3A_62] : memref<2x10240x128xf32, #tpu.memory_space<hbm>> -> memref<1x128x128xf32, #tpu.memory_space<hbm>>
      %dma_wait3A_64 = tpu.memref_squeeze %dma_wait3A_63 : memref<1x128x128xf32, #tpu.memory_space<hbm>> -> memref<128x128xf32, #tpu.memory_space<hbm>>
      %dma_wait3A_65 = arith.constant 0 : i32
      %dma_wait3A_66 = tpu.memref_slice %arg6[%arg0, %add3A_19, %dma_wait3A_65] : memref<2x10240x128xf32, #tpu.memory_space<hbm>> -> memref<1x128x128xf32, #tpu.memory_space<hbm>>
      %dma_wait3A_67 = tpu.memref_squeeze %dma_wait3A_66 : memref<1x128x128xf32, #tpu.memory_space<hbm>> -> memref<128x128xf32, #tpu.memory_space<hbm>>
      %dma_wait3A_68 = arith.constant 0 : i32
      %dma_wait3A_69 = arith.constant 0 : i32
      %dma_wait3A_70 = tpu.memref_slice %arg10[%run_scoped3A_20, %dma_wait3A_68, %dma_wait3A_69] : memref<2x128x128xf32, #tpu.memory_space<vmem>> -> memref<1x128x128xf32, #tpu.memory_space<vmem>>
      %dma_wait3A_71 = tpu.memref_squeeze %dma_wait3A_70 : memref<1x128x128xf32, #tpu.memory_space<vmem>> -> memref<128x128xf32, #tpu.memory_space<vmem>>
      tpu.wait_dma2 semaphore(%run_scoped3A_45 : memref<!tpu.dma_semaphore, #tpu.memory_space<semaphore_mem>>) src(%dma_wait3A_71 : memref<128x128xf32, #tpu.memory_space<vmem>>) dst(%dma_wait3A_67 : memref<128x128xf32, #tpu.memory_space<hbm>>)
      tpu.yield
    }) : () -> ()
    %mul3A_21 = arith.constant 640 : i32
    %mul3A_22 = arith.muli %arg1, %mul3A_21 : i32
    %add3A_23 = arith.constant 128 : i32
    %add3A_24 = arith.addi %mul3A_22, %add3A_23 : i32
    %run_scoped3A_25 = arith.constant 0 : i32
    "tpu.region"() ({
      %run_scoped3A_45 = tpu.sem_alloc : memref<!tpu.dma_semaphore, #tpu.memory_space<semaphore_mem>>
      %dma_start3A = arith.constant 0 : i32
      %dma_start3A_46 = arith.constant 0 : i32
      %dma_start3A_47 = tpu.memref_slice %arg10[%run_scoped3A_25, %dma_start3A, %dma_start3A_46] : memref<2x128x128xf32, #tpu.memory_space<vmem>> -> memref<1x128x128xf32, #tpu.memory_space<vmem>>
      %dma_start3A_48 = tpu.memref_squeeze %dma_start3A_47 : memref<1x128x128xf32, #tpu.memory_space<vmem>> -> memref<128x128xf32, #tpu.memory_space<vmem>>
      %dma_start3A_49 = arith.constant 0 : i32
      %dma_start3A_50 = tpu.memref_slice %arg7[%add3A_24, %dma_start3A_49] : memref<10240x128xf32, #tpu.memory_space<vmem_shared>> -> memref<128x128xf32, #tpu.memory_space<vmem_shared>>
      %dma_start3A_51 = arith.constant 0 : i32
      %dma_start3A_52 = arith.constant 0 : i32
      %dma_start3A_53 = tpu.memref_slice %arg10[%run_scoped3A_25, %dma_start3A_51, %dma_start3A_52] : memref<2x128x128xf32, #tpu.memory_space<vmem>> -> memref<1x128x128xf32, #tpu.memory_space<vmem>>
      %dma_start3A_54 = tpu.memref_squeeze %dma_start3A_53 : memref<1x128x128xf32, #tpu.memory_space<vmem>> -> memref<128x128xf32, #tpu.memory_space<vmem>>
      %dma_start3A_55 = arith.constant 0 : i32
      %dma_start3A_56 = tpu.memref_slice %arg7[%add3A_24, %dma_start3A_55] : memref<10240x128xf32, #tpu.memory_space<vmem_shared>> -> memref<128x128xf32, #tpu.memory_space<vmem_shared>>
      tpu.enqueue_dma source(%dma_start3A_56 : memref<128x128xf32, #tpu.memory_space<vmem_shared>>) target(%dma_start3A_54 : memref<128x128xf32, #tpu.memory_space<vmem>>) target_semaphore(%run_scoped3A_45 : memref<!tpu.dma_semaphore, #tpu.memory_space<semaphore_mem>>)
      %dma_wait3A = arith.constant 0 : i32
      %dma_wait3A_57 = arith.constant 0 : i32
      %dma_wait3A_58 = tpu.memref_slice %arg10[%run_scoped3A_25, %dma_wait3A, %dma_wait3A_57] : memref<2x128x128xf32, #tpu.memory_space<vmem>> -> memref<1x128x128xf32, #tpu.memory_space<vmem>>
      %dma_wait3A_59 = tpu.memref_squeeze %dma_wait3A_58 : memref<1x128x128xf32, #tpu.memory_space<vmem>> -> memref<128x128xf32, #tpu.memory_space<vmem>>
      %dma_wait3A_60 = arith.constant 0 : i32
      %dma_wait3A_61 = tpu.memref_slice %arg7[%add3A_24, %dma_wait3A_60] : memref<10240x128xf32, #tpu.memory_space<vmem_shared>> -> memref<128x128xf32, #tpu.memory_space<vmem_shared>>
      %dma_wait3A_62 = arith.constant 0 : i32
      %dma_wait3A_63 = arith.constant 0 : i32
      %dma_wait3A_64 = tpu.memref_slice %arg10[%run_scoped3A_25, %dma_wait3A_62, %dma_wait3A_63] : memref<2x128x128xf32, #tpu.memory_space<vmem>> -> memref<1x128x128xf32, #tpu.memory_space<vmem>>
      %dma_wait3A_65 = tpu.memref_squeeze %dma_wait3A_64 : memref<1x128x128xf32, #tpu.memory_space<vmem>> -> memref<128x128xf32, #tpu.memory_space<vmem>>
      %dma_wait3A_66 = arith.constant 0 : i32
      %dma_wait3A_67 = tpu.memref_slice %arg7[%add3A_24, %dma_wait3A_66] : memref<10240x128xf32, #tpu.memory_space<vmem_shared>> -> memref<128x128xf32, #tpu.memory_space<vmem_shared>>
      tpu.wait_dma2 semaphore(%run_scoped3A_45 : memref<!tpu.dma_semaphore, #tpu.memory_space<semaphore_mem>>) src(%dma_wait3A_67 : memref<128x128xf32, #tpu.memory_space<vmem_shared>>) dst(%dma_wait3A_65 : memref<128x128xf32, #tpu.memory_space<vmem>>)
      tpu.yield
    }) : () -> ()
    %run_scoped3A_26 = arith.constant 0 : i32
    "tpu.region"() ({
      %run_scoped3A_45 = tpu.sem_alloc : memref<!tpu.dma_semaphore, #tpu.memory_space<semaphore_mem>>
      %dma_start3A = arith.constant 0 : i32
      %dma_start3A_46 = arith.constant 0 : i32
      %dma_start3A_47 = tpu.memref_slice %arg10[%run_scoped3A_26, %dma_start3A, %dma_start3A_46] : memref<2x128x128xf32, #tpu.memory_space<vmem>> -> memref<1x128x128xf32, #tpu.memory_space<vmem>>
      %dma_start3A_48 = tpu.memref_squeeze %dma_start3A_47 : memref<1x128x128xf32, #tpu.memory_space<vmem>> -> memref<128x128xf32, #tpu.memory_space<vmem>>
      %dma_start3A_49 = arith.constant 0 : i32
      %dma_start3A_50 = tpu.memref_slice %arg6[%arg0, %add3A_24, %dma_start3A_49] : memref<2x10240x128xf32, #tpu.memory_space<hbm>> -> memref<1x128x128xf32, #tpu.memory_space<hbm>>
      %dma_start3A_51 = tpu.memref_squeeze %dma_start3A_50 : memref<1x128x128xf32, #tpu.memory_space<hbm>> -> memref<128x128xf32, #tpu.memory_space<hbm>>
      %dma_start3A_52 = arith.constant 0 : i32
      %dma_start3A_53 = tpu.memref_slice %arg6[%arg0, %add3A_24, %dma_start3A_52] : memref<2x10240x128xf32, #tpu.memory_space<hbm>> -> memref<1x128x128xf32, #tpu.memory_space<hbm>>
      %dma_start3A_54 = tpu.memref_squeeze %dma_start3A_53 : memref<1x128x128xf32, #tpu.memory_space<hbm>> -> memref<128x128xf32, #tpu.memory_space<hbm>>
      %dma_start3A_55 = arith.constant 0 : i32
      %dma_start3A_56 = arith.constant 0 : i32
      %dma_start3A_57 = tpu.memref_slice %arg10[%run_scoped3A_26, %dma_start3A_55, %dma_start3A_56] : memref<2x128x128xf32, #tpu.memory_space<vmem>> -> memref<1x128x128xf32, #tpu.memory_space<vmem>>
      %dma_start3A_58 = tpu.memref_squeeze %dma_start3A_57 : memref<1x128x128xf32, #tpu.memory_space<vmem>> -> memref<128x128xf32, #tpu.memory_space<vmem>>
      tpu.enqueue_dma source(%dma_start3A_58 : memref<128x128xf32, #tpu.memory_space<vmem>>) target(%dma_start3A_54 : memref<128x128xf32, #tpu.memory_space<hbm>>) target_semaphore(%run_scoped3A_45 : memref<!tpu.dma_semaphore, #tpu.memory_space<semaphore_mem>>)
      %dma_wait3A = arith.constant 0 : i32
      %dma_wait3A_59 = arith.constant 0 : i32
      %dma_wait3A_60 = tpu.memref_slice %arg10[%run_scoped3A_26, %dma_wait3A, %dma_wait3A_59] : memref<2x128x128xf32, #tpu.memory_space<vmem>> -> memref<1x128x128xf32, #tpu.memory_space<vmem>>
      %dma_wait3A_61 = tpu.memref_squeeze %dma_wait3A_60 : memref<1x128x128xf32, #tpu.memory_space<vmem>> -> memref<128x128xf32, #tpu.memory_space<vmem>>
      %dma_wait3A_62 = arith.constant 0 : i32
      %dma_wait3A_63 = tpu.memref_slice %arg6[%arg0, %add3A_24, %dma_wait3A_62] : memref<2x10240x128xf32, #tpu.memory_space<hbm>> -> memref<1x128x128xf32, #tpu.memory_space<hbm>>
      %dma_wait3A_64 = tpu.memref_squeeze %dma_wait3A_63 : memref<1x128x128xf32, #tpu.memory_space<hbm>> -> memref<128x128xf32, #tpu.memory_space<hbm>>
      %dma_wait3A_65 = arith.constant 0 : i32
      %dma_wait3A_66 = tpu.memref_slice %arg6[%arg0, %add3A_24, %dma_wait3A_65] : memref<2x10240x128xf32, #tpu.memory_space<hbm>> -> memref<1x128x128xf32, #tpu.memory_space<hbm>>
      %dma_wait3A_67 = tpu.memref_squeeze %dma_wait3A_66 : memref<1x128x128xf32, #tpu.memory_space<hbm>> -> memref<128x128xf32, #tpu.memory_space<hbm>>
      %dma_wait3A_68 = arith.constant 0 : i32
      %dma_wait3A_69 = arith.constant 0 : i32
      %dma_wait3A_70 = tpu.memref_slice %arg10[%run_scoped3A_26, %dma_wait3A_68, %dma_wait3A_69] : memref<2x128x128xf32, #tpu.memory_space<vmem>> -> memref<1x128x128xf32, #tpu.memory_space<vmem>>
      %dma_wait3A_71 = tpu.memref_squeeze %dma_wait3A_70 : memref<1x128x128xf32, #tpu.memory_space<vmem>> -> memref<128x128xf32, #tpu.memory_space<vmem>>
      tpu.wait_dma2 semaphore(%run_scoped3A_45 : memref<!tpu.dma_semaphore, #tpu.memory_space<semaphore_mem>>) src(%dma_wait3A_71 : memref<128x128xf32, #tpu.memory_space<vmem>>) dst(%dma_wait3A_67 : memref<128x128xf32, #tpu.memory_space<hbm>>)
      tpu.yield
    }) : () -> ()
    %mul3A_27 = arith.constant 640 : i32
    %mul3A_28 = arith.muli %arg1, %mul3A_27 : i32
    %add3A_29 = arith.constant 256 : i32
    %add3A_30 = arith.addi %mul3A_28, %add3A_29 : i32
    %run_scoped3A_31 = arith.constant 0 : i32
    "tpu.region"() ({
      %run_scoped3A_45 = tpu.sem_alloc : memref<!tpu.dma_semaphore, #tpu.memory_space<semaphore_mem>>
      %dma_start3A = arith.constant 0 : i32
      %dma_start3A_46 = arith.constant 0 : i32
      %dma_start3A_47 = tpu.memref_slice %arg10[%run_scoped3A_31, %dma_start3A, %dma_start3A_46] : memref<2x128x128xf32, #tpu.memory_space<vmem>> -> memref<1x128x128xf32, #tpu.memory_space<vmem>>
      %dma_start3A_48 = tpu.memref_squeeze %dma_start3A_47 : memref<1x128x128xf32, #tpu.memory_space<vmem>> -> memref<128x128xf32, #tpu.memory_space<vmem>>
      %dma_start3A_49 = arith.constant 0 : i32
      %dma_start3A_50 = tpu.memref_slice %arg7[%add3A_30, %dma_start3A_49] : memref<10240x128xf32, #tpu.memory_space<vmem_shared>> -> memref<128x128xf32, #tpu.memory_space<vmem_shared>>
      %dma_start3A_51 = arith.constant 0 : i32
      %dma_start3A_52 = arith.constant 0 : i32
      %dma_start3A_53 = tpu.memref_slice %arg10[%run_scoped3A_31, %dma_start3A_51, %dma_start3A_52] : memref<2x128x128xf32, #tpu.memory_space<vmem>> -> memref<1x128x128xf32, #tpu.memory_space<vmem>>
      %dma_start3A_54 = tpu.memref_squeeze %dma_start3A_53 : memref<1x128x128xf32, #tpu.memory_space<vmem>> -> memref<128x128xf32, #tpu.memory_space<vmem>>
      %dma_start3A_55 = arith.constant 0 : i32
      %dma_start3A_56 = tpu.memref_slice %arg7[%add3A_30, %dma_start3A_55] : memref<10240x128xf32, #tpu.memory_space<vmem_shared>> -> memref<128x128xf32, #tpu.memory_space<vmem_shared>>
      tpu.enqueue_dma source(%dma_start3A_56 : memref<128x128xf32, #tpu.memory_space<vmem_shared>>) target(%dma_start3A_54 : memref<128x128xf32, #tpu.memory_space<vmem>>) target_semaphore(%run_scoped3A_45 : memref<!tpu.dma_semaphore, #tpu.memory_space<semaphore_mem>>)
      %dma_wait3A = arith.constant 0 : i32
      %dma_wait3A_57 = arith.constant 0 : i32
      %dma_wait3A_58 = tpu.memref_slice %arg10[%run_scoped3A_31, %dma_wait3A, %dma_wait3A_57] : memref<2x128x128xf32, #tpu.memory_space<vmem>> -> memref<1x128x128xf32, #tpu.memory_space<vmem>>
      %dma_wait3A_59 = tpu.memref_squeeze %dma_wait3A_58 : memref<1x128x128xf32, #tpu.memory_space<vmem>> -> memref<128x128xf32, #tpu.memory_space<vmem>>
      %dma_wait3A_60 = arith.constant 0 : i32
      %dma_wait3A_61 = tpu.memref_slice %arg7[%add3A_30, %dma_wait3A_60] : memref<10240x128xf32, #tpu.memory_space<vmem_shared>> -> memref<128x128xf32, #tpu.memory_space<vmem_shared>>
      %dma_wait3A_62 = arith.constant 0 : i32
      %dma_wait3A_63 = arith.constant 0 : i32
      %dma_wait3A_64 = tpu.memref_slice %arg10[%run_scoped3A_31, %dma_wait3A_62, %dma_wait3A_63] : memref<2x128x128xf32, #tpu.memory_space<vmem>> -> memref<1x128x128xf32, #tpu.memory_space<vmem>>
      %dma_wait3A_65 = tpu.memref_squeeze %dma_wait3A_64 : memref<1x128x128xf32, #tpu.memory_space<vmem>> -> memref<128x128xf32, #tpu.memory_space<vmem>>
      %dma_wait3A_66 = arith.constant 0 : i32
      %dma_wait3A_67 = tpu.memref_slice %arg7[%add3A_30, %dma_wait3A_66] : memref<10240x128xf32, #tpu.memory_space<vmem_shared>> -> memref<128x128xf32, #tpu.memory_space<vmem_shared>>
      tpu.wait_dma2 semaphore(%run_scoped3A_45 : memref<!tpu.dma_semaphore, #tpu.memory_space<semaphore_mem>>) src(%dma_wait3A_67 : memref<128x128xf32, #tpu.memory_space<vmem_shared>>) dst(%dma_wait3A_65 : memref<128x128xf32, #tpu.memory_space<vmem>>)
      tpu.yield
    }) : () -> ()
    %run_scoped3A_32 = arith.constant 0 : i32
    "tpu.region"() ({
      %run_scoped3A_45 = tpu.sem_alloc : memref<!tpu.dma_semaphore, #tpu.memory_space<semaphore_mem>>
      %dma_start3A = arith.constant 0 : i32
      %dma_start3A_46 = arith.constant 0 : i32
      %dma_start3A_47 = tpu.memref_slice %arg10[%run_scoped3A_32, %dma_start3A, %dma_start3A_46] : memref<2x128x128xf32, #tpu.memory_space<vmem>> -> memref<1x128x128xf32, #tpu.memory_space<vmem>>
      %dma_start3A_48 = tpu.memref_squeeze %dma_start3A_47 : memref<1x128x128xf32, #tpu.memory_space<vmem>> -> memref<128x128xf32, #tpu.memory_space<vmem>>
      %dma_start3A_49 = arith.constant 0 : i32
      %dma_start3A_50 = tpu.memref_slice %arg6[%arg0, %add3A_30, %dma_start3A_49] : memref<2x10240x128xf32, #tpu.memory_space<hbm>> -> memref<1x128x128xf32, #tpu.memory_space<hbm>>
      %dma_start3A_51 = tpu.memref_squeeze %dma_start3A_50 : memref<1x128x128xf32, #tpu.memory_space<hbm>> -> memref<128x128xf32, #tpu.memory_space<hbm>>
      %dma_start3A_52 = arith.constant 0 : i32
      %dma_start3A_53 = tpu.memref_slice %arg6[%arg0, %add3A_30, %dma_start3A_52] : memref<2x10240x128xf32, #tpu.memory_space<hbm>> -> memref<1x128x128xf32, #tpu.memory_space<hbm>>
      %dma_start3A_54 = tpu.memref_squeeze %dma_start3A_53 : memref<1x128x128xf32, #tpu.memory_space<hbm>> -> memref<128x128xf32, #tpu.memory_space<hbm>>
      %dma_start3A_55 = arith.constant 0 : i32
      %dma_start3A_56 = arith.constant 0 : i32
      %dma_start3A_57 = tpu.memref_slice %arg10[%run_scoped3A_32, %dma_start3A_55, %dma_start3A_56] : memref<2x128x128xf32, #tpu.memory_space<vmem>> -> memref<1x128x128xf32, #tpu.memory_space<vmem>>
      %dma_start3A_58 = tpu.memref_squeeze %dma_start3A_57 : memref<1x128x128xf32, #tpu.memory_space<vmem>> -> memref<128x128xf32, #tpu.memory_space<vmem>>
      tpu.enqueue_dma source(%dma_start3A_58 : memref<128x128xf32, #tpu.memory_space<vmem>>) target(%dma_start3A_54 : memref<128x128xf32, #tpu.memory_space<hbm>>) target_semaphore(%run_scoped3A_45 : memref<!tpu.dma_semaphore, #tpu.memory_space<semaphore_mem>>)
      %dma_wait3A = arith.constant 0 : i32
      %dma_wait3A_59 = arith.constant 0 : i32
      %dma_wait3A_60 = tpu.memref_slice %arg10[%run_scoped3A_32, %dma_wait3A, %dma_wait3A_59] : memref<2x128x128xf32, #tpu.memory_space<vmem>> -> memref<1x128x128xf32, #tpu.memory_space<vmem>>
      %dma_wait3A_61 = tpu.memref_squeeze %dma_wait3A_60 : memref<1x128x128xf32, #tpu.memory_space<vmem>> -> memref<128x128xf32, #tpu.memory_space<vmem>>
      %dma_wait3A_62 = arith.constant 0 : i32
      %dma_wait3A_63 = tpu.memref_slice %arg6[%arg0, %add3A_30, %dma_wait3A_62] : memref<2x10240x128xf32, #tpu.memory_space<hbm>> -> memref<1x128x128xf32, #tpu.memory_space<hbm>>
      %dma_wait3A_64 = tpu.memref_squeeze %dma_wait3A_63 : memref<1x128x128xf32, #tpu.memory_space<hbm>> -> memref<128x128xf32, #tpu.memory_space<hbm>>
      %dma_wait3A_65 = arith.constant 0 : i32
      %dma_wait3A_66 = tpu.memref_slice %arg6[%arg0, %add3A_30, %dma_wait3A_65] : memref<2x10240x128xf32, #tpu.memory_space<hbm>> -> memref<1x128x128xf32, #tpu.memory_space<hbm>>
      %dma_wait3A_67 = tpu.memref_squeeze %dma_wait3A_66 : memref<1x128x128xf32, #tpu.memory_space<hbm>> -> memref<128x128xf32, #tpu.memory_space<hbm>>
      %dma_wait3A_68 = arith.constant 0 : i32
      %dma_wait3A_69 = arith.constant 0 : i32
      %dma_wait3A_70 = tpu.memref_slice %arg10[%run_scoped3A_32, %dma_wait3A_68, %dma_wait3A_69] : memref<2x128x128xf32, #tpu.memory_space<vmem>> -> memref<1x128x128xf32, #tpu.memory_space<vmem>>
      %dma_wait3A_71 = tpu.memref_squeeze %dma_wait3A_70 : memref<1x128x128xf32, #tpu.memory_space<vmem>> -> memref<128x128xf32, #tpu.memory_space<vmem>>
      tpu.wait_dma2 semaphore(%run_scoped3A_45 : memref<!tpu.dma_semaphore, #tpu.memory_space<semaphore_mem>>) src(%dma_wait3A_71 : memref<128x128xf32, #tpu.memory_space<vmem>>) dst(%dma_wait3A_67 : memref<128x128xf32, #tpu.memory_space<hbm>>)
      tpu.yield
    }) : () -> ()
    %mul3A_33 = arith.constant 640 : i32
    %mul3A_34 = arith.muli %arg1, %mul3A_33 : i32
    %add3A_35 = arith.constant 384 : i32
    %add3A_36 = arith.addi %mul3A_34, %add3A_35 : i32
    %run_scoped3A_37 = arith.constant 0 : i32
    "tpu.region"() ({
      %run_scoped3A_45 = tpu.sem_alloc : memref<!tpu.dma_semaphore, #tpu.memory_space<semaphore_mem>>
      %dma_start3A = arith.constant 0 : i32
      %dma_start3A_46 = arith.constant 0 : i32
      %dma_start3A_47 = tpu.memref_slice %arg10[%run_scoped3A_37, %dma_start3A, %dma_start3A_46] : memref<2x128x128xf32, #tpu.memory_space<vmem>> -> memref<1x128x128xf32, #tpu.memory_space<vmem>>
      %dma_start3A_48 = tpu.memref_squeeze %dma_start3A_47 : memref<1x128x128xf32, #tpu.memory_space<vmem>> -> memref<128x128xf32, #tpu.memory_space<vmem>>
      %dma_start3A_49 = arith.constant 0 : i32
      %dma_start3A_50 = tpu.memref_slice %arg7[%add3A_36, %dma_start3A_49] : memref<10240x128xf32, #tpu.memory_space<vmem_shared>> -> memref<128x128xf32, #tpu.memory_space<vmem_shared>>
      %dma_start3A_51 = arith.constant 0 : i32
      %dma_start3A_52 = arith.constant 0 : i32
      %dma_start3A_53 = tpu.memref_slice %arg10[%run_scoped3A_37, %dma_start3A_51, %dma_start3A_52] : memref<2x128x128xf32, #tpu.memory_space<vmem>> -> memref<1x128x128xf32, #tpu.memory_space<vmem>>
      %dma_start3A_54 = tpu.memref_squeeze %dma_start3A_53 : memref<1x128x128xf32, #tpu.memory_space<vmem>> -> memref<128x128xf32, #tpu.memory_space<vmem>>
      %dma_start3A_55 = arith.constant 0 : i32
      %dma_start3A_56 = tpu.memref_slice %arg7[%add3A_36, %dma_start3A_55] : memref<10240x128xf32, #tpu.memory_space<vmem_shared>> -> memref<128x128xf32, #tpu.memory_space<vmem_shared>>
      tpu.enqueue_dma source(%dma_start3A_56 : memref<128x128xf32, #tpu.memory_space<vmem_shared>>) target(%dma_start3A_54 : memref<128x128xf32, #tpu.memory_space<vmem>>) target_semaphore(%run_scoped3A_45 : memref<!tpu.dma_semaphore, #tpu.memory_space<semaphore_mem>>)
      %dma_wait3A = arith.constant 0 : i32
      %dma_wait3A_57 = arith.constant 0 : i32
      %dma_wait3A_58 = tpu.memref_slice %arg10[%run_scoped3A_37, %dma_wait3A, %dma_wait3A_57] : memref<2x128x128xf32, #tpu.memory_space<vmem>> -> memref<1x128x128xf32, #tpu.memory_space<vmem>>
      %dma_wait3A_59 = tpu.memref_squeeze %dma_wait3A_58 : memref<1x128x128xf32, #tpu.memory_space<vmem>> -> memref<128x128xf32, #tpu.memory_space<vmem>>
      %dma_wait3A_60 = arith.constant 0 : i32
      %dma_wait3A_61 = tpu.memref_slice %arg7[%add3A_36, %dma_wait3A_60] : memref<10240x128xf32, #tpu.memory_space<vmem_shared>> -> memref<128x128xf32, #tpu.memory_space<vmem_shared>>
      %dma_wait3A_62 = arith.constant 0 : i32
      %dma_wait3A_63 = arith.constant 0 : i32
      %dma_wait3A_64 = tpu.memref_slice %arg10[%run_scoped3A_37, %dma_wait3A_62, %dma_wait3A_63] : memref<2x128x128xf32, #tpu.memory_space<vmem>> -> memref<1x128x128xf32, #tpu.memory_space<vmem>>
      %dma_wait3A_65 = tpu.memref_squeeze %dma_wait3A_64 : memref<1x128x128xf32, #tpu.memory_space<vmem>> -> memref<128x128xf32, #tpu.memory_space<vmem>>
      %dma_wait3A_66 = arith.constant 0 : i32
      %dma_wait3A_67 = tpu.memref_slice %arg7[%add3A_36, %dma_wait3A_66] : memref<10240x128xf32, #tpu.memory_space<vmem_shared>> -> memref<128x128xf32, #tpu.memory_space<vmem_shared>>
      tpu.wait_dma2 semaphore(%run_scoped3A_45 : memref<!tpu.dma_semaphore, #tpu.memory_space<semaphore_mem>>) src(%dma_wait3A_67 : memref<128x128xf32, #tpu.memory_space<vmem_shared>>) dst(%dma_wait3A_65 : memref<128x128xf32, #tpu.memory_space<vmem>>)
      tpu.yield
    }) : () -> ()
    %run_scoped3A_38 = arith.constant 0 : i32
    "tpu.region"() ({
      %run_scoped3A_45 = tpu.sem_alloc : memref<!tpu.dma_semaphore, #tpu.memory_space<semaphore_mem>>
      %dma_start3A = arith.constant 0 : i32
      %dma_start3A_46 = arith.constant 0 : i32
      %dma_start3A_47 = tpu.memref_slice %arg10[%run_scoped3A_38, %dma_start3A, %dma_start3A_46] : memref<2x128x128xf32, #tpu.memory_space<vmem>> -> memref<1x128x128xf32, #tpu.memory_space<vmem>>
      %dma_start3A_48 = tpu.memref_squeeze %dma_start3A_47 : memref<1x128x128xf32, #tpu.memory_space<vmem>> -> memref<128x128xf32, #tpu.memory_space<vmem>>
      %dma_start3A_49 = arith.constant 0 : i32
      %dma_start3A_50 = tpu.memref_slice %arg6[%arg0, %add3A_36, %dma_start3A_49] : memref<2x10240x128xf32, #tpu.memory_space<hbm>> -> memref<1x128x128xf32, #tpu.memory_space<hbm>>
      %dma_start3A_51 = tpu.memref_squeeze %dma_start3A_50 : memref<1x128x128xf32, #tpu.memory_space<hbm>> -> memref<128x128xf32, #tpu.memory_space<hbm>>
      %dma_start3A_52 = arith.constant 0 : i32
      %dma_start3A_53 = tpu.memref_slice %arg6[%arg0, %add3A_36, %dma_start3A_52] : memref<2x10240x128xf32, #tpu.memory_space<hbm>> -> memref<1x128x128xf32, #tpu.memory_space<hbm>>
      %dma_start3A_54 = tpu.memref_squeeze %dma_start3A_53 : memref<1x128x128xf32, #tpu.memory_space<hbm>> -> memref<128x128xf32, #tpu.memory_space<hbm>>
      %dma_start3A_55 = arith.constant 0 : i32
      %dma_start3A_56 = arith.constant 0 : i32
      %dma_start3A_57 = tpu.memref_slice %arg10[%run_scoped3A_38, %dma_start3A_55, %dma_start3A_56] : memref<2x128x128xf32, #tpu.memory_space<vmem>> -> memref<1x128x128xf32, #tpu.memory_space<vmem>>
      %dma_start3A_58 = tpu.memref_squeeze %dma_start3A_57 : memref<1x128x128xf32, #tpu.memory_space<vmem>> -> memref<128x128xf32, #tpu.memory_space<vmem>>
      tpu.enqueue_dma source(%dma_start3A_58 : memref<128x128xf32, #tpu.memory_space<vmem>>) target(%dma_start3A_54 : memref<128x128xf32, #tpu.memory_space<hbm>>) target_semaphore(%run_scoped3A_45 : memref<!tpu.dma_semaphore, #tpu.memory_space<semaphore_mem>>)
      %dma_wait3A = arith.constant 0 : i32
      %dma_wait3A_59 = arith.constant 0 : i32
      %dma_wait3A_60 = tpu.memref_slice %arg10[%run_scoped3A_38, %dma_wait3A, %dma_wait3A_59] : memref<2x128x128xf32, #tpu.memory_space<vmem>> -> memref<1x128x128xf32, #tpu.memory_space<vmem>>
      %dma_wait3A_61 = tpu.memref_squeeze %dma_wait3A_60 : memref<1x128x128xf32, #tpu.memory_space<vmem>> -> memref<128x128xf32, #tpu.memory_space<vmem>>
      %dma_wait3A_62 = arith.constant 0 : i32
      %dma_wait3A_63 = tpu.memref_slice %arg6[%arg0, %add3A_36, %dma_wait3A_62] : memref<2x10240x128xf32, #tpu.memory_space<hbm>> -> memref<1x128x128xf32, #tpu.memory_space<hbm>>
      %dma_wait3A_64 = tpu.memref_squeeze %dma_wait3A_63 : memref<1x128x128xf32, #tpu.memory_space<hbm>> -> memref<128x128xf32, #tpu.memory_space<hbm>>
      %dma_wait3A_65 = arith.constant 0 : i32
      %dma_wait3A_66 = tpu.memref_slice %arg6[%arg0, %add3A_36, %dma_wait3A_65] : memref<2x10240x128xf32, #tpu.memory_space<hbm>> -> memref<1x128x128xf32, #tpu.memory_space<hbm>>
      %dma_wait3A_67 = tpu.memref_squeeze %dma_wait3A_66 : memref<1x128x128xf32, #tpu.memory_space<hbm>> -> memref<128x128xf32, #tpu.memory_space<hbm>>
      %dma_wait3A_68 = arith.constant 0 : i32
      %dma_wait3A_69 = arith.constant 0 : i32
      %dma_wait3A_70 = tpu.memref_slice %arg10[%run_scoped3A_38, %dma_wait3A_68, %dma_wait3A_69] : memref<2x128x128xf32, #tpu.memory_space<vmem>> -> memref<1x128x128xf32, #tpu.memory_space<vmem>>
      %dma_wait3A_71 = tpu.memref_squeeze %dma_wait3A_70 : memref<1x128x128xf32, #tpu.memory_space<vmem>> -> memref<128x128xf32, #tpu.memory_space<vmem>>
      tpu.wait_dma2 semaphore(%run_scoped3A_45 : memref<!tpu.dma_semaphore, #tpu.memory_space<semaphore_mem>>) src(%dma_wait3A_71 : memref<128x128xf32, #tpu.memory_space<vmem>>) dst(%dma_wait3A_67 : memref<128x128xf32, #tpu.memory_space<hbm>>)
      tpu.yield
    }) : () -> ()
    %mul3A_39 = arith.constant 640 : i32
    %mul3A_40 = arith.muli %arg1, %mul3A_39 : i32
    %add3A_41 = arith.constant 512 : i32
    %add3A_42 = arith.addi %mul3A_40, %add3A_41 : i32
    %run_scoped3A_43 = arith.constant 0 : i32
    "tpu.region"() ({
      %run_scoped3A_45 = tpu.sem_alloc : memref<!tpu.dma_semaphore, #tpu.memory_space<semaphore_mem>>
      %dma_start3A = arith.constant 0 : i32
      %dma_start3A_46 = arith.constant 0 : i32
      %dma_start3A_47 = tpu.memref_slice %arg10[%run_scoped3A_43, %dma_start3A, %dma_start3A_46] : memref<2x128x128xf32, #tpu.memory_space<vmem>> -> memref<1x128x128xf32, #tpu.memory_space<vmem>>
      %dma_start3A_48 = tpu.memref_squeeze %dma_start3A_47 : memref<1x128x128xf32, #tpu.memory_space<vmem>> -> memref<128x128xf32, #tpu.memory_space<vmem>>
      %dma_start3A_49 = arith.constant 0 : i32
      %dma_start3A_50 = tpu.memref_slice %arg7[%add3A_42, %dma_start3A_49] : memref<10240x128xf32, #tpu.memory_space<vmem_shared>> -> memref<128x128xf32, #tpu.memory_space<vmem_shared>>
      %dma_start3A_51 = arith.constant 0 : i32
      %dma_start3A_52 = arith.constant 0 : i32
      %dma_start3A_53 = tpu.memref_slice %arg10[%run_scoped3A_43, %dma_start3A_51, %dma_start3A_52] : memref<2x128x128xf32, #tpu.memory_space<vmem>> -> memref<1x128x128xf32, #tpu.memory_space<vmem>>
      %dma_start3A_54 = tpu.memref_squeeze %dma_start3A_53 : memref<1x128x128xf32, #tpu.memory_space<vmem>> -> memref<128x128xf32, #tpu.memory_space<vmem>>
      %dma_start3A_55 = arith.constant 0 : i32
      %dma_start3A_56 = tpu.memref_slice %arg7[%add3A_42, %dma_start3A_55] : memref<10240x128xf32, #tpu.memory_space<vmem_shared>> -> memref<128x128xf32, #tpu.memory_space<vmem_shared>>
      tpu.enqueue_dma source(%dma_start3A_56 : memref<128x128xf32, #tpu.memory_space<vmem_shared>>) target(%dma_start3A_54 : memref<128x128xf32, #tpu.memory_space<vmem>>) target_semaphore(%run_scoped3A_45 : memref<!tpu.dma_semaphore, #tpu.memory_space<semaphore_mem>>)
      %dma_wait3A = arith.constant 0 : i32
      %dma_wait3A_57 = arith.constant 0 : i32
      %dma_wait3A_58 = tpu.memref_slice %arg10[%run_scoped3A_43, %dma_wait3A, %dma_wait3A_57] : memref<2x128x128xf32, #tpu.memory_space<vmem>> -> memref<1x128x128xf32, #tpu.memory_space<vmem>>
      %dma_wait3A_59 = tpu.memref_squeeze %dma_wait3A_58 : memref<1x128x128xf32, #tpu.memory_space<vmem>> -> memref<128x128xf32, #tpu.memory_space<vmem>>
      %dma_wait3A_60 = arith.constant 0 : i32
      %dma_wait3A_61 = tpu.memref_slice %arg7[%add3A_42, %dma_wait3A_60] : memref<10240x128xf32, #tpu.memory_space<vmem_shared>> -> memref<128x128xf32, #tpu.memory_space<vmem_shared>>
      %dma_wait3A_62 = arith.constant 0 : i32
      %dma_wait3A_63 = arith.constant 0 : i32
      %dma_wait3A_64 = tpu.memref_slice %arg10[%run_scoped3A_43, %dma_wait3A_62, %dma_wait3A_63] : memref<2x128x128xf32, #tpu.memory_space<vmem>> -> memref<1x128x128xf32, #tpu.memory_space<vmem>>
      %dma_wait3A_65 = tpu.memref_squeeze %dma_wait3A_64 : memref<1x128x128xf32, #tpu.memory_space<vmem>> -> memref<128x128xf32, #tpu.memory_space<vmem>>
      %dma_wait3A_66 = arith.constant 0 : i32
      %dma_wait3A_67 = tpu.memref_slice %arg7[%add3A_42, %dma_wait3A_66] : memref<10240x128xf32, #tpu.memory_space<vmem_shared>> -> memref<128x128xf32, #tpu.memory_space<vmem_shared>>
      tpu.wait_dma2 semaphore(%run_scoped3A_45 : memref<!tpu.dma_semaphore, #tpu.memory_space<semaphore_mem>>) src(%dma_wait3A_67 : memref<128x128xf32, #tpu.memory_space<vmem_shared>>) dst(%dma_wait3A_65 : memref<128x128xf32, #tpu.memory_space<vmem>>)
      tpu.yield
    }) : () -> ()
    %run_scoped3A_44 = arith.constant 0 : i32
    "tpu.region"() ({
      %run_scoped3A_45 = tpu.sem_alloc : memref<!tpu.dma_semaphore, #tpu.memory_space<semaphore_mem>>
      %dma_start3A = arith.constant 0 : i32
      %dma_start3A_46 = arith.constant 0 : i32
      %dma_start3A_47 = tpu.memref_slice %arg10[%run_scoped3A_44, %dma_start3A, %dma_start3A_46] : memref<2x128x128xf32, #tpu.memory_space<vmem>> -> memref<1x128x128xf32, #tpu.memory_space<vmem>>
      %dma_start3A_48 = tpu.memref_squeeze %dma_start3A_47 : memref<1x128x128xf32, #tpu.memory_space<vmem>> -> memref<128x128xf32, #tpu.memory_space<vmem>>
      %dma_start3A_49 = arith.constant 0 : i32
      %dma_start3A_50 = tpu.memref_slice %arg6[%arg0, %add3A_42, %dma_start3A_49] : memref<2x10240x128xf32, #tpu.memory_space<hbm>> -> memref<1x128x128xf32, #tpu.memory_space<hbm>>
      %dma_start3A_51 = tpu.memref_squeeze %dma_start3A_50 : memref<1x128x128xf32, #tpu.memory_space<hbm>> -> memref<128x128xf32, #tpu.memory_space<hbm>>
      %dma_start3A_52 = arith.constant 0 : i32
      %dma_start3A_53 = tpu.memref_slice %arg6[%arg0, %add3A_42, %dma_start3A_52] : memref<2x10240x128xf32, #tpu.memory_space<hbm>> -> memref<1x128x128xf32, #tpu.memory_space<hbm>>
      %dma_start3A_54 = tpu.memref_squeeze %dma_start3A_53 : memref<1x128x128xf32, #tpu.memory_space<hbm>> -> memref<128x128xf32, #tpu.memory_space<hbm>>
      %dma_start3A_55 = arith.constant 0 : i32
      %dma_start3A_56 = arith.constant 0 : i32
      %dma_start3A_57 = tpu.memref_slice %arg10[%run_scoped3A_44, %dma_start3A_55, %dma_start3A_56] : memref<2x128x128xf32, #tpu.memory_space<vmem>> -> memref<1x128x128xf32, #tpu.memory_space<vmem>>
      %dma_start3A_58 = tpu.memref_squeeze %dma_start3A_57 : memref<1x128x128xf32, #tpu.memory_space<vmem>> -> memref<128x128xf32, #tpu.memory_space<vmem>>
      tpu.enqueue_dma source(%dma_start3A_58 : memref<128x128xf32, #tpu.memory_space<vmem>>) target(%dma_start3A_54 : memref<128x128xf32, #tpu.memory_space<hbm>>) target_semaphore(%run_scoped3A_45 : memref<!tpu.dma_semaphore, #tpu.memory_space<semaphore_mem>>)
      %dma_wait3A = arith.constant 0 : i32
      %dma_wait3A_59 = arith.constant 0 : i32
      %dma_wait3A_60 = tpu.memref_slice %arg10[%run_scoped3A_44, %dma_wait3A, %dma_wait3A_59] : memref<2x128x128xf32, #tpu.memory_space<vmem>> -> memref<1x128x128xf32, #tpu.memory_space<vmem>>
      %dma_wait3A_61 = tpu.memref_squeeze %dma_wait3A_60 : memref<1x128x128xf32, #tpu.memory_space<vmem>> -> memref<128x128xf32, #tpu.memory_space<vmem>>
      %dma_wait3A_62 = arith.constant 0 : i32
      %dma_wait3A_63 = tpu.memref_slice %arg6[%arg0, %add3A_42, %dma_wait3A_62] : memref<2x10240x128xf32, #tpu.memory_space<hbm>> -> memref<1x128x128xf32, #tpu.memory_space<hbm>>
      %dma_wait3A_64 = tpu.memref_squeeze %dma_wait3A_63 : memref<1x128x128xf32, #tpu.memory_space<hbm>> -> memref<128x128xf32, #tpu.memory_space<hbm>>
      %dma_wait3A_65 = arith.constant 0 : i32
      %dma_wait3A_66 = tpu.memref_slice %arg6[%arg0, %add3A_42, %dma_wait3A_65] : memref<2x10240x128xf32, #tpu.memory_space<hbm>> -> memref<1x128x128xf32, #tpu.memory_space<hbm>>
      %dma_wait3A_67 = tpu.memref_squeeze %dma_wait3A_66 : memref<1x128x128xf32, #tpu.memory_space<hbm>> -> memref<128x128xf32, #tpu.memory_space<hbm>>
      %dma_wait3A_68 = arith.constant 0 : i32
      %dma_wait3A_69 = arith.constant 0 : i32
      %dma_wait3A_70 = tpu.memref_slice %arg10[%run_scoped3A_44, %dma_wait3A_68, %dma_wait3A_69] : memref<2x128x128xf32, #tpu.memory_space<vmem>> -> memref<1x128x128xf32, #tpu.memory_space<vmem>>
      %dma_wait3A_71 = tpu.memref_squeeze %dma_wait3A_70 : memref<1x128x128xf32, #tpu.memory_space<vmem>> -> memref<128x128xf32, #tpu.memory_space<vmem>>
      tpu.wait_dma2 semaphore(%run_scoped3A_45 : memref<!tpu.dma_semaphore, #tpu.memory_space<semaphore_mem>>) src(%dma_wait3A_71 : memref<128x128xf32, #tpu.memory_space<vmem>>) dst(%dma_wait3A_67 : memref<128x128xf32, #tpu.memory_space<hbm>>)
      tpu.yield
    }) : () -> ()
    return
  }
}

#map = affine_map<(d0, d1) -> (0, 0)>
#map1 = affine_map<(d0, d1) -> (0, 0, 0)>
module attributes {stable_mosaic.version = 14 : i64} {
  func.func @_agg_body(%arg0: i32, %arg1: i32, %arg2: memref<10240x128xf32, #tpu.memory_space<hbm>>, %arg3: memref<32x120x128xi32, #tpu.memory_space<hbm>>, %arg4: memref<32x120x128xi32, #tpu.memory_space<hbm>>, %arg5: memref<640x128xf32, #tpu.memory_space<hbm>>, %arg6: memref<2x10240x128xf32, #tpu.memory_space<hbm>>, %arg7: memref<10240x128xf32, #tpu.memory_space<vmem_shared>>, %arg8: memref<2x128xi32, #tpu.memory_space<vmem>>, %arg9: memref<2x128xi32, #tpu.memory_space<vmem>>, %arg10: memref<2x128x128xf32, #tpu.memory_space<vmem>>, %arg11: memref<!tpu.dma_semaphore, #tpu.memory_space<semaphore_mem>>, %arg12: memref<!tpu.dma_semaphore, #tpu.memory_space<semaphore_mem>>) attributes {dimension_semantics = [#tpu.dimension_semantics<core_parallel>, #tpu.dimension_semantics<subcore_parallel>], iteration_bounds = array<i64: 2, 16>, scalar_prefetch = 0 : i64, scratch_operands = 6 : i64, tpu.core_type = #tpu.core_type<sc_vector_subcore>, window_params = [{transform_indices = #map}, {transform_indices = #map1}, {transform_indices = #map1}, {transform_indices = #map}, {transform_indices = #map1}]} {
    %mul3A = arith.constant 16 : i32
    %mul3A_0 = arith.muli %arg0, %mul3A : i32
    %add3A = arith.addi %mul3A_0, %arg1 : i32
    %mul3A_1 = arith.constant 640 : i32
    %mul3A_2 = arith.muli %arg1, %mul3A_1 : i32
    "tpu.region"() ({
      %run_scoped3A_45 = tpu.sem_alloc : memref<!tpu.dma_semaphore, #tpu.memory_space<semaphore_mem>>
      %dma_start3A = arith.constant 0 : i32
      %dma_start3A_46 = tpu.memref_slice %arg7[%mul3A_2, %dma_start3A] : memref<10240x128xf32, #tpu.memory_space<vmem_shared>> -> memref<640x128xf32, #tpu.memory_space<vmem_shared>>
      tpu.enqueue_dma source(%arg5 : memref<640x128xf32, #tpu.memory_space<hbm>>) target(%dma_start3A_46 : memref<640x128xf32, #tpu.memory_space<vmem_shared>>) target_semaphore(%run_scoped3A_45 : memref<!tpu.dma_semaphore, #tpu.memory_space<semaphore_mem>>)
      %dma_wait3A = arith.constant 0 : i32
      %dma_wait3A_47 = tpu.memref_slice %arg7[%mul3A_2, %dma_wait3A] : memref<10240x128xf32, #tpu.memory_space<vmem_shared>> -> memref<640x128xf32, #tpu.memory_space<vmem_shared>>
      tpu.wait_dma2 semaphore(%run_scoped3A_45 : memref<!tpu.dma_semaphore, #tpu.memory_space<semaphore_mem>>) src(%arg5 : memref<640x128xf32, #tpu.memory_space<hbm>>) dst(%dma_wait3A_47 : memref<640x128xf32, #tpu.memory_space<vmem_shared>>)
      tpu.yield
    }) : () -> ()
    %barrier3A = arith.constant 0 : index
    tpu.barrier barrier_id(%barrier3A)
    %eq3A = arith.constant 0 : i32
    %eq3A_3 = arith.cmpi eq, %arg0, %eq3A : i32
    %select_n3A = arith.constant 19 : i32
    %select_n3A_4 = arith.constant 60 : i32
    %select_n3A_5 = arith.select %eq3A_3, %select_n3A_4, %select_n3A : i32
    %while3A = arith.constant 0 : i32
    %while3A_6 = arith.constant 0 : i32
    %while3A_7 = arith.subi %select_n3A_5, %while3A_6 : i32
    %while3A_8 = arith.addi %while3A_6, %while3A_7 : i32
    %while3A_9 = arith.constant 1 : i32
    %while3A_10 = arith.divsi %while3A_7, %while3A_9 : i32
    %while3A_11 = arith.muli %while3A_10, %while3A_9 : i32
    %while3A_12 = arith.addi %while3A_6, %while3A_11 : i32
    %while3A_13 = arith.constant 1 : i32
    scf.for %while3A_45 = %while3A_6 to %while3A_12 step %while3A_13  : i32 {
      %mul3A_46 = arith.constant 2 : i32
      %mul3A_47 = arith.muli %mul3A_46, %while3A_45 : i32
      "tpu.region"() ({
        %run_scoped3A_100 = tpu.sem_alloc : memref<!tpu.dma_semaphore, #tpu.memory_space<semaphore_mem>>
        %dma_start3A_101 = arith.constant 0 : i32
        %dma_start3A_102 = tpu.memref_slice %arg3[%add3A, %mul3A_47, %dma_start3A_101] : memref<32x120x128xi32, #tpu.memory_space<hbm>> -> memref<1x2x128xi32, #tpu.memory_space<hbm>>
        %dma_start3A_103 = tpu.memref_squeeze %dma_start3A_102 : memref<1x2x128xi32, #tpu.memory_space<hbm>> -> memref<2x128xi32, #tpu.memory_space<hbm>>
        %dma_start3A_104 = arith.constant 0 : i32
        %dma_start3A_105 = tpu.memref_slice %arg3[%add3A, %mul3A_47, %dma_start3A_104] : memref<32x120x128xi32, #tpu.memory_space<hbm>> -> memref<1x2x128xi32, #tpu.memory_space<hbm>>
        %dma_start3A_106 = tpu.memref_squeeze %dma_start3A_105 : memref<1x2x128xi32, #tpu.memory_space<hbm>> -> memref<2x128xi32, #tpu.memory_space<hbm>>
        tpu.enqueue_dma source(%dma_start3A_106 : memref<2x128xi32, #tpu.memory_space<hbm>>) target(%arg8 : memref<2x128xi32, #tpu.memory_space<vmem>>) target_semaphore(%run_scoped3A_100 : memref<!tpu.dma_semaphore, #tpu.memory_space<semaphore_mem>>)
        %dma_wait3A_107 = arith.constant 0 : i32
        %dma_wait3A_108 = tpu.memref_slice %arg3[%add3A, %mul3A_47, %dma_wait3A_107] : memref<32x120x128xi32, #tpu.memory_space<hbm>> -> memref<1x2x128xi32, #tpu.memory_space<hbm>>
        %dma_wait3A_109 = tpu.memref_squeeze %dma_wait3A_108 : memref<1x2x128xi32, #tpu.memory_space<hbm>> -> memref<2x128xi32, #tpu.memory_space<hbm>>
        %dma_wait3A_110 = arith.constant 0 : i32
        %dma_wait3A_111 = tpu.memref_slice %arg3[%add3A, %mul3A_47, %dma_wait3A_110] : memref<32x120x128xi32, #tpu.memory_space<hbm>> -> memref<1x2x128xi32, #tpu.memory_space<hbm>>
        %dma_wait3A_112 = tpu.memref_squeeze %dma_wait3A_111 : memref<1x2x128xi32, #tpu.memory_space<hbm>> -> memref<2x128xi32, #tpu.memory_space<hbm>>
        tpu.wait_dma2 semaphore(%run_scoped3A_100 : memref<!tpu.dma_semaphore, #tpu.memory_space<semaphore_mem>>) src(%dma_wait3A_112 : memref<2x128xi32, #tpu.memory_space<hbm>>) dst(%arg8 : memref<2x128xi32, #tpu.memory_space<vmem>>)
        tpu.yield
      }) : () -> ()
      %mul3A_48 = arith.constant 2 : i32
      %mul3A_49 = arith.muli %mul3A_48, %while3A_45 : i32
      "tpu.region"() ({
        %run_scoped3A_100 = tpu.sem_alloc : memref<!tpu.dma_semaphore, #tpu.memory_space<semaphore_mem>>
        %dma_start3A_101 = arith.constant 0 : i32
        %dma_start3A_102 = tpu.memref_slice %arg4[%add3A, %mul3A_49, %dma_start3A_101] : memref<32x120x128xi32, #tpu.memory_space<hbm>> -> memref<1x2x128xi32, #tpu.memory_space<hbm>>
        %dma_start3A_103 = tpu.memref_squeeze %dma_start3A_102 : memref<1x2x128xi32, #tpu.memory_space<hbm>> -> memref<2x128xi32, #tpu.memory_space<hbm>>
        %dma_start3A_104 = arith.constant 0 : i32
        %dma_start3A_105 = tpu.memref_slice %arg4[%add3A, %mul3A_49, %dma_start3A_104] : memref<32x120x128xi32, #tpu.memory_space<hbm>> -> memref<1x2x128xi32, #tpu.memory_space<hbm>>
        %dma_start3A_106 = tpu.memref_squeeze %dma_start3A_105 : memref<1x2x128xi32, #tpu.memory_space<hbm>> -> memref<2x128xi32, #tpu.memory_space<hbm>>
        tpu.enqueue_dma source(%dma_start3A_106 : memref<2x128xi32, #tpu.memory_space<hbm>>) target(%arg9 : memref<2x128xi32, #tpu.memory_space<vmem>>) target_semaphore(%run_scoped3A_100 : memref<!tpu.dma_semaphore, #tpu.memory_space<semaphore_mem>>)
        %dma_wait3A_107 = arith.constant 0 : i32
        %dma_wait3A_108 = tpu.memref_slice %arg4[%add3A, %mul3A_49, %dma_wait3A_107] : memref<32x120x128xi32, #tpu.memory_space<hbm>> -> memref<1x2x128xi32, #tpu.memory_space<hbm>>
        %dma_wait3A_109 = tpu.memref_squeeze %dma_wait3A_108 : memref<1x2x128xi32, #tpu.memory_space<hbm>> -> memref<2x128xi32, #tpu.memory_space<hbm>>
        %dma_wait3A_110 = arith.constant 0 : i32
        %dma_wait3A_111 = tpu.memref_slice %arg4[%add3A, %mul3A_49, %dma_wait3A_110] : memref<32x120x128xi32, #tpu.memory_space<hbm>> -> memref<1x2x128xi32, #tpu.memory_space<hbm>>
        %dma_wait3A_112 = tpu.memref_squeeze %dma_wait3A_111 : memref<1x2x128xi32, #tpu.memory_space<hbm>> -> memref<2x128xi32, #tpu.memory_space<hbm>>
        tpu.wait_dma2 semaphore(%run_scoped3A_100 : memref<!tpu.dma_semaphore, #tpu.memory_space<semaphore_mem>>) src(%dma_wait3A_112 : memref<2x128xi32, #tpu.memory_space<hbm>>) dst(%arg9 : memref<2x128xi32, #tpu.memory_space<vmem>>)
        tpu.yield
      }) : () -> ()
      %dma_start3A = arith.constant 0 : i32
      %dma_start3A_50 = arith.constant 0 : i32
      %dma_start3A_51 = arith.constant 0 : i32
      %dma_start3A_52 = arith.constant 0 : i32
      %dma_start3A_53 = tpu.memref_slice %arg10[%dma_start3A_50, %dma_start3A_51, %dma_start3A_52] : memref<2x128x128xf32, #tpu.memory_space<vmem>> -> memref<1x128x128xf32, #tpu.memory_space<vmem>>
      %dma_start3A_54 = tpu.memref_squeeze %dma_start3A_53 : memref<1x128x128xf32, #tpu.memory_space<vmem>> -> memref<128x128xf32, #tpu.memory_space<vmem>>
      %dma_start3A_55 = arith.constant 0 : i32
      %dma_start3A_56 = tpu.memref_slice %arg8[%dma_start3A, %dma_start3A_55] : memref<2x128xi32, #tpu.memory_space<vmem>> -> memref<1x128xi32, #tpu.memory_space<vmem>>
      %dma_start3A_57 = tpu.memref_squeeze %dma_start3A_56 : memref<1x128xi32, #tpu.memory_space<vmem>> -> memref<128xi32, #tpu.memory_space<vmem>>
      %dma_start3A_58 = arith.constant 0 : i32
      %dma_start3A_59 = arith.constant 0 : i32
      %dma_start3A_60 = tpu.memref_slice %arg2[%dma_start3A_58, %dma_start3A_59] : memref<10240x128xf32, #tpu.memory_space<hbm>> -> memref<10240x128xf32, #tpu.memory_space<hbm>>
      tpu.enqueue_indirect_dma source(%dma_start3A_60 : memref<10240x128xf32, #tpu.memory_space<hbm>>) target(%dma_start3A_54 : memref<128x128xf32, #tpu.memory_space<vmem>>) offsets(%dma_start3A_57 : memref<128xi32, #tpu.memory_space<vmem>>) semaphore(%arg11 : memref<!tpu.dma_semaphore, #tpu.memory_space<semaphore_mem>>)
      %dma_start3A_61 = arith.constant 1 : i32
      %dma_start3A_62 = arith.constant 1 : i32
      %dma_start3A_63 = arith.constant 0 : i32
      %dma_start3A_64 = arith.constant 0 : i32
      %dma_start3A_65 = tpu.memref_slice %arg10[%dma_start3A_62, %dma_start3A_63, %dma_start3A_64] : memref<2x128x128xf32, #tpu.memory_space<vmem>> -> memref<1x128x128xf32, #tpu.memory_space<vmem>>
      %dma_start3A_66 = tpu.memref_squeeze %dma_start3A_65 : memref<1x128x128xf32, #tpu.memory_space<vmem>> -> memref<128x128xf32, #tpu.memory_space<vmem>>
      %dma_start3A_67 = arith.constant 0 : i32
      %dma_start3A_68 = tpu.memref_slice %arg8[%dma_start3A_61, %dma_start3A_67] : memref<2x128xi32, #tpu.memory_space<vmem>> -> memref<1x128xi32, #tpu.memory_space<vmem>>
      %dma_start3A_69 = tpu.memref_squeeze %dma_start3A_68 : memref<1x128xi32, #tpu.memory_space<vmem>> -> memref<128xi32, #tpu.memory_space<vmem>>
      %dma_start3A_70 = arith.constant 0 : i32
      %dma_start3A_71 = arith.constant 0 : i32
      %dma_start3A_72 = tpu.memref_slice %arg2[%dma_start3A_70, %dma_start3A_71] : memref<10240x128xf32, #tpu.memory_space<hbm>> -> memref<10240x128xf32, #tpu.memory_space<hbm>>
      tpu.enqueue_indirect_dma source(%dma_start3A_72 : memref<10240x128xf32, #tpu.memory_space<hbm>>) target(%dma_start3A_66 : memref<128x128xf32, #tpu.memory_space<vmem>>) offsets(%dma_start3A_69 : memref<128xi32, #tpu.memory_space<vmem>>) semaphore(%arg12 : memref<!tpu.dma_semaphore, #tpu.memory_space<semaphore_mem>>)
      %dma_wait3A = arith.constant 0 : i32
      %dma_wait3A_73 = arith.constant 0 : i32
      %dma_wait3A_74 = arith.constant 0 : i32
      %dma_wait3A_75 = arith.constant 0 : i32
      %dma_wait3A_76 = tpu.memref_slice %arg10[%dma_wait3A_73, %dma_wait3A_74, %dma_wait3A_75] : memref<2x128x128xf32, #tpu.memory_space<vmem>> -> memref<1x128x128xf32, #tpu.memory_space<vmem>>
      %dma_wait3A_77 = tpu.memref_squeeze %dma_wait3A_76 : memref<1x128x128xf32, #tpu.memory_space<vmem>> -> memref<128x128xf32, #tpu.memory_space<vmem>>
      %dma_wait3A_78 = arith.constant 0 : i32
      %dma_wait3A_79 = tpu.memref_slice %arg8[%dma_wait3A, %dma_wait3A_78] : memref<2x128xi32, #tpu.memory_space<vmem>> -> memref<1x128xi32, #tpu.memory_space<vmem>>
      %dma_wait3A_80 = tpu.memref_squeeze %dma_wait3A_79 : memref<1x128xi32, #tpu.memory_space<vmem>> -> memref<128xi32, #tpu.memory_space<vmem>>
      %dma_wait3A_81 = arith.constant 0 : i32
      %dma_wait3A_82 = arith.constant 0 : i32
      %dma_wait3A_83 = tpu.memref_slice %arg2[%dma_wait3A_81, %dma_wait3A_82] : memref<10240x128xf32, #tpu.memory_space<hbm>> -> memref<10240x128xf32, #tpu.memory_space<hbm>>
      tpu.wait_indirect_dma semaphore(%arg11 : memref<!tpu.dma_semaphore, #tpu.memory_space<semaphore_mem>>) src(%dma_wait3A_83 : memref<10240x128xf32, #tpu.memory_space<hbm>>) dst(%dma_wait3A_77 : memref<128x128xf32, #tpu.memory_space<vmem>>)
      %run_scoped3A_84 = arith.constant 0 : i32
      %run_scoped3A_85 = arith.constant 0 : i32
      "tpu.region"() ({
        %run_scoped3A_100 = tpu.sem_alloc : memref<!tpu.dma_semaphore, #tpu.memory_space<semaphore_mem>>
        %dma_start3A_101 = arith.constant 0 : i32
        %dma_start3A_102 = arith.constant 0 : i32
        %dma_start3A_103 = tpu.memref_slice %arg10[%run_scoped3A_84, %dma_start3A_101, %dma_start3A_102] : memref<2x128x128xf32, #tpu.memory_space<vmem>> -> memref<1x128x128xf32, #tpu.memory_space<vmem>>
        %dma_start3A_104 = tpu.memref_squeeze %dma_start3A_103 : memref<1x128x128xf32, #tpu.memory_space<vmem>> -> memref<128x128xf32, #tpu.memory_space<vmem>>
        %dma_start3A_105 = arith.constant 0 : i32
        %dma_start3A_106 = tpu.memref_slice %arg9[%run_scoped3A_85, %dma_start3A_105] : memref<2x128xi32, #tpu.memory_space<vmem>> -> memref<1x128xi32, #tpu.memory_space<vmem>>
        %dma_start3A_107 = tpu.memref_squeeze %dma_start3A_106 : memref<1x128xi32, #tpu.memory_space<vmem>> -> memref<128xi32, #tpu.memory_space<vmem>>
        %dma_start3A_108 = arith.constant 0 : i32
        %dma_start3A_109 = arith.constant 0 : i32
        %dma_start3A_110 = tpu.memref_slice %arg7[%dma_start3A_108, %dma_start3A_109] : memref<10240x128xf32, #tpu.memory_space<vmem_shared>> -> memref<10240x128xf32, #tpu.memory_space<vmem_shared>>
        tpu.enqueue_indirect_dma source(%dma_start3A_104 : memref<128x128xf32, #tpu.memory_space<vmem>>) target(%dma_start3A_110 : memref<10240x128xf32, #tpu.memory_space<vmem_shared>>) offsets(%dma_start3A_107 : memref<128xi32, #tpu.memory_space<vmem>>) semaphore(%run_scoped3A_100 : memref<!tpu.dma_semaphore, #tpu.memory_space<semaphore_mem>>) {add = true}
        %dma_wait3A_111 = arith.constant 0 : i32
        %dma_wait3A_112 = arith.constant 0 : i32
        %dma_wait3A_113 = tpu.memref_slice %arg10[%run_scoped3A_84, %dma_wait3A_111, %dma_wait3A_112] : memref<2x128x128xf32, #tpu.memory_space<vmem>> -> memref<1x128x128xf32, #tpu.memory_space<vmem>>
        %dma_wait3A_114 = tpu.memref_squeeze %dma_wait3A_113 : memref<1x128x128xf32, #tpu.memory_space<vmem>> -> memref<128x128xf32, #tpu.memory_space<vmem>>
        %dma_wait3A_115 = arith.constant 0 : i32
        %dma_wait3A_116 = tpu.memref_slice %arg9[%run_scoped3A_85, %dma_wait3A_115] : memref<2x128xi32, #tpu.memory_space<vmem>> -> memref<1x128xi32, #tpu.memory_space<vmem>>
        %dma_wait3A_117 = tpu.memref_squeeze %dma_wait3A_116 : memref<1x128xi32, #tpu.memory_space<vmem>> -> memref<128xi32, #tpu.memory_space<vmem>>
        %dma_wait3A_118 = arith.constant 0 : i32
        %dma_wait3A_119 = arith.constant 0 : i32
        %dma_wait3A_120 = tpu.memref_slice %arg7[%dma_wait3A_118, %dma_wait3A_119] : memref<10240x128xf32, #tpu.memory_space<vmem_shared>> -> memref<10240x128xf32, #tpu.memory_space<vmem_shared>>
        tpu.wait_indirect_dma semaphore(%run_scoped3A_100 : memref<!tpu.dma_semaphore, #tpu.memory_space<semaphore_mem>>) src(%dma_wait3A_114 : memref<128x128xf32, #tpu.memory_space<vmem>>) dst(%dma_wait3A_120 : memref<10240x128xf32, #tpu.memory_space<vmem_shared>>)
        tpu.yield
      }) : () -> ()
      %dma_wait3A_86 = arith.constant 1 : i32
      %dma_wait3A_87 = arith.constant 1 : i32
      %dma_wait3A_88 = arith.constant 0 : i32
      %dma_wait3A_89 = arith.constant 0 : i32
      %dma_wait3A_90 = tpu.memref_slice %arg10[%dma_wait3A_87, %dma_wait3A_88, %dma_wait3A_89] : memref<2x128x128xf32, #tpu.memory_space<vmem>> -> memref<1x128x128xf32, #tpu.memory_space<vmem>>
      %dma_wait3A_91 = tpu.memref_squeeze %dma_wait3A_90 : memref<1x128x128xf32, #tpu.memory_space<vmem>> -> memref<128x128xf32, #tpu.memory_space<vmem>>
      %dma_wait3A_92 = arith.constant 0 : i32
      %dma_wait3A_93 = tpu.memref_slice %arg8[%dma_wait3A_86, %dma_wait3A_92] : memref<2x128xi32, #tpu.memory_space<vmem>> -> memref<1x128xi32, #tpu.memory_space<vmem>>
      %dma_wait3A_94 = tpu.memref_squeeze %dma_wait3A_93 : memref<1x128xi32, #tpu.memory_space<vmem>> -> memref<128xi32, #tpu.memory_space<vmem>>
      %dma_wait3A_95 = arith.constant 0 : i32
      %dma_wait3A_96 = arith.constant 0 : i32
      %dma_wait3A_97 = tpu.memref_slice %arg2[%dma_wait3A_95, %dma_wait3A_96] : memref<10240x128xf32, #tpu.memory_space<hbm>> -> memref<10240x128xf32, #tpu.memory_space<hbm>>
      tpu.wait_indirect_dma semaphore(%arg12 : memref<!tpu.dma_semaphore, #tpu.memory_space<semaphore_mem>>) src(%dma_wait3A_97 : memref<10240x128xf32, #tpu.memory_space<hbm>>) dst(%dma_wait3A_91 : memref<128x128xf32, #tpu.memory_space<vmem>>)
      %run_scoped3A_98 = arith.constant 1 : i32
      %run_scoped3A_99 = arith.constant 1 : i32
      "tpu.region"() ({
        %run_scoped3A_100 = tpu.sem_alloc : memref<!tpu.dma_semaphore, #tpu.memory_space<semaphore_mem>>
        %dma_start3A_101 = arith.constant 0 : i32
        %dma_start3A_102 = arith.constant 0 : i32
        %dma_start3A_103 = tpu.memref_slice %arg10[%run_scoped3A_98, %dma_start3A_101, %dma_start3A_102] : memref<2x128x128xf32, #tpu.memory_space<vmem>> -> memref<1x128x128xf32, #tpu.memory_space<vmem>>
        %dma_start3A_104 = tpu.memref_squeeze %dma_start3A_103 : memref<1x128x128xf32, #tpu.memory_space<vmem>> -> memref<128x128xf32, #tpu.memory_space<vmem>>
        %dma_start3A_105 = arith.constant 0 : i32
        %dma_start3A_106 = tpu.memref_slice %arg9[%run_scoped3A_99, %dma_start3A_105] : memref<2x128xi32, #tpu.memory_space<vmem>> -> memref<1x128xi32, #tpu.memory_space<vmem>>
        %dma_start3A_107 = tpu.memref_squeeze %dma_start3A_106 : memref<1x128xi32, #tpu.memory_space<vmem>> -> memref<128xi32, #tpu.memory_space<vmem>>
        %dma_start3A_108 = arith.constant 0 : i32
        %dma_start3A_109 = arith.constant 0 : i32
        %dma_start3A_110 = tpu.memref_slice %arg7[%dma_start3A_108, %dma_start3A_109] : memref<10240x128xf32, #tpu.memory_space<vmem_shared>> -> memref<10240x128xf32, #tpu.memory_space<vmem_shared>>
        tpu.enqueue_indirect_dma source(%dma_start3A_104 : memref<128x128xf32, #tpu.memory_space<vmem>>) target(%dma_start3A_110 : memref<10240x128xf32, #tpu.memory_space<vmem_shared>>) offsets(%dma_start3A_107 : memref<128xi32, #tpu.memory_space<vmem>>) semaphore(%run_scoped3A_100 : memref<!tpu.dma_semaphore, #tpu.memory_space<semaphore_mem>>) {add = true}
        %dma_wait3A_111 = arith.constant 0 : i32
        %dma_wait3A_112 = arith.constant 0 : i32
        %dma_wait3A_113 = tpu.memref_slice %arg10[%run_scoped3A_98, %dma_wait3A_111, %dma_wait3A_112] : memref<2x128x128xf32, #tpu.memory_space<vmem>> -> memref<1x128x128xf32, #tpu.memory_space<vmem>>
        %dma_wait3A_114 = tpu.memref_squeeze %dma_wait3A_113 : memref<1x128x128xf32, #tpu.memory_space<vmem>> -> memref<128x128xf32, #tpu.memory_space<vmem>>
        %dma_wait3A_115 = arith.constant 0 : i32
        %dma_wait3A_116 = tpu.memref_slice %arg9[%run_scoped3A_99, %dma_wait3A_115] : memref<2x128xi32, #tpu.memory_space<vmem>> -> memref<1x128xi32, #tpu.memory_space<vmem>>
        %dma_wait3A_117 = tpu.memref_squeeze %dma_wait3A_116 : memref<1x128xi32, #tpu.memory_space<vmem>> -> memref<128xi32, #tpu.memory_space<vmem>>
        %dma_wait3A_118 = arith.constant 0 : i32
        %dma_wait3A_119 = arith.constant 0 : i32
        %dma_wait3A_120 = tpu.memref_slice %arg7[%dma_wait3A_118, %dma_wait3A_119] : memref<10240x128xf32, #tpu.memory_space<vmem_shared>> -> memref<10240x128xf32, #tpu.memory_space<vmem_shared>>
        tpu.wait_indirect_dma semaphore(%run_scoped3A_100 : memref<!tpu.dma_semaphore, #tpu.memory_space<semaphore_mem>>) src(%dma_wait3A_114 : memref<128x128xf32, #tpu.memory_space<vmem>>) dst(%dma_wait3A_120 : memref<10240x128xf32, #tpu.memory_space<vmem_shared>>)
        tpu.yield
      }) : () -> ()
    }
    %while3A_14 = arith.constant 1 : i32
    scf.for %while3A_45 = %while3A_12 to %while3A_8 step %while3A_14  : i32 {
      %mul3A_46 = arith.constant 2 : i32
      %mul3A_47 = arith.muli %mul3A_46, %while3A_45 : i32
      "tpu.region"() ({
        %run_scoped3A_100 = tpu.sem_alloc : memref<!tpu.dma_semaphore, #tpu.memory_space<semaphore_mem>>
        %dma_start3A_101 = arith.constant 0 : i32
        %dma_start3A_102 = tpu.memref_slice %arg3[%add3A, %mul3A_47, %dma_start3A_101] : memref<32x120x128xi32, #tpu.memory_space<hbm>> -> memref<1x2x128xi32, #tpu.memory_space<hbm>>
        %dma_start3A_103 = tpu.memref_squeeze %dma_start3A_102 : memref<1x2x128xi32, #tpu.memory_space<hbm>> -> memref<2x128xi32, #tpu.memory_space<hbm>>
        %dma_start3A_104 = arith.constant 0 : i32
        %dma_start3A_105 = tpu.memref_slice %arg3[%add3A, %mul3A_47, %dma_start3A_104] : memref<32x120x128xi32, #tpu.memory_space<hbm>> -> memref<1x2x128xi32, #tpu.memory_space<hbm>>
        %dma_start3A_106 = tpu.memref_squeeze %dma_start3A_105 : memref<1x2x128xi32, #tpu.memory_space<hbm>> -> memref<2x128xi32, #tpu.memory_space<hbm>>
        tpu.enqueue_dma source(%dma_start3A_106 : memref<2x128xi32, #tpu.memory_space<hbm>>) target(%arg8 : memref<2x128xi32, #tpu.memory_space<vmem>>) target_semaphore(%run_scoped3A_100 : memref<!tpu.dma_semaphore, #tpu.memory_space<semaphore_mem>>)
        %dma_wait3A_107 = arith.constant 0 : i32
        %dma_wait3A_108 = tpu.memref_slice %arg3[%add3A, %mul3A_47, %dma_wait3A_107] : memref<32x120x128xi32, #tpu.memory_space<hbm>> -> memref<1x2x128xi32, #tpu.memory_space<hbm>>
        %dma_wait3A_109 = tpu.memref_squeeze %dma_wait3A_108 : memref<1x2x128xi32, #tpu.memory_space<hbm>> -> memref<2x128xi32, #tpu.memory_space<hbm>>
        %dma_wait3A_110 = arith.constant 0 : i32
        %dma_wait3A_111 = tpu.memref_slice %arg3[%add3A, %mul3A_47, %dma_wait3A_110] : memref<32x120x128xi32, #tpu.memory_space<hbm>> -> memref<1x2x128xi32, #tpu.memory_space<hbm>>
        %dma_wait3A_112 = tpu.memref_squeeze %dma_wait3A_111 : memref<1x2x128xi32, #tpu.memory_space<hbm>> -> memref<2x128xi32, #tpu.memory_space<hbm>>
        tpu.wait_dma2 semaphore(%run_scoped3A_100 : memref<!tpu.dma_semaphore, #tpu.memory_space<semaphore_mem>>) src(%dma_wait3A_112 : memref<2x128xi32, #tpu.memory_space<hbm>>) dst(%arg8 : memref<2x128xi32, #tpu.memory_space<vmem>>)
        tpu.yield
      }) : () -> ()
      %mul3A_48 = arith.constant 2 : i32
      %mul3A_49 = arith.muli %mul3A_48, %while3A_45 : i32
      "tpu.region"() ({
        %run_scoped3A_100 = tpu.sem_alloc : memref<!tpu.dma_semaphore, #tpu.memory_space<semaphore_mem>>
        %dma_start3A_101 = arith.constant 0 : i32
        %dma_start3A_102 = tpu.memref_slice %arg4[%add3A, %mul3A_49, %dma_start3A_101] : memref<32x120x128xi32, #tpu.memory_space<hbm>> -> memref<1x2x128xi32, #tpu.memory_space<hbm>>
        %dma_start3A_103 = tpu.memref_squeeze %dma_start3A_102 : memref<1x2x128xi32, #tpu.memory_space<hbm>> -> memref<2x128xi32, #tpu.memory_space<hbm>>
        %dma_start3A_104 = arith.constant 0 : i32
        %dma_start3A_105 = tpu.memref_slice %arg4[%add3A, %mul3A_49, %dma_start3A_104] : memref<32x120x128xi32, #tpu.memory_space<hbm>> -> memref<1x2x128xi32, #tpu.memory_space<hbm>>
        %dma_start3A_106 = tpu.memref_squeeze %dma_start3A_105 : memref<1x2x128xi32, #tpu.memory_space<hbm>> -> memref<2x128xi32, #tpu.memory_space<hbm>>
        tpu.enqueue_dma source(%dma_start3A_106 : memref<2x128xi32, #tpu.memory_space<hbm>>) target(%arg9 : memref<2x128xi32, #tpu.memory_space<vmem>>) target_semaphore(%run_scoped3A_100 : memref<!tpu.dma_semaphore, #tpu.memory_space<semaphore_mem>>)
        %dma_wait3A_107 = arith.constant 0 : i32
        %dma_wait3A_108 = tpu.memref_slice %arg4[%add3A, %mul3A_49, %dma_wait3A_107] : memref<32x120x128xi32, #tpu.memory_space<hbm>> -> memref<1x2x128xi32, #tpu.memory_space<hbm>>
        %dma_wait3A_109 = tpu.memref_squeeze %dma_wait3A_108 : memref<1x2x128xi32, #tpu.memory_space<hbm>> -> memref<2x128xi32, #tpu.memory_space<hbm>>
        %dma_wait3A_110 = arith.constant 0 : i32
        %dma_wait3A_111 = tpu.memref_slice %arg4[%add3A, %mul3A_49, %dma_wait3A_110] : memref<32x120x128xi32, #tpu.memory_space<hbm>> -> memref<1x2x128xi32, #tpu.memory_space<hbm>>
        %dma_wait3A_112 = tpu.memref_squeeze %dma_wait3A_111 : memref<1x2x128xi32, #tpu.memory_space<hbm>> -> memref<2x128xi32, #tpu.memory_space<hbm>>
        tpu.wait_dma2 semaphore(%run_scoped3A_100 : memref<!tpu.dma_semaphore, #tpu.memory_space<semaphore_mem>>) src(%dma_wait3A_112 : memref<2x128xi32, #tpu.memory_space<hbm>>) dst(%arg9 : memref<2x128xi32, #tpu.memory_space<vmem>>)
        tpu.yield
      }) : () -> ()
      %dma_start3A = arith.constant 0 : i32
      %dma_start3A_50 = arith.constant 0 : i32
      %dma_start3A_51 = arith.constant 0 : i32
      %dma_start3A_52 = arith.constant 0 : i32
      %dma_start3A_53 = tpu.memref_slice %arg10[%dma_start3A_50, %dma_start3A_51, %dma_start3A_52] : memref<2x128x128xf32, #tpu.memory_space<vmem>> -> memref<1x128x128xf32, #tpu.memory_space<vmem>>
      %dma_start3A_54 = tpu.memref_squeeze %dma_start3A_53 : memref<1x128x128xf32, #tpu.memory_space<vmem>> -> memref<128x128xf32, #tpu.memory_space<vmem>>
      %dma_start3A_55 = arith.constant 0 : i32
      %dma_start3A_56 = tpu.memref_slice %arg8[%dma_start3A, %dma_start3A_55] : memref<2x128xi32, #tpu.memory_space<vmem>> -> memref<1x128xi32, #tpu.memory_space<vmem>>
      %dma_start3A_57 = tpu.memref_squeeze %dma_start3A_56 : memref<1x128xi32, #tpu.memory_space<vmem>> -> memref<128xi32, #tpu.memory_space<vmem>>
      %dma_start3A_58 = arith.constant 0 : i32
      %dma_start3A_59 = arith.constant 0 : i32
      %dma_start3A_60 = tpu.memref_slice %arg2[%dma_start3A_58, %dma_start3A_59] : memref<10240x128xf32, #tpu.memory_space<hbm>> -> memref<10240x128xf32, #tpu.memory_space<hbm>>
      tpu.enqueue_indirect_dma source(%dma_start3A_60 : memref<10240x128xf32, #tpu.memory_space<hbm>>) target(%dma_start3A_54 : memref<128x128xf32, #tpu.memory_space<vmem>>) offsets(%dma_start3A_57 : memref<128xi32, #tpu.memory_space<vmem>>) semaphore(%arg11 : memref<!tpu.dma_semaphore, #tpu.memory_space<semaphore_mem>>)
      %dma_start3A_61 = arith.constant 1 : i32
      %dma_start3A_62 = arith.constant 1 : i32
      %dma_start3A_63 = arith.constant 0 : i32
      %dma_start3A_64 = arith.constant 0 : i32
      %dma_start3A_65 = tpu.memref_slice %arg10[%dma_start3A_62, %dma_start3A_63, %dma_start3A_64] : memref<2x128x128xf32, #tpu.memory_space<vmem>> -> memref<1x128x128xf32, #tpu.memory_space<vmem>>
      %dma_start3A_66 = tpu.memref_squeeze %dma_start3A_65 : memref<1x128x128xf32, #tpu.memory_space<vmem>> -> memref<128x128xf32, #tpu.memory_space<vmem>>
      %dma_start3A_67 = arith.constant 0 : i32
      %dma_start3A_68 = tpu.memref_slice %arg8[%dma_start3A_61, %dma_start3A_67] : memref<2x128xi32, #tpu.memory_space<vmem>> -> memref<1x128xi32, #tpu.memory_space<vmem>>
      %dma_start3A_69 = tpu.memref_squeeze %dma_start3A_68 : memref<1x128xi32, #tpu.memory_space<vmem>> -> memref<128xi32, #tpu.memory_space<vmem>>
      %dma_start3A_70 = arith.constant 0 : i32
      %dma_start3A_71 = arith.constant 0 : i32
      %dma_start3A_72 = tpu.memref_slice %arg2[%dma_start3A_70, %dma_start3A_71] : memref<10240x128xf32, #tpu.memory_space<hbm>> -> memref<10240x128xf32, #tpu.memory_space<hbm>>
      tpu.enqueue_indirect_dma source(%dma_start3A_72 : memref<10240x128xf32, #tpu.memory_space<hbm>>) target(%dma_start3A_66 : memref<128x128xf32, #tpu.memory_space<vmem>>) offsets(%dma_start3A_69 : memref<128xi32, #tpu.memory_space<vmem>>) semaphore(%arg12 : memref<!tpu.dma_semaphore, #tpu.memory_space<semaphore_mem>>)
      %dma_wait3A = arith.constant 0 : i32
      %dma_wait3A_73 = arith.constant 0 : i32
      %dma_wait3A_74 = arith.constant 0 : i32
      %dma_wait3A_75 = arith.constant 0 : i32
      %dma_wait3A_76 = tpu.memref_slice %arg10[%dma_wait3A_73, %dma_wait3A_74, %dma_wait3A_75] : memref<2x128x128xf32, #tpu.memory_space<vmem>> -> memref<1x128x128xf32, #tpu.memory_space<vmem>>
      %dma_wait3A_77 = tpu.memref_squeeze %dma_wait3A_76 : memref<1x128x128xf32, #tpu.memory_space<vmem>> -> memref<128x128xf32, #tpu.memory_space<vmem>>
      %dma_wait3A_78 = arith.constant 0 : i32
      %dma_wait3A_79 = tpu.memref_slice %arg8[%dma_wait3A, %dma_wait3A_78] : memref<2x128xi32, #tpu.memory_space<vmem>> -> memref<1x128xi32, #tpu.memory_space<vmem>>
      %dma_wait3A_80 = tpu.memref_squeeze %dma_wait3A_79 : memref<1x128xi32, #tpu.memory_space<vmem>> -> memref<128xi32, #tpu.memory_space<vmem>>
      %dma_wait3A_81 = arith.constant 0 : i32
      %dma_wait3A_82 = arith.constant 0 : i32
      %dma_wait3A_83 = tpu.memref_slice %arg2[%dma_wait3A_81, %dma_wait3A_82] : memref<10240x128xf32, #tpu.memory_space<hbm>> -> memref<10240x128xf32, #tpu.memory_space<hbm>>
      tpu.wait_indirect_dma semaphore(%arg11 : memref<!tpu.dma_semaphore, #tpu.memory_space<semaphore_mem>>) src(%dma_wait3A_83 : memref<10240x128xf32, #tpu.memory_space<hbm>>) dst(%dma_wait3A_77 : memref<128x128xf32, #tpu.memory_space<vmem>>)
      %run_scoped3A_84 = arith.constant 0 : i32
      %run_scoped3A_85 = arith.constant 0 : i32
      "tpu.region"() ({
        %run_scoped3A_100 = tpu.sem_alloc : memref<!tpu.dma_semaphore, #tpu.memory_space<semaphore_mem>>
        %dma_start3A_101 = arith.constant 0 : i32
        %dma_start3A_102 = arith.constant 0 : i32
        %dma_start3A_103 = tpu.memref_slice %arg10[%run_scoped3A_84, %dma_start3A_101, %dma_start3A_102] : memref<2x128x128xf32, #tpu.memory_space<vmem>> -> memref<1x128x128xf32, #tpu.memory_space<vmem>>
        %dma_start3A_104 = tpu.memref_squeeze %dma_start3A_103 : memref<1x128x128xf32, #tpu.memory_space<vmem>> -> memref<128x128xf32, #tpu.memory_space<vmem>>
        %dma_start3A_105 = arith.constant 0 : i32
        %dma_start3A_106 = tpu.memref_slice %arg9[%run_scoped3A_85, %dma_start3A_105] : memref<2x128xi32, #tpu.memory_space<vmem>> -> memref<1x128xi32, #tpu.memory_space<vmem>>
        %dma_start3A_107 = tpu.memref_squeeze %dma_start3A_106 : memref<1x128xi32, #tpu.memory_space<vmem>> -> memref<128xi32, #tpu.memory_space<vmem>>
        %dma_start3A_108 = arith.constant 0 : i32
        %dma_start3A_109 = arith.constant 0 : i32
        %dma_start3A_110 = tpu.memref_slice %arg7[%dma_start3A_108, %dma_start3A_109] : memref<10240x128xf32, #tpu.memory_space<vmem_shared>> -> memref<10240x128xf32, #tpu.memory_space<vmem_shared>>
        tpu.enqueue_indirect_dma source(%dma_start3A_104 : memref<128x128xf32, #tpu.memory_space<vmem>>) target(%dma_start3A_110 : memref<10240x128xf32, #tpu.memory_space<vmem_shared>>) offsets(%dma_start3A_107 : memref<128xi32, #tpu.memory_space<vmem>>) semaphore(%run_scoped3A_100 : memref<!tpu.dma_semaphore, #tpu.memory_space<semaphore_mem>>) {add = true}
        %dma_wait3A_111 = arith.constant 0 : i32
        %dma_wait3A_112 = arith.constant 0 : i32
        %dma_wait3A_113 = tpu.memref_slice %arg10[%run_scoped3A_84, %dma_wait3A_111, %dma_wait3A_112] : memref<2x128x128xf32, #tpu.memory_space<vmem>> -> memref<1x128x128xf32, #tpu.memory_space<vmem>>
        %dma_wait3A_114 = tpu.memref_squeeze %dma_wait3A_113 : memref<1x128x128xf32, #tpu.memory_space<vmem>> -> memref<128x128xf32, #tpu.memory_space<vmem>>
        %dma_wait3A_115 = arith.constant 0 : i32
        %dma_wait3A_116 = tpu.memref_slice %arg9[%run_scoped3A_85, %dma_wait3A_115] : memref<2x128xi32, #tpu.memory_space<vmem>> -> memref<1x128xi32, #tpu.memory_space<vmem>>
        %dma_wait3A_117 = tpu.memref_squeeze %dma_wait3A_116 : memref<1x128xi32, #tpu.memory_space<vmem>> -> memref<128xi32, #tpu.memory_space<vmem>>
        %dma_wait3A_118 = arith.constant 0 : i32
        %dma_wait3A_119 = arith.constant 0 : i32
        %dma_wait3A_120 = tpu.memref_slice %arg7[%dma_wait3A_118, %dma_wait3A_119] : memref<10240x128xf32, #tpu.memory_space<vmem_shared>> -> memref<10240x128xf32, #tpu.memory_space<vmem_shared>>
        tpu.wait_indirect_dma semaphore(%run_scoped3A_100 : memref<!tpu.dma_semaphore, #tpu.memory_space<semaphore_mem>>) src(%dma_wait3A_114 : memref<128x128xf32, #tpu.memory_space<vmem>>) dst(%dma_wait3A_120 : memref<10240x128xf32, #tpu.memory_space<vmem_shared>>)
        tpu.yield
      }) : () -> ()
      %dma_wait3A_86 = arith.constant 1 : i32
      %dma_wait3A_87 = arith.constant 1 : i32
      %dma_wait3A_88 = arith.constant 0 : i32
      %dma_wait3A_89 = arith.constant 0 : i32
      %dma_wait3A_90 = tpu.memref_slice %arg10[%dma_wait3A_87, %dma_wait3A_88, %dma_wait3A_89] : memref<2x128x128xf32, #tpu.memory_space<vmem>> -> memref<1x128x128xf32, #tpu.memory_space<vmem>>
      %dma_wait3A_91 = tpu.memref_squeeze %dma_wait3A_90 : memref<1x128x128xf32, #tpu.memory_space<vmem>> -> memref<128x128xf32, #tpu.memory_space<vmem>>
      %dma_wait3A_92 = arith.constant 0 : i32
      %dma_wait3A_93 = tpu.memref_slice %arg8[%dma_wait3A_86, %dma_wait3A_92] : memref<2x128xi32, #tpu.memory_space<vmem>> -> memref<1x128xi32, #tpu.memory_space<vmem>>
      %dma_wait3A_94 = tpu.memref_squeeze %dma_wait3A_93 : memref<1x128xi32, #tpu.memory_space<vmem>> -> memref<128xi32, #tpu.memory_space<vmem>>
      %dma_wait3A_95 = arith.constant 0 : i32
      %dma_wait3A_96 = arith.constant 0 : i32
      %dma_wait3A_97 = tpu.memref_slice %arg2[%dma_wait3A_95, %dma_wait3A_96] : memref<10240x128xf32, #tpu.memory_space<hbm>> -> memref<10240x128xf32, #tpu.memory_space<hbm>>
      tpu.wait_indirect_dma semaphore(%arg12 : memref<!tpu.dma_semaphore, #tpu.memory_space<semaphore_mem>>) src(%dma_wait3A_97 : memref<10240x128xf32, #tpu.memory_space<hbm>>) dst(%dma_wait3A_91 : memref<128x128xf32, #tpu.memory_space<vmem>>)
      %run_scoped3A_98 = arith.constant 1 : i32
      %run_scoped3A_99 = arith.constant 1 : i32
      "tpu.region"() ({
        %run_scoped3A_100 = tpu.sem_alloc : memref<!tpu.dma_semaphore, #tpu.memory_space<semaphore_mem>>
        %dma_start3A_101 = arith.constant 0 : i32
        %dma_start3A_102 = arith.constant 0 : i32
        %dma_start3A_103 = tpu.memref_slice %arg10[%run_scoped3A_98, %dma_start3A_101, %dma_start3A_102] : memref<2x128x128xf32, #tpu.memory_space<vmem>> -> memref<1x128x128xf32, #tpu.memory_space<vmem>>
        %dma_start3A_104 = tpu.memref_squeeze %dma_start3A_103 : memref<1x128x128xf32, #tpu.memory_space<vmem>> -> memref<128x128xf32, #tpu.memory_space<vmem>>
        %dma_start3A_105 = arith.constant 0 : i32
        %dma_start3A_106 = tpu.memref_slice %arg9[%run_scoped3A_99, %dma_start3A_105] : memref<2x128xi32, #tpu.memory_space<vmem>> -> memref<1x128xi32, #tpu.memory_space<vmem>>
        %dma_start3A_107 = tpu.memref_squeeze %dma_start3A_106 : memref<1x128xi32, #tpu.memory_space<vmem>> -> memref<128xi32, #tpu.memory_space<vmem>>
        %dma_start3A_108 = arith.constant 0 : i32
        %dma_start3A_109 = arith.constant 0 : i32
        %dma_start3A_110 = tpu.memref_slice %arg7[%dma_start3A_108, %dma_start3A_109] : memref<10240x128xf32, #tpu.memory_space<vmem_shared>> -> memref<10240x128xf32, #tpu.memory_space<vmem_shared>>
        tpu.enqueue_indirect_dma source(%dma_start3A_104 : memref<128x128xf32, #tpu.memory_space<vmem>>) target(%dma_start3A_110 : memref<10240x128xf32, #tpu.memory_space<vmem_shared>>) offsets(%dma_start3A_107 : memref<128xi32, #tpu.memory_space<vmem>>) semaphore(%run_scoped3A_100 : memref<!tpu.dma_semaphore, #tpu.memory_space<semaphore_mem>>) {add = true}
        %dma_wait3A_111 = arith.constant 0 : i32
        %dma_wait3A_112 = arith.constant 0 : i32
        %dma_wait3A_113 = tpu.memref_slice %arg10[%run_scoped3A_98, %dma_wait3A_111, %dma_wait3A_112] : memref<2x128x128xf32, #tpu.memory_space<vmem>> -> memref<1x128x128xf32, #tpu.memory_space<vmem>>
        %dma_wait3A_114 = tpu.memref_squeeze %dma_wait3A_113 : memref<1x128x128xf32, #tpu.memory_space<vmem>> -> memref<128x128xf32, #tpu.memory_space<vmem>>
        %dma_wait3A_115 = arith.constant 0 : i32
        %dma_wait3A_116 = tpu.memref_slice %arg9[%run_scoped3A_99, %dma_wait3A_115] : memref<2x128xi32, #tpu.memory_space<vmem>> -> memref<1x128xi32, #tpu.memory_space<vmem>>
        %dma_wait3A_117 = tpu.memref_squeeze %dma_wait3A_116 : memref<1x128xi32, #tpu.memory_space<vmem>> -> memref<128xi32, #tpu.memory_space<vmem>>
        %dma_wait3A_118 = arith.constant 0 : i32
        %dma_wait3A_119 = arith.constant 0 : i32
        %dma_wait3A_120 = tpu.memref_slice %arg7[%dma_wait3A_118, %dma_wait3A_119] : memref<10240x128xf32, #tpu.memory_space<vmem_shared>> -> memref<10240x128xf32, #tpu.memory_space<vmem_shared>>
        tpu.wait_indirect_dma semaphore(%run_scoped3A_100 : memref<!tpu.dma_semaphore, #tpu.memory_space<semaphore_mem>>) src(%dma_wait3A_114 : memref<128x128xf32, #tpu.memory_space<vmem>>) dst(%dma_wait3A_120 : memref<10240x128xf32, #tpu.memory_space<vmem_shared>>)
        tpu.yield
      }) : () -> ()
    }
    %barrier3A_15 = arith.constant 0 : index
    tpu.barrier barrier_id(%barrier3A_15)
    %mul3A_16 = arith.constant 640 : i32
    %mul3A_17 = arith.muli %arg1, %mul3A_16 : i32
    %add3A_18 = arith.constant 0 : i32
    %add3A_19 = arith.addi %mul3A_17, %add3A_18 : i32
    %run_scoped3A = arith.constant 0 : i32
    "tpu.region"() ({
      %run_scoped3A_45 = tpu.sem_alloc : memref<!tpu.dma_semaphore, #tpu.memory_space<semaphore_mem>>
      %dma_start3A = arith.constant 0 : i32
      %dma_start3A_46 = arith.constant 0 : i32
      %dma_start3A_47 = tpu.memref_slice %arg10[%run_scoped3A, %dma_start3A, %dma_start3A_46] : memref<2x128x128xf32, #tpu.memory_space<vmem>> -> memref<1x128x128xf32, #tpu.memory_space<vmem>>
      %dma_start3A_48 = tpu.memref_squeeze %dma_start3A_47 : memref<1x128x128xf32, #tpu.memory_space<vmem>> -> memref<128x128xf32, #tpu.memory_space<vmem>>
      %dma_start3A_49 = arith.constant 0 : i32
      %dma_start3A_50 = tpu.memref_slice %arg7[%add3A_19, %dma_start3A_49] : memref<10240x128xf32, #tpu.memory_space<vmem_shared>> -> memref<128x128xf32, #tpu.memory_space<vmem_shared>>
      %dma_start3A_51 = arith.constant 0 : i32
      %dma_start3A_52 = arith.constant 0 : i32
      %dma_start3A_53 = tpu.memref_slice %arg10[%run_scoped3A, %dma_start3A_51, %dma_start3A_52] : memref<2x128x128xf32, #tpu.memory_space<vmem>> -> memref<1x128x128xf32, #tpu.memory_space<vmem>>
      %dma_start3A_54 = tpu.memref_squeeze %dma_start3A_53 : memref<1x128x128xf32, #tpu.memory_space<vmem>> -> memref<128x128xf32, #tpu.memory_space<vmem>>
      %dma_start3A_55 = arith.constant 0 : i32
      %dma_start3A_56 = tpu.memref_slice %arg7[%add3A_19, %dma_start3A_55] : memref<10240x128xf32, #tpu.memory_space<vmem_shared>> -> memref<128x128xf32, #tpu.memory_space<vmem_shared>>
      tpu.enqueue_dma source(%dma_start3A_56 : memref<128x128xf32, #tpu.memory_space<vmem_shared>>) target(%dma_start3A_54 : memref<128x128xf32, #tpu.memory_space<vmem>>) target_semaphore(%run_scoped3A_45 : memref<!tpu.dma_semaphore, #tpu.memory_space<semaphore_mem>>)
      %dma_wait3A = arith.constant 0 : i32
      %dma_wait3A_57 = arith.constant 0 : i32
      %dma_wait3A_58 = tpu.memref_slice %arg10[%run_scoped3A, %dma_wait3A, %dma_wait3A_57] : memref<2x128x128xf32, #tpu.memory_space<vmem>> -> memref<1x128x128xf32, #tpu.memory_space<vmem>>
      %dma_wait3A_59 = tpu.memref_squeeze %dma_wait3A_58 : memref<1x128x128xf32, #tpu.memory_space<vmem>> -> memref<128x128xf32, #tpu.memory_space<vmem>>
      %dma_wait3A_60 = arith.constant 0 : i32
      %dma_wait3A_61 = tpu.memref_slice %arg7[%add3A_19, %dma_wait3A_60] : memref<10240x128xf32, #tpu.memory_space<vmem_shared>> -> memref<128x128xf32, #tpu.memory_space<vmem_shared>>
      %dma_wait3A_62 = arith.constant 0 : i32
      %dma_wait3A_63 = arith.constant 0 : i32
      %dma_wait3A_64 = tpu.memref_slice %arg10[%run_scoped3A, %dma_wait3A_62, %dma_wait3A_63] : memref<2x128x128xf32, #tpu.memory_space<vmem>> -> memref<1x128x128xf32, #tpu.memory_space<vmem>>
      %dma_wait3A_65 = tpu.memref_squeeze %dma_wait3A_64 : memref<1x128x128xf32, #tpu.memory_space<vmem>> -> memref<128x128xf32, #tpu.memory_space<vmem>>
      %dma_wait3A_66 = arith.constant 0 : i32
      %dma_wait3A_67 = tpu.memref_slice %arg7[%add3A_19, %dma_wait3A_66] : memref<10240x128xf32, #tpu.memory_space<vmem_shared>> -> memref<128x128xf32, #tpu.memory_space<vmem_shared>>
      tpu.wait_dma2 semaphore(%run_scoped3A_45 : memref<!tpu.dma_semaphore, #tpu.memory_space<semaphore_mem>>) src(%dma_wait3A_67 : memref<128x128xf32, #tpu.memory_space<vmem_shared>>) dst(%dma_wait3A_65 : memref<128x128xf32, #tpu.memory_space<vmem>>)
      tpu.yield
    }) : () -> ()
    %run_scoped3A_20 = arith.constant 0 : i32
    "tpu.region"() ({
      %run_scoped3A_45 = tpu.sem_alloc : memref<!tpu.dma_semaphore, #tpu.memory_space<semaphore_mem>>
      %dma_start3A = arith.constant 0 : i32
      %dma_start3A_46 = arith.constant 0 : i32
      %dma_start3A_47 = tpu.memref_slice %arg10[%run_scoped3A_20, %dma_start3A, %dma_start3A_46] : memref<2x128x128xf32, #tpu.memory_space<vmem>> -> memref<1x128x128xf32, #tpu.memory_space<vmem>>
      %dma_start3A_48 = tpu.memref_squeeze %dma_start3A_47 : memref<1x128x128xf32, #tpu.memory_space<vmem>> -> memref<128x128xf32, #tpu.memory_space<vmem>>
      %dma_start3A_49 = arith.constant 0 : i32
      %dma_start3A_50 = tpu.memref_slice %arg6[%arg0, %add3A_19, %dma_start3A_49] : memref<2x10240x128xf32, #tpu.memory_space<hbm>> -> memref<1x128x128xf32, #tpu.memory_space<hbm>>
      %dma_start3A_51 = tpu.memref_squeeze %dma_start3A_50 : memref<1x128x128xf32, #tpu.memory_space<hbm>> -> memref<128x128xf32, #tpu.memory_space<hbm>>
      %dma_start3A_52 = arith.constant 0 : i32
      %dma_start3A_53 = tpu.memref_slice %arg6[%arg0, %add3A_19, %dma_start3A_52] : memref<2x10240x128xf32, #tpu.memory_space<hbm>> -> memref<1x128x128xf32, #tpu.memory_space<hbm>>
      %dma_start3A_54 = tpu.memref_squeeze %dma_start3A_53 : memref<1x128x128xf32, #tpu.memory_space<hbm>> -> memref<128x128xf32, #tpu.memory_space<hbm>>
      %dma_start3A_55 = arith.constant 0 : i32
      %dma_start3A_56 = arith.constant 0 : i32
      %dma_start3A_57 = tpu.memref_slice %arg10[%run_scoped3A_20, %dma_start3A_55, %dma_start3A_56] : memref<2x128x128xf32, #tpu.memory_space<vmem>> -> memref<1x128x128xf32, #tpu.memory_space<vmem>>
      %dma_start3A_58 = tpu.memref_squeeze %dma_start3A_57 : memref<1x128x128xf32, #tpu.memory_space<vmem>> -> memref<128x128xf32, #tpu.memory_space<vmem>>
      tpu.enqueue_dma source(%dma_start3A_58 : memref<128x128xf32, #tpu.memory_space<vmem>>) target(%dma_start3A_54 : memref<128x128xf32, #tpu.memory_space<hbm>>) target_semaphore(%run_scoped3A_45 : memref<!tpu.dma_semaphore, #tpu.memory_space<semaphore_mem>>)
      %dma_wait3A = arith.constant 0 : i32
      %dma_wait3A_59 = arith.constant 0 : i32
      %dma_wait3A_60 = tpu.memref_slice %arg10[%run_scoped3A_20, %dma_wait3A, %dma_wait3A_59] : memref<2x128x128xf32, #tpu.memory_space<vmem>> -> memref<1x128x128xf32, #tpu.memory_space<vmem>>
      %dma_wait3A_61 = tpu.memref_squeeze %dma_wait3A_60 : memref<1x128x128xf32, #tpu.memory_space<vmem>> -> memref<128x128xf32, #tpu.memory_space<vmem>>
      %dma_wait3A_62 = arith.constant 0 : i32
      %dma_wait3A_63 = tpu.memref_slice %arg6[%arg0, %add3A_19, %dma_wait3A_62] : memref<2x10240x128xf32, #tpu.memory_space<hbm>> -> memref<1x128x128xf32, #tpu.memory_space<hbm>>
      %dma_wait3A_64 = tpu.memref_squeeze %dma_wait3A_63 : memref<1x128x128xf32, #tpu.memory_space<hbm>> -> memref<128x128xf32, #tpu.memory_space<hbm>>
      %dma_wait3A_65 = arith.constant 0 : i32
      %dma_wait3A_66 = tpu.memref_slice %arg6[%arg0, %add3A_19, %dma_wait3A_65] : memref<2x10240x128xf32, #tpu.memory_space<hbm>> -> memref<1x128x128xf32, #tpu.memory_space<hbm>>
      %dma_wait3A_67 = tpu.memref_squeeze %dma_wait3A_66 : memref<1x128x128xf32, #tpu.memory_space<hbm>> -> memref<128x128xf32, #tpu.memory_space<hbm>>
      %dma_wait3A_68 = arith.constant 0 : i32
      %dma_wait3A_69 = arith.constant 0 : i32
      %dma_wait3A_70 = tpu.memref_slice %arg10[%run_scoped3A_20, %dma_wait3A_68, %dma_wait3A_69] : memref<2x128x128xf32, #tpu.memory_space<vmem>> -> memref<1x128x128xf32, #tpu.memory_space<vmem>>
      %dma_wait3A_71 = tpu.memref_squeeze %dma_wait3A_70 : memref<1x128x128xf32, #tpu.memory_space<vmem>> -> memref<128x128xf32, #tpu.memory_space<vmem>>
      tpu.wait_dma2 semaphore(%run_scoped3A_45 : memref<!tpu.dma_semaphore, #tpu.memory_space<semaphore_mem>>) src(%dma_wait3A_71 : memref<128x128xf32, #tpu.memory_space<vmem>>) dst(%dma_wait3A_67 : memref<128x128xf32, #tpu.memory_space<hbm>>)
      tpu.yield
    }) : () -> ()
    %mul3A_21 = arith.constant 640 : i32
    %mul3A_22 = arith.muli %arg1, %mul3A_21 : i32
    %add3A_23 = arith.constant 128 : i32
    %add3A_24 = arith.addi %mul3A_22, %add3A_23 : i32
    %run_scoped3A_25 = arith.constant 0 : i32
    "tpu.region"() ({
      %run_scoped3A_45 = tpu.sem_alloc : memref<!tpu.dma_semaphore, #tpu.memory_space<semaphore_mem>>
      %dma_start3A = arith.constant 0 : i32
      %dma_start3A_46 = arith.constant 0 : i32
      %dma_start3A_47 = tpu.memref_slice %arg10[%run_scoped3A_25, %dma_start3A, %dma_start3A_46] : memref<2x128x128xf32, #tpu.memory_space<vmem>> -> memref<1x128x128xf32, #tpu.memory_space<vmem>>
      %dma_start3A_48 = tpu.memref_squeeze %dma_start3A_47 : memref<1x128x128xf32, #tpu.memory_space<vmem>> -> memref<128x128xf32, #tpu.memory_space<vmem>>
      %dma_start3A_49 = arith.constant 0 : i32
      %dma_start3A_50 = tpu.memref_slice %arg7[%add3A_24, %dma_start3A_49] : memref<10240x128xf32, #tpu.memory_space<vmem_shared>> -> memref<128x128xf32, #tpu.memory_space<vmem_shared>>
      %dma_start3A_51 = arith.constant 0 : i32
      %dma_start3A_52 = arith.constant 0 : i32
      %dma_start3A_53 = tpu.memref_slice %arg10[%run_scoped3A_25, %dma_start3A_51, %dma_start3A_52] : memref<2x128x128xf32, #tpu.memory_space<vmem>> -> memref<1x128x128xf32, #tpu.memory_space<vmem>>
      %dma_start3A_54 = tpu.memref_squeeze %dma_start3A_53 : memref<1x128x128xf32, #tpu.memory_space<vmem>> -> memref<128x128xf32, #tpu.memory_space<vmem>>
      %dma_start3A_55 = arith.constant 0 : i32
      %dma_start3A_56 = tpu.memref_slice %arg7[%add3A_24, %dma_start3A_55] : memref<10240x128xf32, #tpu.memory_space<vmem_shared>> -> memref<128x128xf32, #tpu.memory_space<vmem_shared>>
      tpu.enqueue_dma source(%dma_start3A_56 : memref<128x128xf32, #tpu.memory_space<vmem_shared>>) target(%dma_start3A_54 : memref<128x128xf32, #tpu.memory_space<vmem>>) target_semaphore(%run_scoped3A_45 : memref<!tpu.dma_semaphore, #tpu.memory_space<semaphore_mem>>)
      %dma_wait3A = arith.constant 0 : i32
      %dma_wait3A_57 = arith.constant 0 : i32
      %dma_wait3A_58 = tpu.memref_slice %arg10[%run_scoped3A_25, %dma_wait3A, %dma_wait3A_57] : memref<2x128x128xf32, #tpu.memory_space<vmem>> -> memref<1x128x128xf32, #tpu.memory_space<vmem>>
      %dma_wait3A_59 = tpu.memref_squeeze %dma_wait3A_58 : memref<1x128x128xf32, #tpu.memory_space<vmem>> -> memref<128x128xf32, #tpu.memory_space<vmem>>
      %dma_wait3A_60 = arith.constant 0 : i32
      %dma_wait3A_61 = tpu.memref_slice %arg7[%add3A_24, %dma_wait3A_60] : memref<10240x128xf32, #tpu.memory_space<vmem_shared>> -> memref<128x128xf32, #tpu.memory_space<vmem_shared>>
      %dma_wait3A_62 = arith.constant 0 : i32
      %dma_wait3A_63 = arith.constant 0 : i32
      %dma_wait3A_64 = tpu.memref_slice %arg10[%run_scoped3A_25, %dma_wait3A_62, %dma_wait3A_63] : memref<2x128x128xf32, #tpu.memory_space<vmem>> -> memref<1x128x128xf32, #tpu.memory_space<vmem>>
      %dma_wait3A_65 = tpu.memref_squeeze %dma_wait3A_64 : memref<1x128x128xf32, #tpu.memory_space<vmem>> -> memref<128x128xf32, #tpu.memory_space<vmem>>
      %dma_wait3A_66 = arith.constant 0 : i32
      %dma_wait3A_67 = tpu.memref_slice %arg7[%add3A_24, %dma_wait3A_66] : memref<10240x128xf32, #tpu.memory_space<vmem_shared>> -> memref<128x128xf32, #tpu.memory_space<vmem_shared>>
      tpu.wait_dma2 semaphore(%run_scoped3A_45 : memref<!tpu.dma_semaphore, #tpu.memory_space<semaphore_mem>>) src(%dma_wait3A_67 : memref<128x128xf32, #tpu.memory_space<vmem_shared>>) dst(%dma_wait3A_65 : memref<128x128xf32, #tpu.memory_space<vmem>>)
      tpu.yield
    }) : () -> ()
    %run_scoped3A_26 = arith.constant 0 : i32
    "tpu.region"() ({
      %run_scoped3A_45 = tpu.sem_alloc : memref<!tpu.dma_semaphore, #tpu.memory_space<semaphore_mem>>
      %dma_start3A = arith.constant 0 : i32
      %dma_start3A_46 = arith.constant 0 : i32
      %dma_start3A_47 = tpu.memref_slice %arg10[%run_scoped3A_26, %dma_start3A, %dma_start3A_46] : memref<2x128x128xf32, #tpu.memory_space<vmem>> -> memref<1x128x128xf32, #tpu.memory_space<vmem>>
      %dma_start3A_48 = tpu.memref_squeeze %dma_start3A_47 : memref<1x128x128xf32, #tpu.memory_space<vmem>> -> memref<128x128xf32, #tpu.memory_space<vmem>>
      %dma_start3A_49 = arith.constant 0 : i32
      %dma_start3A_50 = tpu.memref_slice %arg6[%arg0, %add3A_24, %dma_start3A_49] : memref<2x10240x128xf32, #tpu.memory_space<hbm>> -> memref<1x128x128xf32, #tpu.memory_space<hbm>>
      %dma_start3A_51 = tpu.memref_squeeze %dma_start3A_50 : memref<1x128x128xf32, #tpu.memory_space<hbm>> -> memref<128x128xf32, #tpu.memory_space<hbm>>
      %dma_start3A_52 = arith.constant 0 : i32
      %dma_start3A_53 = tpu.memref_slice %arg6[%arg0, %add3A_24, %dma_start3A_52] : memref<2x10240x128xf32, #tpu.memory_space<hbm>> -> memref<1x128x128xf32, #tpu.memory_space<hbm>>
      %dma_start3A_54 = tpu.memref_squeeze %dma_start3A_53 : memref<1x128x128xf32, #tpu.memory_space<hbm>> -> memref<128x128xf32, #tpu.memory_space<hbm>>
      %dma_start3A_55 = arith.constant 0 : i32
      %dma_start3A_56 = arith.constant 0 : i32
      %dma_start3A_57 = tpu.memref_slice %arg10[%run_scoped3A_26, %dma_start3A_55, %dma_start3A_56] : memref<2x128x128xf32, #tpu.memory_space<vmem>> -> memref<1x128x128xf32, #tpu.memory_space<vmem>>
      %dma_start3A_58 = tpu.memref_squeeze %dma_start3A_57 : memref<1x128x128xf32, #tpu.memory_space<vmem>> -> memref<128x128xf32, #tpu.memory_space<vmem>>
      tpu.enqueue_dma source(%dma_start3A_58 : memref<128x128xf32, #tpu.memory_space<vmem>>) target(%dma_start3A_54 : memref<128x128xf32, #tpu.memory_space<hbm>>) target_semaphore(%run_scoped3A_45 : memref<!tpu.dma_semaphore, #tpu.memory_space<semaphore_mem>>)
      %dma_wait3A = arith.constant 0 : i32
      %dma_wait3A_59 = arith.constant 0 : i32
      %dma_wait3A_60 = tpu.memref_slice %arg10[%run_scoped3A_26, %dma_wait3A, %dma_wait3A_59] : memref<2x128x128xf32, #tpu.memory_space<vmem>> -> memref<1x128x128xf32, #tpu.memory_space<vmem>>
      %dma_wait3A_61 = tpu.memref_squeeze %dma_wait3A_60 : memref<1x128x128xf32, #tpu.memory_space<vmem>> -> memref<128x128xf32, #tpu.memory_space<vmem>>
      %dma_wait3A_62 = arith.constant 0 : i32
      %dma_wait3A_63 = tpu.memref_slice %arg6[%arg0, %add3A_24, %dma_wait3A_62] : memref<2x10240x128xf32, #tpu.memory_space<hbm>> -> memref<1x128x128xf32, #tpu.memory_space<hbm>>
      %dma_wait3A_64 = tpu.memref_squeeze %dma_wait3A_63 : memref<1x128x128xf32, #tpu.memory_space<hbm>> -> memref<128x128xf32, #tpu.memory_space<hbm>>
      %dma_wait3A_65 = arith.constant 0 : i32
      %dma_wait3A_66 = tpu.memref_slice %arg6[%arg0, %add3A_24, %dma_wait3A_65] : memref<2x10240x128xf32, #tpu.memory_space<hbm>> -> memref<1x128x128xf32, #tpu.memory_space<hbm>>
      %dma_wait3A_67 = tpu.memref_squeeze %dma_wait3A_66 : memref<1x128x128xf32, #tpu.memory_space<hbm>> -> memref<128x128xf32, #tpu.memory_space<hbm>>
      %dma_wait3A_68 = arith.constant 0 : i32
      %dma_wait3A_69 = arith.constant 0 : i32
      %dma_wait3A_70 = tpu.memref_slice %arg10[%run_scoped3A_26, %dma_wait3A_68, %dma_wait3A_69] : memref<2x128x128xf32, #tpu.memory_space<vmem>> -> memref<1x128x128xf32, #tpu.memory_space<vmem>>
      %dma_wait3A_71 = tpu.memref_squeeze %dma_wait3A_70 : memref<1x128x128xf32, #tpu.memory_space<vmem>> -> memref<128x128xf32, #tpu.memory_space<vmem>>
      tpu.wait_dma2 semaphore(%run_scoped3A_45 : memref<!tpu.dma_semaphore, #tpu.memory_space<semaphore_mem>>) src(%dma_wait3A_71 : memref<128x128xf32, #tpu.memory_space<vmem>>) dst(%dma_wait3A_67 : memref<128x128xf32, #tpu.memory_space<hbm>>)
      tpu.yield
    }) : () -> ()
    %mul3A_27 = arith.constant 640 : i32
    %mul3A_28 = arith.muli %arg1, %mul3A_27 : i32
    %add3A_29 = arith.constant 256 : i32
    %add3A_30 = arith.addi %mul3A_28, %add3A_29 : i32
    %run_scoped3A_31 = arith.constant 0 : i32
    "tpu.region"() ({
      %run_scoped3A_45 = tpu.sem_alloc : memref<!tpu.dma_semaphore, #tpu.memory_space<semaphore_mem>>
      %dma_start3A = arith.constant 0 : i32
      %dma_start3A_46 = arith.constant 0 : i32
      %dma_start3A_47 = tpu.memref_slice %arg10[%run_scoped3A_31, %dma_start3A, %dma_start3A_46] : memref<2x128x128xf32, #tpu.memory_space<vmem>> -> memref<1x128x128xf32, #tpu.memory_space<vmem>>
      %dma_start3A_48 = tpu.memref_squeeze %dma_start3A_47 : memref<1x128x128xf32, #tpu.memory_space<vmem>> -> memref<128x128xf32, #tpu.memory_space<vmem>>
      %dma_start3A_49 = arith.constant 0 : i32
      %dma_start3A_50 = tpu.memref_slice %arg7[%add3A_30, %dma_start3A_49] : memref<10240x128xf32, #tpu.memory_space<vmem_shared>> -> memref<128x128xf32, #tpu.memory_space<vmem_shared>>
      %dma_start3A_51 = arith.constant 0 : i32
      %dma_start3A_52 = arith.constant 0 : i32
      %dma_start3A_53 = tpu.memref_slice %arg10[%run_scoped3A_31, %dma_start3A_51, %dma_start3A_52] : memref<2x128x128xf32, #tpu.memory_space<vmem>> -> memref<1x128x128xf32, #tpu.memory_space<vmem>>
      %dma_start3A_54 = tpu.memref_squeeze %dma_start3A_53 : memref<1x128x128xf32, #tpu.memory_space<vmem>> -> memref<128x128xf32, #tpu.memory_space<vmem>>
      %dma_start3A_55 = arith.constant 0 : i32
      %dma_start3A_56 = tpu.memref_slice %arg7[%add3A_30, %dma_start3A_55] : memref<10240x128xf32, #tpu.memory_space<vmem_shared>> -> memref<128x128xf32, #tpu.memory_space<vmem_shared>>
      tpu.enqueue_dma source(%dma_start3A_56 : memref<128x128xf32, #tpu.memory_space<vmem_shared>>) target(%dma_start3A_54 : memref<128x128xf32, #tpu.memory_space<vmem>>) target_semaphore(%run_scoped3A_45 : memref<!tpu.dma_semaphore, #tpu.memory_space<semaphore_mem>>)
      %dma_wait3A = arith.constant 0 : i32
      %dma_wait3A_57 = arith.constant 0 : i32
      %dma_wait3A_58 = tpu.memref_slice %arg10[%run_scoped3A_31, %dma_wait3A, %dma_wait3A_57] : memref<2x128x128xf32, #tpu.memory_space<vmem>> -> memref<1x128x128xf32, #tpu.memory_space<vmem>>
      %dma_wait3A_59 = tpu.memref_squeeze %dma_wait3A_58 : memref<1x128x128xf32, #tpu.memory_space<vmem>> -> memref<128x128xf32, #tpu.memory_space<vmem>>
      %dma_wait3A_60 = arith.constant 0 : i32
      %dma_wait3A_61 = tpu.memref_slice %arg7[%add3A_30, %dma_wait3A_60] : memref<10240x128xf32, #tpu.memory_space<vmem_shared>> -> memref<128x128xf32, #tpu.memory_space<vmem_shared>>
      %dma_wait3A_62 = arith.constant 0 : i32
      %dma_wait3A_63 = arith.constant 0 : i32
      %dma_wait3A_64 = tpu.memref_slice %arg10[%run_scoped3A_31, %dma_wait3A_62, %dma_wait3A_63] : memref<2x128x128xf32, #tpu.memory_space<vmem>> -> memref<1x128x128xf32, #tpu.memory_space<vmem>>
      %dma_wait3A_65 = tpu.memref_squeeze %dma_wait3A_64 : memref<1x128x128xf32, #tpu.memory_space<vmem>> -> memref<128x128xf32, #tpu.memory_space<vmem>>
      %dma_wait3A_66 = arith.constant 0 : i32
      %dma_wait3A_67 = tpu.memref_slice %arg7[%add3A_30, %dma_wait3A_66] : memref<10240x128xf32, #tpu.memory_space<vmem_shared>> -> memref<128x128xf32, #tpu.memory_space<vmem_shared>>
      tpu.wait_dma2 semaphore(%run_scoped3A_45 : memref<!tpu.dma_semaphore, #tpu.memory_space<semaphore_mem>>) src(%dma_wait3A_67 : memref<128x128xf32, #tpu.memory_space<vmem_shared>>) dst(%dma_wait3A_65 : memref<128x128xf32, #tpu.memory_space<vmem>>)
      tpu.yield
    }) : () -> ()
    %run_scoped3A_32 = arith.constant 0 : i32
    "tpu.region"() ({
      %run_scoped3A_45 = tpu.sem_alloc : memref<!tpu.dma_semaphore, #tpu.memory_space<semaphore_mem>>
      %dma_start3A = arith.constant 0 : i32
      %dma_start3A_46 = arith.constant 0 : i32
      %dma_start3A_47 = tpu.memref_slice %arg10[%run_scoped3A_32, %dma_start3A, %dma_start3A_46] : memref<2x128x128xf32, #tpu.memory_space<vmem>> -> memref<1x128x128xf32, #tpu.memory_space<vmem>>
      %dma_start3A_48 = tpu.memref_squeeze %dma_start3A_47 : memref<1x128x128xf32, #tpu.memory_space<vmem>> -> memref<128x128xf32, #tpu.memory_space<vmem>>
      %dma_start3A_49 = arith.constant 0 : i32
      %dma_start3A_50 = tpu.memref_slice %arg6[%arg0, %add3A_30, %dma_start3A_49] : memref<2x10240x128xf32, #tpu.memory_space<hbm>> -> memref<1x128x128xf32, #tpu.memory_space<hbm>>
      %dma_start3A_51 = tpu.memref_squeeze %dma_start3A_50 : memref<1x128x128xf32, #tpu.memory_space<hbm>> -> memref<128x128xf32, #tpu.memory_space<hbm>>
      %dma_start3A_52 = arith.constant 0 : i32
      %dma_start3A_53 = tpu.memref_slice %arg6[%arg0, %add3A_30, %dma_start3A_52] : memref<2x10240x128xf32, #tpu.memory_space<hbm>> -> memref<1x128x128xf32, #tpu.memory_space<hbm>>
      %dma_start3A_54 = tpu.memref_squeeze %dma_start3A_53 : memref<1x128x128xf32, #tpu.memory_space<hbm>> -> memref<128x128xf32, #tpu.memory_space<hbm>>
      %dma_start3A_55 = arith.constant 0 : i32
      %dma_start3A_56 = arith.constant 0 : i32
      %dma_start3A_57 = tpu.memref_slice %arg10[%run_scoped3A_32, %dma_start3A_55, %dma_start3A_56] : memref<2x128x128xf32, #tpu.memory_space<vmem>> -> memref<1x128x128xf32, #tpu.memory_space<vmem>>
      %dma_start3A_58 = tpu.memref_squeeze %dma_start3A_57 : memref<1x128x128xf32, #tpu.memory_space<vmem>> -> memref<128x128xf32, #tpu.memory_space<vmem>>
      tpu.enqueue_dma source(%dma_start3A_58 : memref<128x128xf32, #tpu.memory_space<vmem>>) target(%dma_start3A_54 : memref<128x128xf32, #tpu.memory_space<hbm>>) target_semaphore(%run_scoped3A_45 : memref<!tpu.dma_semaphore, #tpu.memory_space<semaphore_mem>>)
      %dma_wait3A = arith.constant 0 : i32
      %dma_wait3A_59 = arith.constant 0 : i32
      %dma_wait3A_60 = tpu.memref_slice %arg10[%run_scoped3A_32, %dma_wait3A, %dma_wait3A_59] : memref<2x128x128xf32, #tpu.memory_space<vmem>> -> memref<1x128x128xf32, #tpu.memory_space<vmem>>
      %dma_wait3A_61 = tpu.memref_squeeze %dma_wait3A_60 : memref<1x128x128xf32, #tpu.memory_space<vmem>> -> memref<128x128xf32, #tpu.memory_space<vmem>>
      %dma_wait3A_62 = arith.constant 0 : i32
      %dma_wait3A_63 = tpu.memref_slice %arg6[%arg0, %add3A_30, %dma_wait3A_62] : memref<2x10240x128xf32, #tpu.memory_space<hbm>> -> memref<1x128x128xf32, #tpu.memory_space<hbm>>
      %dma_wait3A_64 = tpu.memref_squeeze %dma_wait3A_63 : memref<1x128x128xf32, #tpu.memory_space<hbm>> -> memref<128x128xf32, #tpu.memory_space<hbm>>
      %dma_wait3A_65 = arith.constant 0 : i32
      %dma_wait3A_66 = tpu.memref_slice %arg6[%arg0, %add3A_30, %dma_wait3A_65] : memref<2x10240x128xf32, #tpu.memory_space<hbm>> -> memref<1x128x128xf32, #tpu.memory_space<hbm>>
      %dma_wait3A_67 = tpu.memref_squeeze %dma_wait3A_66 : memref<1x128x128xf32, #tpu.memory_space<hbm>> -> memref<128x128xf32, #tpu.memory_space<hbm>>
      %dma_wait3A_68 = arith.constant 0 : i32
      %dma_wait3A_69 = arith.constant 0 : i32
      %dma_wait3A_70 = tpu.memref_slice %arg10[%run_scoped3A_32, %dma_wait3A_68, %dma_wait3A_69] : memref<2x128x128xf32, #tpu.memory_space<vmem>> -> memref<1x128x128xf32, #tpu.memory_space<vmem>>
      %dma_wait3A_71 = tpu.memref_squeeze %dma_wait3A_70 : memref<1x128x128xf32, #tpu.memory_space<vmem>> -> memref<128x128xf32, #tpu.memory_space<vmem>>
      tpu.wait_dma2 semaphore(%run_scoped3A_45 : memref<!tpu.dma_semaphore, #tpu.memory_space<semaphore_mem>>) src(%dma_wait3A_71 : memref<128x128xf32, #tpu.memory_space<vmem>>) dst(%dma_wait3A_67 : memref<128x128xf32, #tpu.memory_space<hbm>>)
      tpu.yield
    }) : () -> ()
    %mul3A_33 = arith.constant 640 : i32
    %mul3A_34 = arith.muli %arg1, %mul3A_33 : i32
    %add3A_35 = arith.constant 384 : i32
    %add3A_36 = arith.addi %mul3A_34, %add3A_35 : i32
    %run_scoped3A_37 = arith.constant 0 : i32
    "tpu.region"() ({
      %run_scoped3A_45 = tpu.sem_alloc : memref<!tpu.dma_semaphore, #tpu.memory_space<semaphore_mem>>
      %dma_start3A = arith.constant 0 : i32
      %dma_start3A_46 = arith.constant 0 : i32
      %dma_start3A_47 = tpu.memref_slice %arg10[%run_scoped3A_37, %dma_start3A, %dma_start3A_46] : memref<2x128x128xf32, #tpu.memory_space<vmem>> -> memref<1x128x128xf32, #tpu.memory_space<vmem>>
      %dma_start3A_48 = tpu.memref_squeeze %dma_start3A_47 : memref<1x128x128xf32, #tpu.memory_space<vmem>> -> memref<128x128xf32, #tpu.memory_space<vmem>>
      %dma_start3A_49 = arith.constant 0 : i32
      %dma_start3A_50 = tpu.memref_slice %arg7[%add3A_36, %dma_start3A_49] : memref<10240x128xf32, #tpu.memory_space<vmem_shared>> -> memref<128x128xf32, #tpu.memory_space<vmem_shared>>
      %dma_start3A_51 = arith.constant 0 : i32
      %dma_start3A_52 = arith.constant 0 : i32
      %dma_start3A_53 = tpu.memref_slice %arg10[%run_scoped3A_37, %dma_start3A_51, %dma_start3A_52] : memref<2x128x128xf32, #tpu.memory_space<vmem>> -> memref<1x128x128xf32, #tpu.memory_space<vmem>>
      %dma_start3A_54 = tpu.memref_squeeze %dma_start3A_53 : memref<1x128x128xf32, #tpu.memory_space<vmem>> -> memref<128x128xf32, #tpu.memory_space<vmem>>
      %dma_start3A_55 = arith.constant 0 : i32
      %dma_start3A_56 = tpu.memref_slice %arg7[%add3A_36, %dma_start3A_55] : memref<10240x128xf32, #tpu.memory_space<vmem_shared>> -> memref<128x128xf32, #tpu.memory_space<vmem_shared>>
      tpu.enqueue_dma source(%dma_start3A_56 : memref<128x128xf32, #tpu.memory_space<vmem_shared>>) target(%dma_start3A_54 : memref<128x128xf32, #tpu.memory_space<vmem>>) target_semaphore(%run_scoped3A_45 : memref<!tpu.dma_semaphore, #tpu.memory_space<semaphore_mem>>)
      %dma_wait3A = arith.constant 0 : i32
      %dma_wait3A_57 = arith.constant 0 : i32
      %dma_wait3A_58 = tpu.memref_slice %arg10[%run_scoped3A_37, %dma_wait3A, %dma_wait3A_57] : memref<2x128x128xf32, #tpu.memory_space<vmem>> -> memref<1x128x128xf32, #tpu.memory_space<vmem>>
      %dma_wait3A_59 = tpu.memref_squeeze %dma_wait3A_58 : memref<1x128x128xf32, #tpu.memory_space<vmem>> -> memref<128x128xf32, #tpu.memory_space<vmem>>
      %dma_wait3A_60 = arith.constant 0 : i32
      %dma_wait3A_61 = tpu.memref_slice %arg7[%add3A_36, %dma_wait3A_60] : memref<10240x128xf32, #tpu.memory_space<vmem_shared>> -> memref<128x128xf32, #tpu.memory_space<vmem_shared>>
      %dma_wait3A_62 = arith.constant 0 : i32
      %dma_wait3A_63 = arith.constant 0 : i32
      %dma_wait3A_64 = tpu.memref_slice %arg10[%run_scoped3A_37, %dma_wait3A_62, %dma_wait3A_63] : memref<2x128x128xf32, #tpu.memory_space<vmem>> -> memref<1x128x128xf32, #tpu.memory_space<vmem>>
      %dma_wait3A_65 = tpu.memref_squeeze %dma_wait3A_64 : memref<1x128x128xf32, #tpu.memory_space<vmem>> -> memref<128x128xf32, #tpu.memory_space<vmem>>
      %dma_wait3A_66 = arith.constant 0 : i32
      %dma_wait3A_67 = tpu.memref_slice %arg7[%add3A_36, %dma_wait3A_66] : memref<10240x128xf32, #tpu.memory_space<vmem_shared>> -> memref<128x128xf32, #tpu.memory_space<vmem_shared>>
      tpu.wait_dma2 semaphore(%run_scoped3A_45 : memref<!tpu.dma_semaphore, #tpu.memory_space<semaphore_mem>>) src(%dma_wait3A_67 : memref<128x128xf32, #tpu.memory_space<vmem_shared>>) dst(%dma_wait3A_65 : memref<128x128xf32, #tpu.memory_space<vmem>>)
      tpu.yield
    }) : () -> ()
    %run_scoped3A_38 = arith.constant 0 : i32
    "tpu.region"() ({
      %run_scoped3A_45 = tpu.sem_alloc : memref<!tpu.dma_semaphore, #tpu.memory_space<semaphore_mem>>
      %dma_start3A = arith.constant 0 : i32
      %dma_start3A_46 = arith.constant 0 : i32
      %dma_start3A_47 = tpu.memref_slice %arg10[%run_scoped3A_38, %dma_start3A, %dma_start3A_46] : memref<2x128x128xf32, #tpu.memory_space<vmem>> -> memref<1x128x128xf32, #tpu.memory_space<vmem>>
      %dma_start3A_48 = tpu.memref_squeeze %dma_start3A_47 : memref<1x128x128xf32, #tpu.memory_space<vmem>> -> memref<128x128xf32, #tpu.memory_space<vmem>>
      %dma_start3A_49 = arith.constant 0 : i32
      %dma_start3A_50 = tpu.memref_slice %arg6[%arg0, %add3A_36, %dma_start3A_49] : memref<2x10240x128xf32, #tpu.memory_space<hbm>> -> memref<1x128x128xf32, #tpu.memory_space<hbm>>
      %dma_start3A_51 = tpu.memref_squeeze %dma_start3A_50 : memref<1x128x128xf32, #tpu.memory_space<hbm>> -> memref<128x128xf32, #tpu.memory_space<hbm>>
      %dma_start3A_52 = arith.constant 0 : i32
      %dma_start3A_53 = tpu.memref_slice %arg6[%arg0, %add3A_36, %dma_start3A_52] : memref<2x10240x128xf32, #tpu.memory_space<hbm>> -> memref<1x128x128xf32, #tpu.memory_space<hbm>>
      %dma_start3A_54 = tpu.memref_squeeze %dma_start3A_53 : memref<1x128x128xf32, #tpu.memory_space<hbm>> -> memref<128x128xf32, #tpu.memory_space<hbm>>
      %dma_start3A_55 = arith.constant 0 : i32
      %dma_start3A_56 = arith.constant 0 : i32
      %dma_start3A_57 = tpu.memref_slice %arg10[%run_scoped3A_38, %dma_start3A_55, %dma_start3A_56] : memref<2x128x128xf32, #tpu.memory_space<vmem>> -> memref<1x128x128xf32, #tpu.memory_space<vmem>>
      %dma_start3A_58 = tpu.memref_squeeze %dma_start3A_57 : memref<1x128x128xf32, #tpu.memory_space<vmem>> -> memref<128x128xf32, #tpu.memory_space<vmem>>
      tpu.enqueue_dma source(%dma_start3A_58 : memref<128x128xf32, #tpu.memory_space<vmem>>) target(%dma_start3A_54 : memref<128x128xf32, #tpu.memory_space<hbm>>) target_semaphore(%run_scoped3A_45 : memref<!tpu.dma_semaphore, #tpu.memory_space<semaphore_mem>>)
      %dma_wait3A = arith.constant 0 : i32
      %dma_wait3A_59 = arith.constant 0 : i32
      %dma_wait3A_60 = tpu.memref_slice %arg10[%run_scoped3A_38, %dma_wait3A, %dma_wait3A_59] : memref<2x128x128xf32, #tpu.memory_space<vmem>> -> memref<1x128x128xf32, #tpu.memory_space<vmem>>
      %dma_wait3A_61 = tpu.memref_squeeze %dma_wait3A_60 : memref<1x128x128xf32, #tpu.memory_space<vmem>> -> memref<128x128xf32, #tpu.memory_space<vmem>>
      %dma_wait3A_62 = arith.constant 0 : i32
      %dma_wait3A_63 = tpu.memref_slice %arg6[%arg0, %add3A_36, %dma_wait3A_62] : memref<2x10240x128xf32, #tpu.memory_space<hbm>> -> memref<1x128x128xf32, #tpu.memory_space<hbm>>
      %dma_wait3A_64 = tpu.memref_squeeze %dma_wait3A_63 : memref<1x128x128xf32, #tpu.memory_space<hbm>> -> memref<128x128xf32, #tpu.memory_space<hbm>>
      %dma_wait3A_65 = arith.constant 0 : i32
      %dma_wait3A_66 = tpu.memref_slice %arg6[%arg0, %add3A_36, %dma_wait3A_65] : memref<2x10240x128xf32, #tpu.memory_space<hbm>> -> memref<1x128x128xf32, #tpu.memory_space<hbm>>
      %dma_wait3A_67 = tpu.memref_squeeze %dma_wait3A_66 : memref<1x128x128xf32, #tpu.memory_space<hbm>> -> memref<128x128xf32, #tpu.memory_space<hbm>>
      %dma_wait3A_68 = arith.constant 0 : i32
      %dma_wait3A_69 = arith.constant 0 : i32
      %dma_wait3A_70 = tpu.memref_slice %arg10[%run_scoped3A_38, %dma_wait3A_68, %dma_wait3A_69] : memref<2x128x128xf32, #tpu.memory_space<vmem>> -> memref<1x128x128xf32, #tpu.memory_space<vmem>>
      %dma_wait3A_71 = tpu.memref_squeeze %dma_wait3A_70 : memref<1x128x128xf32, #tpu.memory_space<vmem>> -> memref<128x128xf32, #tpu.memory_space<vmem>>
      tpu.wait_dma2 semaphore(%run_scoped3A_45 : memref<!tpu.dma_semaphore, #tpu.memory_space<semaphore_mem>>) src(%dma_wait3A_71 : memref<128x128xf32, #tpu.memory_space<vmem>>) dst(%dma_wait3A_67 : memref<128x128xf32, #tpu.memory_space<hbm>>)
      tpu.yield
    }) : () -> ()
    %mul3A_39 = arith.constant 640 : i32
    %mul3A_40 = arith.muli %arg1, %mul3A_39 : i32
    %add3A_41 = arith.constant 512 : i32
    %add3A_42 = arith.addi %mul3A_40, %add3A_41 : i32
    %run_scoped3A_43 = arith.constant 0 : i32
    "tpu.region"() ({
      %run_scoped3A_45 = tpu.sem_alloc : memref<!tpu.dma_semaphore, #tpu.memory_space<semaphore_mem>>
      %dma_start3A = arith.constant 0 : i32
      %dma_start3A_46 = arith.constant 0 : i32
      %dma_start3A_47 = tpu.memref_slice %arg10[%run_scoped3A_43, %dma_start3A, %dma_start3A_46] : memref<2x128x128xf32, #tpu.memory_space<vmem>> -> memref<1x128x128xf32, #tpu.memory_space<vmem>>
      %dma_start3A_48 = tpu.memref_squeeze %dma_start3A_47 : memref<1x128x128xf32, #tpu.memory_space<vmem>> -> memref<128x128xf32, #tpu.memory_space<vmem>>
      %dma_start3A_49 = arith.constant 0 : i32
      %dma_start3A_50 = tpu.memref_slice %arg7[%add3A_42, %dma_start3A_49] : memref<10240x128xf32, #tpu.memory_space<vmem_shared>> -> memref<128x128xf32, #tpu.memory_space<vmem_shared>>
      %dma_start3A_51 = arith.constant 0 : i32
      %dma_start3A_52 = arith.constant 0 : i32
      %dma_start3A_53 = tpu.memref_slice %arg10[%run_scoped3A_43, %dma_start3A_51, %dma_start3A_52] : memref<2x128x128xf32, #tpu.memory_space<vmem>> -> memref<1x128x128xf32, #tpu.memory_space<vmem>>
      %dma_start3A_54 = tpu.memref_squeeze %dma_start3A_53 : memref<1x128x128xf32, #tpu.memory_space<vmem>> -> memref<128x128xf32, #tpu.memory_space<vmem>>
      %dma_start3A_55 = arith.constant 0 : i32
      %dma_start3A_56 = tpu.memref_slice %arg7[%add3A_42, %dma_start3A_55] : memref<10240x128xf32, #tpu.memory_space<vmem_shared>> -> memref<128x128xf32, #tpu.memory_space<vmem_shared>>
      tpu.enqueue_dma source(%dma_start3A_56 : memref<128x128xf32, #tpu.memory_space<vmem_shared>>) target(%dma_start3A_54 : memref<128x128xf32, #tpu.memory_space<vmem>>) target_semaphore(%run_scoped3A_45 : memref<!tpu.dma_semaphore, #tpu.memory_space<semaphore_mem>>)
      %dma_wait3A = arith.constant 0 : i32
      %dma_wait3A_57 = arith.constant 0 : i32
      %dma_wait3A_58 = tpu.memref_slice %arg10[%run_scoped3A_43, %dma_wait3A, %dma_wait3A_57] : memref<2x128x128xf32, #tpu.memory_space<vmem>> -> memref<1x128x128xf32, #tpu.memory_space<vmem>>
      %dma_wait3A_59 = tpu.memref_squeeze %dma_wait3A_58 : memref<1x128x128xf32, #tpu.memory_space<vmem>> -> memref<128x128xf32, #tpu.memory_space<vmem>>
      %dma_wait3A_60 = arith.constant 0 : i32
      %dma_wait3A_61 = tpu.memref_slice %arg7[%add3A_42, %dma_wait3A_60] : memref<10240x128xf32, #tpu.memory_space<vmem_shared>> -> memref<128x128xf32, #tpu.memory_space<vmem_shared>>
      %dma_wait3A_62 = arith.constant 0 : i32
      %dma_wait3A_63 = arith.constant 0 : i32
      %dma_wait3A_64 = tpu.memref_slice %arg10[%run_scoped3A_43, %dma_wait3A_62, %dma_wait3A_63] : memref<2x128x128xf32, #tpu.memory_space<vmem>> -> memref<1x128x128xf32, #tpu.memory_space<vmem>>
      %dma_wait3A_65 = tpu.memref_squeeze %dma_wait3A_64 : memref<1x128x128xf32, #tpu.memory_space<vmem>> -> memref<128x128xf32, #tpu.memory_space<vmem>>
      %dma_wait3A_66 = arith.constant 0 : i32
      %dma_wait3A_67 = tpu.memref_slice %arg7[%add3A_42, %dma_wait3A_66] : memref<10240x128xf32, #tpu.memory_space<vmem_shared>> -> memref<128x128xf32, #tpu.memory_space<vmem_shared>>
      tpu.wait_dma2 semaphore(%run_scoped3A_45 : memref<!tpu.dma_semaphore, #tpu.memory_space<semaphore_mem>>) src(%dma_wait3A_67 : memref<128x128xf32, #tpu.memory_space<vmem_shared>>) dst(%dma_wait3A_65 : memref<128x128xf32, #tpu.memory_space<vmem>>)
      tpu.yield
    }) : () -> ()
    %run_scoped3A_44 = arith.constant 0 : i32
    "tpu.region"() ({
      %run_scoped3A_45 = tpu.sem_alloc : memref<!tpu.dma_semaphore, #tpu.memory_space<semaphore_mem>>
      %dma_start3A = arith.constant 0 : i32
      %dma_start3A_46 = arith.constant 0 : i32
      %dma_start3A_47 = tpu.memref_slice %arg10[%run_scoped3A_44, %dma_start3A, %dma_start3A_46] : memref<2x128x128xf32, #tpu.memory_space<vmem>> -> memref<1x128x128xf32, #tpu.memory_space<vmem>>
      %dma_start3A_48 = tpu.memref_squeeze %dma_start3A_47 : memref<1x128x128xf32, #tpu.memory_space<vmem>> -> memref<128x128xf32, #tpu.memory_space<vmem>>
      %dma_start3A_49 = arith.constant 0 : i32
      %dma_start3A_50 = tpu.memref_slice %arg6[%arg0, %add3A_42, %dma_start3A_49] : memref<2x10240x128xf32, #tpu.memory_space<hbm>> -> memref<1x128x128xf32, #tpu.memory_space<hbm>>
      %dma_start3A_51 = tpu.memref_squeeze %dma_start3A_50 : memref<1x128x128xf32, #tpu.memory_space<hbm>> -> memref<128x128xf32, #tpu.memory_space<hbm>>
      %dma_start3A_52 = arith.constant 0 : i32
      %dma_start3A_53 = tpu.memref_slice %arg6[%arg0, %add3A_42, %dma_start3A_52] : memref<2x10240x128xf32, #tpu.memory_space<hbm>> -> memref<1x128x128xf32, #tpu.memory_space<hbm>>
      %dma_start3A_54 = tpu.memref_squeeze %dma_start3A_53 : memref<1x128x128xf32, #tpu.memory_space<hbm>> -> memref<128x128xf32, #tpu.memory_space<hbm>>
      %dma_start3A_55 = arith.constant 0 : i32
      %dma_start3A_56 = arith.constant 0 : i32
      %dma_start3A_57 = tpu.memref_slice %arg10[%run_scoped3A_44, %dma_start3A_55, %dma_start3A_56] : memref<2x128x128xf32, #tpu.memory_space<vmem>> -> memref<1x128x128xf32, #tpu.memory_space<vmem>>
      %dma_start3A_58 = tpu.memref_squeeze %dma_start3A_57 : memref<1x128x128xf32, #tpu.memory_space<vmem>> -> memref<128x128xf32, #tpu.memory_space<vmem>>
      tpu.enqueue_dma source(%dma_start3A_58 : memref<128x128xf32, #tpu.memory_space<vmem>>) target(%dma_start3A_54 : memref<128x128xf32, #tpu.memory_space<hbm>>) target_semaphore(%run_scoped3A_45 : memref<!tpu.dma_semaphore, #tpu.memory_space<semaphore_mem>>)
      %dma_wait3A = arith.constant 0 : i32
      %dma_wait3A_59 = arith.constant 0 : i32
      %dma_wait3A_60 = tpu.memref_slice %arg10[%run_scoped3A_44, %dma_wait3A, %dma_wait3A_59] : memref<2x128x128xf32, #tpu.memory_space<vmem>> -> memref<1x128x128xf32, #tpu.memory_space<vmem>>
      %dma_wait3A_61 = tpu.memref_squeeze %dma_wait3A_60 : memref<1x128x128xf32, #tpu.memory_space<vmem>> -> memref<128x128xf32, #tpu.memory_space<vmem>>
      %dma_wait3A_62 = arith.constant 0 : i32
      %dma_wait3A_63 = tpu.memref_slice %arg6[%arg0, %add3A_42, %dma_wait3A_62] : memref<2x10240x128xf32, #tpu.memory_space<hbm>> -> memref<1x128x128xf32, #tpu.memory_space<hbm>>
      %dma_wait3A_64 = tpu.memref_squeeze %dma_wait3A_63 : memref<1x128x128xf32, #tpu.memory_space<hbm>> -> memref<128x128xf32, #tpu.memory_space<hbm>>
      %dma_wait3A_65 = arith.constant 0 : i32
      %dma_wait3A_66 = tpu.memref_slice %arg6[%arg0, %add3A_42, %dma_wait3A_65] : memref<2x10240x128xf32, #tpu.memory_space<hbm>> -> memref<1x128x128xf32, #tpu.memory_space<hbm>>
      %dma_wait3A_67 = tpu.memref_squeeze %dma_wait3A_66 : memref<1x128x128xf32, #tpu.memory_space<hbm>> -> memref<128x128xf32, #tpu.memory_space<hbm>>
      %dma_wait3A_68 = arith.constant 0 : i32
      %dma_wait3A_69 = arith.constant 0 : i32
      %dma_wait3A_70 = tpu.memref_slice %arg10[%run_scoped3A_44, %dma_wait3A_68, %dma_wait3A_69] : memref<2x128x128xf32, #tpu.memory_space<vmem>> -> memref<1x128x128xf32, #tpu.memory_space<vmem>>
      %dma_wait3A_71 = tpu.memref_squeeze %dma_wait3A_70 : memref<1x128x128xf32, #tpu.memory_space<vmem>> -> memref<128x128xf32, #tpu.memory_space<vmem>>
      tpu.wait_dma2 semaphore(%run_scoped3A_45 : memref<!tpu.dma_semaphore, #tpu.memory_space<semaphore_mem>>) src(%dma_wait3A_71 : memref<128x128xf32, #tpu.memory_space<vmem>>) dst(%dma_wait3A_67 : memref<128x128xf32, #tpu.memory_space<hbm>>)
      tpu.yield
    }) : () -> ()
    return
  }
}

#map = affine_map<(d0, d1) -> (0, 0)>
#map1 = affine_map<(d0, d1) -> (0, 0, 0)>
module attributes {stable_mosaic.version = 14 : i64} {
  func.func @_agg_body(%arg0: i32, %arg1: i32, %arg2: memref<10240x128xf32, #tpu.memory_space<hbm>>, %arg3: memref<32x120x128xi32, #tpu.memory_space<hbm>>, %arg4: memref<32x120x128xi32, #tpu.memory_space<hbm>>, %arg5: memref<640x128xf32, #tpu.memory_space<hbm>>, %arg6: memref<2x10240x128xf32, #tpu.memory_space<hbm>>, %arg7: memref<10240x128xf32, #tpu.memory_space<vmem_shared>>, %arg8: memref<2x128xi32, #tpu.memory_space<vmem>>, %arg9: memref<2x128xi32, #tpu.memory_space<vmem>>, %arg10: memref<2x128x128xf32, #tpu.memory_space<vmem>>, %arg11: memref<!tpu.dma_semaphore, #tpu.memory_space<semaphore_mem>>, %arg12: memref<!tpu.dma_semaphore, #tpu.memory_space<semaphore_mem>>) attributes {dimension_semantics = [#tpu.dimension_semantics<core_parallel>, #tpu.dimension_semantics<subcore_parallel>], iteration_bounds = array<i64: 2, 16>, scalar_prefetch = 0 : i64, scratch_operands = 6 : i64, tpu.core_type = #tpu.core_type<sc_vector_subcore>, window_params = [{transform_indices = #map}, {transform_indices = #map1}, {transform_indices = #map1}, {transform_indices = #map}, {transform_indices = #map1}]} {
    %mul3A = arith.constant 16 : i32
    %mul3A_0 = arith.muli %arg0, %mul3A : i32
    %add3A = arith.addi %mul3A_0, %arg1 : i32
    %mul3A_1 = arith.constant 640 : i32
    %mul3A_2 = arith.muli %arg1, %mul3A_1 : i32
    "tpu.region"() ({
      %run_scoped3A_45 = tpu.sem_alloc : memref<!tpu.dma_semaphore, #tpu.memory_space<semaphore_mem>>
      %dma_start3A = arith.constant 0 : i32
      %dma_start3A_46 = tpu.memref_slice %arg7[%mul3A_2, %dma_start3A] : memref<10240x128xf32, #tpu.memory_space<vmem_shared>> -> memref<640x128xf32, #tpu.memory_space<vmem_shared>>
      tpu.enqueue_dma source(%arg5 : memref<640x128xf32, #tpu.memory_space<hbm>>) target(%dma_start3A_46 : memref<640x128xf32, #tpu.memory_space<vmem_shared>>) target_semaphore(%run_scoped3A_45 : memref<!tpu.dma_semaphore, #tpu.memory_space<semaphore_mem>>)
      %dma_wait3A = arith.constant 0 : i32
      %dma_wait3A_47 = tpu.memref_slice %arg7[%mul3A_2, %dma_wait3A] : memref<10240x128xf32, #tpu.memory_space<vmem_shared>> -> memref<640x128xf32, #tpu.memory_space<vmem_shared>>
      tpu.wait_dma2 semaphore(%run_scoped3A_45 : memref<!tpu.dma_semaphore, #tpu.memory_space<semaphore_mem>>) src(%arg5 : memref<640x128xf32, #tpu.memory_space<hbm>>) dst(%dma_wait3A_47 : memref<640x128xf32, #tpu.memory_space<vmem_shared>>)
      tpu.yield
    }) : () -> ()
    %barrier3A = arith.constant 0 : index
    tpu.barrier barrier_id(%barrier3A)
    %eq3A = arith.constant 0 : i32
    %eq3A_3 = arith.cmpi eq, %arg0, %eq3A : i32
    %select_n3A = arith.constant 19 : i32
    %select_n3A_4 = arith.constant 60 : i32
    %select_n3A_5 = arith.select %eq3A_3, %select_n3A_4, %select_n3A : i32
    %while3A = arith.constant 0 : i32
    %while3A_6 = arith.constant 0 : i32
    %while3A_7 = arith.subi %select_n3A_5, %while3A_6 : i32
    %while3A_8 = arith.addi %while3A_6, %while3A_7 : i32
    %while3A_9 = arith.constant 1 : i32
    %while3A_10 = arith.divsi %while3A_7, %while3A_9 : i32
    %while3A_11 = arith.muli %while3A_10, %while3A_9 : i32
    %while3A_12 = arith.addi %while3A_6, %while3A_11 : i32
    %while3A_13 = arith.constant 1 : i32
    scf.for %while3A_45 = %while3A_6 to %while3A_12 step %while3A_13  : i32 {
      %mul3A_46 = arith.constant 2 : i32
      %mul3A_47 = arith.muli %mul3A_46, %while3A_45 : i32
      "tpu.region"() ({
        %run_scoped3A_100 = tpu.sem_alloc : memref<!tpu.dma_semaphore, #tpu.memory_space<semaphore_mem>>
        %dma_start3A_101 = arith.constant 0 : i32
        %dma_start3A_102 = tpu.memref_slice %arg3[%add3A, %mul3A_47, %dma_start3A_101] : memref<32x120x128xi32, #tpu.memory_space<hbm>> -> memref<1x2x128xi32, #tpu.memory_space<hbm>>
        %dma_start3A_103 = tpu.memref_squeeze %dma_start3A_102 : memref<1x2x128xi32, #tpu.memory_space<hbm>> -> memref<2x128xi32, #tpu.memory_space<hbm>>
        %dma_start3A_104 = arith.constant 0 : i32
        %dma_start3A_105 = tpu.memref_slice %arg3[%add3A, %mul3A_47, %dma_start3A_104] : memref<32x120x128xi32, #tpu.memory_space<hbm>> -> memref<1x2x128xi32, #tpu.memory_space<hbm>>
        %dma_start3A_106 = tpu.memref_squeeze %dma_start3A_105 : memref<1x2x128xi32, #tpu.memory_space<hbm>> -> memref<2x128xi32, #tpu.memory_space<hbm>>
        tpu.enqueue_dma source(%dma_start3A_106 : memref<2x128xi32, #tpu.memory_space<hbm>>) target(%arg8 : memref<2x128xi32, #tpu.memory_space<vmem>>) target_semaphore(%run_scoped3A_100 : memref<!tpu.dma_semaphore, #tpu.memory_space<semaphore_mem>>)
        %dma_wait3A_107 = arith.constant 0 : i32
        %dma_wait3A_108 = tpu.memref_slice %arg3[%add3A, %mul3A_47, %dma_wait3A_107] : memref<32x120x128xi32, #tpu.memory_space<hbm>> -> memref<1x2x128xi32, #tpu.memory_space<hbm>>
        %dma_wait3A_109 = tpu.memref_squeeze %dma_wait3A_108 : memref<1x2x128xi32, #tpu.memory_space<hbm>> -> memref<2x128xi32, #tpu.memory_space<hbm>>
        %dma_wait3A_110 = arith.constant 0 : i32
        %dma_wait3A_111 = tpu.memref_slice %arg3[%add3A, %mul3A_47, %dma_wait3A_110] : memref<32x120x128xi32, #tpu.memory_space<hbm>> -> memref<1x2x128xi32, #tpu.memory_space<hbm>>
        %dma_wait3A_112 = tpu.memref_squeeze %dma_wait3A_111 : memref<1x2x128xi32, #tpu.memory_space<hbm>> -> memref<2x128xi32, #tpu.memory_space<hbm>>
        tpu.wait_dma2 semaphore(%run_scoped3A_100 : memref<!tpu.dma_semaphore, #tpu.memory_space<semaphore_mem>>) src(%dma_wait3A_112 : memref<2x128xi32, #tpu.memory_space<hbm>>) dst(%arg8 : memref<2x128xi32, #tpu.memory_space<vmem>>)
        tpu.yield
      }) : () -> ()
      %mul3A_48 = arith.constant 2 : i32
      %mul3A_49 = arith.muli %mul3A_48, %while3A_45 : i32
      "tpu.region"() ({
        %run_scoped3A_100 = tpu.sem_alloc : memref<!tpu.dma_semaphore, #tpu.memory_space<semaphore_mem>>
        %dma_start3A_101 = arith.constant 0 : i32
        %dma_start3A_102 = tpu.memref_slice %arg4[%add3A, %mul3A_49, %dma_start3A_101] : memref<32x120x128xi32, #tpu.memory_space<hbm>> -> memref<1x2x128xi32, #tpu.memory_space<hbm>>
        %dma_start3A_103 = tpu.memref_squeeze %dma_start3A_102 : memref<1x2x128xi32, #tpu.memory_space<hbm>> -> memref<2x128xi32, #tpu.memory_space<hbm>>
        %dma_start3A_104 = arith.constant 0 : i32
        %dma_start3A_105 = tpu.memref_slice %arg4[%add3A, %mul3A_49, %dma_start3A_104] : memref<32x120x128xi32, #tpu.memory_space<hbm>> -> memref<1x2x128xi32, #tpu.memory_space<hbm>>
        %dma_start3A_106 = tpu.memref_squeeze %dma_start3A_105 : memref<1x2x128xi32, #tpu.memory_space<hbm>> -> memref<2x128xi32, #tpu.memory_space<hbm>>
        tpu.enqueue_dma source(%dma_start3A_106 : memref<2x128xi32, #tpu.memory_space<hbm>>) target(%arg9 : memref<2x128xi32, #tpu.memory_space<vmem>>) target_semaphore(%run_scoped3A_100 : memref<!tpu.dma_semaphore, #tpu.memory_space<semaphore_mem>>)
        %dma_wait3A_107 = arith.constant 0 : i32
        %dma_wait3A_108 = tpu.memref_slice %arg4[%add3A, %mul3A_49, %dma_wait3A_107] : memref<32x120x128xi32, #tpu.memory_space<hbm>> -> memref<1x2x128xi32, #tpu.memory_space<hbm>>
        %dma_wait3A_109 = tpu.memref_squeeze %dma_wait3A_108 : memref<1x2x128xi32, #tpu.memory_space<hbm>> -> memref<2x128xi32, #tpu.memory_space<hbm>>
        %dma_wait3A_110 = arith.constant 0 : i32
        %dma_wait3A_111 = tpu.memref_slice %arg4[%add3A, %mul3A_49, %dma_wait3A_110] : memref<32x120x128xi32, #tpu.memory_space<hbm>> -> memref<1x2x128xi32, #tpu.memory_space<hbm>>
        %dma_wait3A_112 = tpu.memref_squeeze %dma_wait3A_111 : memref<1x2x128xi32, #tpu.memory_space<hbm>> -> memref<2x128xi32, #tpu.memory_space<hbm>>
        tpu.wait_dma2 semaphore(%run_scoped3A_100 : memref<!tpu.dma_semaphore, #tpu.memory_space<semaphore_mem>>) src(%dma_wait3A_112 : memref<2x128xi32, #tpu.memory_space<hbm>>) dst(%arg9 : memref<2x128xi32, #tpu.memory_space<vmem>>)
        tpu.yield
      }) : () -> ()
      %dma_start3A = arith.constant 0 : i32
      %dma_start3A_50 = arith.constant 0 : i32
      %dma_start3A_51 = arith.constant 0 : i32
      %dma_start3A_52 = arith.constant 0 : i32
      %dma_start3A_53 = tpu.memref_slice %arg10[%dma_start3A_50, %dma_start3A_51, %dma_start3A_52] : memref<2x128x128xf32, #tpu.memory_space<vmem>> -> memref<1x128x128xf32, #tpu.memory_space<vmem>>
      %dma_start3A_54 = tpu.memref_squeeze %dma_start3A_53 : memref<1x128x128xf32, #tpu.memory_space<vmem>> -> memref<128x128xf32, #tpu.memory_space<vmem>>
      %dma_start3A_55 = arith.constant 0 : i32
      %dma_start3A_56 = tpu.memref_slice %arg8[%dma_start3A, %dma_start3A_55] : memref<2x128xi32, #tpu.memory_space<vmem>> -> memref<1x128xi32, #tpu.memory_space<vmem>>
      %dma_start3A_57 = tpu.memref_squeeze %dma_start3A_56 : memref<1x128xi32, #tpu.memory_space<vmem>> -> memref<128xi32, #tpu.memory_space<vmem>>
      %dma_start3A_58 = arith.constant 0 : i32
      %dma_start3A_59 = arith.constant 0 : i32
      %dma_start3A_60 = tpu.memref_slice %arg2[%dma_start3A_58, %dma_start3A_59] : memref<10240x128xf32, #tpu.memory_space<hbm>> -> memref<10240x128xf32, #tpu.memory_space<hbm>>
      tpu.enqueue_indirect_dma source(%dma_start3A_60 : memref<10240x128xf32, #tpu.memory_space<hbm>>) target(%dma_start3A_54 : memref<128x128xf32, #tpu.memory_space<vmem>>) offsets(%dma_start3A_57 : memref<128xi32, #tpu.memory_space<vmem>>) semaphore(%arg11 : memref<!tpu.dma_semaphore, #tpu.memory_space<semaphore_mem>>)
      %dma_start3A_61 = arith.constant 1 : i32
      %dma_start3A_62 = arith.constant 1 : i32
      %dma_start3A_63 = arith.constant 0 : i32
      %dma_start3A_64 = arith.constant 0 : i32
      %dma_start3A_65 = tpu.memref_slice %arg10[%dma_start3A_62, %dma_start3A_63, %dma_start3A_64] : memref<2x128x128xf32, #tpu.memory_space<vmem>> -> memref<1x128x128xf32, #tpu.memory_space<vmem>>
      %dma_start3A_66 = tpu.memref_squeeze %dma_start3A_65 : memref<1x128x128xf32, #tpu.memory_space<vmem>> -> memref<128x128xf32, #tpu.memory_space<vmem>>
      %dma_start3A_67 = arith.constant 0 : i32
      %dma_start3A_68 = tpu.memref_slice %arg8[%dma_start3A_61, %dma_start3A_67] : memref<2x128xi32, #tpu.memory_space<vmem>> -> memref<1x128xi32, #tpu.memory_space<vmem>>
      %dma_start3A_69 = tpu.memref_squeeze %dma_start3A_68 : memref<1x128xi32, #tpu.memory_space<vmem>> -> memref<128xi32, #tpu.memory_space<vmem>>
      %dma_start3A_70 = arith.constant 0 : i32
      %dma_start3A_71 = arith.constant 0 : i32
      %dma_start3A_72 = tpu.memref_slice %arg2[%dma_start3A_70, %dma_start3A_71] : memref<10240x128xf32, #tpu.memory_space<hbm>> -> memref<10240x128xf32, #tpu.memory_space<hbm>>
      tpu.enqueue_indirect_dma source(%dma_start3A_72 : memref<10240x128xf32, #tpu.memory_space<hbm>>) target(%dma_start3A_66 : memref<128x128xf32, #tpu.memory_space<vmem>>) offsets(%dma_start3A_69 : memref<128xi32, #tpu.memory_space<vmem>>) semaphore(%arg12 : memref<!tpu.dma_semaphore, #tpu.memory_space<semaphore_mem>>)
      %dma_wait3A = arith.constant 0 : i32
      %dma_wait3A_73 = arith.constant 0 : i32
      %dma_wait3A_74 = arith.constant 0 : i32
      %dma_wait3A_75 = arith.constant 0 : i32
      %dma_wait3A_76 = tpu.memref_slice %arg10[%dma_wait3A_73, %dma_wait3A_74, %dma_wait3A_75] : memref<2x128x128xf32, #tpu.memory_space<vmem>> -> memref<1x128x128xf32, #tpu.memory_space<vmem>>
      %dma_wait3A_77 = tpu.memref_squeeze %dma_wait3A_76 : memref<1x128x128xf32, #tpu.memory_space<vmem>> -> memref<128x128xf32, #tpu.memory_space<vmem>>
      %dma_wait3A_78 = arith.constant 0 : i32
      %dma_wait3A_79 = tpu.memref_slice %arg8[%dma_wait3A, %dma_wait3A_78] : memref<2x128xi32, #tpu.memory_space<vmem>> -> memref<1x128xi32, #tpu.memory_space<vmem>>
      %dma_wait3A_80 = tpu.memref_squeeze %dma_wait3A_79 : memref<1x128xi32, #tpu.memory_space<vmem>> -> memref<128xi32, #tpu.memory_space<vmem>>
      %dma_wait3A_81 = arith.constant 0 : i32
      %dma_wait3A_82 = arith.constant 0 : i32
      %dma_wait3A_83 = tpu.memref_slice %arg2[%dma_wait3A_81, %dma_wait3A_82] : memref<10240x128xf32, #tpu.memory_space<hbm>> -> memref<10240x128xf32, #tpu.memory_space<hbm>>
      tpu.wait_indirect_dma semaphore(%arg11 : memref<!tpu.dma_semaphore, #tpu.memory_space<semaphore_mem>>) src(%dma_wait3A_83 : memref<10240x128xf32, #tpu.memory_space<hbm>>) dst(%dma_wait3A_77 : memref<128x128xf32, #tpu.memory_space<vmem>>)
      %run_scoped3A_84 = arith.constant 0 : i32
      %run_scoped3A_85 = arith.constant 0 : i32
      "tpu.region"() ({
        %run_scoped3A_100 = tpu.sem_alloc : memref<!tpu.dma_semaphore, #tpu.memory_space<semaphore_mem>>
        %dma_start3A_101 = arith.constant 0 : i32
        %dma_start3A_102 = arith.constant 0 : i32
        %dma_start3A_103 = tpu.memref_slice %arg10[%run_scoped3A_84, %dma_start3A_101, %dma_start3A_102] : memref<2x128x128xf32, #tpu.memory_space<vmem>> -> memref<1x128x128xf32, #tpu.memory_space<vmem>>
        %dma_start3A_104 = tpu.memref_squeeze %dma_start3A_103 : memref<1x128x128xf32, #tpu.memory_space<vmem>> -> memref<128x128xf32, #tpu.memory_space<vmem>>
        %dma_start3A_105 = arith.constant 0 : i32
        %dma_start3A_106 = tpu.memref_slice %arg9[%run_scoped3A_85, %dma_start3A_105] : memref<2x128xi32, #tpu.memory_space<vmem>> -> memref<1x128xi32, #tpu.memory_space<vmem>>
        %dma_start3A_107 = tpu.memref_squeeze %dma_start3A_106 : memref<1x128xi32, #tpu.memory_space<vmem>> -> memref<128xi32, #tpu.memory_space<vmem>>
        %dma_start3A_108 = arith.constant 0 : i32
        %dma_start3A_109 = arith.constant 0 : i32
        %dma_start3A_110 = tpu.memref_slice %arg7[%dma_start3A_108, %dma_start3A_109] : memref<10240x128xf32, #tpu.memory_space<vmem_shared>> -> memref<10240x128xf32, #tpu.memory_space<vmem_shared>>
        tpu.enqueue_indirect_dma source(%dma_start3A_104 : memref<128x128xf32, #tpu.memory_space<vmem>>) target(%dma_start3A_110 : memref<10240x128xf32, #tpu.memory_space<vmem_shared>>) offsets(%dma_start3A_107 : memref<128xi32, #tpu.memory_space<vmem>>) semaphore(%run_scoped3A_100 : memref<!tpu.dma_semaphore, #tpu.memory_space<semaphore_mem>>) {add = true}
        %dma_wait3A_111 = arith.constant 0 : i32
        %dma_wait3A_112 = arith.constant 0 : i32
        %dma_wait3A_113 = tpu.memref_slice %arg10[%run_scoped3A_84, %dma_wait3A_111, %dma_wait3A_112] : memref<2x128x128xf32, #tpu.memory_space<vmem>> -> memref<1x128x128xf32, #tpu.memory_space<vmem>>
        %dma_wait3A_114 = tpu.memref_squeeze %dma_wait3A_113 : memref<1x128x128xf32, #tpu.memory_space<vmem>> -> memref<128x128xf32, #tpu.memory_space<vmem>>
        %dma_wait3A_115 = arith.constant 0 : i32
        %dma_wait3A_116 = tpu.memref_slice %arg9[%run_scoped3A_85, %dma_wait3A_115] : memref<2x128xi32, #tpu.memory_space<vmem>> -> memref<1x128xi32, #tpu.memory_space<vmem>>
        %dma_wait3A_117 = tpu.memref_squeeze %dma_wait3A_116 : memref<1x128xi32, #tpu.memory_space<vmem>> -> memref<128xi32, #tpu.memory_space<vmem>>
        %dma_wait3A_118 = arith.constant 0 : i32
        %dma_wait3A_119 = arith.constant 0 : i32
        %dma_wait3A_120 = tpu.memref_slice %arg7[%dma_wait3A_118, %dma_wait3A_119] : memref<10240x128xf32, #tpu.memory_space<vmem_shared>> -> memref<10240x128xf32, #tpu.memory_space<vmem_shared>>
        tpu.wait_indirect_dma semaphore(%run_scoped3A_100 : memref<!tpu.dma_semaphore, #tpu.memory_space<semaphore_mem>>) src(%dma_wait3A_114 : memref<128x128xf32, #tpu.memory_space<vmem>>) dst(%dma_wait3A_120 : memref<10240x128xf32, #tpu.memory_space<vmem_shared>>)
        tpu.yield
      }) : () -> ()
      %dma_wait3A_86 = arith.constant 1 : i32
      %dma_wait3A_87 = arith.constant 1 : i32
      %dma_wait3A_88 = arith.constant 0 : i32
      %dma_wait3A_89 = arith.constant 0 : i32
      %dma_wait3A_90 = tpu.memref_slice %arg10[%dma_wait3A_87, %dma_wait3A_88, %dma_wait3A_89] : memref<2x128x128xf32, #tpu.memory_space<vmem>> -> memref<1x128x128xf32, #tpu.memory_space<vmem>>
      %dma_wait3A_91 = tpu.memref_squeeze %dma_wait3A_90 : memref<1x128x128xf32, #tpu.memory_space<vmem>> -> memref<128x128xf32, #tpu.memory_space<vmem>>
      %dma_wait3A_92 = arith.constant 0 : i32
      %dma_wait3A_93 = tpu.memref_slice %arg8[%dma_wait3A_86, %dma_wait3A_92] : memref<2x128xi32, #tpu.memory_space<vmem>> -> memref<1x128xi32, #tpu.memory_space<vmem>>
      %dma_wait3A_94 = tpu.memref_squeeze %dma_wait3A_93 : memref<1x128xi32, #tpu.memory_space<vmem>> -> memref<128xi32, #tpu.memory_space<vmem>>
      %dma_wait3A_95 = arith.constant 0 : i32
      %dma_wait3A_96 = arith.constant 0 : i32
      %dma_wait3A_97 = tpu.memref_slice %arg2[%dma_wait3A_95, %dma_wait3A_96] : memref<10240x128xf32, #tpu.memory_space<hbm>> -> memref<10240x128xf32, #tpu.memory_space<hbm>>
      tpu.wait_indirect_dma semaphore(%arg12 : memref<!tpu.dma_semaphore, #tpu.memory_space<semaphore_mem>>) src(%dma_wait3A_97 : memref<10240x128xf32, #tpu.memory_space<hbm>>) dst(%dma_wait3A_91 : memref<128x128xf32, #tpu.memory_space<vmem>>)
      %run_scoped3A_98 = arith.constant 1 : i32
      %run_scoped3A_99 = arith.constant 1 : i32
      "tpu.region"() ({
        %run_scoped3A_100 = tpu.sem_alloc : memref<!tpu.dma_semaphore, #tpu.memory_space<semaphore_mem>>
        %dma_start3A_101 = arith.constant 0 : i32
        %dma_start3A_102 = arith.constant 0 : i32
        %dma_start3A_103 = tpu.memref_slice %arg10[%run_scoped3A_98, %dma_start3A_101, %dma_start3A_102] : memref<2x128x128xf32, #tpu.memory_space<vmem>> -> memref<1x128x128xf32, #tpu.memory_space<vmem>>
        %dma_start3A_104 = tpu.memref_squeeze %dma_start3A_103 : memref<1x128x128xf32, #tpu.memory_space<vmem>> -> memref<128x128xf32, #tpu.memory_space<vmem>>
        %dma_start3A_105 = arith.constant 0 : i32
        %dma_start3A_106 = tpu.memref_slice %arg9[%run_scoped3A_99, %dma_start3A_105] : memref<2x128xi32, #tpu.memory_space<vmem>> -> memref<1x128xi32, #tpu.memory_space<vmem>>
        %dma_start3A_107 = tpu.memref_squeeze %dma_start3A_106 : memref<1x128xi32, #tpu.memory_space<vmem>> -> memref<128xi32, #tpu.memory_space<vmem>>
        %dma_start3A_108 = arith.constant 0 : i32
        %dma_start3A_109 = arith.constant 0 : i32
        %dma_start3A_110 = tpu.memref_slice %arg7[%dma_start3A_108, %dma_start3A_109] : memref<10240x128xf32, #tpu.memory_space<vmem_shared>> -> memref<10240x128xf32, #tpu.memory_space<vmem_shared>>
        tpu.enqueue_indirect_dma source(%dma_start3A_104 : memref<128x128xf32, #tpu.memory_space<vmem>>) target(%dma_start3A_110 : memref<10240x128xf32, #tpu.memory_space<vmem_shared>>) offsets(%dma_start3A_107 : memref<128xi32, #tpu.memory_space<vmem>>) semaphore(%run_scoped3A_100 : memref<!tpu.dma_semaphore, #tpu.memory_space<semaphore_mem>>) {add = true}
        %dma_wait3A_111 = arith.constant 0 : i32
        %dma_wait3A_112 = arith.constant 0 : i32
        %dma_wait3A_113 = tpu.memref_slice %arg10[%run_scoped3A_98, %dma_wait3A_111, %dma_wait3A_112] : memref<2x128x128xf32, #tpu.memory_space<vmem>> -> memref<1x128x128xf32, #tpu.memory_space<vmem>>
        %dma_wait3A_114 = tpu.memref_squeeze %dma_wait3A_113 : memref<1x128x128xf32, #tpu.memory_space<vmem>> -> memref<128x128xf32, #tpu.memory_space<vmem>>
        %dma_wait3A_115 = arith.constant 0 : i32
        %dma_wait3A_116 = tpu.memref_slice %arg9[%run_scoped3A_99, %dma_wait3A_115] : memref<2x128xi32, #tpu.memory_space<vmem>> -> memref<1x128xi32, #tpu.memory_space<vmem>>
        %dma_wait3A_117 = tpu.memref_squeeze %dma_wait3A_116 : memref<1x128xi32, #tpu.memory_space<vmem>> -> memref<128xi32, #tpu.memory_space<vmem>>
        %dma_wait3A_118 = arith.constant 0 : i32
        %dma_wait3A_119 = arith.constant 0 : i32
        %dma_wait3A_120 = tpu.memref_slice %arg7[%dma_wait3A_118, %dma_wait3A_119] : memref<10240x128xf32, #tpu.memory_space<vmem_shared>> -> memref<10240x128xf32, #tpu.memory_space<vmem_shared>>
        tpu.wait_indirect_dma semaphore(%run_scoped3A_100 : memref<!tpu.dma_semaphore, #tpu.memory_space<semaphore_mem>>) src(%dma_wait3A_114 : memref<128x128xf32, #tpu.memory_space<vmem>>) dst(%dma_wait3A_120 : memref<10240x128xf32, #tpu.memory_space<vmem_shared>>)
        tpu.yield
      }) : () -> ()
    }
    %while3A_14 = arith.constant 1 : i32
    scf.for %while3A_45 = %while3A_12 to %while3A_8 step %while3A_14  : i32 {
      %mul3A_46 = arith.constant 2 : i32
      %mul3A_47 = arith.muli %mul3A_46, %while3A_45 : i32
      "tpu.region"() ({
        %run_scoped3A_100 = tpu.sem_alloc : memref<!tpu.dma_semaphore, #tpu.memory_space<semaphore_mem>>
        %dma_start3A_101 = arith.constant 0 : i32
        %dma_start3A_102 = tpu.memref_slice %arg3[%add3A, %mul3A_47, %dma_start3A_101] : memref<32x120x128xi32, #tpu.memory_space<hbm>> -> memref<1x2x128xi32, #tpu.memory_space<hbm>>
        %dma_start3A_103 = tpu.memref_squeeze %dma_start3A_102 : memref<1x2x128xi32, #tpu.memory_space<hbm>> -> memref<2x128xi32, #tpu.memory_space<hbm>>
        %dma_start3A_104 = arith.constant 0 : i32
        %dma_start3A_105 = tpu.memref_slice %arg3[%add3A, %mul3A_47, %dma_start3A_104] : memref<32x120x128xi32, #tpu.memory_space<hbm>> -> memref<1x2x128xi32, #tpu.memory_space<hbm>>
        %dma_start3A_106 = tpu.memref_squeeze %dma_start3A_105 : memref<1x2x128xi32, #tpu.memory_space<hbm>> -> memref<2x128xi32, #tpu.memory_space<hbm>>
        tpu.enqueue_dma source(%dma_start3A_106 : memref<2x128xi32, #tpu.memory_space<hbm>>) target(%arg8 : memref<2x128xi32, #tpu.memory_space<vmem>>) target_semaphore(%run_scoped3A_100 : memref<!tpu.dma_semaphore, #tpu.memory_space<semaphore_mem>>)
        %dma_wait3A_107 = arith.constant 0 : i32
        %dma_wait3A_108 = tpu.memref_slice %arg3[%add3A, %mul3A_47, %dma_wait3A_107] : memref<32x120x128xi32, #tpu.memory_space<hbm>> -> memref<1x2x128xi32, #tpu.memory_space<hbm>>
        %dma_wait3A_109 = tpu.memref_squeeze %dma_wait3A_108 : memref<1x2x128xi32, #tpu.memory_space<hbm>> -> memref<2x128xi32, #tpu.memory_space<hbm>>
        %dma_wait3A_110 = arith.constant 0 : i32
        %dma_wait3A_111 = tpu.memref_slice %arg3[%add3A, %mul3A_47, %dma_wait3A_110] : memref<32x120x128xi32, #tpu.memory_space<hbm>> -> memref<1x2x128xi32, #tpu.memory_space<hbm>>
        %dma_wait3A_112 = tpu.memref_squeeze %dma_wait3A_111 : memref<1x2x128xi32, #tpu.memory_space<hbm>> -> memref<2x128xi32, #tpu.memory_space<hbm>>
        tpu.wait_dma2 semaphore(%run_scoped3A_100 : memref<!tpu.dma_semaphore, #tpu.memory_space<semaphore_mem>>) src(%dma_wait3A_112 : memref<2x128xi32, #tpu.memory_space<hbm>>) dst(%arg8 : memref<2x128xi32, #tpu.memory_space<vmem>>)
        tpu.yield
      }) : () -> ()
      %mul3A_48 = arith.constant 2 : i32
      %mul3A_49 = arith.muli %mul3A_48, %while3A_45 : i32
      "tpu.region"() ({
        %run_scoped3A_100 = tpu.sem_alloc : memref<!tpu.dma_semaphore, #tpu.memory_space<semaphore_mem>>
        %dma_start3A_101 = arith.constant 0 : i32
        %dma_start3A_102 = tpu.memref_slice %arg4[%add3A, %mul3A_49, %dma_start3A_101] : memref<32x120x128xi32, #tpu.memory_space<hbm>> -> memref<1x2x128xi32, #tpu.memory_space<hbm>>
        %dma_start3A_103 = tpu.memref_squeeze %dma_start3A_102 : memref<1x2x128xi32, #tpu.memory_space<hbm>> -> memref<2x128xi32, #tpu.memory_space<hbm>>
        %dma_start3A_104 = arith.constant 0 : i32
        %dma_start3A_105 = tpu.memref_slice %arg4[%add3A, %mul3A_49, %dma_start3A_104] : memref<32x120x128xi32, #tpu.memory_space<hbm>> -> memref<1x2x128xi32, #tpu.memory_space<hbm>>
        %dma_start3A_106 = tpu.memref_squeeze %dma_start3A_105 : memref<1x2x128xi32, #tpu.memory_space<hbm>> -> memref<2x128xi32, #tpu.memory_space<hbm>>
        tpu.enqueue_dma source(%dma_start3A_106 : memref<2x128xi32, #tpu.memory_space<hbm>>) target(%arg9 : memref<2x128xi32, #tpu.memory_space<vmem>>) target_semaphore(%run_scoped3A_100 : memref<!tpu.dma_semaphore, #tpu.memory_space<semaphore_mem>>)
        %dma_wait3A_107 = arith.constant 0 : i32
        %dma_wait3A_108 = tpu.memref_slice %arg4[%add3A, %mul3A_49, %dma_wait3A_107] : memref<32x120x128xi32, #tpu.memory_space<hbm>> -> memref<1x2x128xi32, #tpu.memory_space<hbm>>
        %dma_wait3A_109 = tpu.memref_squeeze %dma_wait3A_108 : memref<1x2x128xi32, #tpu.memory_space<hbm>> -> memref<2x128xi32, #tpu.memory_space<hbm>>
        %dma_wait3A_110 = arith.constant 0 : i32
        %dma_wait3A_111 = tpu.memref_slice %arg4[%add3A, %mul3A_49, %dma_wait3A_110] : memref<32x120x128xi32, #tpu.memory_space<hbm>> -> memref<1x2x128xi32, #tpu.memory_space<hbm>>
        %dma_wait3A_112 = tpu.memref_squeeze %dma_wait3A_111 : memref<1x2x128xi32, #tpu.memory_space<hbm>> -> memref<2x128xi32, #tpu.memory_space<hbm>>
        tpu.wait_dma2 semaphore(%run_scoped3A_100 : memref<!tpu.dma_semaphore, #tpu.memory_space<semaphore_mem>>) src(%dma_wait3A_112 : memref<2x128xi32, #tpu.memory_space<hbm>>) dst(%arg9 : memref<2x128xi32, #tpu.memory_space<vmem>>)
        tpu.yield
      }) : () -> ()
      %dma_start3A = arith.constant 0 : i32
      %dma_start3A_50 = arith.constant 0 : i32
      %dma_start3A_51 = arith.constant 0 : i32
      %dma_start3A_52 = arith.constant 0 : i32
      %dma_start3A_53 = tpu.memref_slice %arg10[%dma_start3A_50, %dma_start3A_51, %dma_start3A_52] : memref<2x128x128xf32, #tpu.memory_space<vmem>> -> memref<1x128x128xf32, #tpu.memory_space<vmem>>
      %dma_start3A_54 = tpu.memref_squeeze %dma_start3A_53 : memref<1x128x128xf32, #tpu.memory_space<vmem>> -> memref<128x128xf32, #tpu.memory_space<vmem>>
      %dma_start3A_55 = arith.constant 0 : i32
      %dma_start3A_56 = tpu.memref_slice %arg8[%dma_start3A, %dma_start3A_55] : memref<2x128xi32, #tpu.memory_space<vmem>> -> memref<1x128xi32, #tpu.memory_space<vmem>>
      %dma_start3A_57 = tpu.memref_squeeze %dma_start3A_56 : memref<1x128xi32, #tpu.memory_space<vmem>> -> memref<128xi32, #tpu.memory_space<vmem>>
      %dma_start3A_58 = arith.constant 0 : i32
      %dma_start3A_59 = arith.constant 0 : i32
      %dma_start3A_60 = tpu.memref_slice %arg2[%dma_start3A_58, %dma_start3A_59] : memref<10240x128xf32, #tpu.memory_space<hbm>> -> memref<10240x128xf32, #tpu.memory_space<hbm>>
      tpu.enqueue_indirect_dma source(%dma_start3A_60 : memref<10240x128xf32, #tpu.memory_space<hbm>>) target(%dma_start3A_54 : memref<128x128xf32, #tpu.memory_space<vmem>>) offsets(%dma_start3A_57 : memref<128xi32, #tpu.memory_space<vmem>>) semaphore(%arg11 : memref<!tpu.dma_semaphore, #tpu.memory_space<semaphore_mem>>)
      %dma_start3A_61 = arith.constant 1 : i32
      %dma_start3A_62 = arith.constant 1 : i32
      %dma_start3A_63 = arith.constant 0 : i32
      %dma_start3A_64 = arith.constant 0 : i32
      %dma_start3A_65 = tpu.memref_slice %arg10[%dma_start3A_62, %dma_start3A_63, %dma_start3A_64] : memref<2x128x128xf32, #tpu.memory_space<vmem>> -> memref<1x128x128xf32, #tpu.memory_space<vmem>>
      %dma_start3A_66 = tpu.memref_squeeze %dma_start3A_65 : memref<1x128x128xf32, #tpu.memory_space<vmem>> -> memref<128x128xf32, #tpu.memory_space<vmem>>
      %dma_start3A_67 = arith.constant 0 : i32
      %dma_start3A_68 = tpu.memref_slice %arg8[%dma_start3A_61, %dma_start3A_67] : memref<2x128xi32, #tpu.memory_space<vmem>> -> memref<1x128xi32, #tpu.memory_space<vmem>>
      %dma_start3A_69 = tpu.memref_squeeze %dma_start3A_68 : memref<1x128xi32, #tpu.memory_space<vmem>> -> memref<128xi32, #tpu.memory_space<vmem>>
      %dma_start3A_70 = arith.constant 0 : i32
      %dma_start3A_71 = arith.constant 0 : i32
      %dma_start3A_72 = tpu.memref_slice %arg2[%dma_start3A_70, %dma_start3A_71] : memref<10240x128xf32, #tpu.memory_space<hbm>> -> memref<10240x128xf32, #tpu.memory_space<hbm>>
      tpu.enqueue_indirect_dma source(%dma_start3A_72 : memref<10240x128xf32, #tpu.memory_space<hbm>>) target(%dma_start3A_66 : memref<128x128xf32, #tpu.memory_space<vmem>>) offsets(%dma_start3A_69 : memref<128xi32, #tpu.memory_space<vmem>>) semaphore(%arg12 : memref<!tpu.dma_semaphore, #tpu.memory_space<semaphore_mem>>)
      %dma_wait3A = arith.constant 0 : i32
      %dma_wait3A_73 = arith.constant 0 : i32
      %dma_wait3A_74 = arith.constant 0 : i32
      %dma_wait3A_75 = arith.constant 0 : i32
      %dma_wait3A_76 = tpu.memref_slice %arg10[%dma_wait3A_73, %dma_wait3A_74, %dma_wait3A_75] : memref<2x128x128xf32, #tpu.memory_space<vmem>> -> memref<1x128x128xf32, #tpu.memory_space<vmem>>
      %dma_wait3A_77 = tpu.memref_squeeze %dma_wait3A_76 : memref<1x128x128xf32, #tpu.memory_space<vmem>> -> memref<128x128xf32, #tpu.memory_space<vmem>>
      %dma_wait3A_78 = arith.constant 0 : i32
      %dma_wait3A_79 = tpu.memref_slice %arg8[%dma_wait3A, %dma_wait3A_78] : memref<2x128xi32, #tpu.memory_space<vmem>> -> memref<1x128xi32, #tpu.memory_space<vmem>>
      %dma_wait3A_80 = tpu.memref_squeeze %dma_wait3A_79 : memref<1x128xi32, #tpu.memory_space<vmem>> -> memref<128xi32, #tpu.memory_space<vmem>>
      %dma_wait3A_81 = arith.constant 0 : i32
      %dma_wait3A_82 = arith.constant 0 : i32
      %dma_wait3A_83 = tpu.memref_slice %arg2[%dma_wait3A_81, %dma_wait3A_82] : memref<10240x128xf32, #tpu.memory_space<hbm>> -> memref<10240x128xf32, #tpu.memory_space<hbm>>
      tpu.wait_indirect_dma semaphore(%arg11 : memref<!tpu.dma_semaphore, #tpu.memory_space<semaphore_mem>>) src(%dma_wait3A_83 : memref<10240x128xf32, #tpu.memory_space<hbm>>) dst(%dma_wait3A_77 : memref<128x128xf32, #tpu.memory_space<vmem>>)
      %run_scoped3A_84 = arith.constant 0 : i32
      %run_scoped3A_85 = arith.constant 0 : i32
      "tpu.region"() ({
        %run_scoped3A_100 = tpu.sem_alloc : memref<!tpu.dma_semaphore, #tpu.memory_space<semaphore_mem>>
        %dma_start3A_101 = arith.constant 0 : i32
        %dma_start3A_102 = arith.constant 0 : i32
        %dma_start3A_103 = tpu.memref_slice %arg10[%run_scoped3A_84, %dma_start3A_101, %dma_start3A_102] : memref<2x128x128xf32, #tpu.memory_space<vmem>> -> memref<1x128x128xf32, #tpu.memory_space<vmem>>
        %dma_start3A_104 = tpu.memref_squeeze %dma_start3A_103 : memref<1x128x128xf32, #tpu.memory_space<vmem>> -> memref<128x128xf32, #tpu.memory_space<vmem>>
        %dma_start3A_105 = arith.constant 0 : i32
        %dma_start3A_106 = tpu.memref_slice %arg9[%run_scoped3A_85, %dma_start3A_105] : memref<2x128xi32, #tpu.memory_space<vmem>> -> memref<1x128xi32, #tpu.memory_space<vmem>>
        %dma_start3A_107 = tpu.memref_squeeze %dma_start3A_106 : memref<1x128xi32, #tpu.memory_space<vmem>> -> memref<128xi32, #tpu.memory_space<vmem>>
        %dma_start3A_108 = arith.constant 0 : i32
        %dma_start3A_109 = arith.constant 0 : i32
        %dma_start3A_110 = tpu.memref_slice %arg7[%dma_start3A_108, %dma_start3A_109] : memref<10240x128xf32, #tpu.memory_space<vmem_shared>> -> memref<10240x128xf32, #tpu.memory_space<vmem_shared>>
        tpu.enqueue_indirect_dma source(%dma_start3A_104 : memref<128x128xf32, #tpu.memory_space<vmem>>) target(%dma_start3A_110 : memref<10240x128xf32, #tpu.memory_space<vmem_shared>>) offsets(%dma_start3A_107 : memref<128xi32, #tpu.memory_space<vmem>>) semaphore(%run_scoped3A_100 : memref<!tpu.dma_semaphore, #tpu.memory_space<semaphore_mem>>) {add = true}
        %dma_wait3A_111 = arith.constant 0 : i32
        %dma_wait3A_112 = arith.constant 0 : i32
        %dma_wait3A_113 = tpu.memref_slice %arg10[%run_scoped3A_84, %dma_wait3A_111, %dma_wait3A_112] : memref<2x128x128xf32, #tpu.memory_space<vmem>> -> memref<1x128x128xf32, #tpu.memory_space<vmem>>
        %dma_wait3A_114 = tpu.memref_squeeze %dma_wait3A_113 : memref<1x128x128xf32, #tpu.memory_space<vmem>> -> memref<128x128xf32, #tpu.memory_space<vmem>>
        %dma_wait3A_115 = arith.constant 0 : i32
        %dma_wait3A_116 = tpu.memref_slice %arg9[%run_scoped3A_85, %dma_wait3A_115] : memref<2x128xi32, #tpu.memory_space<vmem>> -> memref<1x128xi32, #tpu.memory_space<vmem>>
        %dma_wait3A_117 = tpu.memref_squeeze %dma_wait3A_116 : memref<1x128xi32, #tpu.memory_space<vmem>> -> memref<128xi32, #tpu.memory_space<vmem>>
        %dma_wait3A_118 = arith.constant 0 : i32
        %dma_wait3A_119 = arith.constant 0 : i32
        %dma_wait3A_120 = tpu.memref_slice %arg7[%dma_wait3A_118, %dma_wait3A_119] : memref<10240x128xf32, #tpu.memory_space<vmem_shared>> -> memref<10240x128xf32, #tpu.memory_space<vmem_shared>>
        tpu.wait_indirect_dma semaphore(%run_scoped3A_100 : memref<!tpu.dma_semaphore, #tpu.memory_space<semaphore_mem>>) src(%dma_wait3A_114 : memref<128x128xf32, #tpu.memory_space<vmem>>) dst(%dma_wait3A_120 : memref<10240x128xf32, #tpu.memory_space<vmem_shared>>)
        tpu.yield
      }) : () -> ()
      %dma_wait3A_86 = arith.constant 1 : i32
      %dma_wait3A_87 = arith.constant 1 : i32
      %dma_wait3A_88 = arith.constant 0 : i32
      %dma_wait3A_89 = arith.constant 0 : i32
      %dma_wait3A_90 = tpu.memref_slice %arg10[%dma_wait3A_87, %dma_wait3A_88, %dma_wait3A_89] : memref<2x128x128xf32, #tpu.memory_space<vmem>> -> memref<1x128x128xf32, #tpu.memory_space<vmem>>
      %dma_wait3A_91 = tpu.memref_squeeze %dma_wait3A_90 : memref<1x128x128xf32, #tpu.memory_space<vmem>> -> memref<128x128xf32, #tpu.memory_space<vmem>>
      %dma_wait3A_92 = arith.constant 0 : i32
      %dma_wait3A_93 = tpu.memref_slice %arg8[%dma_wait3A_86, %dma_wait3A_92] : memref<2x128xi32, #tpu.memory_space<vmem>> -> memref<1x128xi32, #tpu.memory_space<vmem>>
      %dma_wait3A_94 = tpu.memref_squeeze %dma_wait3A_93 : memref<1x128xi32, #tpu.memory_space<vmem>> -> memref<128xi32, #tpu.memory_space<vmem>>
      %dma_wait3A_95 = arith.constant 0 : i32
      %dma_wait3A_96 = arith.constant 0 : i32
      %dma_wait3A_97 = tpu.memref_slice %arg2[%dma_wait3A_95, %dma_wait3A_96] : memref<10240x128xf32, #tpu.memory_space<hbm>> -> memref<10240x128xf32, #tpu.memory_space<hbm>>
      tpu.wait_indirect_dma semaphore(%arg12 : memref<!tpu.dma_semaphore, #tpu.memory_space<semaphore_mem>>) src(%dma_wait3A_97 : memref<10240x128xf32, #tpu.memory_space<hbm>>) dst(%dma_wait3A_91 : memref<128x128xf32, #tpu.memory_space<vmem>>)
      %run_scoped3A_98 = arith.constant 1 : i32
      %run_scoped3A_99 = arith.constant 1 : i32
      "tpu.region"() ({
        %run_scoped3A_100 = tpu.sem_alloc : memref<!tpu.dma_semaphore, #tpu.memory_space<semaphore_mem>>
        %dma_start3A_101 = arith.constant 0 : i32
        %dma_start3A_102 = arith.constant 0 : i32
        %dma_start3A_103 = tpu.memref_slice %arg10[%run_scoped3A_98, %dma_start3A_101, %dma_start3A_102] : memref<2x128x128xf32, #tpu.memory_space<vmem>> -> memref<1x128x128xf32, #tpu.memory_space<vmem>>
        %dma_start3A_104 = tpu.memref_squeeze %dma_start3A_103 : memref<1x128x128xf32, #tpu.memory_space<vmem>> -> memref<128x128xf32, #tpu.memory_space<vmem>>
        %dma_start3A_105 = arith.constant 0 : i32
        %dma_start3A_106 = tpu.memref_slice %arg9[%run_scoped3A_99, %dma_start3A_105] : memref<2x128xi32, #tpu.memory_space<vmem>> -> memref<1x128xi32, #tpu.memory_space<vmem>>
        %dma_start3A_107 = tpu.memref_squeeze %dma_start3A_106 : memref<1x128xi32, #tpu.memory_space<vmem>> -> memref<128xi32, #tpu.memory_space<vmem>>
        %dma_start3A_108 = arith.constant 0 : i32
        %dma_start3A_109 = arith.constant 0 : i32
        %dma_start3A_110 = tpu.memref_slice %arg7[%dma_start3A_108, %dma_start3A_109] : memref<10240x128xf32, #tpu.memory_space<vmem_shared>> -> memref<10240x128xf32, #tpu.memory_space<vmem_shared>>
        tpu.enqueue_indirect_dma source(%dma_start3A_104 : memref<128x128xf32, #tpu.memory_space<vmem>>) target(%dma_start3A_110 : memref<10240x128xf32, #tpu.memory_space<vmem_shared>>) offsets(%dma_start3A_107 : memref<128xi32, #tpu.memory_space<vmem>>) semaphore(%run_scoped3A_100 : memref<!tpu.dma_semaphore, #tpu.memory_space<semaphore_mem>>) {add = true}
        %dma_wait3A_111 = arith.constant 0 : i32
        %dma_wait3A_112 = arith.constant 0 : i32
        %dma_wait3A_113 = tpu.memref_slice %arg10[%run_scoped3A_98, %dma_wait3A_111, %dma_wait3A_112] : memref<2x128x128xf32, #tpu.memory_space<vmem>> -> memref<1x128x128xf32, #tpu.memory_space<vmem>>
        %dma_wait3A_114 = tpu.memref_squeeze %dma_wait3A_113 : memref<1x128x128xf32, #tpu.memory_space<vmem>> -> memref<128x128xf32, #tpu.memory_space<vmem>>
        %dma_wait3A_115 = arith.constant 0 : i32
        %dma_wait3A_116 = tpu.memref_slice %arg9[%run_scoped3A_99, %dma_wait3A_115] : memref<2x128xi32, #tpu.memory_space<vmem>> -> memref<1x128xi32, #tpu.memory_space<vmem>>
        %dma_wait3A_117 = tpu.memref_squeeze %dma_wait3A_116 : memref<1x128xi32, #tpu.memory_space<vmem>> -> memref<128xi32, #tpu.memory_space<vmem>>
        %dma_wait3A_118 = arith.constant 0 : i32
        %dma_wait3A_119 = arith.constant 0 : i32
        %dma_wait3A_120 = tpu.memref_slice %arg7[%dma_wait3A_118, %dma_wait3A_119] : memref<10240x128xf32, #tpu.memory_space<vmem_shared>> -> memref<10240x128xf32, #tpu.memory_space<vmem_shared>>
        tpu.wait_indirect_dma semaphore(%run_scoped3A_100 : memref<!tpu.dma_semaphore, #tpu.memory_space<semaphore_mem>>) src(%dma_wait3A_114 : memref<128x128xf32, #tpu.memory_space<vmem>>) dst(%dma_wait3A_120 : memref<10240x128xf32, #tpu.memory_space<vmem_shared>>)
        tpu.yield
      }) : () -> ()
    }
    %barrier3A_15 = arith.constant 0 : index
    tpu.barrier barrier_id(%barrier3A_15)
    %mul3A_16 = arith.constant 640 : i32
    %mul3A_17 = arith.muli %arg1, %mul3A_16 : i32
    %add3A_18 = arith.constant 0 : i32
    %add3A_19 = arith.addi %mul3A_17, %add3A_18 : i32
    %run_scoped3A = arith.constant 0 : i32
    "tpu.region"() ({
      %run_scoped3A_45 = tpu.sem_alloc : memref<!tpu.dma_semaphore, #tpu.memory_space<semaphore_mem>>
      %dma_start3A = arith.constant 0 : i32
      %dma_start3A_46 = arith.constant 0 : i32
      %dma_start3A_47 = tpu.memref_slice %arg10[%run_scoped3A, %dma_start3A, %dma_start3A_46] : memref<2x128x128xf32, #tpu.memory_space<vmem>> -> memref<1x128x128xf32, #tpu.memory_space<vmem>>
      %dma_start3A_48 = tpu.memref_squeeze %dma_start3A_47 : memref<1x128x128xf32, #tpu.memory_space<vmem>> -> memref<128x128xf32, #tpu.memory_space<vmem>>
      %dma_start3A_49 = arith.constant 0 : i32
      %dma_start3A_50 = tpu.memref_slice %arg7[%add3A_19, %dma_start3A_49] : memref<10240x128xf32, #tpu.memory_space<vmem_shared>> -> memref<128x128xf32, #tpu.memory_space<vmem_shared>>
      %dma_start3A_51 = arith.constant 0 : i32
      %dma_start3A_52 = arith.constant 0 : i32
      %dma_start3A_53 = tpu.memref_slice %arg10[%run_scoped3A, %dma_start3A_51, %dma_start3A_52] : memref<2x128x128xf32, #tpu.memory_space<vmem>> -> memref<1x128x128xf32, #tpu.memory_space<vmem>>
      %dma_start3A_54 = tpu.memref_squeeze %dma_start3A_53 : memref<1x128x128xf32, #tpu.memory_space<vmem>> -> memref<128x128xf32, #tpu.memory_space<vmem>>
      %dma_start3A_55 = arith.constant 0 : i32
      %dma_start3A_56 = tpu.memref_slice %arg7[%add3A_19, %dma_start3A_55] : memref<10240x128xf32, #tpu.memory_space<vmem_shared>> -> memref<128x128xf32, #tpu.memory_space<vmem_shared>>
      tpu.enqueue_dma source(%dma_start3A_56 : memref<128x128xf32, #tpu.memory_space<vmem_shared>>) target(%dma_start3A_54 : memref<128x128xf32, #tpu.memory_space<vmem>>) target_semaphore(%run_scoped3A_45 : memref<!tpu.dma_semaphore, #tpu.memory_space<semaphore_mem>>)
      %dma_wait3A = arith.constant 0 : i32
      %dma_wait3A_57 = arith.constant 0 : i32
      %dma_wait3A_58 = tpu.memref_slice %arg10[%run_scoped3A, %dma_wait3A, %dma_wait3A_57] : memref<2x128x128xf32, #tpu.memory_space<vmem>> -> memref<1x128x128xf32, #tpu.memory_space<vmem>>
      %dma_wait3A_59 = tpu.memref_squeeze %dma_wait3A_58 : memref<1x128x128xf32, #tpu.memory_space<vmem>> -> memref<128x128xf32, #tpu.memory_space<vmem>>
      %dma_wait3A_60 = arith.constant 0 : i32
      %dma_wait3A_61 = tpu.memref_slice %arg7[%add3A_19, %dma_wait3A_60] : memref<10240x128xf32, #tpu.memory_space<vmem_shared>> -> memref<128x128xf32, #tpu.memory_space<vmem_shared>>
      %dma_wait3A_62 = arith.constant 0 : i32
      %dma_wait3A_63 = arith.constant 0 : i32
      %dma_wait3A_64 = tpu.memref_slice %arg10[%run_scoped3A, %dma_wait3A_62, %dma_wait3A_63] : memref<2x128x128xf32, #tpu.memory_space<vmem>> -> memref<1x128x128xf32, #tpu.memory_space<vmem>>
      %dma_wait3A_65 = tpu.memref_squeeze %dma_wait3A_64 : memref<1x128x128xf32, #tpu.memory_space<vmem>> -> memref<128x128xf32, #tpu.memory_space<vmem>>
      %dma_wait3A_66 = arith.constant 0 : i32
      %dma_wait3A_67 = tpu.memref_slice %arg7[%add3A_19, %dma_wait3A_66] : memref<10240x128xf32, #tpu.memory_space<vmem_shared>> -> memref<128x128xf32, #tpu.memory_space<vmem_shared>>
      tpu.wait_dma2 semaphore(%run_scoped3A_45 : memref<!tpu.dma_semaphore, #tpu.memory_space<semaphore_mem>>) src(%dma_wait3A_67 : memref<128x128xf32, #tpu.memory_space<vmem_shared>>) dst(%dma_wait3A_65 : memref<128x128xf32, #tpu.memory_space<vmem>>)
      tpu.yield
    }) : () -> ()
    %run_scoped3A_20 = arith.constant 0 : i32
    "tpu.region"() ({
      %run_scoped3A_45 = tpu.sem_alloc : memref<!tpu.dma_semaphore, #tpu.memory_space<semaphore_mem>>
      %dma_start3A = arith.constant 0 : i32
      %dma_start3A_46 = arith.constant 0 : i32
      %dma_start3A_47 = tpu.memref_slice %arg10[%run_scoped3A_20, %dma_start3A, %dma_start3A_46] : memref<2x128x128xf32, #tpu.memory_space<vmem>> -> memref<1x128x128xf32, #tpu.memory_space<vmem>>
      %dma_start3A_48 = tpu.memref_squeeze %dma_start3A_47 : memref<1x128x128xf32, #tpu.memory_space<vmem>> -> memref<128x128xf32, #tpu.memory_space<vmem>>
      %dma_start3A_49 = arith.constant 0 : i32
      %dma_start3A_50 = tpu.memref_slice %arg6[%arg0, %add3A_19, %dma_start3A_49] : memref<2x10240x128xf32, #tpu.memory_space<hbm>> -> memref<1x128x128xf32, #tpu.memory_space<hbm>>
      %dma_start3A_51 = tpu.memref_squeeze %dma_start3A_50 : memref<1x128x128xf32, #tpu.memory_space<hbm>> -> memref<128x128xf32, #tpu.memory_space<hbm>>
      %dma_start3A_52 = arith.constant 0 : i32
      %dma_start3A_53 = tpu.memref_slice %arg6[%arg0, %add3A_19, %dma_start3A_52] : memref<2x10240x128xf32, #tpu.memory_space<hbm>> -> memref<1x128x128xf32, #tpu.memory_space<hbm>>
      %dma_start3A_54 = tpu.memref_squeeze %dma_start3A_53 : memref<1x128x128xf32, #tpu.memory_space<hbm>> -> memref<128x128xf32, #tpu.memory_space<hbm>>
      %dma_start3A_55 = arith.constant 0 : i32
      %dma_start3A_56 = arith.constant 0 : i32
      %dma_start3A_57 = tpu.memref_slice %arg10[%run_scoped3A_20, %dma_start3A_55, %dma_start3A_56] : memref<2x128x128xf32, #tpu.memory_space<vmem>> -> memref<1x128x128xf32, #tpu.memory_space<vmem>>
      %dma_start3A_58 = tpu.memref_squeeze %dma_start3A_57 : memref<1x128x128xf32, #tpu.memory_space<vmem>> -> memref<128x128xf32, #tpu.memory_space<vmem>>
      tpu.enqueue_dma source(%dma_start3A_58 : memref<128x128xf32, #tpu.memory_space<vmem>>) target(%dma_start3A_54 : memref<128x128xf32, #tpu.memory_space<hbm>>) target_semaphore(%run_scoped3A_45 : memref<!tpu.dma_semaphore, #tpu.memory_space<semaphore_mem>>)
      %dma_wait3A = arith.constant 0 : i32
      %dma_wait3A_59 = arith.constant 0 : i32
      %dma_wait3A_60 = tpu.memref_slice %arg10[%run_scoped3A_20, %dma_wait3A, %dma_wait3A_59] : memref<2x128x128xf32, #tpu.memory_space<vmem>> -> memref<1x128x128xf32, #tpu.memory_space<vmem>>
      %dma_wait3A_61 = tpu.memref_squeeze %dma_wait3A_60 : memref<1x128x128xf32, #tpu.memory_space<vmem>> -> memref<128x128xf32, #tpu.memory_space<vmem>>
      %dma_wait3A_62 = arith.constant 0 : i32
      %dma_wait3A_63 = tpu.memref_slice %arg6[%arg0, %add3A_19, %dma_wait3A_62] : memref<2x10240x128xf32, #tpu.memory_space<hbm>> -> memref<1x128x128xf32, #tpu.memory_space<hbm>>
      %dma_wait3A_64 = tpu.memref_squeeze %dma_wait3A_63 : memref<1x128x128xf32, #tpu.memory_space<hbm>> -> memref<128x128xf32, #tpu.memory_space<hbm>>
      %dma_wait3A_65 = arith.constant 0 : i32
      %dma_wait3A_66 = tpu.memref_slice %arg6[%arg0, %add3A_19, %dma_wait3A_65] : memref<2x10240x128xf32, #tpu.memory_space<hbm>> -> memref<1x128x128xf32, #tpu.memory_space<hbm>>
      %dma_wait3A_67 = tpu.memref_squeeze %dma_wait3A_66 : memref<1x128x128xf32, #tpu.memory_space<hbm>> -> memref<128x128xf32, #tpu.memory_space<hbm>>
      %dma_wait3A_68 = arith.constant 0 : i32
      %dma_wait3A_69 = arith.constant 0 : i32
      %dma_wait3A_70 = tpu.memref_slice %arg10[%run_scoped3A_20, %dma_wait3A_68, %dma_wait3A_69] : memref<2x128x128xf32, #tpu.memory_space<vmem>> -> memref<1x128x128xf32, #tpu.memory_space<vmem>>
      %dma_wait3A_71 = tpu.memref_squeeze %dma_wait3A_70 : memref<1x128x128xf32, #tpu.memory_space<vmem>> -> memref<128x128xf32, #tpu.memory_space<vmem>>
      tpu.wait_dma2 semaphore(%run_scoped3A_45 : memref<!tpu.dma_semaphore, #tpu.memory_space<semaphore_mem>>) src(%dma_wait3A_71 : memref<128x128xf32, #tpu.memory_space<vmem>>) dst(%dma_wait3A_67 : memref<128x128xf32, #tpu.memory_space<hbm>>)
      tpu.yield
    }) : () -> ()
    %mul3A_21 = arith.constant 640 : i32
    %mul3A_22 = arith.muli %arg1, %mul3A_21 : i32
    %add3A_23 = arith.constant 128 : i32
    %add3A_24 = arith.addi %mul3A_22, %add3A_23 : i32
    %run_scoped3A_25 = arith.constant 0 : i32
    "tpu.region"() ({
      %run_scoped3A_45 = tpu.sem_alloc : memref<!tpu.dma_semaphore, #tpu.memory_space<semaphore_mem>>
      %dma_start3A = arith.constant 0 : i32
      %dma_start3A_46 = arith.constant 0 : i32
      %dma_start3A_47 = tpu.memref_slice %arg10[%run_scoped3A_25, %dma_start3A, %dma_start3A_46] : memref<2x128x128xf32, #tpu.memory_space<vmem>> -> memref<1x128x128xf32, #tpu.memory_space<vmem>>
      %dma_start3A_48 = tpu.memref_squeeze %dma_start3A_47 : memref<1x128x128xf32, #tpu.memory_space<vmem>> -> memref<128x128xf32, #tpu.memory_space<vmem>>
      %dma_start3A_49 = arith.constant 0 : i32
      %dma_start3A_50 = tpu.memref_slice %arg7[%add3A_24, %dma_start3A_49] : memref<10240x128xf32, #tpu.memory_space<vmem_shared>> -> memref<128x128xf32, #tpu.memory_space<vmem_shared>>
      %dma_start3A_51 = arith.constant 0 : i32
      %dma_start3A_52 = arith.constant 0 : i32
      %dma_start3A_53 = tpu.memref_slice %arg10[%run_scoped3A_25, %dma_start3A_51, %dma_start3A_52] : memref<2x128x128xf32, #tpu.memory_space<vmem>> -> memref<1x128x128xf32, #tpu.memory_space<vmem>>
      %dma_start3A_54 = tpu.memref_squeeze %dma_start3A_53 : memref<1x128x128xf32, #tpu.memory_space<vmem>> -> memref<128x128xf32, #tpu.memory_space<vmem>>
      %dma_start3A_55 = arith.constant 0 : i32
      %dma_start3A_56 = tpu.memref_slice %arg7[%add3A_24, %dma_start3A_55] : memref<10240x128xf32, #tpu.memory_space<vmem_shared>> -> memref<128x128xf32, #tpu.memory_space<vmem_shared>>
      tpu.enqueue_dma source(%dma_start3A_56 : memref<128x128xf32, #tpu.memory_space<vmem_shared>>) target(%dma_start3A_54 : memref<128x128xf32, #tpu.memory_space<vmem>>) target_semaphore(%run_scoped3A_45 : memref<!tpu.dma_semaphore, #tpu.memory_space<semaphore_mem>>)
      %dma_wait3A = arith.constant 0 : i32
      %dma_wait3A_57 = arith.constant 0 : i32
      %dma_wait3A_58 = tpu.memref_slice %arg10[%run_scoped3A_25, %dma_wait3A, %dma_wait3A_57] : memref<2x128x128xf32, #tpu.memory_space<vmem>> -> memref<1x128x128xf32, #tpu.memory_space<vmem>>
      %dma_wait3A_59 = tpu.memref_squeeze %dma_wait3A_58 : memref<1x128x128xf32, #tpu.memory_space<vmem>> -> memref<128x128xf32, #tpu.memory_space<vmem>>
      %dma_wait3A_60 = arith.constant 0 : i32
      %dma_wait3A_61 = tpu.memref_slice %arg7[%add3A_24, %dma_wait3A_60] : memref<10240x128xf32, #tpu.memory_space<vmem_shared>> -> memref<128x128xf32, #tpu.memory_space<vmem_shared>>
      %dma_wait3A_62 = arith.constant 0 : i32
      %dma_wait3A_63 = arith.constant 0 : i32
      %dma_wait3A_64 = tpu.memref_slice %arg10[%run_scoped3A_25, %dma_wait3A_62, %dma_wait3A_63] : memref<2x128x128xf32, #tpu.memory_space<vmem>> -> memref<1x128x128xf32, #tpu.memory_space<vmem>>
      %dma_wait3A_65 = tpu.memref_squeeze %dma_wait3A_64 : memref<1x128x128xf32, #tpu.memory_space<vmem>> -> memref<128x128xf32, #tpu.memory_space<vmem>>
      %dma_wait3A_66 = arith.constant 0 : i32
      %dma_wait3A_67 = tpu.memref_slice %arg7[%add3A_24, %dma_wait3A_66] : memref<10240x128xf32, #tpu.memory_space<vmem_shared>> -> memref<128x128xf32, #tpu.memory_space<vmem_shared>>
      tpu.wait_dma2 semaphore(%run_scoped3A_45 : memref<!tpu.dma_semaphore, #tpu.memory_space<semaphore_mem>>) src(%dma_wait3A_67 : memref<128x128xf32, #tpu.memory_space<vmem_shared>>) dst(%dma_wait3A_65 : memref<128x128xf32, #tpu.memory_space<vmem>>)
      tpu.yield
    }) : () -> ()
    %run_scoped3A_26 = arith.constant 0 : i32
    "tpu.region"() ({
      %run_scoped3A_45 = tpu.sem_alloc : memref<!tpu.dma_semaphore, #tpu.memory_space<semaphore_mem>>
      %dma_start3A = arith.constant 0 : i32
      %dma_start3A_46 = arith.constant 0 : i32
      %dma_start3A_47 = tpu.memref_slice %arg10[%run_scoped3A_26, %dma_start3A, %dma_start3A_46] : memref<2x128x128xf32, #tpu.memory_space<vmem>> -> memref<1x128x128xf32, #tpu.memory_space<vmem>>
      %dma_start3A_48 = tpu.memref_squeeze %dma_start3A_47 : memref<1x128x128xf32, #tpu.memory_space<vmem>> -> memref<128x128xf32, #tpu.memory_space<vmem>>
      %dma_start3A_49 = arith.constant 0 : i32
      %dma_start3A_50 = tpu.memref_slice %arg6[%arg0, %add3A_24, %dma_start3A_49] : memref<2x10240x128xf32, #tpu.memory_space<hbm>> -> memref<1x128x128xf32, #tpu.memory_space<hbm>>
      %dma_start3A_51 = tpu.memref_squeeze %dma_start3A_50 : memref<1x128x128xf32, #tpu.memory_space<hbm>> -> memref<128x128xf32, #tpu.memory_space<hbm>>
      %dma_start3A_52 = arith.constant 0 : i32
      %dma_start3A_53 = tpu.memref_slice %arg6[%arg0, %add3A_24, %dma_start3A_52] : memref<2x10240x128xf32, #tpu.memory_space<hbm>> -> memref<1x128x128xf32, #tpu.memory_space<hbm>>
      %dma_start3A_54 = tpu.memref_squeeze %dma_start3A_53 : memref<1x128x128xf32, #tpu.memory_space<hbm>> -> memref<128x128xf32, #tpu.memory_space<hbm>>
      %dma_start3A_55 = arith.constant 0 : i32
      %dma_start3A_56 = arith.constant 0 : i32
      %dma_start3A_57 = tpu.memref_slice %arg10[%run_scoped3A_26, %dma_start3A_55, %dma_start3A_56] : memref<2x128x128xf32, #tpu.memory_space<vmem>> -> memref<1x128x128xf32, #tpu.memory_space<vmem>>
      %dma_start3A_58 = tpu.memref_squeeze %dma_start3A_57 : memref<1x128x128xf32, #tpu.memory_space<vmem>> -> memref<128x128xf32, #tpu.memory_space<vmem>>
      tpu.enqueue_dma source(%dma_start3A_58 : memref<128x128xf32, #tpu.memory_space<vmem>>) target(%dma_start3A_54 : memref<128x128xf32, #tpu.memory_space<hbm>>) target_semaphore(%run_scoped3A_45 : memref<!tpu.dma_semaphore, #tpu.memory_space<semaphore_mem>>)
      %dma_wait3A = arith.constant 0 : i32
      %dma_wait3A_59 = arith.constant 0 : i32
      %dma_wait3A_60 = tpu.memref_slice %arg10[%run_scoped3A_26, %dma_wait3A, %dma_wait3A_59] : memref<2x128x128xf32, #tpu.memory_space<vmem>> -> memref<1x128x128xf32, #tpu.memory_space<vmem>>
      %dma_wait3A_61 = tpu.memref_squeeze %dma_wait3A_60 : memref<1x128x128xf32, #tpu.memory_space<vmem>> -> memref<128x128xf32, #tpu.memory_space<vmem>>
      %dma_wait3A_62 = arith.constant 0 : i32
      %dma_wait3A_63 = tpu.memref_slice %arg6[%arg0, %add3A_24, %dma_wait3A_62] : memref<2x10240x128xf32, #tpu.memory_space<hbm>> -> memref<1x128x128xf32, #tpu.memory_space<hbm>>
      %dma_wait3A_64 = tpu.memref_squeeze %dma_wait3A_63 : memref<1x128x128xf32, #tpu.memory_space<hbm>> -> memref<128x128xf32, #tpu.memory_space<hbm>>
      %dma_wait3A_65 = arith.constant 0 : i32
      %dma_wait3A_66 = tpu.memref_slice %arg6[%arg0, %add3A_24, %dma_wait3A_65] : memref<2x10240x128xf32, #tpu.memory_space<hbm>> -> memref<1x128x128xf32, #tpu.memory_space<hbm>>
      %dma_wait3A_67 = tpu.memref_squeeze %dma_wait3A_66 : memref<1x128x128xf32, #tpu.memory_space<hbm>> -> memref<128x128xf32, #tpu.memory_space<hbm>>
      %dma_wait3A_68 = arith.constant 0 : i32
      %dma_wait3A_69 = arith.constant 0 : i32
      %dma_wait3A_70 = tpu.memref_slice %arg10[%run_scoped3A_26, %dma_wait3A_68, %dma_wait3A_69] : memref<2x128x128xf32, #tpu.memory_space<vmem>> -> memref<1x128x128xf32, #tpu.memory_space<vmem>>
      %dma_wait3A_71 = tpu.memref_squeeze %dma_wait3A_70 : memref<1x128x128xf32, #tpu.memory_space<vmem>> -> memref<128x128xf32, #tpu.memory_space<vmem>>
      tpu.wait_dma2 semaphore(%run_scoped3A_45 : memref<!tpu.dma_semaphore, #tpu.memory_space<semaphore_mem>>) src(%dma_wait3A_71 : memref<128x128xf32, #tpu.memory_space<vmem>>) dst(%dma_wait3A_67 : memref<128x128xf32, #tpu.memory_space<hbm>>)
      tpu.yield
    }) : () -> ()
    %mul3A_27 = arith.constant 640 : i32
    %mul3A_28 = arith.muli %arg1, %mul3A_27 : i32
    %add3A_29 = arith.constant 256 : i32
    %add3A_30 = arith.addi %mul3A_28, %add3A_29 : i32
    %run_scoped3A_31 = arith.constant 0 : i32
    "tpu.region"() ({
      %run_scoped3A_45 = tpu.sem_alloc : memref<!tpu.dma_semaphore, #tpu.memory_space<semaphore_mem>>
      %dma_start3A = arith.constant 0 : i32
      %dma_start3A_46 = arith.constant 0 : i32
      %dma_start3A_47 = tpu.memref_slice %arg10[%run_scoped3A_31, %dma_start3A, %dma_start3A_46] : memref<2x128x128xf32, #tpu.memory_space<vmem>> -> memref<1x128x128xf32, #tpu.memory_space<vmem>>
      %dma_start3A_48 = tpu.memref_squeeze %dma_start3A_47 : memref<1x128x128xf32, #tpu.memory_space<vmem>> -> memref<128x128xf32, #tpu.memory_space<vmem>>
      %dma_start3A_49 = arith.constant 0 : i32
      %dma_start3A_50 = tpu.memref_slice %arg7[%add3A_30, %dma_start3A_49] : memref<10240x128xf32, #tpu.memory_space<vmem_shared>> -> memref<128x128xf32, #tpu.memory_space<vmem_shared>>
      %dma_start3A_51 = arith.constant 0 : i32
      %dma_start3A_52 = arith.constant 0 : i32
      %dma_start3A_53 = tpu.memref_slice %arg10[%run_scoped3A_31, %dma_start3A_51, %dma_start3A_52] : memref<2x128x128xf32, #tpu.memory_space<vmem>> -> memref<1x128x128xf32, #tpu.memory_space<vmem>>
      %dma_start3A_54 = tpu.memref_squeeze %dma_start3A_53 : memref<1x128x128xf32, #tpu.memory_space<vmem>> -> memref<128x128xf32, #tpu.memory_space<vmem>>
      %dma_start3A_55 = arith.constant 0 : i32
      %dma_start3A_56 = tpu.memref_slice %arg7[%add3A_30, %dma_start3A_55] : memref<10240x128xf32, #tpu.memory_space<vmem_shared>> -> memref<128x128xf32, #tpu.memory_space<vmem_shared>>
      tpu.enqueue_dma source(%dma_start3A_56 : memref<128x128xf32, #tpu.memory_space<vmem_shared>>) target(%dma_start3A_54 : memref<128x128xf32, #tpu.memory_space<vmem>>) target_semaphore(%run_scoped3A_45 : memref<!tpu.dma_semaphore, #tpu.memory_space<semaphore_mem>>)
      %dma_wait3A = arith.constant 0 : i32
      %dma_wait3A_57 = arith.constant 0 : i32
      %dma_wait3A_58 = tpu.memref_slice %arg10[%run_scoped3A_31, %dma_wait3A, %dma_wait3A_57] : memref<2x128x128xf32, #tpu.memory_space<vmem>> -> memref<1x128x128xf32, #tpu.memory_space<vmem>>
      %dma_wait3A_59 = tpu.memref_squeeze %dma_wait3A_58 : memref<1x128x128xf32, #tpu.memory_space<vmem>> -> memref<128x128xf32, #tpu.memory_space<vmem>>
      %dma_wait3A_60 = arith.constant 0 : i32
      %dma_wait3A_61 = tpu.memref_slice %arg7[%add3A_30, %dma_wait3A_60] : memref<10240x128xf32, #tpu.memory_space<vmem_shared>> -> memref<128x128xf32, #tpu.memory_space<vmem_shared>>
      %dma_wait3A_62 = arith.constant 0 : i32
      %dma_wait3A_63 = arith.constant 0 : i32
      %dma_wait3A_64 = tpu.memref_slice %arg10[%run_scoped3A_31, %dma_wait3A_62, %dma_wait3A_63] : memref<2x128x128xf32, #tpu.memory_space<vmem>> -> memref<1x128x128xf32, #tpu.memory_space<vmem>>
      %dma_wait3A_65 = tpu.memref_squeeze %dma_wait3A_64 : memref<1x128x128xf32, #tpu.memory_space<vmem>> -> memref<128x128xf32, #tpu.memory_space<vmem>>
      %dma_wait3A_66 = arith.constant 0 : i32
      %dma_wait3A_67 = tpu.memref_slice %arg7[%add3A_30, %dma_wait3A_66] : memref<10240x128xf32, #tpu.memory_space<vmem_shared>> -> memref<128x128xf32, #tpu.memory_space<vmem_shared>>
      tpu.wait_dma2 semaphore(%run_scoped3A_45 : memref<!tpu.dma_semaphore, #tpu.memory_space<semaphore_mem>>) src(%dma_wait3A_67 : memref<128x128xf32, #tpu.memory_space<vmem_shared>>) dst(%dma_wait3A_65 : memref<128x128xf32, #tpu.memory_space<vmem>>)
      tpu.yield
    }) : () -> ()
    %run_scoped3A_32 = arith.constant 0 : i32
    "tpu.region"() ({
      %run_scoped3A_45 = tpu.sem_alloc : memref<!tpu.dma_semaphore, #tpu.memory_space<semaphore_mem>>
      %dma_start3A = arith.constant 0 : i32
      %dma_start3A_46 = arith.constant 0 : i32
      %dma_start3A_47 = tpu.memref_slice %arg10[%run_scoped3A_32, %dma_start3A, %dma_start3A_46] : memref<2x128x128xf32, #tpu.memory_space<vmem>> -> memref<1x128x128xf32, #tpu.memory_space<vmem>>
      %dma_start3A_48 = tpu.memref_squeeze %dma_start3A_47 : memref<1x128x128xf32, #tpu.memory_space<vmem>> -> memref<128x128xf32, #tpu.memory_space<vmem>>
      %dma_start3A_49 = arith.constant 0 : i32
      %dma_start3A_50 = tpu.memref_slice %arg6[%arg0, %add3A_30, %dma_start3A_49] : memref<2x10240x128xf32, #tpu.memory_space<hbm>> -> memref<1x128x128xf32, #tpu.memory_space<hbm>>
      %dma_start3A_51 = tpu.memref_squeeze %dma_start3A_50 : memref<1x128x128xf32, #tpu.memory_space<hbm>> -> memref<128x128xf32, #tpu.memory_space<hbm>>
      %dma_start3A_52 = arith.constant 0 : i32
      %dma_start3A_53 = tpu.memref_slice %arg6[%arg0, %add3A_30, %dma_start3A_52] : memref<2x10240x128xf32, #tpu.memory_space<hbm>> -> memref<1x128x128xf32, #tpu.memory_space<hbm>>
      %dma_start3A_54 = tpu.memref_squeeze %dma_start3A_53 : memref<1x128x128xf32, #tpu.memory_space<hbm>> -> memref<128x128xf32, #tpu.memory_space<hbm>>
      %dma_start3A_55 = arith.constant 0 : i32
      %dma_start3A_56 = arith.constant 0 : i32
      %dma_start3A_57 = tpu.memref_slice %arg10[%run_scoped3A_32, %dma_start3A_55, %dma_start3A_56] : memref<2x128x128xf32, #tpu.memory_space<vmem>> -> memref<1x128x128xf32, #tpu.memory_space<vmem>>
      %dma_start3A_58 = tpu.memref_squeeze %dma_start3A_57 : memref<1x128x128xf32, #tpu.memory_space<vmem>> -> memref<128x128xf32, #tpu.memory_space<vmem>>
      tpu.enqueue_dma source(%dma_start3A_58 : memref<128x128xf32, #tpu.memory_space<vmem>>) target(%dma_start3A_54 : memref<128x128xf32, #tpu.memory_space<hbm>>) target_semaphore(%run_scoped3A_45 : memref<!tpu.dma_semaphore, #tpu.memory_space<semaphore_mem>>)
      %dma_wait3A = arith.constant 0 : i32
      %dma_wait3A_59 = arith.constant 0 : i32
      %dma_wait3A_60 = tpu.memref_slice %arg10[%run_scoped3A_32, %dma_wait3A, %dma_wait3A_59] : memref<2x128x128xf32, #tpu.memory_space<vmem>> -> memref<1x128x128xf32, #tpu.memory_space<vmem>>
      %dma_wait3A_61 = tpu.memref_squeeze %dma_wait3A_60 : memref<1x128x128xf32, #tpu.memory_space<vmem>> -> memref<128x128xf32, #tpu.memory_space<vmem>>
      %dma_wait3A_62 = arith.constant 0 : i32
      %dma_wait3A_63 = tpu.memref_slice %arg6[%arg0, %add3A_30, %dma_wait3A_62] : memref<2x10240x128xf32, #tpu.memory_space<hbm>> -> memref<1x128x128xf32, #tpu.memory_space<hbm>>
      %dma_wait3A_64 = tpu.memref_squeeze %dma_wait3A_63 : memref<1x128x128xf32, #tpu.memory_space<hbm>> -> memref<128x128xf32, #tpu.memory_space<hbm>>
      %dma_wait3A_65 = arith.constant 0 : i32
      %dma_wait3A_66 = tpu.memref_slice %arg6[%arg0, %add3A_30, %dma_wait3A_65] : memref<2x10240x128xf32, #tpu.memory_space<hbm>> -> memref<1x128x128xf32, #tpu.memory_space<hbm>>
      %dma_wait3A_67 = tpu.memref_squeeze %dma_wait3A_66 : memref<1x128x128xf32, #tpu.memory_space<hbm>> -> memref<128x128xf32, #tpu.memory_space<hbm>>
      %dma_wait3A_68 = arith.constant 0 : i32
      %dma_wait3A_69 = arith.constant 0 : i32
      %dma_wait3A_70 = tpu.memref_slice %arg10[%run_scoped3A_32, %dma_wait3A_68, %dma_wait3A_69] : memref<2x128x128xf32, #tpu.memory_space<vmem>> -> memref<1x128x128xf32, #tpu.memory_space<vmem>>
      %dma_wait3A_71 = tpu.memref_squeeze %dma_wait3A_70 : memref<1x128x128xf32, #tpu.memory_space<vmem>> -> memref<128x128xf32, #tpu.memory_space<vmem>>
      tpu.wait_dma2 semaphore(%run_scoped3A_45 : memref<!tpu.dma_semaphore, #tpu.memory_space<semaphore_mem>>) src(%dma_wait3A_71 : memref<128x128xf32, #tpu.memory_space<vmem>>) dst(%dma_wait3A_67 : memref<128x128xf32, #tpu.memory_space<hbm>>)
      tpu.yield
    }) : () -> ()
    %mul3A_33 = arith.constant 640 : i32
    %mul3A_34 = arith.muli %arg1, %mul3A_33 : i32
    %add3A_35 = arith.constant 384 : i32
    %add3A_36 = arith.addi %mul3A_34, %add3A_35 : i32
    %run_scoped3A_37 = arith.constant 0 : i32
    "tpu.region"() ({
      %run_scoped3A_45 = tpu.sem_alloc : memref<!tpu.dma_semaphore, #tpu.memory_space<semaphore_mem>>
      %dma_start3A = arith.constant 0 : i32
      %dma_start3A_46 = arith.constant 0 : i32
      %dma_start3A_47 = tpu.memref_slice %arg10[%run_scoped3A_37, %dma_start3A, %dma_start3A_46] : memref<2x128x128xf32, #tpu.memory_space<vmem>> -> memref<1x128x128xf32, #tpu.memory_space<vmem>>
      %dma_start3A_48 = tpu.memref_squeeze %dma_start3A_47 : memref<1x128x128xf32, #tpu.memory_space<vmem>> -> memref<128x128xf32, #tpu.memory_space<vmem>>
      %dma_start3A_49 = arith.constant 0 : i32
      %dma_start3A_50 = tpu.memref_slice %arg7[%add3A_36, %dma_start3A_49] : memref<10240x128xf32, #tpu.memory_space<vmem_shared>> -> memref<128x128xf32, #tpu.memory_space<vmem_shared>>
      %dma_start3A_51 = arith.constant 0 : i32
      %dma_start3A_52 = arith.constant 0 : i32
      %dma_start3A_53 = tpu.memref_slice %arg10[%run_scoped3A_37, %dma_start3A_51, %dma_start3A_52] : memref<2x128x128xf32, #tpu.memory_space<vmem>> -> memref<1x128x128xf32, #tpu.memory_space<vmem>>
      %dma_start3A_54 = tpu.memref_squeeze %dma_start3A_53 : memref<1x128x128xf32, #tpu.memory_space<vmem>> -> memref<128x128xf32, #tpu.memory_space<vmem>>
      %dma_start3A_55 = arith.constant 0 : i32
      %dma_start3A_56 = tpu.memref_slice %arg7[%add3A_36, %dma_start3A_55] : memref<10240x128xf32, #tpu.memory_space<vmem_shared>> -> memref<128x128xf32, #tpu.memory_space<vmem_shared>>
      tpu.enqueue_dma source(%dma_start3A_56 : memref<128x128xf32, #tpu.memory_space<vmem_shared>>) target(%dma_start3A_54 : memref<128x128xf32, #tpu.memory_space<vmem>>) target_semaphore(%run_scoped3A_45 : memref<!tpu.dma_semaphore, #tpu.memory_space<semaphore_mem>>)
      %dma_wait3A = arith.constant 0 : i32
      %dma_wait3A_57 = arith.constant 0 : i32
      %dma_wait3A_58 = tpu.memref_slice %arg10[%run_scoped3A_37, %dma_wait3A, %dma_wait3A_57] : memref<2x128x128xf32, #tpu.memory_space<vmem>> -> memref<1x128x128xf32, #tpu.memory_space<vmem>>
      %dma_wait3A_59 = tpu.memref_squeeze %dma_wait3A_58 : memref<1x128x128xf32, #tpu.memory_space<vmem>> -> memref<128x128xf32, #tpu.memory_space<vmem>>
      %dma_wait3A_60 = arith.constant 0 : i32
      %dma_wait3A_61 = tpu.memref_slice %arg7[%add3A_36, %dma_wait3A_60] : memref<10240x128xf32, #tpu.memory_space<vmem_shared>> -> memref<128x128xf32, #tpu.memory_space<vmem_shared>>
      %dma_wait3A_62 = arith.constant 0 : i32
      %dma_wait3A_63 = arith.constant 0 : i32
      %dma_wait3A_64 = tpu.memref_slice %arg10[%run_scoped3A_37, %dma_wait3A_62, %dma_wait3A_63] : memref<2x128x128xf32, #tpu.memory_space<vmem>> -> memref<1x128x128xf32, #tpu.memory_space<vmem>>
      %dma_wait3A_65 = tpu.memref_squeeze %dma_wait3A_64 : memref<1x128x128xf32, #tpu.memory_space<vmem>> -> memref<128x128xf32, #tpu.memory_space<vmem>>
      %dma_wait3A_66 = arith.constant 0 : i32
      %dma_wait3A_67 = tpu.memref_slice %arg7[%add3A_36, %dma_wait3A_66] : memref<10240x128xf32, #tpu.memory_space<vmem_shared>> -> memref<128x128xf32, #tpu.memory_space<vmem_shared>>
      tpu.wait_dma2 semaphore(%run_scoped3A_45 : memref<!tpu.dma_semaphore, #tpu.memory_space<semaphore_mem>>) src(%dma_wait3A_67 : memref<128x128xf32, #tpu.memory_space<vmem_shared>>) dst(%dma_wait3A_65 : memref<128x128xf32, #tpu.memory_space<vmem>>)
      tpu.yield
    }) : () -> ()
    %run_scoped3A_38 = arith.constant 0 : i32
    "tpu.region"() ({
      %run_scoped3A_45 = tpu.sem_alloc : memref<!tpu.dma_semaphore, #tpu.memory_space<semaphore_mem>>
      %dma_start3A = arith.constant 0 : i32
      %dma_start3A_46 = arith.constant 0 : i32
      %dma_start3A_47 = tpu.memref_slice %arg10[%run_scoped3A_38, %dma_start3A, %dma_start3A_46] : memref<2x128x128xf32, #tpu.memory_space<vmem>> -> memref<1x128x128xf32, #tpu.memory_space<vmem>>
      %dma_start3A_48 = tpu.memref_squeeze %dma_start3A_47 : memref<1x128x128xf32, #tpu.memory_space<vmem>> -> memref<128x128xf32, #tpu.memory_space<vmem>>
      %dma_start3A_49 = arith.constant 0 : i32
      %dma_start3A_50 = tpu.memref_slice %arg6[%arg0, %add3A_36, %dma_start3A_49] : memref<2x10240x128xf32, #tpu.memory_space<hbm>> -> memref<1x128x128xf32, #tpu.memory_space<hbm>>
      %dma_start3A_51 = tpu.memref_squeeze %dma_start3A_50 : memref<1x128x128xf32, #tpu.memory_space<hbm>> -> memref<128x128xf32, #tpu.memory_space<hbm>>
      %dma_start3A_52 = arith.constant 0 : i32
      %dma_start3A_53 = tpu.memref_slice %arg6[%arg0, %add3A_36, %dma_start3A_52] : memref<2x10240x128xf32, #tpu.memory_space<hbm>> -> memref<1x128x128xf32, #tpu.memory_space<hbm>>
      %dma_start3A_54 = tpu.memref_squeeze %dma_start3A_53 : memref<1x128x128xf32, #tpu.memory_space<hbm>> -> memref<128x128xf32, #tpu.memory_space<hbm>>
      %dma_start3A_55 = arith.constant 0 : i32
      %dma_start3A_56 = arith.constant 0 : i32
      %dma_start3A_57 = tpu.memref_slice %arg10[%run_scoped3A_38, %dma_start3A_55, %dma_start3A_56] : memref<2x128x128xf32, #tpu.memory_space<vmem>> -> memref<1x128x128xf32, #tpu.memory_space<vmem>>
      %dma_start3A_58 = tpu.memref_squeeze %dma_start3A_57 : memref<1x128x128xf32, #tpu.memory_space<vmem>> -> memref<128x128xf32, #tpu.memory_space<vmem>>
      tpu.enqueue_dma source(%dma_start3A_58 : memref<128x128xf32, #tpu.memory_space<vmem>>) target(%dma_start3A_54 : memref<128x128xf32, #tpu.memory_space<hbm>>) target_semaphore(%run_scoped3A_45 : memref<!tpu.dma_semaphore, #tpu.memory_space<semaphore_mem>>)
      %dma_wait3A = arith.constant 0 : i32
      %dma_wait3A_59 = arith.constant 0 : i32
      %dma_wait3A_60 = tpu.memref_slice %arg10[%run_scoped3A_38, %dma_wait3A, %dma_wait3A_59] : memref<2x128x128xf32, #tpu.memory_space<vmem>> -> memref<1x128x128xf32, #tpu.memory_space<vmem>>
      %dma_wait3A_61 = tpu.memref_squeeze %dma_wait3A_60 : memref<1x128x128xf32, #tpu.memory_space<vmem>> -> memref<128x128xf32, #tpu.memory_space<vmem>>
      %dma_wait3A_62 = arith.constant 0 : i32
      %dma_wait3A_63 = tpu.memref_slice %arg6[%arg0, %add3A_36, %dma_wait3A_62] : memref<2x10240x128xf32, #tpu.memory_space<hbm>> -> memref<1x128x128xf32, #tpu.memory_space<hbm>>
      %dma_wait3A_64 = tpu.memref_squeeze %dma_wait3A_63 : memref<1x128x128xf32, #tpu.memory_space<hbm>> -> memref<128x128xf32, #tpu.memory_space<hbm>>
      %dma_wait3A_65 = arith.constant 0 : i32
      %dma_wait3A_66 = tpu.memref_slice %arg6[%arg0, %add3A_36, %dma_wait3A_65] : memref<2x10240x128xf32, #tpu.memory_space<hbm>> -> memref<1x128x128xf32, #tpu.memory_space<hbm>>
      %dma_wait3A_67 = tpu.memref_squeeze %dma_wait3A_66 : memref<1x128x128xf32, #tpu.memory_space<hbm>> -> memref<128x128xf32, #tpu.memory_space<hbm>>
      %dma_wait3A_68 = arith.constant 0 : i32
      %dma_wait3A_69 = arith.constant 0 : i32
      %dma_wait3A_70 = tpu.memref_slice %arg10[%run_scoped3A_38, %dma_wait3A_68, %dma_wait3A_69] : memref<2x128x128xf32, #tpu.memory_space<vmem>> -> memref<1x128x128xf32, #tpu.memory_space<vmem>>
      %dma_wait3A_71 = tpu.memref_squeeze %dma_wait3A_70 : memref<1x128x128xf32, #tpu.memory_space<vmem>> -> memref<128x128xf32, #tpu.memory_space<vmem>>
      tpu.wait_dma2 semaphore(%run_scoped3A_45 : memref<!tpu.dma_semaphore, #tpu.memory_space<semaphore_mem>>) src(%dma_wait3A_71 : memref<128x128xf32, #tpu.memory_space<vmem>>) dst(%dma_wait3A_67 : memref<128x128xf32, #tpu.memory_space<hbm>>)
      tpu.yield
    }) : () -> ()
    %mul3A_39 = arith.constant 640 : i32
    %mul3A_40 = arith.muli %arg1, %mul3A_39 : i32
    %add3A_41 = arith.constant 512 : i32
    %add3A_42 = arith.addi %mul3A_40, %add3A_41 : i32
    %run_scoped3A_43 = arith.constant 0 : i32
    "tpu.region"() ({
      %run_scoped3A_45 = tpu.sem_alloc : memref<!tpu.dma_semaphore, #tpu.memory_space<semaphore_mem>>
      %dma_start3A = arith.constant 0 : i32
      %dma_start3A_46 = arith.constant 0 : i32
      %dma_start3A_47 = tpu.memref_slice %arg10[%run_scoped3A_43, %dma_start3A, %dma_start3A_46] : memref<2x128x128xf32, #tpu.memory_space<vmem>> -> memref<1x128x128xf32, #tpu.memory_space<vmem>>
      %dma_start3A_48 = tpu.memref_squeeze %dma_start3A_47 : memref<1x128x128xf32, #tpu.memory_space<vmem>> -> memref<128x128xf32, #tpu.memory_space<vmem>>
      %dma_start3A_49 = arith.constant 0 : i32
      %dma_start3A_50 = tpu.memref_slice %arg7[%add3A_42, %dma_start3A_49] : memref<10240x128xf32, #tpu.memory_space<vmem_shared>> -> memref<128x128xf32, #tpu.memory_space<vmem_shared>>
      %dma_start3A_51 = arith.constant 0 : i32
      %dma_start3A_52 = arith.constant 0 : i32
      %dma_start3A_53 = tpu.memref_slice %arg10[%run_scoped3A_43, %dma_start3A_51, %dma_start3A_52] : memref<2x128x128xf32, #tpu.memory_space<vmem>> -> memref<1x128x128xf32, #tpu.memory_space<vmem>>
      %dma_start3A_54 = tpu.memref_squeeze %dma_start3A_53 : memref<1x128x128xf32, #tpu.memory_space<vmem>> -> memref<128x128xf32, #tpu.memory_space<vmem>>
      %dma_start3A_55 = arith.constant 0 : i32
      %dma_start3A_56 = tpu.memref_slice %arg7[%add3A_42, %dma_start3A_55] : memref<10240x128xf32, #tpu.memory_space<vmem_shared>> -> memref<128x128xf32, #tpu.memory_space<vmem_shared>>
      tpu.enqueue_dma source(%dma_start3A_56 : memref<128x128xf32, #tpu.memory_space<vmem_shared>>) target(%dma_start3A_54 : memref<128x128xf32, #tpu.memory_space<vmem>>) target_semaphore(%run_scoped3A_45 : memref<!tpu.dma_semaphore, #tpu.memory_space<semaphore_mem>>)
      %dma_wait3A = arith.constant 0 : i32
      %dma_wait3A_57 = arith.constant 0 : i32
      %dma_wait3A_58 = tpu.memref_slice %arg10[%run_scoped3A_43, %dma_wait3A, %dma_wait3A_57] : memref<2x128x128xf32, #tpu.memory_space<vmem>> -> memref<1x128x128xf32, #tpu.memory_space<vmem>>
      %dma_wait3A_59 = tpu.memref_squeeze %dma_wait3A_58 : memref<1x128x128xf32, #tpu.memory_space<vmem>> -> memref<128x128xf32, #tpu.memory_space<vmem>>
      %dma_wait3A_60 = arith.constant 0 : i32
      %dma_wait3A_61 = tpu.memref_slice %arg7[%add3A_42, %dma_wait3A_60] : memref<10240x128xf32, #tpu.memory_space<vmem_shared>> -> memref<128x128xf32, #tpu.memory_space<vmem_shared>>
      %dma_wait3A_62 = arith.constant 0 : i32
      %dma_wait3A_63 = arith.constant 0 : i32
      %dma_wait3A_64 = tpu.memref_slice %arg10[%run_scoped3A_43, %dma_wait3A_62, %dma_wait3A_63] : memref<2x128x128xf32, #tpu.memory_space<vmem>> -> memref<1x128x128xf32, #tpu.memory_space<vmem>>
      %dma_wait3A_65 = tpu.memref_squeeze %dma_wait3A_64 : memref<1x128x128xf32, #tpu.memory_space<vmem>> -> memref<128x128xf32, #tpu.memory_space<vmem>>
      %dma_wait3A_66 = arith.constant 0 : i32
      %dma_wait3A_67 = tpu.memref_slice %arg7[%add3A_42, %dma_wait3A_66] : memref<10240x128xf32, #tpu.memory_space<vmem_shared>> -> memref<128x128xf32, #tpu.memory_space<vmem_shared>>
      tpu.wait_dma2 semaphore(%run_scoped3A_45 : memref<!tpu.dma_semaphore, #tpu.memory_space<semaphore_mem>>) src(%dma_wait3A_67 : memref<128x128xf32, #tpu.memory_space<vmem_shared>>) dst(%dma_wait3A_65 : memref<128x128xf32, #tpu.memory_space<vmem>>)
      tpu.yield
    }) : () -> ()
    %run_scoped3A_44 = arith.constant 0 : i32
    "tpu.region"() ({
      %run_scoped3A_45 = tpu.sem_alloc : memref<!tpu.dma_semaphore, #tpu.memory_space<semaphore_mem>>
      %dma_start3A = arith.constant 0 : i32
      %dma_start3A_46 = arith.constant 0 : i32
      %dma_start3A_47 = tpu.memref_slice %arg10[%run_scoped3A_44, %dma_start3A, %dma_start3A_46] : memref<2x128x128xf32, #tpu.memory_space<vmem>> -> memref<1x128x128xf32, #tpu.memory_space<vmem>>
      %dma_start3A_48 = tpu.memref_squeeze %dma_start3A_47 : memref<1x128x128xf32, #tpu.memory_space<vmem>> -> memref<128x128xf32, #tpu.memory_space<vmem>>
      %dma_start3A_49 = arith.constant 0 : i32
      %dma_start3A_50 = tpu.memref_slice %arg6[%arg0, %add3A_42, %dma_start3A_49] : memref<2x10240x128xf32, #tpu.memory_space<hbm>> -> memref<1x128x128xf32, #tpu.memory_space<hbm>>
      %dma_start3A_51 = tpu.memref_squeeze %dma_start3A_50 : memref<1x128x128xf32, #tpu.memory_space<hbm>> -> memref<128x128xf32, #tpu.memory_space<hbm>>
      %dma_start3A_52 = arith.constant 0 : i32
      %dma_start3A_53 = tpu.memref_slice %arg6[%arg0, %add3A_42, %dma_start3A_52] : memref<2x10240x128xf32, #tpu.memory_space<hbm>> -> memref<1x128x128xf32, #tpu.memory_space<hbm>>
      %dma_start3A_54 = tpu.memref_squeeze %dma_start3A_53 : memref<1x128x128xf32, #tpu.memory_space<hbm>> -> memref<128x128xf32, #tpu.memory_space<hbm>>
      %dma_start3A_55 = arith.constant 0 : i32
      %dma_start3A_56 = arith.constant 0 : i32
      %dma_start3A_57 = tpu.memref_slice %arg10[%run_scoped3A_44, %dma_start3A_55, %dma_start3A_56] : memref<2x128x128xf32, #tpu.memory_space<vmem>> -> memref<1x128x128xf32, #tpu.memory_space<vmem>>
      %dma_start3A_58 = tpu.memref_squeeze %dma_start3A_57 : memref<1x128x128xf32, #tpu.memory_space<vmem>> -> memref<128x128xf32, #tpu.memory_space<vmem>>
      tpu.enqueue_dma source(%dma_start3A_58 : memref<128x128xf32, #tpu.memory_space<vmem>>) target(%dma_start3A_54 : memref<128x128xf32, #tpu.memory_space<hbm>>) target_semaphore(%run_scoped3A_45 : memref<!tpu.dma_semaphore, #tpu.memory_space<semaphore_mem>>)
      %dma_wait3A = arith.constant 0 : i32
      %dma_wait3A_59 = arith.constant 0 : i32
      %dma_wait3A_60 = tpu.memref_slice %arg10[%run_scoped3A_44, %dma_wait3A, %dma_wait3A_59] : memref<2x128x128xf32, #tpu.memory_space<vmem>> -> memref<1x128x128xf32, #tpu.memory_space<vmem>>
      %dma_wait3A_61 = tpu.memref_squeeze %dma_wait3A_60 : memref<1x128x128xf32, #tpu.memory_space<vmem>> -> memref<128x128xf32, #tpu.memory_space<vmem>>
      %dma_wait3A_62 = arith.constant 0 : i32
      %dma_wait3A_63 = tpu.memref_slice %arg6[%arg0, %add3A_42, %dma_wait3A_62] : memref<2x10240x128xf32, #tpu.memory_space<hbm>> -> memref<1x128x128xf32, #tpu.memory_space<hbm>>
      %dma_wait3A_64 = tpu.memref_squeeze %dma_wait3A_63 : memref<1x128x128xf32, #tpu.memory_space<hbm>> -> memref<128x128xf32, #tpu.memory_space<hbm>>
      %dma_wait3A_65 = arith.constant 0 : i32
      %dma_wait3A_66 = tpu.memref_slice %arg6[%arg0, %add3A_42, %dma_wait3A_65] : memref<2x10240x128xf32, #tpu.memory_space<hbm>> -> memref<1x128x128xf32, #tpu.memory_space<hbm>>
      %dma_wait3A_67 = tpu.memref_squeeze %dma_wait3A_66 : memref<1x128x128xf32, #tpu.memory_space<hbm>> -> memref<128x128xf32, #tpu.memory_space<hbm>>
      %dma_wait3A_68 = arith.constant 0 : i32
      %dma_wait3A_69 = arith.constant 0 : i32
      %dma_wait3A_70 = tpu.memref_slice %arg10[%run_scoped3A_44, %dma_wait3A_68, %dma_wait3A_69] : memref<2x128x128xf32, #tpu.memory_space<vmem>> -> memref<1x128x128xf32, #tpu.memory_space<vmem>>
      %dma_wait3A_71 = tpu.memref_squeeze %dma_wait3A_70 : memref<1x128x128xf32, #tpu.memory_space<vmem>> -> memref<128x128xf32, #tpu.memory_space<vmem>>
      tpu.wait_dma2 semaphore(%run_scoped3A_45 : memref<!tpu.dma_semaphore, #tpu.memory_space<semaphore_mem>>) src(%dma_wait3A_71 : memref<128x128xf32, #tpu.memory_space<vmem>>) dst(%dma_wait3A_67 : memref<128x128xf32, #tpu.memory_space<hbm>>)
      tpu.yield
    }) : () -> ()
    return
  }
}

#map = affine_map<(d0, d1) -> (0, 0)>
#map1 = affine_map<(d0, d1) -> (0, 0, 0)>
module attributes {stable_mosaic.version = 14 : i64} {
  func.func @_agg_body(%arg0: i32, %arg1: i32, %arg2: memref<10240x128xf32, #tpu.memory_space<hbm>>, %arg3: memref<32x120x128xi32, #tpu.memory_space<hbm>>, %arg4: memref<32x120x128xi32, #tpu.memory_space<hbm>>, %arg5: memref<640x128xf32, #tpu.memory_space<hbm>>, %arg6: memref<2x10240x128xf32, #tpu.memory_space<hbm>>, %arg7: memref<10240x128xf32, #tpu.memory_space<vmem_shared>>, %arg8: memref<2x128xi32, #tpu.memory_space<vmem>>, %arg9: memref<2x128xi32, #tpu.memory_space<vmem>>, %arg10: memref<2x128x128xf32, #tpu.memory_space<vmem>>, %arg11: memref<!tpu.dma_semaphore, #tpu.memory_space<semaphore_mem>>, %arg12: memref<!tpu.dma_semaphore, #tpu.memory_space<semaphore_mem>>) attributes {dimension_semantics = [#tpu.dimension_semantics<core_parallel>, #tpu.dimension_semantics<subcore_parallel>], iteration_bounds = array<i64: 2, 16>, scalar_prefetch = 0 : i64, scratch_operands = 6 : i64, tpu.core_type = #tpu.core_type<sc_vector_subcore>, window_params = [{transform_indices = #map}, {transform_indices = #map1}, {transform_indices = #map1}, {transform_indices = #map}, {transform_indices = #map1}]} {
    %mul3A = arith.constant 16 : i32
    %mul3A_0 = arith.muli %arg0, %mul3A : i32
    %add3A = arith.addi %mul3A_0, %arg1 : i32
    %mul3A_1 = arith.constant 640 : i32
    %mul3A_2 = arith.muli %arg1, %mul3A_1 : i32
    "tpu.region"() ({
      %run_scoped3A_45 = tpu.sem_alloc : memref<!tpu.dma_semaphore, #tpu.memory_space<semaphore_mem>>
      %dma_start3A = arith.constant 0 : i32
      %dma_start3A_46 = tpu.memref_slice %arg7[%mul3A_2, %dma_start3A] : memref<10240x128xf32, #tpu.memory_space<vmem_shared>> -> memref<640x128xf32, #tpu.memory_space<vmem_shared>>
      tpu.enqueue_dma source(%arg5 : memref<640x128xf32, #tpu.memory_space<hbm>>) target(%dma_start3A_46 : memref<640x128xf32, #tpu.memory_space<vmem_shared>>) target_semaphore(%run_scoped3A_45 : memref<!tpu.dma_semaphore, #tpu.memory_space<semaphore_mem>>)
      %dma_wait3A = arith.constant 0 : i32
      %dma_wait3A_47 = tpu.memref_slice %arg7[%mul3A_2, %dma_wait3A] : memref<10240x128xf32, #tpu.memory_space<vmem_shared>> -> memref<640x128xf32, #tpu.memory_space<vmem_shared>>
      tpu.wait_dma2 semaphore(%run_scoped3A_45 : memref<!tpu.dma_semaphore, #tpu.memory_space<semaphore_mem>>) src(%arg5 : memref<640x128xf32, #tpu.memory_space<hbm>>) dst(%dma_wait3A_47 : memref<640x128xf32, #tpu.memory_space<vmem_shared>>)
      tpu.yield
    }) : () -> ()
    %barrier3A = arith.constant 0 : index
    tpu.barrier barrier_id(%barrier3A)
    %eq3A = arith.constant 0 : i32
    %eq3A_3 = arith.cmpi eq, %arg0, %eq3A : i32
    %select_n3A = arith.constant 19 : i32
    %select_n3A_4 = arith.constant 60 : i32
    %select_n3A_5 = arith.select %eq3A_3, %select_n3A_4, %select_n3A : i32
    %while3A = arith.constant 0 : i32
    %while3A_6 = arith.constant 0 : i32
    %while3A_7 = arith.subi %select_n3A_5, %while3A_6 : i32
    %while3A_8 = arith.addi %while3A_6, %while3A_7 : i32
    %while3A_9 = arith.constant 1 : i32
    %while3A_10 = arith.divsi %while3A_7, %while3A_9 : i32
    %while3A_11 = arith.muli %while3A_10, %while3A_9 : i32
    %while3A_12 = arith.addi %while3A_6, %while3A_11 : i32
    %while3A_13 = arith.constant 1 : i32
    scf.for %while3A_45 = %while3A_6 to %while3A_12 step %while3A_13  : i32 {
      %mul3A_46 = arith.constant 2 : i32
      %mul3A_47 = arith.muli %mul3A_46, %while3A_45 : i32
      "tpu.region"() ({
        %run_scoped3A_100 = tpu.sem_alloc : memref<!tpu.dma_semaphore, #tpu.memory_space<semaphore_mem>>
        %dma_start3A_101 = arith.constant 0 : i32
        %dma_start3A_102 = tpu.memref_slice %arg3[%add3A, %mul3A_47, %dma_start3A_101] : memref<32x120x128xi32, #tpu.memory_space<hbm>> -> memref<1x2x128xi32, #tpu.memory_space<hbm>>
        %dma_start3A_103 = tpu.memref_squeeze %dma_start3A_102 : memref<1x2x128xi32, #tpu.memory_space<hbm>> -> memref<2x128xi32, #tpu.memory_space<hbm>>
        %dma_start3A_104 = arith.constant 0 : i32
        %dma_start3A_105 = tpu.memref_slice %arg3[%add3A, %mul3A_47, %dma_start3A_104] : memref<32x120x128xi32, #tpu.memory_space<hbm>> -> memref<1x2x128xi32, #tpu.memory_space<hbm>>
        %dma_start3A_106 = tpu.memref_squeeze %dma_start3A_105 : memref<1x2x128xi32, #tpu.memory_space<hbm>> -> memref<2x128xi32, #tpu.memory_space<hbm>>
        tpu.enqueue_dma source(%dma_start3A_106 : memref<2x128xi32, #tpu.memory_space<hbm>>) target(%arg8 : memref<2x128xi32, #tpu.memory_space<vmem>>) target_semaphore(%run_scoped3A_100 : memref<!tpu.dma_semaphore, #tpu.memory_space<semaphore_mem>>)
        %dma_wait3A_107 = arith.constant 0 : i32
        %dma_wait3A_108 = tpu.memref_slice %arg3[%add3A, %mul3A_47, %dma_wait3A_107] : memref<32x120x128xi32, #tpu.memory_space<hbm>> -> memref<1x2x128xi32, #tpu.memory_space<hbm>>
        %dma_wait3A_109 = tpu.memref_squeeze %dma_wait3A_108 : memref<1x2x128xi32, #tpu.memory_space<hbm>> -> memref<2x128xi32, #tpu.memory_space<hbm>>
        %dma_wait3A_110 = arith.constant 0 : i32
        %dma_wait3A_111 = tpu.memref_slice %arg3[%add3A, %mul3A_47, %dma_wait3A_110] : memref<32x120x128xi32, #tpu.memory_space<hbm>> -> memref<1x2x128xi32, #tpu.memory_space<hbm>>
        %dma_wait3A_112 = tpu.memref_squeeze %dma_wait3A_111 : memref<1x2x128xi32, #tpu.memory_space<hbm>> -> memref<2x128xi32, #tpu.memory_space<hbm>>
        tpu.wait_dma2 semaphore(%run_scoped3A_100 : memref<!tpu.dma_semaphore, #tpu.memory_space<semaphore_mem>>) src(%dma_wait3A_112 : memref<2x128xi32, #tpu.memory_space<hbm>>) dst(%arg8 : memref<2x128xi32, #tpu.memory_space<vmem>>)
        tpu.yield
      }) : () -> ()
      %mul3A_48 = arith.constant 2 : i32
      %mul3A_49 = arith.muli %mul3A_48, %while3A_45 : i32
      "tpu.region"() ({
        %run_scoped3A_100 = tpu.sem_alloc : memref<!tpu.dma_semaphore, #tpu.memory_space<semaphore_mem>>
        %dma_start3A_101 = arith.constant 0 : i32
        %dma_start3A_102 = tpu.memref_slice %arg4[%add3A, %mul3A_49, %dma_start3A_101] : memref<32x120x128xi32, #tpu.memory_space<hbm>> -> memref<1x2x128xi32, #tpu.memory_space<hbm>>
        %dma_start3A_103 = tpu.memref_squeeze %dma_start3A_102 : memref<1x2x128xi32, #tpu.memory_space<hbm>> -> memref<2x128xi32, #tpu.memory_space<hbm>>
        %dma_start3A_104 = arith.constant 0 : i32
        %dma_start3A_105 = tpu.memref_slice %arg4[%add3A, %mul3A_49, %dma_start3A_104] : memref<32x120x128xi32, #tpu.memory_space<hbm>> -> memref<1x2x128xi32, #tpu.memory_space<hbm>>
        %dma_start3A_106 = tpu.memref_squeeze %dma_start3A_105 : memref<1x2x128xi32, #tpu.memory_space<hbm>> -> memref<2x128xi32, #tpu.memory_space<hbm>>
        tpu.enqueue_dma source(%dma_start3A_106 : memref<2x128xi32, #tpu.memory_space<hbm>>) target(%arg9 : memref<2x128xi32, #tpu.memory_space<vmem>>) target_semaphore(%run_scoped3A_100 : memref<!tpu.dma_semaphore, #tpu.memory_space<semaphore_mem>>)
        %dma_wait3A_107 = arith.constant 0 : i32
        %dma_wait3A_108 = tpu.memref_slice %arg4[%add3A, %mul3A_49, %dma_wait3A_107] : memref<32x120x128xi32, #tpu.memory_space<hbm>> -> memref<1x2x128xi32, #tpu.memory_space<hbm>>
        %dma_wait3A_109 = tpu.memref_squeeze %dma_wait3A_108 : memref<1x2x128xi32, #tpu.memory_space<hbm>> -> memref<2x128xi32, #tpu.memory_space<hbm>>
        %dma_wait3A_110 = arith.constant 0 : i32
        %dma_wait3A_111 = tpu.memref_slice %arg4[%add3A, %mul3A_49, %dma_wait3A_110] : memref<32x120x128xi32, #tpu.memory_space<hbm>> -> memref<1x2x128xi32, #tpu.memory_space<hbm>>
        %dma_wait3A_112 = tpu.memref_squeeze %dma_wait3A_111 : memref<1x2x128xi32, #tpu.memory_space<hbm>> -> memref<2x128xi32, #tpu.memory_space<hbm>>
        tpu.wait_dma2 semaphore(%run_scoped3A_100 : memref<!tpu.dma_semaphore, #tpu.memory_space<semaphore_mem>>) src(%dma_wait3A_112 : memref<2x128xi32, #tpu.memory_space<hbm>>) dst(%arg9 : memref<2x128xi32, #tpu.memory_space<vmem>>)
        tpu.yield
      }) : () -> ()
      %dma_start3A = arith.constant 0 : i32
      %dma_start3A_50 = arith.constant 0 : i32
      %dma_start3A_51 = arith.constant 0 : i32
      %dma_start3A_52 = arith.constant 0 : i32
      %dma_start3A_53 = tpu.memref_slice %arg10[%dma_start3A_50, %dma_start3A_51, %dma_start3A_52] : memref<2x128x128xf32, #tpu.memory_space<vmem>> -> memref<1x128x128xf32, #tpu.memory_space<vmem>>
      %dma_start3A_54 = tpu.memref_squeeze %dma_start3A_53 : memref<1x128x128xf32, #tpu.memory_space<vmem>> -> memref<128x128xf32, #tpu.memory_space<vmem>>
      %dma_start3A_55 = arith.constant 0 : i32
      %dma_start3A_56 = tpu.memref_slice %arg8[%dma_start3A, %dma_start3A_55] : memref<2x128xi32, #tpu.memory_space<vmem>> -> memref<1x128xi32, #tpu.memory_space<vmem>>
      %dma_start3A_57 = tpu.memref_squeeze %dma_start3A_56 : memref<1x128xi32, #tpu.memory_space<vmem>> -> memref<128xi32, #tpu.memory_space<vmem>>
      %dma_start3A_58 = arith.constant 0 : i32
      %dma_start3A_59 = arith.constant 0 : i32
      %dma_start3A_60 = tpu.memref_slice %arg2[%dma_start3A_58, %dma_start3A_59] : memref<10240x128xf32, #tpu.memory_space<hbm>> -> memref<10240x128xf32, #tpu.memory_space<hbm>>
      tpu.enqueue_indirect_dma source(%dma_start3A_60 : memref<10240x128xf32, #tpu.memory_space<hbm>>) target(%dma_start3A_54 : memref<128x128xf32, #tpu.memory_space<vmem>>) offsets(%dma_start3A_57 : memref<128xi32, #tpu.memory_space<vmem>>) semaphore(%arg11 : memref<!tpu.dma_semaphore, #tpu.memory_space<semaphore_mem>>)
      %dma_start3A_61 = arith.constant 1 : i32
      %dma_start3A_62 = arith.constant 1 : i32
      %dma_start3A_63 = arith.constant 0 : i32
      %dma_start3A_64 = arith.constant 0 : i32
      %dma_start3A_65 = tpu.memref_slice %arg10[%dma_start3A_62, %dma_start3A_63, %dma_start3A_64] : memref<2x128x128xf32, #tpu.memory_space<vmem>> -> memref<1x128x128xf32, #tpu.memory_space<vmem>>
      %dma_start3A_66 = tpu.memref_squeeze %dma_start3A_65 : memref<1x128x128xf32, #tpu.memory_space<vmem>> -> memref<128x128xf32, #tpu.memory_space<vmem>>
      %dma_start3A_67 = arith.constant 0 : i32
      %dma_start3A_68 = tpu.memref_slice %arg8[%dma_start3A_61, %dma_start3A_67] : memref<2x128xi32, #tpu.memory_space<vmem>> -> memref<1x128xi32, #tpu.memory_space<vmem>>
      %dma_start3A_69 = tpu.memref_squeeze %dma_start3A_68 : memref<1x128xi32, #tpu.memory_space<vmem>> -> memref<128xi32, #tpu.memory_space<vmem>>
      %dma_start3A_70 = arith.constant 0 : i32
      %dma_start3A_71 = arith.constant 0 : i32
      %dma_start3A_72 = tpu.memref_slice %arg2[%dma_start3A_70, %dma_start3A_71] : memref<10240x128xf32, #tpu.memory_space<hbm>> -> memref<10240x128xf32, #tpu.memory_space<hbm>>
      tpu.enqueue_indirect_dma source(%dma_start3A_72 : memref<10240x128xf32, #tpu.memory_space<hbm>>) target(%dma_start3A_66 : memref<128x128xf32, #tpu.memory_space<vmem>>) offsets(%dma_start3A_69 : memref<128xi32, #tpu.memory_space<vmem>>) semaphore(%arg12 : memref<!tpu.dma_semaphore, #tpu.memory_space<semaphore_mem>>)
      %dma_wait3A = arith.constant 0 : i32
      %dma_wait3A_73 = arith.constant 0 : i32
      %dma_wait3A_74 = arith.constant 0 : i32
      %dma_wait3A_75 = arith.constant 0 : i32
      %dma_wait3A_76 = tpu.memref_slice %arg10[%dma_wait3A_73, %dma_wait3A_74, %dma_wait3A_75] : memref<2x128x128xf32, #tpu.memory_space<vmem>> -> memref<1x128x128xf32, #tpu.memory_space<vmem>>
      %dma_wait3A_77 = tpu.memref_squeeze %dma_wait3A_76 : memref<1x128x128xf32, #tpu.memory_space<vmem>> -> memref<128x128xf32, #tpu.memory_space<vmem>>
      %dma_wait3A_78 = arith.constant 0 : i32
      %dma_wait3A_79 = tpu.memref_slice %arg8[%dma_wait3A, %dma_wait3A_78] : memref<2x128xi32, #tpu.memory_space<vmem>> -> memref<1x128xi32, #tpu.memory_space<vmem>>
      %dma_wait3A_80 = tpu.memref_squeeze %dma_wait3A_79 : memref<1x128xi32, #tpu.memory_space<vmem>> -> memref<128xi32, #tpu.memory_space<vmem>>
      %dma_wait3A_81 = arith.constant 0 : i32
      %dma_wait3A_82 = arith.constant 0 : i32
      %dma_wait3A_83 = tpu.memref_slice %arg2[%dma_wait3A_81, %dma_wait3A_82] : memref<10240x128xf32, #tpu.memory_space<hbm>> -> memref<10240x128xf32, #tpu.memory_space<hbm>>
      tpu.wait_indirect_dma semaphore(%arg11 : memref<!tpu.dma_semaphore, #tpu.memory_space<semaphore_mem>>) src(%dma_wait3A_83 : memref<10240x128xf32, #tpu.memory_space<hbm>>) dst(%dma_wait3A_77 : memref<128x128xf32, #tpu.memory_space<vmem>>)
      %run_scoped3A_84 = arith.constant 0 : i32
      %run_scoped3A_85 = arith.constant 0 : i32
      "tpu.region"() ({
        %run_scoped3A_100 = tpu.sem_alloc : memref<!tpu.dma_semaphore, #tpu.memory_space<semaphore_mem>>
        %dma_start3A_101 = arith.constant 0 : i32
        %dma_start3A_102 = arith.constant 0 : i32
        %dma_start3A_103 = tpu.memref_slice %arg10[%run_scoped3A_84, %dma_start3A_101, %dma_start3A_102] : memref<2x128x128xf32, #tpu.memory_space<vmem>> -> memref<1x128x128xf32, #tpu.memory_space<vmem>>
        %dma_start3A_104 = tpu.memref_squeeze %dma_start3A_103 : memref<1x128x128xf32, #tpu.memory_space<vmem>> -> memref<128x128xf32, #tpu.memory_space<vmem>>
        %dma_start3A_105 = arith.constant 0 : i32
        %dma_start3A_106 = tpu.memref_slice %arg9[%run_scoped3A_85, %dma_start3A_105] : memref<2x128xi32, #tpu.memory_space<vmem>> -> memref<1x128xi32, #tpu.memory_space<vmem>>
        %dma_start3A_107 = tpu.memref_squeeze %dma_start3A_106 : memref<1x128xi32, #tpu.memory_space<vmem>> -> memref<128xi32, #tpu.memory_space<vmem>>
        %dma_start3A_108 = arith.constant 0 : i32
        %dma_start3A_109 = arith.constant 0 : i32
        %dma_start3A_110 = tpu.memref_slice %arg7[%dma_start3A_108, %dma_start3A_109] : memref<10240x128xf32, #tpu.memory_space<vmem_shared>> -> memref<10240x128xf32, #tpu.memory_space<vmem_shared>>
        tpu.enqueue_indirect_dma source(%dma_start3A_104 : memref<128x128xf32, #tpu.memory_space<vmem>>) target(%dma_start3A_110 : memref<10240x128xf32, #tpu.memory_space<vmem_shared>>) offsets(%dma_start3A_107 : memref<128xi32, #tpu.memory_space<vmem>>) semaphore(%run_scoped3A_100 : memref<!tpu.dma_semaphore, #tpu.memory_space<semaphore_mem>>) {add = true}
        %dma_wait3A_111 = arith.constant 0 : i32
        %dma_wait3A_112 = arith.constant 0 : i32
        %dma_wait3A_113 = tpu.memref_slice %arg10[%run_scoped3A_84, %dma_wait3A_111, %dma_wait3A_112] : memref<2x128x128xf32, #tpu.memory_space<vmem>> -> memref<1x128x128xf32, #tpu.memory_space<vmem>>
        %dma_wait3A_114 = tpu.memref_squeeze %dma_wait3A_113 : memref<1x128x128xf32, #tpu.memory_space<vmem>> -> memref<128x128xf32, #tpu.memory_space<vmem>>
        %dma_wait3A_115 = arith.constant 0 : i32
        %dma_wait3A_116 = tpu.memref_slice %arg9[%run_scoped3A_85, %dma_wait3A_115] : memref<2x128xi32, #tpu.memory_space<vmem>> -> memref<1x128xi32, #tpu.memory_space<vmem>>
        %dma_wait3A_117 = tpu.memref_squeeze %dma_wait3A_116 : memref<1x128xi32, #tpu.memory_space<vmem>> -> memref<128xi32, #tpu.memory_space<vmem>>
        %dma_wait3A_118 = arith.constant 0 : i32
        %dma_wait3A_119 = arith.constant 0 : i32
        %dma_wait3A_120 = tpu.memref_slice %arg7[%dma_wait3A_118, %dma_wait3A_119] : memref<10240x128xf32, #tpu.memory_space<vmem_shared>> -> memref<10240x128xf32, #tpu.memory_space<vmem_shared>>
        tpu.wait_indirect_dma semaphore(%run_scoped3A_100 : memref<!tpu.dma_semaphore, #tpu.memory_space<semaphore_mem>>) src(%dma_wait3A_114 : memref<128x128xf32, #tpu.memory_space<vmem>>) dst(%dma_wait3A_120 : memref<10240x128xf32, #tpu.memory_space<vmem_shared>>)
        tpu.yield
      }) : () -> ()
      %dma_wait3A_86 = arith.constant 1 : i32
      %dma_wait3A_87 = arith.constant 1 : i32
      %dma_wait3A_88 = arith.constant 0 : i32
      %dma_wait3A_89 = arith.constant 0 : i32
      %dma_wait3A_90 = tpu.memref_slice %arg10[%dma_wait3A_87, %dma_wait3A_88, %dma_wait3A_89] : memref<2x128x128xf32, #tpu.memory_space<vmem>> -> memref<1x128x128xf32, #tpu.memory_space<vmem>>
      %dma_wait3A_91 = tpu.memref_squeeze %dma_wait3A_90 : memref<1x128x128xf32, #tpu.memory_space<vmem>> -> memref<128x128xf32, #tpu.memory_space<vmem>>
      %dma_wait3A_92 = arith.constant 0 : i32
      %dma_wait3A_93 = tpu.memref_slice %arg8[%dma_wait3A_86, %dma_wait3A_92] : memref<2x128xi32, #tpu.memory_space<vmem>> -> memref<1x128xi32, #tpu.memory_space<vmem>>
      %dma_wait3A_94 = tpu.memref_squeeze %dma_wait3A_93 : memref<1x128xi32, #tpu.memory_space<vmem>> -> memref<128xi32, #tpu.memory_space<vmem>>
      %dma_wait3A_95 = arith.constant 0 : i32
      %dma_wait3A_96 = arith.constant 0 : i32
      %dma_wait3A_97 = tpu.memref_slice %arg2[%dma_wait3A_95, %dma_wait3A_96] : memref<10240x128xf32, #tpu.memory_space<hbm>> -> memref<10240x128xf32, #tpu.memory_space<hbm>>
      tpu.wait_indirect_dma semaphore(%arg12 : memref<!tpu.dma_semaphore, #tpu.memory_space<semaphore_mem>>) src(%dma_wait3A_97 : memref<10240x128xf32, #tpu.memory_space<hbm>>) dst(%dma_wait3A_91 : memref<128x128xf32, #tpu.memory_space<vmem>>)
      %run_scoped3A_98 = arith.constant 1 : i32
      %run_scoped3A_99 = arith.constant 1 : i32
      "tpu.region"() ({
        %run_scoped3A_100 = tpu.sem_alloc : memref<!tpu.dma_semaphore, #tpu.memory_space<semaphore_mem>>
        %dma_start3A_101 = arith.constant 0 : i32
        %dma_start3A_102 = arith.constant 0 : i32
        %dma_start3A_103 = tpu.memref_slice %arg10[%run_scoped3A_98, %dma_start3A_101, %dma_start3A_102] : memref<2x128x128xf32, #tpu.memory_space<vmem>> -> memref<1x128x128xf32, #tpu.memory_space<vmem>>
        %dma_start3A_104 = tpu.memref_squeeze %dma_start3A_103 : memref<1x128x128xf32, #tpu.memory_space<vmem>> -> memref<128x128xf32, #tpu.memory_space<vmem>>
        %dma_start3A_105 = arith.constant 0 : i32
        %dma_start3A_106 = tpu.memref_slice %arg9[%run_scoped3A_99, %dma_start3A_105] : memref<2x128xi32, #tpu.memory_space<vmem>> -> memref<1x128xi32, #tpu.memory_space<vmem>>
        %dma_start3A_107 = tpu.memref_squeeze %dma_start3A_106 : memref<1x128xi32, #tpu.memory_space<vmem>> -> memref<128xi32, #tpu.memory_space<vmem>>
        %dma_start3A_108 = arith.constant 0 : i32
        %dma_start3A_109 = arith.constant 0 : i32
        %dma_start3A_110 = tpu.memref_slice %arg7[%dma_start3A_108, %dma_start3A_109] : memref<10240x128xf32, #tpu.memory_space<vmem_shared>> -> memref<10240x128xf32, #tpu.memory_space<vmem_shared>>
        tpu.enqueue_indirect_dma source(%dma_start3A_104 : memref<128x128xf32, #tpu.memory_space<vmem>>) target(%dma_start3A_110 : memref<10240x128xf32, #tpu.memory_space<vmem_shared>>) offsets(%dma_start3A_107 : memref<128xi32, #tpu.memory_space<vmem>>) semaphore(%run_scoped3A_100 : memref<!tpu.dma_semaphore, #tpu.memory_space<semaphore_mem>>) {add = true}
        %dma_wait3A_111 = arith.constant 0 : i32
        %dma_wait3A_112 = arith.constant 0 : i32
        %dma_wait3A_113 = tpu.memref_slice %arg10[%run_scoped3A_98, %dma_wait3A_111, %dma_wait3A_112] : memref<2x128x128xf32, #tpu.memory_space<vmem>> -> memref<1x128x128xf32, #tpu.memory_space<vmem>>
        %dma_wait3A_114 = tpu.memref_squeeze %dma_wait3A_113 : memref<1x128x128xf32, #tpu.memory_space<vmem>> -> memref<128x128xf32, #tpu.memory_space<vmem>>
        %dma_wait3A_115 = arith.constant 0 : i32
        %dma_wait3A_116 = tpu.memref_slice %arg9[%run_scoped3A_99, %dma_wait3A_115] : memref<2x128xi32, #tpu.memory_space<vmem>> -> memref<1x128xi32, #tpu.memory_space<vmem>>
        %dma_wait3A_117 = tpu.memref_squeeze %dma_wait3A_116 : memref<1x128xi32, #tpu.memory_space<vmem>> -> memref<128xi32, #tpu.memory_space<vmem>>
        %dma_wait3A_118 = arith.constant 0 : i32
        %dma_wait3A_119 = arith.constant 0 : i32
        %dma_wait3A_120 = tpu.memref_slice %arg7[%dma_wait3A_118, %dma_wait3A_119] : memref<10240x128xf32, #tpu.memory_space<vmem_shared>> -> memref<10240x128xf32, #tpu.memory_space<vmem_shared>>
        tpu.wait_indirect_dma semaphore(%run_scoped3A_100 : memref<!tpu.dma_semaphore, #tpu.memory_space<semaphore_mem>>) src(%dma_wait3A_114 : memref<128x128xf32, #tpu.memory_space<vmem>>) dst(%dma_wait3A_120 : memref<10240x128xf32, #tpu.memory_space<vmem_shared>>)
        tpu.yield
      }) : () -> ()
    }
    %while3A_14 = arith.constant 1 : i32
    scf.for %while3A_45 = %while3A_12 to %while3A_8 step %while3A_14  : i32 {
      %mul3A_46 = arith.constant 2 : i32
      %mul3A_47 = arith.muli %mul3A_46, %while3A_45 : i32
      "tpu.region"() ({
        %run_scoped3A_100 = tpu.sem_alloc : memref<!tpu.dma_semaphore, #tpu.memory_space<semaphore_mem>>
        %dma_start3A_101 = arith.constant 0 : i32
        %dma_start3A_102 = tpu.memref_slice %arg3[%add3A, %mul3A_47, %dma_start3A_101] : memref<32x120x128xi32, #tpu.memory_space<hbm>> -> memref<1x2x128xi32, #tpu.memory_space<hbm>>
        %dma_start3A_103 = tpu.memref_squeeze %dma_start3A_102 : memref<1x2x128xi32, #tpu.memory_space<hbm>> -> memref<2x128xi32, #tpu.memory_space<hbm>>
        %dma_start3A_104 = arith.constant 0 : i32
        %dma_start3A_105 = tpu.memref_slice %arg3[%add3A, %mul3A_47, %dma_start3A_104] : memref<32x120x128xi32, #tpu.memory_space<hbm>> -> memref<1x2x128xi32, #tpu.memory_space<hbm>>
        %dma_start3A_106 = tpu.memref_squeeze %dma_start3A_105 : memref<1x2x128xi32, #tpu.memory_space<hbm>> -> memref<2x128xi32, #tpu.memory_space<hbm>>
        tpu.enqueue_dma source(%dma_start3A_106 : memref<2x128xi32, #tpu.memory_space<hbm>>) target(%arg8 : memref<2x128xi32, #tpu.memory_space<vmem>>) target_semaphore(%run_scoped3A_100 : memref<!tpu.dma_semaphore, #tpu.memory_space<semaphore_mem>>)
        %dma_wait3A_107 = arith.constant 0 : i32
        %dma_wait3A_108 = tpu.memref_slice %arg3[%add3A, %mul3A_47, %dma_wait3A_107] : memref<32x120x128xi32, #tpu.memory_space<hbm>> -> memref<1x2x128xi32, #tpu.memory_space<hbm>>
        %dma_wait3A_109 = tpu.memref_squeeze %dma_wait3A_108 : memref<1x2x128xi32, #tpu.memory_space<hbm>> -> memref<2x128xi32, #tpu.memory_space<hbm>>
        %dma_wait3A_110 = arith.constant 0 : i32
        %dma_wait3A_111 = tpu.memref_slice %arg3[%add3A, %mul3A_47, %dma_wait3A_110] : memref<32x120x128xi32, #tpu.memory_space<hbm>> -> memref<1x2x128xi32, #tpu.memory_space<hbm>>
        %dma_wait3A_112 = tpu.memref_squeeze %dma_wait3A_111 : memref<1x2x128xi32, #tpu.memory_space<hbm>> -> memref<2x128xi32, #tpu.memory_space<hbm>>
        tpu.wait_dma2 semaphore(%run_scoped3A_100 : memref<!tpu.dma_semaphore, #tpu.memory_space<semaphore_mem>>) src(%dma_wait3A_112 : memref<2x128xi32, #tpu.memory_space<hbm>>) dst(%arg8 : memref<2x128xi32, #tpu.memory_space<vmem>>)
        tpu.yield
      }) : () -> ()
      %mul3A_48 = arith.constant 2 : i32
      %mul3A_49 = arith.muli %mul3A_48, %while3A_45 : i32
      "tpu.region"() ({
        %run_scoped3A_100 = tpu.sem_alloc : memref<!tpu.dma_semaphore, #tpu.memory_space<semaphore_mem>>
        %dma_start3A_101 = arith.constant 0 : i32
        %dma_start3A_102 = tpu.memref_slice %arg4[%add3A, %mul3A_49, %dma_start3A_101] : memref<32x120x128xi32, #tpu.memory_space<hbm>> -> memref<1x2x128xi32, #tpu.memory_space<hbm>>
        %dma_start3A_103 = tpu.memref_squeeze %dma_start3A_102 : memref<1x2x128xi32, #tpu.memory_space<hbm>> -> memref<2x128xi32, #tpu.memory_space<hbm>>
        %dma_start3A_104 = arith.constant 0 : i32
        %dma_start3A_105 = tpu.memref_slice %arg4[%add3A, %mul3A_49, %dma_start3A_104] : memref<32x120x128xi32, #tpu.memory_space<hbm>> -> memref<1x2x128xi32, #tpu.memory_space<hbm>>
        %dma_start3A_106 = tpu.memref_squeeze %dma_start3A_105 : memref<1x2x128xi32, #tpu.memory_space<hbm>> -> memref<2x128xi32, #tpu.memory_space<hbm>>
        tpu.enqueue_dma source(%dma_start3A_106 : memref<2x128xi32, #tpu.memory_space<hbm>>) target(%arg9 : memref<2x128xi32, #tpu.memory_space<vmem>>) target_semaphore(%run_scoped3A_100 : memref<!tpu.dma_semaphore, #tpu.memory_space<semaphore_mem>>)
        %dma_wait3A_107 = arith.constant 0 : i32
        %dma_wait3A_108 = tpu.memref_slice %arg4[%add3A, %mul3A_49, %dma_wait3A_107] : memref<32x120x128xi32, #tpu.memory_space<hbm>> -> memref<1x2x128xi32, #tpu.memory_space<hbm>>
        %dma_wait3A_109 = tpu.memref_squeeze %dma_wait3A_108 : memref<1x2x128xi32, #tpu.memory_space<hbm>> -> memref<2x128xi32, #tpu.memory_space<hbm>>
        %dma_wait3A_110 = arith.constant 0 : i32
        %dma_wait3A_111 = tpu.memref_slice %arg4[%add3A, %mul3A_49, %dma_wait3A_110] : memref<32x120x128xi32, #tpu.memory_space<hbm>> -> memref<1x2x128xi32, #tpu.memory_space<hbm>>
        %dma_wait3A_112 = tpu.memref_squeeze %dma_wait3A_111 : memref<1x2x128xi32, #tpu.memory_space<hbm>> -> memref<2x128xi32, #tpu.memory_space<hbm>>
        tpu.wait_dma2 semaphore(%run_scoped3A_100 : memref<!tpu.dma_semaphore, #tpu.memory_space<semaphore_mem>>) src(%dma_wait3A_112 : memref<2x128xi32, #tpu.memory_space<hbm>>) dst(%arg9 : memref<2x128xi32, #tpu.memory_space<vmem>>)
        tpu.yield
      }) : () -> ()
      %dma_start3A = arith.constant 0 : i32
      %dma_start3A_50 = arith.constant 0 : i32
      %dma_start3A_51 = arith.constant 0 : i32
      %dma_start3A_52 = arith.constant 0 : i32
      %dma_start3A_53 = tpu.memref_slice %arg10[%dma_start3A_50, %dma_start3A_51, %dma_start3A_52] : memref<2x128x128xf32, #tpu.memory_space<vmem>> -> memref<1x128x128xf32, #tpu.memory_space<vmem>>
      %dma_start3A_54 = tpu.memref_squeeze %dma_start3A_53 : memref<1x128x128xf32, #tpu.memory_space<vmem>> -> memref<128x128xf32, #tpu.memory_space<vmem>>
      %dma_start3A_55 = arith.constant 0 : i32
      %dma_start3A_56 = tpu.memref_slice %arg8[%dma_start3A, %dma_start3A_55] : memref<2x128xi32, #tpu.memory_space<vmem>> -> memref<1x128xi32, #tpu.memory_space<vmem>>
      %dma_start3A_57 = tpu.memref_squeeze %dma_start3A_56 : memref<1x128xi32, #tpu.memory_space<vmem>> -> memref<128xi32, #tpu.memory_space<vmem>>
      %dma_start3A_58 = arith.constant 0 : i32
      %dma_start3A_59 = arith.constant 0 : i32
      %dma_start3A_60 = tpu.memref_slice %arg2[%dma_start3A_58, %dma_start3A_59] : memref<10240x128xf32, #tpu.memory_space<hbm>> -> memref<10240x128xf32, #tpu.memory_space<hbm>>
      tpu.enqueue_indirect_dma source(%dma_start3A_60 : memref<10240x128xf32, #tpu.memory_space<hbm>>) target(%dma_start3A_54 : memref<128x128xf32, #tpu.memory_space<vmem>>) offsets(%dma_start3A_57 : memref<128xi32, #tpu.memory_space<vmem>>) semaphore(%arg11 : memref<!tpu.dma_semaphore, #tpu.memory_space<semaphore_mem>>)
      %dma_start3A_61 = arith.constant 1 : i32
      %dma_start3A_62 = arith.constant 1 : i32
      %dma_start3A_63 = arith.constant 0 : i32
      %dma_start3A_64 = arith.constant 0 : i32
      %dma_start3A_65 = tpu.memref_slice %arg10[%dma_start3A_62, %dma_start3A_63, %dma_start3A_64] : memref<2x128x128xf32, #tpu.memory_space<vmem>> -> memref<1x128x128xf32, #tpu.memory_space<vmem>>
      %dma_start3A_66 = tpu.memref_squeeze %dma_start3A_65 : memref<1x128x128xf32, #tpu.memory_space<vmem>> -> memref<128x128xf32, #tpu.memory_space<vmem>>
      %dma_start3A_67 = arith.constant 0 : i32
      %dma_start3A_68 = tpu.memref_slice %arg8[%dma_start3A_61, %dma_start3A_67] : memref<2x128xi32, #tpu.memory_space<vmem>> -> memref<1x128xi32, #tpu.memory_space<vmem>>
      %dma_start3A_69 = tpu.memref_squeeze %dma_start3A_68 : memref<1x128xi32, #tpu.memory_space<vmem>> -> memref<128xi32, #tpu.memory_space<vmem>>
      %dma_start3A_70 = arith.constant 0 : i32
      %dma_start3A_71 = arith.constant 0 : i32
      %dma_start3A_72 = tpu.memref_slice %arg2[%dma_start3A_70, %dma_start3A_71] : memref<10240x128xf32, #tpu.memory_space<hbm>> -> memref<10240x128xf32, #tpu.memory_space<hbm>>
      tpu.enqueue_indirect_dma source(%dma_start3A_72 : memref<10240x128xf32, #tpu.memory_space<hbm>>) target(%dma_start3A_66 : memref<128x128xf32, #tpu.memory_space<vmem>>) offsets(%dma_start3A_69 : memref<128xi32, #tpu.memory_space<vmem>>) semaphore(%arg12 : memref<!tpu.dma_semaphore, #tpu.memory_space<semaphore_mem>>)
      %dma_wait3A = arith.constant 0 : i32
      %dma_wait3A_73 = arith.constant 0 : i32
      %dma_wait3A_74 = arith.constant 0 : i32
      %dma_wait3A_75 = arith.constant 0 : i32
      %dma_wait3A_76 = tpu.memref_slice %arg10[%dma_wait3A_73, %dma_wait3A_74, %dma_wait3A_75] : memref<2x128x128xf32, #tpu.memory_space<vmem>> -> memref<1x128x128xf32, #tpu.memory_space<vmem>>
      %dma_wait3A_77 = tpu.memref_squeeze %dma_wait3A_76 : memref<1x128x128xf32, #tpu.memory_space<vmem>> -> memref<128x128xf32, #tpu.memory_space<vmem>>
      %dma_wait3A_78 = arith.constant 0 : i32
      %dma_wait3A_79 = tpu.memref_slice %arg8[%dma_wait3A, %dma_wait3A_78] : memref<2x128xi32, #tpu.memory_space<vmem>> -> memref<1x128xi32, #tpu.memory_space<vmem>>
      %dma_wait3A_80 = tpu.memref_squeeze %dma_wait3A_79 : memref<1x128xi32, #tpu.memory_space<vmem>> -> memref<128xi32, #tpu.memory_space<vmem>>
      %dma_wait3A_81 = arith.constant 0 : i32
      %dma_wait3A_82 = arith.constant 0 : i32
      %dma_wait3A_83 = tpu.memref_slice %arg2[%dma_wait3A_81, %dma_wait3A_82] : memref<10240x128xf32, #tpu.memory_space<hbm>> -> memref<10240x128xf32, #tpu.memory_space<hbm>>
      tpu.wait_indirect_dma semaphore(%arg11 : memref<!tpu.dma_semaphore, #tpu.memory_space<semaphore_mem>>) src(%dma_wait3A_83 : memref<10240x128xf32, #tpu.memory_space<hbm>>) dst(%dma_wait3A_77 : memref<128x128xf32, #tpu.memory_space<vmem>>)
      %run_scoped3A_84 = arith.constant 0 : i32
      %run_scoped3A_85 = arith.constant 0 : i32
      "tpu.region"() ({
        %run_scoped3A_100 = tpu.sem_alloc : memref<!tpu.dma_semaphore, #tpu.memory_space<semaphore_mem>>
        %dma_start3A_101 = arith.constant 0 : i32
        %dma_start3A_102 = arith.constant 0 : i32
        %dma_start3A_103 = tpu.memref_slice %arg10[%run_scoped3A_84, %dma_start3A_101, %dma_start3A_102] : memref<2x128x128xf32, #tpu.memory_space<vmem>> -> memref<1x128x128xf32, #tpu.memory_space<vmem>>
        %dma_start3A_104 = tpu.memref_squeeze %dma_start3A_103 : memref<1x128x128xf32, #tpu.memory_space<vmem>> -> memref<128x128xf32, #tpu.memory_space<vmem>>
        %dma_start3A_105 = arith.constant 0 : i32
        %dma_start3A_106 = tpu.memref_slice %arg9[%run_scoped3A_85, %dma_start3A_105] : memref<2x128xi32, #tpu.memory_space<vmem>> -> memref<1x128xi32, #tpu.memory_space<vmem>>
        %dma_start3A_107 = tpu.memref_squeeze %dma_start3A_106 : memref<1x128xi32, #tpu.memory_space<vmem>> -> memref<128xi32, #tpu.memory_space<vmem>>
        %dma_start3A_108 = arith.constant 0 : i32
        %dma_start3A_109 = arith.constant 0 : i32
        %dma_start3A_110 = tpu.memref_slice %arg7[%dma_start3A_108, %dma_start3A_109] : memref<10240x128xf32, #tpu.memory_space<vmem_shared>> -> memref<10240x128xf32, #tpu.memory_space<vmem_shared>>
        tpu.enqueue_indirect_dma source(%dma_start3A_104 : memref<128x128xf32, #tpu.memory_space<vmem>>) target(%dma_start3A_110 : memref<10240x128xf32, #tpu.memory_space<vmem_shared>>) offsets(%dma_start3A_107 : memref<128xi32, #tpu.memory_space<vmem>>) semaphore(%run_scoped3A_100 : memref<!tpu.dma_semaphore, #tpu.memory_space<semaphore_mem>>) {add = true}
        %dma_wait3A_111 = arith.constant 0 : i32
        %dma_wait3A_112 = arith.constant 0 : i32
        %dma_wait3A_113 = tpu.memref_slice %arg10[%run_scoped3A_84, %dma_wait3A_111, %dma_wait3A_112] : memref<2x128x128xf32, #tpu.memory_space<vmem>> -> memref<1x128x128xf32, #tpu.memory_space<vmem>>
        %dma_wait3A_114 = tpu.memref_squeeze %dma_wait3A_113 : memref<1x128x128xf32, #tpu.memory_space<vmem>> -> memref<128x128xf32, #tpu.memory_space<vmem>>
        %dma_wait3A_115 = arith.constant 0 : i32
        %dma_wait3A_116 = tpu.memref_slice %arg9[%run_scoped3A_85, %dma_wait3A_115] : memref<2x128xi32, #tpu.memory_space<vmem>> -> memref<1x128xi32, #tpu.memory_space<vmem>>
        %dma_wait3A_117 = tpu.memref_squeeze %dma_wait3A_116 : memref<1x128xi32, #tpu.memory_space<vmem>> -> memref<128xi32, #tpu.memory_space<vmem>>
        %dma_wait3A_118 = arith.constant 0 : i32
        %dma_wait3A_119 = arith.constant 0 : i32
        %dma_wait3A_120 = tpu.memref_slice %arg7[%dma_wait3A_118, %dma_wait3A_119] : memref<10240x128xf32, #tpu.memory_space<vmem_shared>> -> memref<10240x128xf32, #tpu.memory_space<vmem_shared>>
        tpu.wait_indirect_dma semaphore(%run_scoped3A_100 : memref<!tpu.dma_semaphore, #tpu.memory_space<semaphore_mem>>) src(%dma_wait3A_114 : memref<128x128xf32, #tpu.memory_space<vmem>>) dst(%dma_wait3A_120 : memref<10240x128xf32, #tpu.memory_space<vmem_shared>>)
        tpu.yield
      }) : () -> ()
      %dma_wait3A_86 = arith.constant 1 : i32
      %dma_wait3A_87 = arith.constant 1 : i32
      %dma_wait3A_88 = arith.constant 0 : i32
      %dma_wait3A_89 = arith.constant 0 : i32
      %dma_wait3A_90 = tpu.memref_slice %arg10[%dma_wait3A_87, %dma_wait3A_88, %dma_wait3A_89] : memref<2x128x128xf32, #tpu.memory_space<vmem>> -> memref<1x128x128xf32, #tpu.memory_space<vmem>>
      %dma_wait3A_91 = tpu.memref_squeeze %dma_wait3A_90 : memref<1x128x128xf32, #tpu.memory_space<vmem>> -> memref<128x128xf32, #tpu.memory_space<vmem>>
      %dma_wait3A_92 = arith.constant 0 : i32
      %dma_wait3A_93 = tpu.memref_slice %arg8[%dma_wait3A_86, %dma_wait3A_92] : memref<2x128xi32, #tpu.memory_space<vmem>> -> memref<1x128xi32, #tpu.memory_space<vmem>>
      %dma_wait3A_94 = tpu.memref_squeeze %dma_wait3A_93 : memref<1x128xi32, #tpu.memory_space<vmem>> -> memref<128xi32, #tpu.memory_space<vmem>>
      %dma_wait3A_95 = arith.constant 0 : i32
      %dma_wait3A_96 = arith.constant 0 : i32
      %dma_wait3A_97 = tpu.memref_slice %arg2[%dma_wait3A_95, %dma_wait3A_96] : memref<10240x128xf32, #tpu.memory_space<hbm>> -> memref<10240x128xf32, #tpu.memory_space<hbm>>
      tpu.wait_indirect_dma semaphore(%arg12 : memref<!tpu.dma_semaphore, #tpu.memory_space<semaphore_mem>>) src(%dma_wait3A_97 : memref<10240x128xf32, #tpu.memory_space<hbm>>) dst(%dma_wait3A_91 : memref<128x128xf32, #tpu.memory_space<vmem>>)
      %run_scoped3A_98 = arith.constant 1 : i32
      %run_scoped3A_99 = arith.constant 1 : i32
      "tpu.region"() ({
        %run_scoped3A_100 = tpu.sem_alloc : memref<!tpu.dma_semaphore, #tpu.memory_space<semaphore_mem>>
        %dma_start3A_101 = arith.constant 0 : i32
        %dma_start3A_102 = arith.constant 0 : i32
        %dma_start3A_103 = tpu.memref_slice %arg10[%run_scoped3A_98, %dma_start3A_101, %dma_start3A_102] : memref<2x128x128xf32, #tpu.memory_space<vmem>> -> memref<1x128x128xf32, #tpu.memory_space<vmem>>
        %dma_start3A_104 = tpu.memref_squeeze %dma_start3A_103 : memref<1x128x128xf32, #tpu.memory_space<vmem>> -> memref<128x128xf32, #tpu.memory_space<vmem>>
        %dma_start3A_105 = arith.constant 0 : i32
        %dma_start3A_106 = tpu.memref_slice %arg9[%run_scoped3A_99, %dma_start3A_105] : memref<2x128xi32, #tpu.memory_space<vmem>> -> memref<1x128xi32, #tpu.memory_space<vmem>>
        %dma_start3A_107 = tpu.memref_squeeze %dma_start3A_106 : memref<1x128xi32, #tpu.memory_space<vmem>> -> memref<128xi32, #tpu.memory_space<vmem>>
        %dma_start3A_108 = arith.constant 0 : i32
        %dma_start3A_109 = arith.constant 0 : i32
        %dma_start3A_110 = tpu.memref_slice %arg7[%dma_start3A_108, %dma_start3A_109] : memref<10240x128xf32, #tpu.memory_space<vmem_shared>> -> memref<10240x128xf32, #tpu.memory_space<vmem_shared>>
        tpu.enqueue_indirect_dma source(%dma_start3A_104 : memref<128x128xf32, #tpu.memory_space<vmem>>) target(%dma_start3A_110 : memref<10240x128xf32, #tpu.memory_space<vmem_shared>>) offsets(%dma_start3A_107 : memref<128xi32, #tpu.memory_space<vmem>>) semaphore(%run_scoped3A_100 : memref<!tpu.dma_semaphore, #tpu.memory_space<semaphore_mem>>) {add = true}
        %dma_wait3A_111 = arith.constant 0 : i32
        %dma_wait3A_112 = arith.constant 0 : i32
        %dma_wait3A_113 = tpu.memref_slice %arg10[%run_scoped3A_98, %dma_wait3A_111, %dma_wait3A_112] : memref<2x128x128xf32, #tpu.memory_space<vmem>> -> memref<1x128x128xf32, #tpu.memory_space<vmem>>
        %dma_wait3A_114 = tpu.memref_squeeze %dma_wait3A_113 : memref<1x128x128xf32, #tpu.memory_space<vmem>> -> memref<128x128xf32, #tpu.memory_space<vmem>>
        %dma_wait3A_115 = arith.constant 0 : i32
        %dma_wait3A_116 = tpu.memref_slice %arg9[%run_scoped3A_99, %dma_wait3A_115] : memref<2x128xi32, #tpu.memory_space<vmem>> -> memref<1x128xi32, #tpu.memory_space<vmem>>
        %dma_wait3A_117 = tpu.memref_squeeze %dma_wait3A_116 : memref<1x128xi32, #tpu.memory_space<vmem>> -> memref<128xi32, #tpu.memory_space<vmem>>
        %dma_wait3A_118 = arith.constant 0 : i32
        %dma_wait3A_119 = arith.constant 0 : i32
        %dma_wait3A_120 = tpu.memref_slice %arg7[%dma_wait3A_118, %dma_wait3A_119] : memref<10240x128xf32, #tpu.memory_space<vmem_shared>> -> memref<10240x128xf32, #tpu.memory_space<vmem_shared>>
        tpu.wait_indirect_dma semaphore(%run_scoped3A_100 : memref<!tpu.dma_semaphore, #tpu.memory_space<semaphore_mem>>) src(%dma_wait3A_114 : memref<128x128xf32, #tpu.memory_space<vmem>>) dst(%dma_wait3A_120 : memref<10240x128xf32, #tpu.memory_space<vmem_shared>>)
        tpu.yield
      }) : () -> ()
    }
    %barrier3A_15 = arith.constant 0 : index
    tpu.barrier barrier_id(%barrier3A_15)
    %mul3A_16 = arith.constant 640 : i32
    %mul3A_17 = arith.muli %arg1, %mul3A_16 : i32
    %add3A_18 = arith.constant 0 : i32
    %add3A_19 = arith.addi %mul3A_17, %add3A_18 : i32
    %run_scoped3A = arith.constant 0 : i32
    "tpu.region"() ({
      %run_scoped3A_45 = tpu.sem_alloc : memref<!tpu.dma_semaphore, #tpu.memory_space<semaphore_mem>>
      %dma_start3A = arith.constant 0 : i32
      %dma_start3A_46 = arith.constant 0 : i32
      %dma_start3A_47 = tpu.memref_slice %arg10[%run_scoped3A, %dma_start3A, %dma_start3A_46] : memref<2x128x128xf32, #tpu.memory_space<vmem>> -> memref<1x128x128xf32, #tpu.memory_space<vmem>>
      %dma_start3A_48 = tpu.memref_squeeze %dma_start3A_47 : memref<1x128x128xf32, #tpu.memory_space<vmem>> -> memref<128x128xf32, #tpu.memory_space<vmem>>
      %dma_start3A_49 = arith.constant 0 : i32
      %dma_start3A_50 = tpu.memref_slice %arg7[%add3A_19, %dma_start3A_49] : memref<10240x128xf32, #tpu.memory_space<vmem_shared>> -> memref<128x128xf32, #tpu.memory_space<vmem_shared>>
      %dma_start3A_51 = arith.constant 0 : i32
      %dma_start3A_52 = arith.constant 0 : i32
      %dma_start3A_53 = tpu.memref_slice %arg10[%run_scoped3A, %dma_start3A_51, %dma_start3A_52] : memref<2x128x128xf32, #tpu.memory_space<vmem>> -> memref<1x128x128xf32, #tpu.memory_space<vmem>>
      %dma_start3A_54 = tpu.memref_squeeze %dma_start3A_53 : memref<1x128x128xf32, #tpu.memory_space<vmem>> -> memref<128x128xf32, #tpu.memory_space<vmem>>
      %dma_start3A_55 = arith.constant 0 : i32
      %dma_start3A_56 = tpu.memref_slice %arg7[%add3A_19, %dma_start3A_55] : memref<10240x128xf32, #tpu.memory_space<vmem_shared>> -> memref<128x128xf32, #tpu.memory_space<vmem_shared>>
      tpu.enqueue_dma source(%dma_start3A_56 : memref<128x128xf32, #tpu.memory_space<vmem_shared>>) target(%dma_start3A_54 : memref<128x128xf32, #tpu.memory_space<vmem>>) target_semaphore(%run_scoped3A_45 : memref<!tpu.dma_semaphore, #tpu.memory_space<semaphore_mem>>)
      %dma_wait3A = arith.constant 0 : i32
      %dma_wait3A_57 = arith.constant 0 : i32
      %dma_wait3A_58 = tpu.memref_slice %arg10[%run_scoped3A, %dma_wait3A, %dma_wait3A_57] : memref<2x128x128xf32, #tpu.memory_space<vmem>> -> memref<1x128x128xf32, #tpu.memory_space<vmem>>
      %dma_wait3A_59 = tpu.memref_squeeze %dma_wait3A_58 : memref<1x128x128xf32, #tpu.memory_space<vmem>> -> memref<128x128xf32, #tpu.memory_space<vmem>>
      %dma_wait3A_60 = arith.constant 0 : i32
      %dma_wait3A_61 = tpu.memref_slice %arg7[%add3A_19, %dma_wait3A_60] : memref<10240x128xf32, #tpu.memory_space<vmem_shared>> -> memref<128x128xf32, #tpu.memory_space<vmem_shared>>
      %dma_wait3A_62 = arith.constant 0 : i32
      %dma_wait3A_63 = arith.constant 0 : i32
      %dma_wait3A_64 = tpu.memref_slice %arg10[%run_scoped3A, %dma_wait3A_62, %dma_wait3A_63] : memref<2x128x128xf32, #tpu.memory_space<vmem>> -> memref<1x128x128xf32, #tpu.memory_space<vmem>>
      %dma_wait3A_65 = tpu.memref_squeeze %dma_wait3A_64 : memref<1x128x128xf32, #tpu.memory_space<vmem>> -> memref<128x128xf32, #tpu.memory_space<vmem>>
      %dma_wait3A_66 = arith.constant 0 : i32
      %dma_wait3A_67 = tpu.memref_slice %arg7[%add3A_19, %dma_wait3A_66] : memref<10240x128xf32, #tpu.memory_space<vmem_shared>> -> memref<128x128xf32, #tpu.memory_space<vmem_shared>>
      tpu.wait_dma2 semaphore(%run_scoped3A_45 : memref<!tpu.dma_semaphore, #tpu.memory_space<semaphore_mem>>) src(%dma_wait3A_67 : memref<128x128xf32, #tpu.memory_space<vmem_shared>>) dst(%dma_wait3A_65 : memref<128x128xf32, #tpu.memory_space<vmem>>)
      tpu.yield
    }) : () -> ()
    %run_scoped3A_20 = arith.constant 0 : i32
    "tpu.region"() ({
      %run_scoped3A_45 = tpu.sem_alloc : memref<!tpu.dma_semaphore, #tpu.memory_space<semaphore_mem>>
      %dma_start3A = arith.constant 0 : i32
      %dma_start3A_46 = arith.constant 0 : i32
      %dma_start3A_47 = tpu.memref_slice %arg10[%run_scoped3A_20, %dma_start3A, %dma_start3A_46] : memref<2x128x128xf32, #tpu.memory_space<vmem>> -> memref<1x128x128xf32, #tpu.memory_space<vmem>>
      %dma_start3A_48 = tpu.memref_squeeze %dma_start3A_47 : memref<1x128x128xf32, #tpu.memory_space<vmem>> -> memref<128x128xf32, #tpu.memory_space<vmem>>
      %dma_start3A_49 = arith.constant 0 : i32
      %dma_start3A_50 = tpu.memref_slice %arg6[%arg0, %add3A_19, %dma_start3A_49] : memref<2x10240x128xf32, #tpu.memory_space<hbm>> -> memref<1x128x128xf32, #tpu.memory_space<hbm>>
      %dma_start3A_51 = tpu.memref_squeeze %dma_start3A_50 : memref<1x128x128xf32, #tpu.memory_space<hbm>> -> memref<128x128xf32, #tpu.memory_space<hbm>>
      %dma_start3A_52 = arith.constant 0 : i32
      %dma_start3A_53 = tpu.memref_slice %arg6[%arg0, %add3A_19, %dma_start3A_52] : memref<2x10240x128xf32, #tpu.memory_space<hbm>> -> memref<1x128x128xf32, #tpu.memory_space<hbm>>
      %dma_start3A_54 = tpu.memref_squeeze %dma_start3A_53 : memref<1x128x128xf32, #tpu.memory_space<hbm>> -> memref<128x128xf32, #tpu.memory_space<hbm>>
      %dma_start3A_55 = arith.constant 0 : i32
      %dma_start3A_56 = arith.constant 0 : i32
      %dma_start3A_57 = tpu.memref_slice %arg10[%run_scoped3A_20, %dma_start3A_55, %dma_start3A_56] : memref<2x128x128xf32, #tpu.memory_space<vmem>> -> memref<1x128x128xf32, #tpu.memory_space<vmem>>
      %dma_start3A_58 = tpu.memref_squeeze %dma_start3A_57 : memref<1x128x128xf32, #tpu.memory_space<vmem>> -> memref<128x128xf32, #tpu.memory_space<vmem>>
      tpu.enqueue_dma source(%dma_start3A_58 : memref<128x128xf32, #tpu.memory_space<vmem>>) target(%dma_start3A_54 : memref<128x128xf32, #tpu.memory_space<hbm>>) target_semaphore(%run_scoped3A_45 : memref<!tpu.dma_semaphore, #tpu.memory_space<semaphore_mem>>)
      %dma_wait3A = arith.constant 0 : i32
      %dma_wait3A_59 = arith.constant 0 : i32
      %dma_wait3A_60 = tpu.memref_slice %arg10[%run_scoped3A_20, %dma_wait3A, %dma_wait3A_59] : memref<2x128x128xf32, #tpu.memory_space<vmem>> -> memref<1x128x128xf32, #tpu.memory_space<vmem>>
      %dma_wait3A_61 = tpu.memref_squeeze %dma_wait3A_60 : memref<1x128x128xf32, #tpu.memory_space<vmem>> -> memref<128x128xf32, #tpu.memory_space<vmem>>
      %dma_wait3A_62 = arith.constant 0 : i32
      %dma_wait3A_63 = tpu.memref_slice %arg6[%arg0, %add3A_19, %dma_wait3A_62] : memref<2x10240x128xf32, #tpu.memory_space<hbm>> -> memref<1x128x128xf32, #tpu.memory_space<hbm>>
      %dma_wait3A_64 = tpu.memref_squeeze %dma_wait3A_63 : memref<1x128x128xf32, #tpu.memory_space<hbm>> -> memref<128x128xf32, #tpu.memory_space<hbm>>
      %dma_wait3A_65 = arith.constant 0 : i32
      %dma_wait3A_66 = tpu.memref_slice %arg6[%arg0, %add3A_19, %dma_wait3A_65] : memref<2x10240x128xf32, #tpu.memory_space<hbm>> -> memref<1x128x128xf32, #tpu.memory_space<hbm>>
      %dma_wait3A_67 = tpu.memref_squeeze %dma_wait3A_66 : memref<1x128x128xf32, #tpu.memory_space<hbm>> -> memref<128x128xf32, #tpu.memory_space<hbm>>
      %dma_wait3A_68 = arith.constant 0 : i32
      %dma_wait3A_69 = arith.constant 0 : i32
      %dma_wait3A_70 = tpu.memref_slice %arg10[%run_scoped3A_20, %dma_wait3A_68, %dma_wait3A_69] : memref<2x128x128xf32, #tpu.memory_space<vmem>> -> memref<1x128x128xf32, #tpu.memory_space<vmem>>
      %dma_wait3A_71 = tpu.memref_squeeze %dma_wait3A_70 : memref<1x128x128xf32, #tpu.memory_space<vmem>> -> memref<128x128xf32, #tpu.memory_space<vmem>>
      tpu.wait_dma2 semaphore(%run_scoped3A_45 : memref<!tpu.dma_semaphore, #tpu.memory_space<semaphore_mem>>) src(%dma_wait3A_71 : memref<128x128xf32, #tpu.memory_space<vmem>>) dst(%dma_wait3A_67 : memref<128x128xf32, #tpu.memory_space<hbm>>)
      tpu.yield
    }) : () -> ()
    %mul3A_21 = arith.constant 640 : i32
    %mul3A_22 = arith.muli %arg1, %mul3A_21 : i32
    %add3A_23 = arith.constant 128 : i32
    %add3A_24 = arith.addi %mul3A_22, %add3A_23 : i32
    %run_scoped3A_25 = arith.constant 0 : i32
    "tpu.region"() ({
      %run_scoped3A_45 = tpu.sem_alloc : memref<!tpu.dma_semaphore, #tpu.memory_space<semaphore_mem>>
      %dma_start3A = arith.constant 0 : i32
      %dma_start3A_46 = arith.constant 0 : i32
      %dma_start3A_47 = tpu.memref_slice %arg10[%run_scoped3A_25, %dma_start3A, %dma_start3A_46] : memref<2x128x128xf32, #tpu.memory_space<vmem>> -> memref<1x128x128xf32, #tpu.memory_space<vmem>>
      %dma_start3A_48 = tpu.memref_squeeze %dma_start3A_47 : memref<1x128x128xf32, #tpu.memory_space<vmem>> -> memref<128x128xf32, #tpu.memory_space<vmem>>
      %dma_start3A_49 = arith.constant 0 : i32
      %dma_start3A_50 = tpu.memref_slice %arg7[%add3A_24, %dma_start3A_49] : memref<10240x128xf32, #tpu.memory_space<vmem_shared>> -> memref<128x128xf32, #tpu.memory_space<vmem_shared>>
      %dma_start3A_51 = arith.constant 0 : i32
      %dma_start3A_52 = arith.constant 0 : i32
      %dma_start3A_53 = tpu.memref_slice %arg10[%run_scoped3A_25, %dma_start3A_51, %dma_start3A_52] : memref<2x128x128xf32, #tpu.memory_space<vmem>> -> memref<1x128x128xf32, #tpu.memory_space<vmem>>
      %dma_start3A_54 = tpu.memref_squeeze %dma_start3A_53 : memref<1x128x128xf32, #tpu.memory_space<vmem>> -> memref<128x128xf32, #tpu.memory_space<vmem>>
      %dma_start3A_55 = arith.constant 0 : i32
      %dma_start3A_56 = tpu.memref_slice %arg7[%add3A_24, %dma_start3A_55] : memref<10240x128xf32, #tpu.memory_space<vmem_shared>> -> memref<128x128xf32, #tpu.memory_space<vmem_shared>>
      tpu.enqueue_dma source(%dma_start3A_56 : memref<128x128xf32, #tpu.memory_space<vmem_shared>>) target(%dma_start3A_54 : memref<128x128xf32, #tpu.memory_space<vmem>>) target_semaphore(%run_scoped3A_45 : memref<!tpu.dma_semaphore, #tpu.memory_space<semaphore_mem>>)
      %dma_wait3A = arith.constant 0 : i32
      %dma_wait3A_57 = arith.constant 0 : i32
      %dma_wait3A_58 = tpu.memref_slice %arg10[%run_scoped3A_25, %dma_wait3A, %dma_wait3A_57] : memref<2x128x128xf32, #tpu.memory_space<vmem>> -> memref<1x128x128xf32, #tpu.memory_space<vmem>>
      %dma_wait3A_59 = tpu.memref_squeeze %dma_wait3A_58 : memref<1x128x128xf32, #tpu.memory_space<vmem>> -> memref<128x128xf32, #tpu.memory_space<vmem>>
      %dma_wait3A_60 = arith.constant 0 : i32
      %dma_wait3A_61 = tpu.memref_slice %arg7[%add3A_24, %dma_wait3A_60] : memref<10240x128xf32, #tpu.memory_space<vmem_shared>> -> memref<128x128xf32, #tpu.memory_space<vmem_shared>>
      %dma_wait3A_62 = arith.constant 0 : i32
      %dma_wait3A_63 = arith.constant 0 : i32
      %dma_wait3A_64 = tpu.memref_slice %arg10[%run_scoped3A_25, %dma_wait3A_62, %dma_wait3A_63] : memref<2x128x128xf32, #tpu.memory_space<vmem>> -> memref<1x128x128xf32, #tpu.memory_space<vmem>>
      %dma_wait3A_65 = tpu.memref_squeeze %dma_wait3A_64 : memref<1x128x128xf32, #tpu.memory_space<vmem>> -> memref<128x128xf32, #tpu.memory_space<vmem>>
      %dma_wait3A_66 = arith.constant 0 : i32
      %dma_wait3A_67 = tpu.memref_slice %arg7[%add3A_24, %dma_wait3A_66] : memref<10240x128xf32, #tpu.memory_space<vmem_shared>> -> memref<128x128xf32, #tpu.memory_space<vmem_shared>>
      tpu.wait_dma2 semaphore(%run_scoped3A_45 : memref<!tpu.dma_semaphore, #tpu.memory_space<semaphore_mem>>) src(%dma_wait3A_67 : memref<128x128xf32, #tpu.memory_space<vmem_shared>>) dst(%dma_wait3A_65 : memref<128x128xf32, #tpu.memory_space<vmem>>)
      tpu.yield
    }) : () -> ()
    %run_scoped3A_26 = arith.constant 0 : i32
    "tpu.region"() ({
      %run_scoped3A_45 = tpu.sem_alloc : memref<!tpu.dma_semaphore, #tpu.memory_space<semaphore_mem>>
      %dma_start3A = arith.constant 0 : i32
      %dma_start3A_46 = arith.constant 0 : i32
      %dma_start3A_47 = tpu.memref_slice %arg10[%run_scoped3A_26, %dma_start3A, %dma_start3A_46] : memref<2x128x128xf32, #tpu.memory_space<vmem>> -> memref<1x128x128xf32, #tpu.memory_space<vmem>>
      %dma_start3A_48 = tpu.memref_squeeze %dma_start3A_47 : memref<1x128x128xf32, #tpu.memory_space<vmem>> -> memref<128x128xf32, #tpu.memory_space<vmem>>
      %dma_start3A_49 = arith.constant 0 : i32
      %dma_start3A_50 = tpu.memref_slice %arg6[%arg0, %add3A_24, %dma_start3A_49] : memref<2x10240x128xf32, #tpu.memory_space<hbm>> -> memref<1x128x128xf32, #tpu.memory_space<hbm>>
      %dma_start3A_51 = tpu.memref_squeeze %dma_start3A_50 : memref<1x128x128xf32, #tpu.memory_space<hbm>> -> memref<128x128xf32, #tpu.memory_space<hbm>>
      %dma_start3A_52 = arith.constant 0 : i32
      %dma_start3A_53 = tpu.memref_slice %arg6[%arg0, %add3A_24, %dma_start3A_52] : memref<2x10240x128xf32, #tpu.memory_space<hbm>> -> memref<1x128x128xf32, #tpu.memory_space<hbm>>
      %dma_start3A_54 = tpu.memref_squeeze %dma_start3A_53 : memref<1x128x128xf32, #tpu.memory_space<hbm>> -> memref<128x128xf32, #tpu.memory_space<hbm>>
      %dma_start3A_55 = arith.constant 0 : i32
      %dma_start3A_56 = arith.constant 0 : i32
      %dma_start3A_57 = tpu.memref_slice %arg10[%run_scoped3A_26, %dma_start3A_55, %dma_start3A_56] : memref<2x128x128xf32, #tpu.memory_space<vmem>> -> memref<1x128x128xf32, #tpu.memory_space<vmem>>
      %dma_start3A_58 = tpu.memref_squeeze %dma_start3A_57 : memref<1x128x128xf32, #tpu.memory_space<vmem>> -> memref<128x128xf32, #tpu.memory_space<vmem>>
      tpu.enqueue_dma source(%dma_start3A_58 : memref<128x128xf32, #tpu.memory_space<vmem>>) target(%dma_start3A_54 : memref<128x128xf32, #tpu.memory_space<hbm>>) target_semaphore(%run_scoped3A_45 : memref<!tpu.dma_semaphore, #tpu.memory_space<semaphore_mem>>)
      %dma_wait3A = arith.constant 0 : i32
      %dma_wait3A_59 = arith.constant 0 : i32
      %dma_wait3A_60 = tpu.memref_slice %arg10[%run_scoped3A_26, %dma_wait3A, %dma_wait3A_59] : memref<2x128x128xf32, #tpu.memory_space<vmem>> -> memref<1x128x128xf32, #tpu.memory_space<vmem>>
      %dma_wait3A_61 = tpu.memref_squeeze %dma_wait3A_60 : memref<1x128x128xf32, #tpu.memory_space<vmem>> -> memref<128x128xf32, #tpu.memory_space<vmem>>
      %dma_wait3A_62 = arith.constant 0 : i32
      %dma_wait3A_63 = tpu.memref_slice %arg6[%arg0, %add3A_24, %dma_wait3A_62] : memref<2x10240x128xf32, #tpu.memory_space<hbm>> -> memref<1x128x128xf32, #tpu.memory_space<hbm>>
      %dma_wait3A_64 = tpu.memref_squeeze %dma_wait3A_63 : memref<1x128x128xf32, #tpu.memory_space<hbm>> -> memref<128x128xf32, #tpu.memory_space<hbm>>
      %dma_wait3A_65 = arith.constant 0 : i32
      %dma_wait3A_66 = tpu.memref_slice %arg6[%arg0, %add3A_24, %dma_wait3A_65] : memref<2x10240x128xf32, #tpu.memory_space<hbm>> -> memref<1x128x128xf32, #tpu.memory_space<hbm>>
      %dma_wait3A_67 = tpu.memref_squeeze %dma_wait3A_66 : memref<1x128x128xf32, #tpu.memory_space<hbm>> -> memref<128x128xf32, #tpu.memory_space<hbm>>
      %dma_wait3A_68 = arith.constant 0 : i32
      %dma_wait3A_69 = arith.constant 0 : i32
      %dma_wait3A_70 = tpu.memref_slice %arg10[%run_scoped3A_26, %dma_wait3A_68, %dma_wait3A_69] : memref<2x128x128xf32, #tpu.memory_space<vmem>> -> memref<1x128x128xf32, #tpu.memory_space<vmem>>
      %dma_wait3A_71 = tpu.memref_squeeze %dma_wait3A_70 : memref<1x128x128xf32, #tpu.memory_space<vmem>> -> memref<128x128xf32, #tpu.memory_space<vmem>>
      tpu.wait_dma2 semaphore(%run_scoped3A_45 : memref<!tpu.dma_semaphore, #tpu.memory_space<semaphore_mem>>) src(%dma_wait3A_71 : memref<128x128xf32, #tpu.memory_space<vmem>>) dst(%dma_wait3A_67 : memref<128x128xf32, #tpu.memory_space<hbm>>)
      tpu.yield
    }) : () -> ()
    %mul3A_27 = arith.constant 640 : i32
    %mul3A_28 = arith.muli %arg1, %mul3A_27 : i32
    %add3A_29 = arith.constant 256 : i32
    %add3A_30 = arith.addi %mul3A_28, %add3A_29 : i32
    %run_scoped3A_31 = arith.constant 0 : i32
    "tpu.region"() ({
      %run_scoped3A_45 = tpu.sem_alloc : memref<!tpu.dma_semaphore, #tpu.memory_space<semaphore_mem>>
      %dma_start3A = arith.constant 0 : i32
      %dma_start3A_46 = arith.constant 0 : i32
      %dma_start3A_47 = tpu.memref_slice %arg10[%run_scoped3A_31, %dma_start3A, %dma_start3A_46] : memref<2x128x128xf32, #tpu.memory_space<vmem>> -> memref<1x128x128xf32, #tpu.memory_space<vmem>>
      %dma_start3A_48 = tpu.memref_squeeze %dma_start3A_47 : memref<1x128x128xf32, #tpu.memory_space<vmem>> -> memref<128x128xf32, #tpu.memory_space<vmem>>
      %dma_start3A_49 = arith.constant 0 : i32
      %dma_start3A_50 = tpu.memref_slice %arg7[%add3A_30, %dma_start3A_49] : memref<10240x128xf32, #tpu.memory_space<vmem_shared>> -> memref<128x128xf32, #tpu.memory_space<vmem_shared>>
      %dma_start3A_51 = arith.constant 0 : i32
      %dma_start3A_52 = arith.constant 0 : i32
      %dma_start3A_53 = tpu.memref_slice %arg10[%run_scoped3A_31, %dma_start3A_51, %dma_start3A_52] : memref<2x128x128xf32, #tpu.memory_space<vmem>> -> memref<1x128x128xf32, #tpu.memory_space<vmem>>
      %dma_start3A_54 = tpu.memref_squeeze %dma_start3A_53 : memref<1x128x128xf32, #tpu.memory_space<vmem>> -> memref<128x128xf32, #tpu.memory_space<vmem>>
      %dma_start3A_55 = arith.constant 0 : i32
      %dma_start3A_56 = tpu.memref_slice %arg7[%add3A_30, %dma_start3A_55] : memref<10240x128xf32, #tpu.memory_space<vmem_shared>> -> memref<128x128xf32, #tpu.memory_space<vmem_shared>>
      tpu.enqueue_dma source(%dma_start3A_56 : memref<128x128xf32, #tpu.memory_space<vmem_shared>>) target(%dma_start3A_54 : memref<128x128xf32, #tpu.memory_space<vmem>>) target_semaphore(%run_scoped3A_45 : memref<!tpu.dma_semaphore, #tpu.memory_space<semaphore_mem>>)
      %dma_wait3A = arith.constant 0 : i32
      %dma_wait3A_57 = arith.constant 0 : i32
      %dma_wait3A_58 = tpu.memref_slice %arg10[%run_scoped3A_31, %dma_wait3A, %dma_wait3A_57] : memref<2x128x128xf32, #tpu.memory_space<vmem>> -> memref<1x128x128xf32, #tpu.memory_space<vmem>>
      %dma_wait3A_59 = tpu.memref_squeeze %dma_wait3A_58 : memref<1x128x128xf32, #tpu.memory_space<vmem>> -> memref<128x128xf32, #tpu.memory_space<vmem>>
      %dma_wait3A_60 = arith.constant 0 : i32
      %dma_wait3A_61 = tpu.memref_slice %arg7[%add3A_30, %dma_wait3A_60] : memref<10240x128xf32, #tpu.memory_space<vmem_shared>> -> memref<128x128xf32, #tpu.memory_space<vmem_shared>>
      %dma_wait3A_62 = arith.constant 0 : i32
      %dma_wait3A_63 = arith.constant 0 : i32
      %dma_wait3A_64 = tpu.memref_slice %arg10[%run_scoped3A_31, %dma_wait3A_62, %dma_wait3A_63] : memref<2x128x128xf32, #tpu.memory_space<vmem>> -> memref<1x128x128xf32, #tpu.memory_space<vmem>>
      %dma_wait3A_65 = tpu.memref_squeeze %dma_wait3A_64 : memref<1x128x128xf32, #tpu.memory_space<vmem>> -> memref<128x128xf32, #tpu.memory_space<vmem>>
      %dma_wait3A_66 = arith.constant 0 : i32
      %dma_wait3A_67 = tpu.memref_slice %arg7[%add3A_30, %dma_wait3A_66] : memref<10240x128xf32, #tpu.memory_space<vmem_shared>> -> memref<128x128xf32, #tpu.memory_space<vmem_shared>>
      tpu.wait_dma2 semaphore(%run_scoped3A_45 : memref<!tpu.dma_semaphore, #tpu.memory_space<semaphore_mem>>) src(%dma_wait3A_67 : memref<128x128xf32, #tpu.memory_space<vmem_shared>>) dst(%dma_wait3A_65 : memref<128x128xf32, #tpu.memory_space<vmem>>)
      tpu.yield
    }) : () -> ()
    %run_scoped3A_32 = arith.constant 0 : i32
    "tpu.region"() ({
      %run_scoped3A_45 = tpu.sem_alloc : memref<!tpu.dma_semaphore, #tpu.memory_space<semaphore_mem>>
      %dma_start3A = arith.constant 0 : i32
      %dma_start3A_46 = arith.constant 0 : i32
      %dma_start3A_47 = tpu.memref_slice %arg10[%run_scoped3A_32, %dma_start3A, %dma_start3A_46] : memref<2x128x128xf32, #tpu.memory_space<vmem>> -> memref<1x128x128xf32, #tpu.memory_space<vmem>>
      %dma_start3A_48 = tpu.memref_squeeze %dma_start3A_47 : memref<1x128x128xf32, #tpu.memory_space<vmem>> -> memref<128x128xf32, #tpu.memory_space<vmem>>
      %dma_start3A_49 = arith.constant 0 : i32
      %dma_start3A_50 = tpu.memref_slice %arg6[%arg0, %add3A_30, %dma_start3A_49] : memref<2x10240x128xf32, #tpu.memory_space<hbm>> -> memref<1x128x128xf32, #tpu.memory_space<hbm>>
      %dma_start3A_51 = tpu.memref_squeeze %dma_start3A_50 : memref<1x128x128xf32, #tpu.memory_space<hbm>> -> memref<128x128xf32, #tpu.memory_space<hbm>>
      %dma_start3A_52 = arith.constant 0 : i32
      %dma_start3A_53 = tpu.memref_slice %arg6[%arg0, %add3A_30, %dma_start3A_52] : memref<2x10240x128xf32, #tpu.memory_space<hbm>> -> memref<1x128x128xf32, #tpu.memory_space<hbm>>
      %dma_start3A_54 = tpu.memref_squeeze %dma_start3A_53 : memref<1x128x128xf32, #tpu.memory_space<hbm>> -> memref<128x128xf32, #tpu.memory_space<hbm>>
      %dma_start3A_55 = arith.constant 0 : i32
      %dma_start3A_56 = arith.constant 0 : i32
      %dma_start3A_57 = tpu.memref_slice %arg10[%run_scoped3A_32, %dma_start3A_55, %dma_start3A_56] : memref<2x128x128xf32, #tpu.memory_space<vmem>> -> memref<1x128x128xf32, #tpu.memory_space<vmem>>
      %dma_start3A_58 = tpu.memref_squeeze %dma_start3A_57 : memref<1x128x128xf32, #tpu.memory_space<vmem>> -> memref<128x128xf32, #tpu.memory_space<vmem>>
      tpu.enqueue_dma source(%dma_start3A_58 : memref<128x128xf32, #tpu.memory_space<vmem>>) target(%dma_start3A_54 : memref<128x128xf32, #tpu.memory_space<hbm>>) target_semaphore(%run_scoped3A_45 : memref<!tpu.dma_semaphore, #tpu.memory_space<semaphore_mem>>)
      %dma_wait3A = arith.constant 0 : i32
      %dma_wait3A_59 = arith.constant 0 : i32
      %dma_wait3A_60 = tpu.memref_slice %arg10[%run_scoped3A_32, %dma_wait3A, %dma_wait3A_59] : memref<2x128x128xf32, #tpu.memory_space<vmem>> -> memref<1x128x128xf32, #tpu.memory_space<vmem>>
      %dma_wait3A_61 = tpu.memref_squeeze %dma_wait3A_60 : memref<1x128x128xf32, #tpu.memory_space<vmem>> -> memref<128x128xf32, #tpu.memory_space<vmem>>
      %dma_wait3A_62 = arith.constant 0 : i32
      %dma_wait3A_63 = tpu.memref_slice %arg6[%arg0, %add3A_30, %dma_wait3A_62] : memref<2x10240x128xf32, #tpu.memory_space<hbm>> -> memref<1x128x128xf32, #tpu.memory_space<hbm>>
      %dma_wait3A_64 = tpu.memref_squeeze %dma_wait3A_63 : memref<1x128x128xf32, #tpu.memory_space<hbm>> -> memref<128x128xf32, #tpu.memory_space<hbm>>
      %dma_wait3A_65 = arith.constant 0 : i32
      %dma_wait3A_66 = tpu.memref_slice %arg6[%arg0, %add3A_30, %dma_wait3A_65] : memref<2x10240x128xf32, #tpu.memory_space<hbm>> -> memref<1x128x128xf32, #tpu.memory_space<hbm>>
      %dma_wait3A_67 = tpu.memref_squeeze %dma_wait3A_66 : memref<1x128x128xf32, #tpu.memory_space<hbm>> -> memref<128x128xf32, #tpu.memory_space<hbm>>
      %dma_wait3A_68 = arith.constant 0 : i32
      %dma_wait3A_69 = arith.constant 0 : i32
      %dma_wait3A_70 = tpu.memref_slice %arg10[%run_scoped3A_32, %dma_wait3A_68, %dma_wait3A_69] : memref<2x128x128xf32, #tpu.memory_space<vmem>> -> memref<1x128x128xf32, #tpu.memory_space<vmem>>
      %dma_wait3A_71 = tpu.memref_squeeze %dma_wait3A_70 : memref<1x128x128xf32, #tpu.memory_space<vmem>> -> memref<128x128xf32, #tpu.memory_space<vmem>>
      tpu.wait_dma2 semaphore(%run_scoped3A_45 : memref<!tpu.dma_semaphore, #tpu.memory_space<semaphore_mem>>) src(%dma_wait3A_71 : memref<128x128xf32, #tpu.memory_space<vmem>>) dst(%dma_wait3A_67 : memref<128x128xf32, #tpu.memory_space<hbm>>)
      tpu.yield
    }) : () -> ()
    %mul3A_33 = arith.constant 640 : i32
    %mul3A_34 = arith.muli %arg1, %mul3A_33 : i32
    %add3A_35 = arith.constant 384 : i32
    %add3A_36 = arith.addi %mul3A_34, %add3A_35 : i32
    %run_scoped3A_37 = arith.constant 0 : i32
    "tpu.region"() ({
      %run_scoped3A_45 = tpu.sem_alloc : memref<!tpu.dma_semaphore, #tpu.memory_space<semaphore_mem>>
      %dma_start3A = arith.constant 0 : i32
      %dma_start3A_46 = arith.constant 0 : i32
      %dma_start3A_47 = tpu.memref_slice %arg10[%run_scoped3A_37, %dma_start3A, %dma_start3A_46] : memref<2x128x128xf32, #tpu.memory_space<vmem>> -> memref<1x128x128xf32, #tpu.memory_space<vmem>>
      %dma_start3A_48 = tpu.memref_squeeze %dma_start3A_47 : memref<1x128x128xf32, #tpu.memory_space<vmem>> -> memref<128x128xf32, #tpu.memory_space<vmem>>
      %dma_start3A_49 = arith.constant 0 : i32
      %dma_start3A_50 = tpu.memref_slice %arg7[%add3A_36, %dma_start3A_49] : memref<10240x128xf32, #tpu.memory_space<vmem_shared>> -> memref<128x128xf32, #tpu.memory_space<vmem_shared>>
      %dma_start3A_51 = arith.constant 0 : i32
      %dma_start3A_52 = arith.constant 0 : i32
      %dma_start3A_53 = tpu.memref_slice %arg10[%run_scoped3A_37, %dma_start3A_51, %dma_start3A_52] : memref<2x128x128xf32, #tpu.memory_space<vmem>> -> memref<1x128x128xf32, #tpu.memory_space<vmem>>
      %dma_start3A_54 = tpu.memref_squeeze %dma_start3A_53 : memref<1x128x128xf32, #tpu.memory_space<vmem>> -> memref<128x128xf32, #tpu.memory_space<vmem>>
      %dma_start3A_55 = arith.constant 0 : i32
      %dma_start3A_56 = tpu.memref_slice %arg7[%add3A_36, %dma_start3A_55] : memref<10240x128xf32, #tpu.memory_space<vmem_shared>> -> memref<128x128xf32, #tpu.memory_space<vmem_shared>>
      tpu.enqueue_dma source(%dma_start3A_56 : memref<128x128xf32, #tpu.memory_space<vmem_shared>>) target(%dma_start3A_54 : memref<128x128xf32, #tpu.memory_space<vmem>>) target_semaphore(%run_scoped3A_45 : memref<!tpu.dma_semaphore, #tpu.memory_space<semaphore_mem>>)
      %dma_wait3A = arith.constant 0 : i32
      %dma_wait3A_57 = arith.constant 0 : i32
      %dma_wait3A_58 = tpu.memref_slice %arg10[%run_scoped3A_37, %dma_wait3A, %dma_wait3A_57] : memref<2x128x128xf32, #tpu.memory_space<vmem>> -> memref<1x128x128xf32, #tpu.memory_space<vmem>>
      %dma_wait3A_59 = tpu.memref_squeeze %dma_wait3A_58 : memref<1x128x128xf32, #tpu.memory_space<vmem>> -> memref<128x128xf32, #tpu.memory_space<vmem>>
      %dma_wait3A_60 = arith.constant 0 : i32
      %dma_wait3A_61 = tpu.memref_slice %arg7[%add3A_36, %dma_wait3A_60] : memref<10240x128xf32, #tpu.memory_space<vmem_shared>> -> memref<128x128xf32, #tpu.memory_space<vmem_shared>>
      %dma_wait3A_62 = arith.constant 0 : i32
      %dma_wait3A_63 = arith.constant 0 : i32
      %dma_wait3A_64 = tpu.memref_slice %arg10[%run_scoped3A_37, %dma_wait3A_62, %dma_wait3A_63] : memref<2x128x128xf32, #tpu.memory_space<vmem>> -> memref<1x128x128xf32, #tpu.memory_space<vmem>>
      %dma_wait3A_65 = tpu.memref_squeeze %dma_wait3A_64 : memref<1x128x128xf32, #tpu.memory_space<vmem>> -> memref<128x128xf32, #tpu.memory_space<vmem>>
      %dma_wait3A_66 = arith.constant 0 : i32
      %dma_wait3A_67 = tpu.memref_slice %arg7[%add3A_36, %dma_wait3A_66] : memref<10240x128xf32, #tpu.memory_space<vmem_shared>> -> memref<128x128xf32, #tpu.memory_space<vmem_shared>>
      tpu.wait_dma2 semaphore(%run_scoped3A_45 : memref<!tpu.dma_semaphore, #tpu.memory_space<semaphore_mem>>) src(%dma_wait3A_67 : memref<128x128xf32, #tpu.memory_space<vmem_shared>>) dst(%dma_wait3A_65 : memref<128x128xf32, #tpu.memory_space<vmem>>)
      tpu.yield
    }) : () -> ()
    %run_scoped3A_38 = arith.constant 0 : i32
    "tpu.region"() ({
      %run_scoped3A_45 = tpu.sem_alloc : memref<!tpu.dma_semaphore, #tpu.memory_space<semaphore_mem>>
      %dma_start3A = arith.constant 0 : i32
      %dma_start3A_46 = arith.constant 0 : i32
      %dma_start3A_47 = tpu.memref_slice %arg10[%run_scoped3A_38, %dma_start3A, %dma_start3A_46] : memref<2x128x128xf32, #tpu.memory_space<vmem>> -> memref<1x128x128xf32, #tpu.memory_space<vmem>>
      %dma_start3A_48 = tpu.memref_squeeze %dma_start3A_47 : memref<1x128x128xf32, #tpu.memory_space<vmem>> -> memref<128x128xf32, #tpu.memory_space<vmem>>
      %dma_start3A_49 = arith.constant 0 : i32
      %dma_start3A_50 = tpu.memref_slice %arg6[%arg0, %add3A_36, %dma_start3A_49] : memref<2x10240x128xf32, #tpu.memory_space<hbm>> -> memref<1x128x128xf32, #tpu.memory_space<hbm>>
      %dma_start3A_51 = tpu.memref_squeeze %dma_start3A_50 : memref<1x128x128xf32, #tpu.memory_space<hbm>> -> memref<128x128xf32, #tpu.memory_space<hbm>>
      %dma_start3A_52 = arith.constant 0 : i32
      %dma_start3A_53 = tpu.memref_slice %arg6[%arg0, %add3A_36, %dma_start3A_52] : memref<2x10240x128xf32, #tpu.memory_space<hbm>> -> memref<1x128x128xf32, #tpu.memory_space<hbm>>
      %dma_start3A_54 = tpu.memref_squeeze %dma_start3A_53 : memref<1x128x128xf32, #tpu.memory_space<hbm>> -> memref<128x128xf32, #tpu.memory_space<hbm>>
      %dma_start3A_55 = arith.constant 0 : i32
      %dma_start3A_56 = arith.constant 0 : i32
      %dma_start3A_57 = tpu.memref_slice %arg10[%run_scoped3A_38, %dma_start3A_55, %dma_start3A_56] : memref<2x128x128xf32, #tpu.memory_space<vmem>> -> memref<1x128x128xf32, #tpu.memory_space<vmem>>
      %dma_start3A_58 = tpu.memref_squeeze %dma_start3A_57 : memref<1x128x128xf32, #tpu.memory_space<vmem>> -> memref<128x128xf32, #tpu.memory_space<vmem>>
      tpu.enqueue_dma source(%dma_start3A_58 : memref<128x128xf32, #tpu.memory_space<vmem>>) target(%dma_start3A_54 : memref<128x128xf32, #tpu.memory_space<hbm>>) target_semaphore(%run_scoped3A_45 : memref<!tpu.dma_semaphore, #tpu.memory_space<semaphore_mem>>)
      %dma_wait3A = arith.constant 0 : i32
      %dma_wait3A_59 = arith.constant 0 : i32
      %dma_wait3A_60 = tpu.memref_slice %arg10[%run_scoped3A_38, %dma_wait3A, %dma_wait3A_59] : memref<2x128x128xf32, #tpu.memory_space<vmem>> -> memref<1x128x128xf32, #tpu.memory_space<vmem>>
      %dma_wait3A_61 = tpu.memref_squeeze %dma_wait3A_60 : memref<1x128x128xf32, #tpu.memory_space<vmem>> -> memref<128x128xf32, #tpu.memory_space<vmem>>
      %dma_wait3A_62 = arith.constant 0 : i32
      %dma_wait3A_63 = tpu.memref_slice %arg6[%arg0, %add3A_36, %dma_wait3A_62] : memref<2x10240x128xf32, #tpu.memory_space<hbm>> -> memref<1x128x128xf32, #tpu.memory_space<hbm>>
      %dma_wait3A_64 = tpu.memref_squeeze %dma_wait3A_63 : memref<1x128x128xf32, #tpu.memory_space<hbm>> -> memref<128x128xf32, #tpu.memory_space<hbm>>
      %dma_wait3A_65 = arith.constant 0 : i32
      %dma_wait3A_66 = tpu.memref_slice %arg6[%arg0, %add3A_36, %dma_wait3A_65] : memref<2x10240x128xf32, #tpu.memory_space<hbm>> -> memref<1x128x128xf32, #tpu.memory_space<hbm>>
      %dma_wait3A_67 = tpu.memref_squeeze %dma_wait3A_66 : memref<1x128x128xf32, #tpu.memory_space<hbm>> -> memref<128x128xf32, #tpu.memory_space<hbm>>
      %dma_wait3A_68 = arith.constant 0 : i32
      %dma_wait3A_69 = arith.constant 0 : i32
      %dma_wait3A_70 = tpu.memref_slice %arg10[%run_scoped3A_38, %dma_wait3A_68, %dma_wait3A_69] : memref<2x128x128xf32, #tpu.memory_space<vmem>> -> memref<1x128x128xf32, #tpu.memory_space<vmem>>
      %dma_wait3A_71 = tpu.memref_squeeze %dma_wait3A_70 : memref<1x128x128xf32, #tpu.memory_space<vmem>> -> memref<128x128xf32, #tpu.memory_space<vmem>>
      tpu.wait_dma2 semaphore(%run_scoped3A_45 : memref<!tpu.dma_semaphore, #tpu.memory_space<semaphore_mem>>) src(%dma_wait3A_71 : memref<128x128xf32, #tpu.memory_space<vmem>>) dst(%dma_wait3A_67 : memref<128x128xf32, #tpu.memory_space<hbm>>)
      tpu.yield
    }) : () -> ()
    %mul3A_39 = arith.constant 640 : i32
    %mul3A_40 = arith.muli %arg1, %mul3A_39 : i32
    %add3A_41 = arith.constant 512 : i32
    %add3A_42 = arith.addi %mul3A_40, %add3A_41 : i32
    %run_scoped3A_43 = arith.constant 0 : i32
    "tpu.region"() ({
      %run_scoped3A_45 = tpu.sem_alloc : memref<!tpu.dma_semaphore, #tpu.memory_space<semaphore_mem>>
      %dma_start3A = arith.constant 0 : i32
      %dma_start3A_46 = arith.constant 0 : i32
      %dma_start3A_47 = tpu.memref_slice %arg10[%run_scoped3A_43, %dma_start3A, %dma_start3A_46] : memref<2x128x128xf32, #tpu.memory_space<vmem>> -> memref<1x128x128xf32, #tpu.memory_space<vmem>>
      %dma_start3A_48 = tpu.memref_squeeze %dma_start3A_47 : memref<1x128x128xf32, #tpu.memory_space<vmem>> -> memref<128x128xf32, #tpu.memory_space<vmem>>
      %dma_start3A_49 = arith.constant 0 : i32
      %dma_start3A_50 = tpu.memref_slice %arg7[%add3A_42, %dma_start3A_49] : memref<10240x128xf32, #tpu.memory_space<vmem_shared>> -> memref<128x128xf32, #tpu.memory_space<vmem_shared>>
      %dma_start3A_51 = arith.constant 0 : i32
      %dma_start3A_52 = arith.constant 0 : i32
      %dma_start3A_53 = tpu.memref_slice %arg10[%run_scoped3A_43, %dma_start3A_51, %dma_start3A_52] : memref<2x128x128xf32, #tpu.memory_space<vmem>> -> memref<1x128x128xf32, #tpu.memory_space<vmem>>
      %dma_start3A_54 = tpu.memref_squeeze %dma_start3A_53 : memref<1x128x128xf32, #tpu.memory_space<vmem>> -> memref<128x128xf32, #tpu.memory_space<vmem>>
      %dma_start3A_55 = arith.constant 0 : i32
      %dma_start3A_56 = tpu.memref_slice %arg7[%add3A_42, %dma_start3A_55] : memref<10240x128xf32, #tpu.memory_space<vmem_shared>> -> memref<128x128xf32, #tpu.memory_space<vmem_shared>>
      tpu.enqueue_dma source(%dma_start3A_56 : memref<128x128xf32, #tpu.memory_space<vmem_shared>>) target(%dma_start3A_54 : memref<128x128xf32, #tpu.memory_space<vmem>>) target_semaphore(%run_scoped3A_45 : memref<!tpu.dma_semaphore, #tpu.memory_space<semaphore_mem>>)
      %dma_wait3A = arith.constant 0 : i32
      %dma_wait3A_57 = arith.constant 0 : i32
      %dma_wait3A_58 = tpu.memref_slice %arg10[%run_scoped3A_43, %dma_wait3A, %dma_wait3A_57] : memref<2x128x128xf32, #tpu.memory_space<vmem>> -> memref<1x128x128xf32, #tpu.memory_space<vmem>>
      %dma_wait3A_59 = tpu.memref_squeeze %dma_wait3A_58 : memref<1x128x128xf32, #tpu.memory_space<vmem>> -> memref<128x128xf32, #tpu.memory_space<vmem>>
      %dma_wait3A_60 = arith.constant 0 : i32
      %dma_wait3A_61 = tpu.memref_slice %arg7[%add3A_42, %dma_wait3A_60] : memref<10240x128xf32, #tpu.memory_space<vmem_shared>> -> memref<128x128xf32, #tpu.memory_space<vmem_shared>>
      %dma_wait3A_62 = arith.constant 0 : i32
      %dma_wait3A_63 = arith.constant 0 : i32
      %dma_wait3A_64 = tpu.memref_slice %arg10[%run_scoped3A_43, %dma_wait3A_62, %dma_wait3A_63] : memref<2x128x128xf32, #tpu.memory_space<vmem>> -> memref<1x128x128xf32, #tpu.memory_space<vmem>>
      %dma_wait3A_65 = tpu.memref_squeeze %dma_wait3A_64 : memref<1x128x128xf32, #tpu.memory_space<vmem>> -> memref<128x128xf32, #tpu.memory_space<vmem>>
      %dma_wait3A_66 = arith.constant 0 : i32
      %dma_wait3A_67 = tpu.memref_slice %arg7[%add3A_42, %dma_wait3A_66] : memref<10240x128xf32, #tpu.memory_space<vmem_shared>> -> memref<128x128xf32, #tpu.memory_space<vmem_shared>>
      tpu.wait_dma2 semaphore(%run_scoped3A_45 : memref<!tpu.dma_semaphore, #tpu.memory_space<semaphore_mem>>) src(%dma_wait3A_67 : memref<128x128xf32, #tpu.memory_space<vmem_shared>>) dst(%dma_wait3A_65 : memref<128x128xf32, #tpu.memory_space<vmem>>)
      tpu.yield
    }) : () -> ()
    %run_scoped3A_44 = arith.constant 0 : i32
    "tpu.region"() ({
      %run_scoped3A_45 = tpu.sem_alloc : memref<!tpu.dma_semaphore, #tpu.memory_space<semaphore_mem>>
      %dma_start3A = arith.constant 0 : i32
      %dma_start3A_46 = arith.constant 0 : i32
      %dma_start3A_47 = tpu.memref_slice %arg10[%run_scoped3A_44, %dma_start3A, %dma_start3A_46] : memref<2x128x128xf32, #tpu.memory_space<vmem>> -> memref<1x128x128xf32, #tpu.memory_space<vmem>>
      %dma_start3A_48 = tpu.memref_squeeze %dma_start3A_47 : memref<1x128x128xf32, #tpu.memory_space<vmem>> -> memref<128x128xf32, #tpu.memory_space<vmem>>
      %dma_start3A_49 = arith.constant 0 : i32
      %dma_start3A_50 = tpu.memref_slice %arg6[%arg0, %add3A_42, %dma_start3A_49] : memref<2x10240x128xf32, #tpu.memory_space<hbm>> -> memref<1x128x128xf32, #tpu.memory_space<hbm>>
      %dma_start3A_51 = tpu.memref_squeeze %dma_start3A_50 : memref<1x128x128xf32, #tpu.memory_space<hbm>> -> memref<128x128xf32, #tpu.memory_space<hbm>>
      %dma_start3A_52 = arith.constant 0 : i32
      %dma_start3A_53 = tpu.memref_slice %arg6[%arg0, %add3A_42, %dma_start3A_52] : memref<2x10240x128xf32, #tpu.memory_space<hbm>> -> memref<1x128x128xf32, #tpu.memory_space<hbm>>
      %dma_start3A_54 = tpu.memref_squeeze %dma_start3A_53 : memref<1x128x128xf32, #tpu.memory_space<hbm>> -> memref<128x128xf32, #tpu.memory_space<hbm>>
      %dma_start3A_55 = arith.constant 0 : i32
      %dma_start3A_56 = arith.constant 0 : i32
      %dma_start3A_57 = tpu.memref_slice %arg10[%run_scoped3A_44, %dma_start3A_55, %dma_start3A_56] : memref<2x128x128xf32, #tpu.memory_space<vmem>> -> memref<1x128x128xf32, #tpu.memory_space<vmem>>
      %dma_start3A_58 = tpu.memref_squeeze %dma_start3A_57 : memref<1x128x128xf32, #tpu.memory_space<vmem>> -> memref<128x128xf32, #tpu.memory_space<vmem>>
      tpu.enqueue_dma source(%dma_start3A_58 : memref<128x128xf32, #tpu.memory_space<vmem>>) target(%dma_start3A_54 : memref<128x128xf32, #tpu.memory_space<hbm>>) target_semaphore(%run_scoped3A_45 : memref<!tpu.dma_semaphore, #tpu.memory_space<semaphore_mem>>)
      %dma_wait3A = arith.constant 0 : i32
      %dma_wait3A_59 = arith.constant 0 : i32
      %dma_wait3A_60 = tpu.memref_slice %arg10[%run_scoped3A_44, %dma_wait3A, %dma_wait3A_59] : memref<2x128x128xf32, #tpu.memory_space<vmem>> -> memref<1x128x128xf32, #tpu.memory_space<vmem>>
      %dma_wait3A_61 = tpu.memref_squeeze %dma_wait3A_60 : memref<1x128x128xf32, #tpu.memory_space<vmem>> -> memref<128x128xf32, #tpu.memory_space<vmem>>
      %dma_wait3A_62 = arith.constant 0 : i32
      %dma_wait3A_63 = tpu.memref_slice %arg6[%arg0, %add3A_42, %dma_wait3A_62] : memref<2x10240x128xf32, #tpu.memory_space<hbm>> -> memref<1x128x128xf32, #tpu.memory_space<hbm>>
      %dma_wait3A_64 = tpu.memref_squeeze %dma_wait3A_63 : memref<1x128x128xf32, #tpu.memory_space<hbm>> -> memref<128x128xf32, #tpu.memory_space<hbm>>
      %dma_wait3A_65 = arith.constant 0 : i32
      %dma_wait3A_66 = tpu.memref_slice %arg6[%arg0, %add3A_42, %dma_wait3A_65] : memref<2x10240x128xf32, #tpu.memory_space<hbm>> -> memref<1x128x128xf32, #tpu.memory_space<hbm>>
      %dma_wait3A_67 = tpu.memref_squeeze %dma_wait3A_66 : memref<1x128x128xf32, #tpu.memory_space<hbm>> -> memref<128x128xf32, #tpu.memory_space<hbm>>
      %dma_wait3A_68 = arith.constant 0 : i32
      %dma_wait3A_69 = arith.constant 0 : i32
      %dma_wait3A_70 = tpu.memref_slice %arg10[%run_scoped3A_44, %dma_wait3A_68, %dma_wait3A_69] : memref<2x128x128xf32, #tpu.memory_space<vmem>> -> memref<1x128x128xf32, #tpu.memory_space<vmem>>
      %dma_wait3A_71 = tpu.memref_squeeze %dma_wait3A_70 : memref<1x128x128xf32, #tpu.memory_space<vmem>> -> memref<128x128xf32, #tpu.memory_space<vmem>>
      tpu.wait_dma2 semaphore(%run_scoped3A_45 : memref<!tpu.dma_semaphore, #tpu.memory_space<semaphore_mem>>) src(%dma_wait3A_71 : memref<128x128xf32, #tpu.memory_space<vmem>>) dst(%dma_wait3A_67 : memref<128x128xf32, #tpu.memory_space<hbm>>)
      tpu.yield
    }) : () -> ()
    return
  }
}

module attributes {stable_mosaic.version = 14 : i64} {
  func.func @_dense_body(%arg0: i32, %arg1: memref<1024x128xf32, #tpu.memory_space<vmem>>, %arg2: memref<128x128xf32, #tpu.memory_space<vmem>>, %arg3: memref<1x128xf32, #tpu.memory_space<vmem>>, %arg4: memref<1024x128xf32, #tpu.memory_space<vmem>>) attributes {dimension_semantics = [#tpu.dimension_semantics<arbitrary>], iteration_bounds = array<i64: 10>, scalar_prefetch = 0 : i64, scratch_operands = 0 : i64, tpu.core_type = #tpu.core_type<tc>, window_params = [{transform_indices = @transform_0, window_bounds = array<i64: 1024, 128>}, {pipeline_mode = #tpu.pipeline_mode<synchronous>, transform_indices = @transform_1, window_bounds = array<i64: 128, 128>}, {pipeline_mode = #tpu.pipeline_mode<synchronous>, transform_indices = @transform_2, window_bounds = array<i64: 1, 128>}, {transform_indices = @transform_3, window_bounds = array<i64: 1024, 128>}]} {
    %get3A = arith.constant 0 : index
    %get3A_0 = arith.constant 0 : index
    %get3A_1 = vector.load %arg1[%get3A, %get3A_0] : memref<1024x128xf32, #tpu.memory_space<vmem>>, vector<1024x128xf32>
    %get3A_2 = arith.constant 0 : index
    %get3A_3 = arith.constant 0 : index
    %get3A_4 = vector.load %arg2[%get3A_2, %get3A_3] : memref<128x128xf32, #tpu.memory_space<vmem>>, vector<128x128xf32>
    %dot_general3A = arith.constant dense<0.000000e+00> : vector<1024x128xf32>
    %dot_general3A_5 = tpu.matmul %get3A_1, %get3A_4, %dot_general3A {dimension_numbers = #tpu.dot_dimension_numbers<[1], [0], [0], [1], [0, 0, 1, 1], [], []>, transpose_lhs_hint = false} : vector<1024x128xf32>, vector<128x128xf32>, vector<1024x128xf32> -> vector<1024x128xf32>
    %get3A_6 = arith.constant 0 : index
    %get3A_7 = arith.constant 0 : index
    %get3A_8 = vector.load %arg3[%get3A_6, %get3A_7] : memref<1x128xf32, #tpu.memory_space<vmem>>, vector<1x128xf32>
    %add3A = vector.broadcast %get3A_8 : vector<1x128xf32> to vector<1024x128xf32>
    %add3A_9 = arith.addf %dot_general3A_5, %add3A : vector<1024x128xf32>
    %max3A = arith.constant 0.000000e+00 : f32
    %max3A_10 = vector.broadcast %max3A : f32 to vector<1024x128xf32>
    %max3A_11 = arith.maximumf %add3A_9, %max3A_10 : vector<1024x128xf32>
    %swap3A = arith.constant 0 : index
    %swap3A_12 = arith.constant 0 : index
    %swap3A_13 = vector.load %arg4[%swap3A, %swap3A_12] : memref<1024x128xf32, #tpu.memory_space<vmem>>, vector<1024x128xf32>
    tpu.vector_store %arg4[%swap3A, %swap3A_12], %max3A_11 {strides = array<i32>} : memref<1024x128xf32, #tpu.memory_space<vmem>>, vector<1024x128xf32>,
    return
  }
  func.func @transform_0(%arg0: i32) -> (i32, i32) {
    %c0_i32 = arith.constant 0 : i32
    %c0_i32_0 = arith.constant 0 : i32
    return %arg0, %c0_i32 : i32, i32
  }
  func.func @transform_1(%arg0: i32) -> (i32, i32) {
    %c0_i32 = arith.constant 0 : i32
    %c0_i32_0 = arith.constant 0 : i32
    %c0_i32_1 = arith.constant 0 : i32
    return %c0_i32, %c0_i32_0 : i32, i32
  }
  func.func @transform_2(%arg0: i32) -> (i32, i32) {
    %c0_i32 = arith.constant 0 : i32
    %c0_i32_0 = arith.constant 0 : i32
    %c0_i32_1 = arith.constant 0 : i32
    return %c0_i32, %c0_i32_0 : i32, i32
  }
  func.func @transform_3(%arg0: i32) -> (i32, i32) {
    %c0_i32 = arith.constant 0 : i32
    %c0_i32_0 = arith.constant 0 : i32
    return %arg0, %c0_i32 : i32, i32
  }
}

module attributes {stable_mosaic.version = 14 : i64} {
  func.func @_combine_body(%arg0: i32, %arg1: memref<1024x128xf32, #tpu.memory_space<vmem>>, %arg2: memref<2x1024x128xf32, #tpu.memory_space<vmem>>, %arg3: memref<2x1024x128xf32, #tpu.memory_space<vmem>>, %arg4: memref<128x128xf32, #tpu.memory_space<vmem>>, %arg5: memref<128x128xf32, #tpu.memory_space<vmem>>, %arg6: memref<1x128xf32, #tpu.memory_space<vmem>>, %arg7: memref<1024x128xf32, #tpu.memory_space<vmem>>) attributes {dimension_semantics = [#tpu.dimension_semantics<arbitrary>], iteration_bounds = array<i64: 10>, scalar_prefetch = 0 : i64, scratch_operands = 0 : i64, tpu.core_type = #tpu.core_type<tc>, window_params = [{transform_indices = @transform_0, window_bounds = array<i64: 1024, 128>}, {transform_indices = @transform_1, window_bounds = array<i64: 2, 1024, 128>}, {transform_indices = @transform_2, window_bounds = array<i64: 2, 1024, 128>}, {pipeline_mode = #tpu.pipeline_mode<synchronous>, transform_indices = @transform_3, window_bounds = array<i64: 128, 128>}, {pipeline_mode = #tpu.pipeline_mode<synchronous>, transform_indices = @transform_4, window_bounds = array<i64: 128, 128>}, {pipeline_mode = #tpu.pipeline_mode<synchronous>, transform_indices = @transform_5, window_bounds = array<i64: 1, 128>}, {transform_indices = @transform_6, window_bounds = array<i64: 1024, 128>}]} {
    %get3A = arith.constant 0 : index
    %get3A_0 = arith.constant 0 : index
    %get3A_1 = vector.load %arg1[%get3A, %get3A_0] : memref<1024x128xf32, #tpu.memory_space<vmem>>, vector<1024x128xf32>
    %get3A_2 = arith.constant 0 : index
    %get3A_3 = arith.constant 0 : index
    %get3A_4 = arith.constant 0 : index
    %get3A_5 = vector.load %arg2[%get3A_2, %get3A_3, %get3A_4] : memref<2x1024x128xf32, #tpu.memory_space<vmem>>, vector<1x1024x128xf32>
    %get3A_6 = vector.shape_cast %get3A_5 : vector<1x1024x128xf32> to vector<1024x128xf32>
    %get3A_7 = arith.constant 1 : index
    %get3A_8 = arith.constant 0 : index
    %get3A_9 = arith.constant 0 : index
    %get3A_10 = vector.load %arg2[%get3A_7, %get3A_8, %get3A_9] : memref<2x1024x128xf32, #tpu.memory_space<vmem>>, vector<1x1024x128xf32>
    %get3A_11 = vector.shape_cast %get3A_10 : vector<1x1024x128xf32> to vector<1024x128xf32>
    %add3A = arith.addf %get3A_6, %get3A_11 : vector<1024x128xf32>
    %get3A_12 = arith.constant 0 : index
    %get3A_13 = arith.constant 0 : index
    %get3A_14 = arith.constant 0 : index
    %get3A_15 = vector.load %arg3[%get3A_12, %get3A_13, %get3A_14] : memref<2x1024x128xf32, #tpu.memory_space<vmem>>, vector<1x1024x1xf32>
    %get3A_16 = vector.shape_cast %get3A_15 : vector<1x1024x1xf32> to vector<1024x1xf32>
    %get3A_17 = arith.constant 1 : index
    %get3A_18 = arith.constant 0 : index
    %get3A_19 = arith.constant 0 : index
    %get3A_20 = vector.load %arg3[%get3A_17, %get3A_18, %get3A_19] : memref<2x1024x128xf32, #tpu.memory_space<vmem>>, vector<1x1024x1xf32>
    %get3A_21 = vector.shape_cast %get3A_20 : vector<1x1024x1xf32> to vector<1024x1xf32>
    %add3A_22 = arith.addf %get3A_16, %get3A_21 : vector<1024x1xf32>
    %max3A = arith.constant 1.000000e+00 : f32
    %max3A_23 = vector.broadcast %max3A : f32 to vector<1024x1xf32>
    %max3A_24 = arith.maximumf %add3A_22, %max3A_23 : vector<1024x1xf32>
    %div3A = vector.broadcast %max3A_24 : vector<1024x1xf32> to vector<1024x128xf32>
    %div3A_25 = arith.divf %add3A, %div3A : vector<1024x128xf32>
    %get3A_26 = arith.constant 0 : index
    %get3A_27 = arith.constant 0 : index
    %get3A_28 = vector.load %arg4[%get3A_26, %get3A_27] : memref<128x128xf32, #tpu.memory_space<vmem>>, vector<128x128xf32>
    %dot_general3A = arith.constant dense<0.000000e+00> : vector<1024x128xf32>
    %dot_general3A_29 = tpu.matmul %get3A_1, %get3A_28, %dot_general3A {dimension_numbers = #tpu.dot_dimension_numbers<[1], [0], [0], [1], [0, 0, 1, 1], [], []>, transpose_lhs_hint = false} : vector<1024x128xf32>, vector<128x128xf32>, vector<1024x128xf32> -> vector<1024x128xf32>
    %get3A_30 = arith.constant 0 : index
    %get3A_31 = arith.constant 0 : index
    %get3A_32 = vector.load %arg5[%get3A_30, %get3A_31] : memref<128x128xf32, #tpu.memory_space<vmem>>, vector<128x128xf32>
    %dot_general3A_33 = arith.constant dense<0.000000e+00> : vector<1024x128xf32>
    %dot_general3A_34 = tpu.matmul %div3A_25, %get3A_32, %dot_general3A_33 {dimension_numbers = #tpu.dot_dimension_numbers<[1], [0], [0], [1], [0, 0, 1, 1], [], []>, transpose_lhs_hint = false} : vector<1024x128xf32>, vector<128x128xf32>, vector<1024x128xf32> -> vector<1024x128xf32>
    %add3A_35 = arith.addf %dot_general3A_29, %dot_general3A_34 : vector<1024x128xf32>
    %get3A_36 = arith.constant 0 : index
    %get3A_37 = arith.constant 0 : index
    %get3A_38 = vector.load %arg6[%get3A_36, %get3A_37] : memref<1x128xf32, #tpu.memory_space<vmem>>, vector<1x128xf32>
    %add3A_39 = vector.broadcast %get3A_38 : vector<1x128xf32> to vector<1024x128xf32>
    %add3A_40 = arith.addf %add3A_35, %add3A_39 : vector<1024x128xf32>
    %max3A_41 = arith.constant 0.000000e+00 : f32
    %max3A_42 = vector.broadcast %max3A_41 : f32 to vector<1024x128xf32>
    %max3A_43 = arith.maximumf %add3A_40, %max3A_42 : vector<1024x128xf32>
    %add3A_44 = arith.addf %get3A_1, %max3A_43 : vector<1024x128xf32>
    %swap3A = arith.constant 0 : index
    %swap3A_45 = arith.constant 0 : index
    %swap3A_46 = vector.load %arg7[%swap3A, %swap3A_45] : memref<1024x128xf32, #tpu.memory_space<vmem>>, vector<1024x128xf32>
    tpu.vector_store %arg7[%swap3A, %swap3A_45], %add3A_44 {strides = array<i32>} : memref<1024x128xf32, #tpu.memory_space<vmem>>, vector<1024x128xf32>,
    return
  }
  func.func @transform_0(%arg0: i32) -> (i32, i32) {
    %c0_i32 = arith.constant 0 : i32
    %c0_i32_0 = arith.constant 0 : i32
    return %arg0, %c0_i32 : i32, i32
  }
  func.func @transform_1(%arg0: i32) -> (i32, i32, i32) {
    %c0_i32 = arith.constant 0 : i32
    %c0_i32_0 = arith.constant 0 : i32
    %c0_i32_1 = arith.constant 0 : i32
    return %c0_i32, %arg0, %c0_i32_0 : i32, i32, i32
  }
  func.func @transform_2(%arg0: i32) -> (i32, i32, i32) {
    %c0_i32 = arith.constant 0 : i32
    %c0_i32_0 = arith.constant 0 : i32
    %c0_i32_1 = arith.constant 0 : i32
    return %c0_i32, %arg0, %c0_i32_0 : i32, i32, i32
  }
  func.func @transform_3(%arg0: i32) -> (i32, i32) {
    %c0_i32 = arith.constant 0 : i32
    %c0_i32_0 = arith.constant 0 : i32
    %c0_i32_1 = arith.constant 0 : i32
    return %c0_i32, %c0_i32_0 : i32, i32
  }
  func.func @transform_4(%arg0: i32) -> (i32, i32) {
    %c0_i32 = arith.constant 0 : i32
    %c0_i32_0 = arith.constant 0 : i32
    %c0_i32_1 = arith.constant 0 : i32
    return %c0_i32, %c0_i32_0 : i32, i32
  }
  func.func @transform_5(%arg0: i32) -> (i32, i32) {
    %c0_i32 = arith.constant 0 : i32
    %c0_i32_0 = arith.constant 0 : i32
    %c0_i32_1 = arith.constant 0 : i32
    return %c0_i32, %c0_i32_0 : i32, i32
  }
  func.func @transform_6(%arg0: i32) -> (i32, i32) {
    %c0_i32 = arith.constant 0 : i32
    %c0_i32_0 = arith.constant 0 : i32
    return %arg0, %c0_i32 : i32, i32
  }
}

module attributes {stable_mosaic.version = 14 : i64} {
  func.func @_tail_body(%arg0: i32, %arg1: memref<1024x128xf32, #tpu.memory_space<vmem>>, %arg2: memref<2x1024x128xf32, #tpu.memory_space<vmem>>, %arg3: memref<2x1024x128xf32, #tpu.memory_space<vmem>>, %arg4: memref<128x128xf32, #tpu.memory_space<vmem>>, %arg5: memref<128x128xf32, #tpu.memory_space<vmem>>, %arg6: memref<1x128xf32, #tpu.memory_space<vmem>>, %arg7: memref<128x128xf32, #tpu.memory_space<vmem>>, %arg8: memref<1x128xf32, #tpu.memory_space<vmem>>, %arg9: memref<1x1x1024xi32, #tpu.memory_space<vmem>>, %arg10: memref<128x128xf32, #tpu.memory_space<vmem>>, %arg11: memref<1x128xf32, #tpu.memory_space<vmem>>, %arg12: memref<128x128xf32, #tpu.memory_space<vmem>>, %arg13: memref<1x128xf32, #tpu.memory_space<vmem>>, %arg14: memref<64x128xf32, #tpu.memory_space<vmem>>, %arg15: memref<64x128xf32, #tpu.memory_space<vmem>>, %arg16: memref<64x128xf32, #tpu.memory_space<vmem>>) attributes {dimension_semantics = [#tpu.dimension_semantics<arbitrary>], iteration_bounds = array<i64: 10>, scalar_prefetch = 0 : i64, scratch_operands = 2 : i64, tpu.core_type = #tpu.core_type<tc>, window_params = [{transform_indices = @transform_0, window_bounds = array<i64: 1024, 128>}, {transform_indices = @transform_1, window_bounds = array<i64: 2, 1024, 128>}, {transform_indices = @transform_2, window_bounds = array<i64: 2, 1024, 128>}, {pipeline_mode = #tpu.pipeline_mode<synchronous>, transform_indices = @transform_3, window_bounds = array<i64: 128, 128>}, {pipeline_mode = #tpu.pipeline_mode<synchronous>, transform_indices = @transform_4, window_bounds = array<i64: 128, 128>}, {pipeline_mode = #tpu.pipeline_mode<synchronous>, transform_indices = @transform_5, window_bounds = array<i64: 1, 128>}, {pipeline_mode = #tpu.pipeline_mode<synchronous>, transform_indices = @transform_6, window_bounds = array<i64: 128, 128>}, {pipeline_mode = #tpu.pipeline_mode<synchronous>, transform_indices = @transform_7, window_bounds = array<i64: 1, 128>}, {transform_indices = @transform_8, window_bounds = array<i64: 1, 1, 1024>}, {pipeline_mode = #tpu.pipeline_mode<synchronous>, transform_indices = @transform_9, window_bounds = array<i64: 128, 128>}, {pipeline_mode = #tpu.pipeline_mode<synchronous>, transform_indices = @transform_10, window_bounds = array<i64: 1, 128>}, {pipeline_mode = #tpu.pipeline_mode<synchronous>, transform_indices = @transform_11, window_bounds = array<i64: 128, 128>}, {pipeline_mode = #tpu.pipeline_mode<synchronous>, transform_indices = @transform_12, window_bounds = array<i64: 1, 128>}, {pipeline_mode = #tpu.pipeline_mode<synchronous>, transform_indices = @transform_13, window_bounds = array<i64: 64, 128>}]} {
    %get3A = arith.constant 0 : index
    %get3A_0 = arith.constant 0 : index
    %get3A_1 = vector.load %arg1[%get3A, %get3A_0] : memref<1024x128xf32, #tpu.memory_space<vmem>>, vector<1024x128xf32>
    %get3A_2 = arith.constant 0 : index
    %get3A_3 = arith.constant 0 : index
    %get3A_4 = arith.constant 0 : index
    %get3A_5 = vector.load %arg2[%get3A_2, %get3A_3, %get3A_4] : memref<2x1024x128xf32, #tpu.memory_space<vmem>>, vector<1x1024x128xf32>
    %get3A_6 = vector.shape_cast %get3A_5 : vector<1x1024x128xf32> to vector<1024x128xf32>
    %get3A_7 = arith.constant 1 : index
    %get3A_8 = arith.constant 0 : index
    %get3A_9 = arith.constant 0 : index
    %get3A_10 = vector.load %arg2[%get3A_7, %get3A_8, %get3A_9] : memref<2x1024x128xf32, #tpu.memory_space<vmem>>, vector<1x1024x128xf32>
    %get3A_11 = vector.shape_cast %get3A_10 : vector<1x1024x128xf32> to vector<1024x128xf32>
    %add3A = arith.addf %get3A_6, %get3A_11 : vector<1024x128xf32>
    %get3A_12 = arith.constant 0 : index
    %get3A_13 = arith.constant 0 : index
    %get3A_14 = arith.constant 0 : index
    %get3A_15 = vector.load %arg3[%get3A_12, %get3A_13, %get3A_14] : memref<2x1024x128xf32, #tpu.memory_space<vmem>>, vector<1x1024x1xf32>
    %get3A_16 = vector.shape_cast %get3A_15 : vector<1x1024x1xf32> to vector<1024x1xf32>
    %get3A_17 = arith.constant 1 : index
    %get3A_18 = arith.constant 0 : index
    %get3A_19 = arith.constant 0 : index
    %get3A_20 = vector.load %arg3[%get3A_17, %get3A_18, %get3A_19] : memref<2x1024x128xf32, #tpu.memory_space<vmem>>, vector<1x1024x1xf32>
    %get3A_21 = vector.shape_cast %get3A_20 : vector<1x1024x1xf32> to vector<1024x1xf32>
    %add3A_22 = arith.addf %get3A_16, %get3A_21 : vector<1024x1xf32>
    %max3A = arith.constant 1.000000e+00 : f32
    %max3A_23 = vector.broadcast %max3A : f32 to vector<1024x1xf32>
    %max3A_24 = arith.maximumf %add3A_22, %max3A_23 : vector<1024x1xf32>
    %div3A = vector.broadcast %max3A_24 : vector<1024x1xf32> to vector<1024x128xf32>
    %div3A_25 = arith.divf %add3A, %div3A : vector<1024x128xf32>
    %get3A_26 = arith.constant 0 : index
    %get3A_27 = arith.constant 0 : index
    %get3A_28 = vector.load %arg4[%get3A_26, %get3A_27] : memref<128x128xf32, #tpu.memory_space<vmem>>, vector<128x128xf32>
    %dot_general3A = arith.constant dense<0.000000e+00> : vector<1024x128xf32>
    %dot_general3A_29 = tpu.matmul %get3A_1, %get3A_28, %dot_general3A {dimension_numbers = #tpu.dot_dimension_numbers<[1], [0], [0], [1], [0, 0, 1, 1], [], []>, transpose_lhs_hint = false} : vector<1024x128xf32>, vector<128x128xf32>, vector<1024x128xf32> -> vector<1024x128xf32>
    %get3A_30 = arith.constant 0 : index
    %get3A_31 = arith.constant 0 : index
    %get3A_32 = vector.load %arg5[%get3A_30, %get3A_31] : memref<128x128xf32, #tpu.memory_space<vmem>>, vector<128x128xf32>
    %dot_general3A_33 = arith.constant dense<0.000000e+00> : vector<1024x128xf32>
    %dot_general3A_34 = tpu.matmul %div3A_25, %get3A_32, %dot_general3A_33 {dimension_numbers = #tpu.dot_dimension_numbers<[1], [0], [0], [1], [0, 0, 1, 1], [], []>, transpose_lhs_hint = false} : vector<1024x128xf32>, vector<128x128xf32>, vector<1024x128xf32> -> vector<1024x128xf32>
    %add3A_35 = arith.addf %dot_general3A_29, %dot_general3A_34 : vector<1024x128xf32>
    %get3A_36 = arith.constant 0 : index
    %get3A_37 = arith.constant 0 : index
    %get3A_38 = vector.load %arg6[%get3A_36, %get3A_37] : memref<1x128xf32, #tpu.memory_space<vmem>>, vector<1x128xf32>
    %add3A_39 = vector.broadcast %get3A_38 : vector<1x128xf32> to vector<1024x128xf32>
    %add3A_40 = arith.addf %add3A_35, %add3A_39 : vector<1024x128xf32>
    %max3A_41 = arith.constant 0.000000e+00 : f32
    %max3A_42 = vector.broadcast %max3A_41 : f32 to vector<1024x128xf32>
    %max3A_43 = arith.maximumf %add3A_40, %max3A_42 : vector<1024x128xf32>
    %add3A_44 = arith.addf %get3A_1, %max3A_43 : vector<1024x128xf32>
    %get3A_45 = arith.constant 0 : index
    %get3A_46 = arith.constant 0 : index
    %get3A_47 = vector.load %arg7[%get3A_45, %get3A_46] : memref<128x128xf32, #tpu.memory_space<vmem>>, vector<128x128xf32>
    %dot_general3A_48 = arith.constant dense<0.000000e+00> : vector<1024x128xf32>
    %dot_general3A_49 = tpu.matmul %add3A_44, %get3A_47, %dot_general3A_48 {dimension_numbers = #tpu.dot_dimension_numbers<[1], [0], [0], [1], [0, 0, 1, 1], [], []>, transpose_lhs_hint = false} : vector<1024x128xf32>, vector<128x128xf32>, vector<1024x128xf32> -> vector<1024x128xf32>
    %get3A_50 = arith.constant 0 : index
    %get3A_51 = arith.constant 0 : index
    %get3A_52 = vector.load %arg8[%get3A_50, %get3A_51] : memref<1x128xf32, #tpu.memory_space<vmem>>, vector<1x128xf32>
    %add3A_53 = vector.broadcast %get3A_52 : vector<1x128xf32> to vector<1024x128xf32>
    %add3A_54 = arith.addf %dot_general3A_49, %add3A_53 : vector<1024x128xf32>
    %max3A_55 = arith.constant 0.000000e+00 : f32
    %max3A_56 = vector.broadcast %max3A_55 : f32 to vector<1024x128xf32>
    %max3A_57 = arith.maximumf %add3A_54, %max3A_56 : vector<1024x128xf32>
    %get3A_58 = arith.constant 0 : index
    %get3A_59 = arith.constant 0 : index
    %get3A_60 = arith.constant 0 : index
    %get3A_61 = vector.load %arg9[%get3A_58, %get3A_59, %get3A_60] : memref<1x1x1024xi32, #tpu.memory_space<vmem>>, vector<1x1x1024xi32>
    %get3A_62 = vector.shape_cast %get3A_61 : vector<1x1x1024xi32> to vector<1024xi32>
    %broadcast_in_dim3A = vector.shape_cast %get3A_62 : vector<1024xi32> to vector<1024x1xi32>
    %iota3A = tpu.iota {dimensions = array<i32: 1>} : vector<1024x64xi32>
    %eq3A = vector.broadcast %broadcast_in_dim3A : vector<1024x1xi32> to vector<1024x64xi32>
    %eq3A_63 = arith.cmpi eq, %eq3A, %iota3A : vector<1024x64xi32>
    %convert_element_type3A = arith.extui %eq3A_63 : vector<1024x64xi1> to vector<1024x64xi32>
    %convert_element_type3A_64 = arith.sitofp %convert_element_type3A : vector<1024x64xi32> to vector<1024x64xf32>
    %dot_general3A_65 = arith.constant dense<0.000000e+00> : vector<64x128xf32>
    %dot_general3A_66 = tpu.matmul %convert_element_type3A_64, %max3A_57, %dot_general3A_65 {dimension_numbers = #tpu.dot_dimension_numbers<[0], [0], [1], [1], [0, 1, 1, 1], [], []>, transpose_lhs_hint = false} : vector<1024x64xf32>, vector<1024x128xf32>, vector<64x128xf32> -> vector<64x128xf32>
    %broadcast_in_dim3A_67 = arith.constant 1.000000e+00 : f32
    %broadcast_in_dim3A_68 = vector.broadcast %broadcast_in_dim3A_67 : f32 to vector<1024x128xf32>
    %dot_general3A_69 = arith.constant dense<0.000000e+00> : vector<64x128xf32>
    %dot_general3A_70 = tpu.matmul %convert_element_type3A_64, %broadcast_in_dim3A_68, %dot_general3A_69 {dimension_numbers = #tpu.dot_dimension_numbers<[0], [0], [1], [1], [0, 1, 1, 1], [], []>, transpose_lhs_hint = false} : vector<1024x64xf32>, vector<1024x128xf32>, vector<64x128xf32> -> vector<64x128xf32>
    %eq3A_71 = arith.constant 0 : i32
    %eq3A_72 = arith.cmpi eq, %arg0, %eq3A_71 : i32
    %convert_element_type3A_73 = arith.extui %eq3A_72 : i1 to i32
    %cond3A = arith.constant 0 : i32
    %cond3A_74 = arith.cmpi ne, %convert_element_type3A_73, %cond3A : i32
    scf.if %cond3A_74 {
      %swap3A = arith.constant 0 : index
      %swap3A_84 = arith.constant 0 : index
      %swap3A_85 = vector.load %arg15[%swap3A, %swap3A_84] : memref<64x128xf32, #tpu.memory_space<vmem>>, vector<64x128xf32>
      tpu.vector_store %arg15[%swap3A, %swap3A_84], %dot_general3A_66 {strides = array<i32>} : memref<64x128xf32, #tpu.memory_space<vmem>>, vector<64x128xf32>,
      %swap3A_86 = arith.constant 0 : index
      %swap3A_87 = arith.constant 0 : index
      %swap3A_88 = vector.load %arg16[%swap3A_86, %swap3A_87] : memref<64x128xf32, #tpu.memory_space<vmem>>, vector<64x128xf32>
      tpu.vector_store %arg16[%swap3A_86, %swap3A_87], %dot_general3A_70 {strides = array<i32>} : memref<64x128xf32, #tpu.memory_space<vmem>>, vector<64x128xf32>,
    } else {
    }
    %gt3A = arith.constant 0 : i32
    %gt3A_75 = arith.cmpi sgt, %arg0, %gt3A : i32
    %convert_element_type3A_76 = arith.extui %gt3A_75 : i1 to i32
    %cond3A_77 = arith.constant 0 : i32
    %cond3A_78 = arith.cmpi ne, %convert_element_type3A_76, %cond3A_77 : i32
    scf.if %cond3A_78 {
      %get3A_84 = arith.constant 0 : index
      %get3A_85 = arith.constant 0 : index
      %get3A_86 = vector.load %arg15[%get3A_84, %get3A_85] : memref<64x128xf32, #tpu.memory_space<vmem>>, vector<64x128xf32>
      %add3A_87 = arith.addf %get3A_86, %dot_general3A_66 : vector<64x128xf32>
      %swap3A = arith.constant 0 : index
      %swap3A_88 = arith.constant 0 : index
      %swap3A_89 = vector.load %arg15[%swap3A, %swap3A_88] : memref<64x128xf32, #tpu.memory_space<vmem>>, vector<64x128xf32>
      tpu.vector_store %arg15[%swap3A, %swap3A_88], %add3A_87 {strides = array<i32>} : memref<64x128xf32, #tpu.memory_space<vmem>>, vector<64x128xf32>,
      %get3A_90 = arith.constant 0 : index
      %get3A_91 = arith.constant 0 : index
      %get3A_92 = vector.load %arg16[%get3A_90, %get3A_91] : memref<64x128xf32, #tpu.memory_space<vmem>>, vector<64x128xf32>
      %add3A_93 = arith.addf %get3A_92, %dot_general3A_70 : vector<64x128xf32>
      %swap3A_94 = arith.constant 0 : index
      %swap3A_95 = arith.constant 0 : index
      %swap3A_96 = vector.load %arg16[%swap3A_94, %swap3A_95] : memref<64x128xf32, #tpu.memory_space<vmem>>, vector<64x128xf32>
      tpu.vector_store %arg16[%swap3A_94, %swap3A_95], %add3A_93 {strides = array<i32>} : memref<64x128xf32, #tpu.memory_space<vmem>>, vector<64x128xf32>,
    } else {
    }
    %eq3A_79 = arith.constant 9 : i32
    %eq3A_80 = arith.cmpi eq, %arg0, %eq3A_79 : i32
    %convert_element_type3A_81 = arith.extui %eq3A_80 : i1 to i32
    %cond3A_82 = arith.constant 0 : i32
    %cond3A_83 = arith.cmpi ne, %convert_element_type3A_81, %cond3A_82 : i32
    scf.if %cond3A_83 {
      %get3A_84 = arith.constant 0 : index
      %get3A_85 = arith.constant 0 : index
      %get3A_86 = vector.load %arg15[%get3A_84, %get3A_85] : memref<64x128xf32, #tpu.memory_space<vmem>>, vector<64x128xf32>
      %get3A_87 = arith.constant 0 : index
      %get3A_88 = arith.constant 0 : index
      %get3A_89 = vector.load %arg16[%get3A_87, %get3A_88] : memref<64x128xf32, #tpu.memory_space<vmem>>, vector<64x128xf32>
      %max3A_90 = arith.constant 1.000000e+00 : f32
      %max3A_91 = vector.broadcast %max3A_90 : f32 to vector<64x128xf32>
      %max3A_92 = arith.maximumf %get3A_89, %max3A_91 : vector<64x128xf32>
      %div3A_93 = arith.divf %get3A_86, %max3A_92 : vector<64x128xf32>
      %get3A_94 = arith.constant 0 : index
      %get3A_95 = arith.constant 0 : index
      %get3A_96 = vector.load %arg10[%get3A_94, %get3A_95] : memref<128x128xf32, #tpu.memory_space<vmem>>, vector<128x128xf32>
      %dot_general3A_97 = arith.constant dense<0.000000e+00> : vector<64x128xf32>
      %dot_general3A_98 = tpu.matmul %div3A_93, %get3A_96, %dot_general3A_97 {dimension_numbers = #tpu.dot_dimension_numbers<[1], [0], [0], [1], [0, 0, 1, 1], [], []>, transpose_lhs_hint = false} : vector<64x128xf32>, vector<128x128xf32>, vector<64x128xf32> -> vector<64x128xf32>
      %get3A_99 = arith.constant 0 : index
      %get3A_100 = arith.constant 0 : index
      %get3A_101 = vector.load %arg11[%get3A_99, %get3A_100] : memref<1x128xf32, #tpu.memory_space<vmem>>, vector<1x128xf32>
      %add3A_102 = vector.broadcast %get3A_101 : vector<1x128xf32> to vector<64x128xf32>
      %add3A_103 = arith.addf %dot_general3A_98, %add3A_102 : vector<64x128xf32>
      %max3A_104 = arith.constant 0.000000e+00 : f32
      %max3A_105 = vector.broadcast %max3A_104 : f32 to vector<64x128xf32>
      %max3A_106 = arith.maximumf %add3A_103, %max3A_105 : vector<64x128xf32>
      %get3A_107 = arith.constant 0 : index
      %get3A_108 = arith.constant 0 : index
      %get3A_109 = vector.load %arg12[%get3A_107, %get3A_108] : memref<128x128xf32, #tpu.memory_space<vmem>>, vector<128x128xf32>
      %dot_general3A_110 = arith.constant dense<0.000000e+00> : vector<64x128xf32>
      %dot_general3A_111 = tpu.matmul %max3A_106, %get3A_109, %dot_general3A_110 {dimension_numbers = #tpu.dot_dimension_numbers<[1], [0], [0], [1], [0, 0, 1, 1], [], []>, transpose_lhs_hint = false} : vector<64x128xf32>, vector<128x128xf32>, vector<64x128xf32> -> vector<64x128xf32>
      %get3A_112 = arith.constant 0 : index
      %get3A_113 = arith.constant 0 : index
      %get3A_114 = vector.load %arg13[%get3A_112, %get3A_113] : memref<1x128xf32, #tpu.memory_space<vmem>>, vector<1x128xf32>
      %add3A_115 = vector.broadcast %get3A_114 : vector<1x128xf32> to vector<64x128xf32>
      %add3A_116 = arith.addf %dot_general3A_111, %add3A_115 : vector<64x128xf32>
      %swap3A = arith.constant 0 : index
      %swap3A_117 = arith.constant 0 : index
      %swap3A_118 = vector.load %arg14[%swap3A, %swap3A_117] : memref<64x128xf32, #tpu.memory_space<vmem>>, vector<64x128xf32>
      tpu.vector_store %arg14[%swap3A, %swap3A_117], %add3A_116 {strides = array<i32>} : memref<64x128xf32, #tpu.memory_space<vmem>>, vector<64x128xf32>,
    } else {
    }
    return
  }
  func.func @transform_0(%arg0: i32) -> (i32, i32) {
    %c0_i32 = arith.constant 0 : i32
    %c0_i32_0 = arith.constant 0 : i32
    return %arg0, %c0_i32 : i32, i32
  }
  func.func @transform_1(%arg0: i32) -> (i32, i32, i32) {
    %c0_i32 = arith.constant 0 : i32
    %c0_i32_0 = arith.constant 0 : i32
    %c0_i32_1 = arith.constant 0 : i32
    return %c0_i32, %arg0, %c0_i32_0 : i32, i32, i32
  }
  func.func @transform_2(%arg0: i32) -> (i32, i32, i32) {
    %c0_i32 = arith.constant 0 : i32
    %c0_i32_0 = arith.constant 0 : i32
    %c0_i32_1 = arith.constant 0 : i32
    return %c0_i32, %arg0, %c0_i32_0 : i32, i32, i32
  }
  func.func @transform_3(%arg0: i32) -> (i32, i32) {
    %c0_i32 = arith.constant 0 : i32
    %c0_i32_0 = arith.constant 0 : i32
    %c0_i32_1 = arith.constant 0 : i32
    return %c0_i32, %c0_i32_0 : i32, i32
  }
  func.func @transform_4(%arg0: i32) -> (i32, i32) {
    %c0_i32 = arith.constant 0 : i32
    %c0_i32_0 = arith.constant 0 : i32
    %c0_i32_1 = arith.constant 0 : i32
    return %c0_i32, %c0_i32_0 : i32, i32
  }
  func.func @transform_5(%arg0: i32) -> (i32, i32) {
    %c0_i32 = arith.constant 0 : i32
    %c0_i32_0 = arith.constant 0 : i32
    %c0_i32_1 = arith.constant 0 : i32
    return %c0_i32, %c0_i32_0 : i32, i32
  }
  func.func @transform_6(%arg0: i32) -> (i32, i32) {
    %c0_i32 = arith.constant 0 : i32
    %c0_i32_0 = arith.constant 0 : i32
    %c0_i32_1 = arith.constant 0 : i32
    return %c0_i32, %c0_i32_0 : i32, i32
  }
  func.func @transform_7(%arg0: i32) -> (i32, i32) {
    %c0_i32 = arith.constant 0 : i32
    %c0_i32_0 = arith.constant 0 : i32
    %c0_i32_1 = arith.constant 0 : i32
    return %c0_i32, %c0_i32_0 : i32, i32
  }
  func.func @transform_8(%arg0: i32) -> (i32, i32, i32) {
    %c0_i32 = arith.constant 0 : i32
    %c0_i32_0 = arith.constant 0 : i32
    %c0_i32_1 = arith.constant 0 : i32
    return %arg0, %c0_i32, %c0_i32_0 : i32, i32, i32
  }
  func.func @transform_9(%arg0: i32) -> (i32, i32) {
    %c0_i32 = arith.constant 0 : i32
    %c0_i32_0 = arith.constant 0 : i32
    %c0_i32_1 = arith.constant 0 : i32
    return %c0_i32, %c0_i32_0 : i32, i32
  }
  func.func @transform_10(%arg0: i32) -> (i32, i32) {
    %c0_i32 = arith.constant 0 : i32
    %c0_i32_0 = arith.constant 0 : i32
    %c0_i32_1 = arith.constant 0 : i32
    return %c0_i32, %c0_i32_0 : i32, i32
  }
  func.func @transform_11(%arg0: i32) -> (i32, i32) {
    %c0_i32 = arith.constant 0 : i32
    %c0_i32_0 = arith.constant 0 : i32
    %c0_i32_1 = arith.constant 0 : i32
    return %c0_i32, %c0_i32_0 : i32, i32
  }
  func.func @transform_12(%arg0: i32) -> (i32, i32) {
    %c0_i32 = arith.constant 0 : i32
    %c0_i32_0 = arith.constant 0 : i32
    %c0_i32_1 = arith.constant 0 : i32
    return %c0_i32, %c0_i32_0 : i32, i32
  }
  func.func @transform_13(%arg0: i32) -> (i32, i32) {
    %c0_i32 = arith.constant 0 : i32
    %c0_i32_0 = arith.constant 0 : i32
    %c0_i32_1 = arith.constant 0 : i32
    return %c0_i32, %c0_i32_0 : i32, i32
  }
}

module attributes {stable_mosaic.version = 14 : i64} {
  func.func @_combine_dense_body(%arg0: i32, %arg1: memref<1024x128xf32, #tpu.memory_space<vmem>>, %arg2: memref<2x1024x128xf32, #tpu.memory_space<vmem>>, %arg3: memref<2x1024x128xf32, #tpu.memory_space<vmem>>, %arg4: memref<128x128xf32, #tpu.memory_space<vmem>>, %arg5: memref<128x128xf32, #tpu.memory_space<vmem>>, %arg6: memref<1x128xf32, #tpu.memory_space<vmem>>, %arg7: memref<128x128xf32, #tpu.memory_space<vmem>>, %arg8: memref<1x128xf32, #tpu.memory_space<vmem>>, %arg9: memref<1024x128xf32, #tpu.memory_space<vmem>>) attributes {dimension_semantics = [#tpu.dimension_semantics<arbitrary>], iteration_bounds = array<i64: 10>, scalar_prefetch = 0 : i64, scratch_operands = 0 : i64, tpu.core_type = #tpu.core_type<tc>, window_params = [{transform_indices = @transform_0, window_bounds = array<i64: 1024, 128>}, {transform_indices = @transform_1, window_bounds = array<i64: 2, 1024, 128>}, {transform_indices = @transform_2, window_bounds = array<i64: 2, 1024, 128>}, {pipeline_mode = #tpu.pipeline_mode<synchronous>, transform_indices = @transform_3, window_bounds = array<i64: 128, 128>}, {pipeline_mode = #tpu.pipeline_mode<synchronous>, transform_indices = @transform_4, window_bounds = array<i64: 128, 128>}, {pipeline_mode = #tpu.pipeline_mode<synchronous>, transform_indices = @transform_5, window_bounds = array<i64: 1, 128>}, {pipeline_mode = #tpu.pipeline_mode<synchronous>, transform_indices = @transform_6, window_bounds = array<i64: 128, 128>}, {pipeline_mode = #tpu.pipeline_mode<synchronous>, transform_indices = @transform_7, window_bounds = array<i64: 1, 128>}, {transform_indices = @transform_8, window_bounds = array<i64: 1024, 128>}]} {
    %get3A = arith.constant 0 : index
    %get3A_0 = arith.constant 0 : index
    %get3A_1 = vector.load %arg1[%get3A, %get3A_0] : memref<1024x128xf32, #tpu.memory_space<vmem>>, vector<1024x128xf32>
    %get3A_2 = arith.constant 0 : index
    %get3A_3 = arith.constant 0 : index
    %get3A_4 = arith.constant 0 : index
    %get3A_5 = vector.load %arg2[%get3A_2, %get3A_3, %get3A_4] : memref<2x1024x128xf32, #tpu.memory_space<vmem>>, vector<1x1024x128xf32>
    %get3A_6 = vector.shape_cast %get3A_5 : vector<1x1024x128xf32> to vector<1024x128xf32>
    %get3A_7 = arith.constant 1 : index
    %get3A_8 = arith.constant 0 : index
    %get3A_9 = arith.constant 0 : index
    %get3A_10 = vector.load %arg2[%get3A_7, %get3A_8, %get3A_9] : memref<2x1024x128xf32, #tpu.memory_space<vmem>>, vector<1x1024x128xf32>
    %get3A_11 = vector.shape_cast %get3A_10 : vector<1x1024x128xf32> to vector<1024x128xf32>
    %add3A = arith.addf %get3A_6, %get3A_11 : vector<1024x128xf32>
    %get3A_12 = arith.constant 0 : index
    %get3A_13 = arith.constant 0 : index
    %get3A_14 = arith.constant 0 : index
    %get3A_15 = vector.load %arg3[%get3A_12, %get3A_13, %get3A_14] : memref<2x1024x128xf32, #tpu.memory_space<vmem>>, vector<1x1024x1xf32>
    %get3A_16 = vector.shape_cast %get3A_15 : vector<1x1024x1xf32> to vector<1024x1xf32>
    %get3A_17 = arith.constant 1 : index
    %get3A_18 = arith.constant 0 : index
    %get3A_19 = arith.constant 0 : index
    %get3A_20 = vector.load %arg3[%get3A_17, %get3A_18, %get3A_19] : memref<2x1024x128xf32, #tpu.memory_space<vmem>>, vector<1x1024x1xf32>
    %get3A_21 = vector.shape_cast %get3A_20 : vector<1x1024x1xf32> to vector<1024x1xf32>
    %add3A_22 = arith.addf %get3A_16, %get3A_21 : vector<1024x1xf32>
    %max3A = arith.constant 1.000000e+00 : f32
    %max3A_23 = vector.broadcast %max3A : f32 to vector<1024x1xf32>
    %max3A_24 = arith.maximumf %add3A_22, %max3A_23 : vector<1024x1xf32>
    %div3A = vector.broadcast %max3A_24 : vector<1024x1xf32> to vector<1024x128xf32>
    %div3A_25 = arith.divf %add3A, %div3A : vector<1024x128xf32>
    %get3A_26 = arith.constant 0 : index
    %get3A_27 = arith.constant 0 : index
    %get3A_28 = vector.load %arg4[%get3A_26, %get3A_27] : memref<128x128xf32, #tpu.memory_space<vmem>>, vector<128x128xf32>
    %dot_general3A = arith.constant dense<0.000000e+00> : vector<1024x128xf32>
    %dot_general3A_29 = tpu.matmul %get3A_1, %get3A_28, %dot_general3A {dimension_numbers = #tpu.dot_dimension_numbers<[1], [0], [0], [1], [0, 0, 1, 1], [], []>, transpose_lhs_hint = false} : vector<1024x128xf32>, vector<128x128xf32>, vector<1024x128xf32> -> vector<1024x128xf32>
    %get3A_30 = arith.constant 0 : index
    %get3A_31 = arith.constant 0 : index
    %get3A_32 = vector.load %arg5[%get3A_30, %get3A_31] : memref<128x128xf32, #tpu.memory_space<vmem>>, vector<128x128xf32>
    %dot_general3A_33 = arith.constant dense<0.000000e+00> : vector<1024x128xf32>
    %dot_general3A_34 = tpu.matmul %div3A_25, %get3A_32, %dot_general3A_33 {dimension_numbers = #tpu.dot_dimension_numbers<[1], [0], [0], [1], [0, 0, 1, 1], [], []>, transpose_lhs_hint = false} : vector<1024x128xf32>, vector<128x128xf32>, vector<1024x128xf32> -> vector<1024x128xf32>
    %add3A_35 = arith.addf %dot_general3A_29, %dot_general3A_34 : vector<1024x128xf32>
    %get3A_36 = arith.constant 0 : index
    %get3A_37 = arith.constant 0 : index
    %get3A_38 = vector.load %arg6[%get3A_36, %get3A_37] : memref<1x128xf32, #tpu.memory_space<vmem>>, vector<1x128xf32>
    %add3A_39 = vector.broadcast %get3A_38 : vector<1x128xf32> to vector<1024x128xf32>
    %add3A_40 = arith.addf %add3A_35, %add3A_39 : vector<1024x128xf32>
    %max3A_41 = arith.constant 0.000000e+00 : f32
    %max3A_42 = vector.broadcast %max3A_41 : f32 to vector<1024x128xf32>
    %max3A_43 = arith.maximumf %add3A_40, %max3A_42 : vector<1024x128xf32>
    %add3A_44 = arith.addf %get3A_1, %max3A_43 : vector<1024x128xf32>
    %get3A_45 = arith.constant 0 : index
    %get3A_46 = arith.constant 0 : index
    %get3A_47 = vector.load %arg7[%get3A_45, %get3A_46] : memref<128x128xf32, #tpu.memory_space<vmem>>, vector<128x128xf32>
    %dot_general3A_48 = arith.constant dense<0.000000e+00> : vector<1024x128xf32>
    %dot_general3A_49 = tpu.matmul %add3A_44, %get3A_47, %dot_general3A_48 {dimension_numbers = #tpu.dot_dimension_numbers<[1], [0], [0], [1], [0, 0, 1, 1], [], []>, transpose_lhs_hint = false} : vector<1024x128xf32>, vector<128x128xf32>, vector<1024x128xf32> -> vector<1024x128xf32>
    %get3A_50 = arith.constant 0 : index
    %get3A_51 = arith.constant 0 : index
    %get3A_52 = vector.load %arg8[%get3A_50, %get3A_51] : memref<1x128xf32, #tpu.memory_space<vmem>>, vector<1x128xf32>
    %add3A_53 = vector.broadcast %get3A_52 : vector<1x128xf32> to vector<1024x128xf32>
    %add3A_54 = arith.addf %dot_general3A_49, %add3A_53 : vector<1024x128xf32>
    %max3A_55 = arith.constant 0.000000e+00 : f32
    %max3A_56 = vector.broadcast %max3A_55 : f32 to vector<1024x128xf32>
    %max3A_57 = arith.maximumf %add3A_54, %max3A_56 : vector<1024x128xf32>
    %swap3A = arith.constant 0 : index
    %swap3A_58 = arith.constant 0 : index
    %swap3A_59 = vector.load %arg9[%swap3A, %swap3A_58] : memref<1024x128xf32, #tpu.memory_space<vmem>>, vector<1024x128xf32>
    tpu.vector_store %arg9[%swap3A, %swap3A_58], %max3A_57 {strides = array<i32>} : memref<1024x128xf32, #tpu.memory_space<vmem>>, vector<1024x128xf32>,
    return
  }
  func.func @transform_0(%arg0: i32) -> (i32, i32) {
    %c0_i32 = arith.constant 0 : i32
    %c0_i32_0 = arith.constant 0 : i32
    return %arg0, %c0_i32 : i32, i32
  }
  func.func @transform_1(%arg0: i32) -> (i32, i32, i32) {
    %c0_i32 = arith.constant 0 : i32
    %c0_i32_0 = arith.constant 0 : i32
    %c0_i32_1 = arith.constant 0 : i32
    return %c0_i32, %arg0, %c0_i32_0 : i32, i32, i32
  }
  func.func @transform_2(%arg0: i32) -> (i32, i32, i32) {
    %c0_i32 = arith.constant 0 : i32
    %c0_i32_0 = arith.constant 0 : i32
    %c0_i32_1 = arith.constant 0 : i32
    return %c0_i32, %arg0, %c0_i32_0 : i32, i32, i32
  }
  func.func @transform_3(%arg0: i32) -> (i32, i32) {
    %c0_i32 = arith.constant 0 : i32
    %c0_i32_0 = arith.constant 0 : i32
    %c0_i32_1 = arith.constant 0 : i32
    return %c0_i32, %c0_i32_0 : i32, i32
  }
  func.func @transform_4(%arg0: i32) -> (i32, i32) {
    %c0_i32 = arith.constant 0 : i32
    %c0_i32_0 = arith.constant 0 : i32
    %c0_i32_1 = arith.constant 0 : i32
    return %c0_i32, %c0_i32_0 : i32, i32
  }
  func.func @transform_5(%arg0: i32) -> (i32, i32) {
    %c0_i32 = arith.constant 0 : i32
    %c0_i32_0 = arith.constant 0 : i32
    %c0_i32_1 = arith.constant 0 : i32
    return %c0_i32, %c0_i32_0 : i32, i32
  }
  func.func @transform_6(%arg0: i32) -> (i32, i32) {
    %c0_i32 = arith.constant 0 : i32
    %c0_i32_0 = arith.constant 0 : i32
    %c0_i32_1 = arith.constant 0 : i32
    return %c0_i32, %c0_i32_0 : i32, i32
  }
  func.func @transform_7(%arg0: i32) -> (i32, i32) {
    %c0_i32 = arith.constant 0 : i32
    %c0_i32_0 = arith.constant 0 : i32
    %c0_i32_1 = arith.constant 0 : i32
    return %c0_i32, %c0_i32_0 : i32, i32
  }
  func.func @transform_8(%arg0: i32) -> (i32, i32) {
    %c0_i32 = arith.constant 0 : i32
    %c0_i32_0 = arith.constant 0 : i32
    return %arg0, %c0_i32 : i32, i32
  }
}

</mosaic_0001>

<sc_bundles>
// kernel: kernel.12.cloned.1.call-start
scs
__scs_entry_jumppad:
0x0: {  	(pc) =	sbr.rel $0x88, $3  }
0x1: {  	(tag) =	ssettag $0x0;
	lr =	simm.s32 $0x1  }
0x2: {  	[smem:$0x3F93] =	sst lr;
	_ =	strace $0xD0000000  }
0x3: {  	_ = 	snop  }
0x4: {  	_ = 	snop  }
0x5: {  	_ = 	snop  }
0x6: {  	_ = 	snop  }
0x7: {  	_ = 	snop  }
__scs_overlays_trampoline_lowered:
0x8: {  	[smem:$0x3FA2] =	sst s0  }
0x9: {  	[smem:$0x3FA3] =	sst s1  }
0xa: {  	[smem:$0x3FA4] =	sst s2  }
0xb: {  	[smem:$0x3FA5] =	sst s3  }
0xc: {  	[smem:$0x3FA6] =	sst s4  }
0xd: {  	[smem:$0x3FA7] =	sst s5  }
0xe: {  	[smem:$0x3FA8] =	sst s6  }
0xf: {  	[smem:$0x3FA9] =	sst s7  }
0x10: {  	[smem:$0x3FAA] =	sst s8  }
0x11: {  	[smem:$0x3FAB] =	sst s9;
	s0 =	simm.s32 @!p0 $0x0  }
0x12: {  	s1 =	sld [smem:$0x3F91];
	s0 =	simm.s32 @p0 $0x1  }
0x13: {  	[smem:$0x3FAC] =	sst s0;
	s0 =	simm.s32 @!p1 $0x0  }
0x14: {  	s2 =	sld [smem:$0x3F90];
	s0 =	simm.s32 @p1 $0x1  }
0x15: {  	[smem:$0x3FAD] =	sst s0;
	s0 =	simm.s32 @!p2 $0x0  }
0x16: {  	s3 =	sld [smem:$0x3FDB];
	s0 =	simm.s32 @p2 $0x1  }
0x17: {  	s4 =	simm.s32 $0x1BF5;
	[smem:$0x3FAF] =	sst s0  }
0x18: {  	s0 =	sld [smem:$0x3F92];
	_ =	swait.ge [sflag:s4], $0x0  }
0x19: {  	s7 =	sld [smem:$0x3F93]  }
0x1a: {  	s8 =	sadd.s32 $0xFFFFE003, lr  }
0x1b: {  	s9 =	sadd.s32 $0xFFFFFEF7, lr;
	s5 =	simm.s32 $0xFFFFFFFF;
	p2 =	slt.u32 s8, $0xFFFFF086  }
0x1c: {  	p1 =	slt.u32 s9, $0xF7A;
	s5 =	simm.s32 @!p2 $0x0  }
0x1d: {  	s5 =	simm.s32 @p1 $0x1;
	p0 =	seq.s32 s7, s2  }
0x1e: {  	s7 =	smul.u32 @!p0 $0xF7A, s2;
	p2 =	seq.s32 @!p0 s5, $0x0  }
0x1f: {  	s9 =	smul.u32 $0xF7A, s1;
	s8 =	simm.s32 @!p0 $0x1BF5;
	p2 =	por !p2, p0  }
0x20: {  	[sflag:s8] =	ssyncset.s32 @!p0 $0xFFFFF086;
	s6 =	sadd.s32 @!p0 s3, s7;
	s7 =	simm.s32 @!p0 $0x108  }
0x21: {  	s3 =	sadd.s32 s3, s9;
	s6 =	sadd.s32 @!p0 $0x88, s6;
	s7 =	simm.s32 @p2 $0x1082  }
0x22: {  	[simem:s7], [sflag:s8] =	dma.local @!p0 [hbm:s6], $0xF7A  }
0x23: {  	s9 =	sor.u32 $0xD0000000, s2;
	s6 =	simm.s32 $0x108;
	_ =	swait.ge @!p0 [sflag:s8], $0x0  }
0x24: {  	s3 =	sadd.s32 $0x88, s3;
	s6 =	simm.s32 @!p1 $0x1082;
	[sflag:s4] =	ssyncset.s32 $0xFFFFF086  }
0x25: {  	[simem:s6], [sflag:s4] =	dma.local [hbm:s3], $0xF7A  }
0x26: {  	[smem:$0x3F93] =	sst s1;
	(tag) =	ssettag s2;
	_ =	strace s9  }
0x27: {  	s1 =	sld [smem:$0x3FA3]  }
0x28: {  	s2 =	sld [smem:$0x3FA4]  }
0x29: {  	s4 =	sld [smem:$0x3FA6]  }
0x2a: {  	p0 =	seq.s32 s5, $0x0;
	s5 =	sld [smem:$0x3FA7]  }
0x2b: {  	s6 =	sld [smem:$0x3FA8]  }
0x2c: {  	s7 =	sld [smem:$0x3FA9]  }
0x2d: {  	s3 =	simm.s32 $0x108;
	s8 =	sld [smem:$0x3FAA]  }
0x2e: {  	s3 =	simm.s32 @!p0 $0x1082;
	s9 =	sld [smem:$0x3FAB]  }
0x2f: {  	lr =	sadd.s32 s0, s3;
	s0 =	sld [smem:$0x3FA2]  }
0x30: {  	s3 =	sld [smem:$0x3FA5]  }
0x31: {  	[smem:$0x3FAE] =	sst s10  }
0x32: {  	s10 =	sld [smem:$0x3FAC];
	_ =	sdelay $0x3  }
0x33: {  	p0 =	seq.s32 s10, $0x1;
	s10 =	sld [smem:$0x3FAE];
	_ =	sdelay $0x3  }
0x34: {  	[smem:$0x3FAE] =	sst s10  }
0x35: {  	s10 =	sld [smem:$0x3FAD];
	_ =	sdelay $0x3  }
0x36: {  	p1 =	seq.s32 s10, $0x1;
	s10 =	sld [smem:$0x3FAE];
	_ =	sdelay $0x3  }
0x37: {  	[smem:$0x3FAE] =	sst s10  }
0x38: {  	s10 =	sld [smem:$0x3FAF]  }
0x39: {  	_ = 	snop;
	(pc) =	sbr.ind lr, $3  }
0x3a: {  	_ = 	snop  }
0x3b: {  	_ = 	snop  }
0x3c: {  	p2 =	seq.s32 s10, $0x1;
	s10 =	sld [smem:$0x3FAE]  }
0x3d: {  	_ =	shalt  }
0x3e: {  	_ =	shalt  }
0x3f: {  	_ =	shalt  }
0x40: {  	_ =	shalt  }
0x41: {  	_ =	shalt  }
0x42: {  	_ =	shalt  }
0x43: {  	_ =	shalt  }
0x44: {  	_ =	shalt  }
0x45: {  	_ =	shalt  }
0x46: {  	_ =	shalt  }
0x47: {  	_ =	shalt  }
0x48: {  	_ =	shalt  }
0x49: {  	_ =	shalt  }
0x4a: {  	_ =	shalt  }
0x4b: {  	_ =	shalt  }
0x4c: {  	_ =	shalt  }
0x4d: {  	_ =	shalt  }
0x4e: {  	_ =	shalt  }
0x4f: {  	_ =	shalt  }
0x50: {  	_ =	shalt  }
0x51: {  	_ =	shalt  }
0x52: {  	_ =	shalt  }
0x53: {  	_ =	shalt  }
0x54: {  	_ =	shalt  }
0x55: {  	_ =	shalt  }
0x56: {  	_ =	shalt  }
0x57: {  	_ =	shalt  }
0x58: {  	_ =	shalt  }
0x59: {  	_ =	shalt  }
0x5a: {  	_ =	shalt  }
0x5b: {  	_ =	shalt  }
0x5c: {  	_ =	shalt  }
0x5d: {  	_ =	shalt  }
0x5e: {  	_ =	shalt  }
0x5f: {  	_ =	shalt  }
0x60: {  	_ =	shalt  }
0x61: {  	_ =	shalt  }
0x62: {  	_ =	shalt  }
0x63: {  	_ =	shalt  }
0x64: {  	_ =	shalt  }
0x65: {  	_ =	shalt  }
0x66: {  	_ =	shalt  }
0x67: {  	_ =	shalt  }
0x68: {  	_ =	shalt  }
0x69: {  	_ =	shalt  }
0x6a: {  	_ =	shalt  }
0x6b: {  	_ =	shalt  }
0x6c: {  	_ =	shalt  }
0x6d: {  	_ =	shalt  }
0x6e: {  	_ =	shalt  }
0x6f: {  	_ =	shalt  }
0x70: {  	_ =	shalt  }
0x71: {  	_ =	shalt  }
0x72: {  	_ =	shalt  }
0x73: {  	_ =	shalt  }
0x74: {  	_ =	shalt  }
0x75: {  	_ =	shalt  }
0x76: {  	_ =	shalt  }
0x77: {  	_ =	shalt  }
0x78: {  	_ =	shalt  }
0x79: {  	_ =	shalt  }
0x7a: {  	_ =	shalt  }
0x7b: {  	_ =	shalt  }
0x7c: {  	_ =	shalt  }
0x7d: {  	_ =	shalt  }
0x7e: {  	_ =	shalt  }
0x7f: {  	_ =	shalt  }
0x80: {  	_ =	shalt  }
0x81: {  	_ =	shalt  }
0x82: {  	_ =	shalt  }
0x83: {  	_ =	shalt  }
0x84: {  	_ =	shalt  }
0x85: {  	_ =	shalt  }
0x86: {  	_ =	shalt  }
0x87: {  	_ =	shalt  }
.Lfunc_end0:
.L_simem_size_0:
called_computation_lowered:
.L_overlay_start_0:
0x88: {  	s2 =	sld [smem:$0x3FD9]  }
0x89: {  	s3 =	sld [smem:$0x3FFE];
	_ =	sdelay $0x1  }
0x8a: {  	s1 =	srdreg.scid  }
0x8b: {  	s0 =	sand.u32 $0x1, s1  }
0x8c: {  	s17 =	sshll.u32 s0, $0xA;
	s2 =	sadd.s32 s3, s2  }
0x8d: {  	s2 =	sadd.s32 s2, s17  }
0x8e: {  	[smem:$0x3FBA] =	sst s2  }
0x8f: {  	_ = 	snop  }
0x90: {  	(tm) =	ssettm $0x1  }
0x91: {  	s18 =	sld [smem:$0x3FFB];
	_ =	sdelay $0x3  }
0x92: {  	_ =	strace s18  }
0x93: {  	s2 =	sld [smem:$0x3FFC];
	_ =	sdelay $0x3  }
0x94: {  	_ =	strace s2  }
0x95: {  	s2 =	sld [smem:$0x3FFD];
	_ =	sdelay $0x3  }
0x96: {  	_ =	strace s2  }
0x97: {  	_ =	strace $0x8FFFFFFF  }
0x98: {  	s19 =	sld [smem:$0x3FDB];
	_ =	sdelay $0x1  }
0x99: {  	s20 =	simm.s32 $_scs_section_size  }
0x9a: {  	s4 =	simm.s32 $_size__tile_overlayer_lowered;
	s5 =	simm.s32 $_tile_overlayer_lowered  }
0x9b: {  	s6 =	simm.s32 $0x1BFF;
	s21 =	sshll.u32 s5, $0x1;
	s3 =	sadd.s32 s20, s19  }
0x9c: {  	s22 =	simm.s32 $0x0;
	s4 =	sshll.u32 s4, $0x1;
	s5 =	sadd.s32 s21, s3  }
0x9d: {  	[timem:s22], [sflag:s6] =	dma.local [hbm:s5], s4  }
0x9e: {  	_ =	swait.ge [sflag:s6], s4  }
0x9f: {  	s4 =	ssub.s32 $0x0, s4;
	[sflag:s6] =	ssyncset.done $0x0  }
0xa0: {  	[sflag:s6] =	ssyncadd.s32 s4;
	_ =	sdelay $0x1  }
0xa1: {  	s23 =	simm.s32 $0x1B8B  }
0xa2: {  	_ =	swait.ge [sflag:s23], $0x1  }
0xa3: {  	[sflag:s23] =	ssyncset.done $0x0  }
0xa4: {  	[sflag:s23] =	ssyncadd.s32 $0xFFFFFFFF  }
0xa5: {  	s4 =	sld [smem:$0x0]  }
0xa6: {  	s5 =	sand.u32 $0xFFFFFFFE, s1  }
0xa7: {  	p0 =	sne.s32 s1, s5  }
0xa8: {  	s5 =	sshll.u32 @p0 s5, $0xE  }
0xa9: {  	s5 =	sadd.s32 @p0 $0x11B8D, s5;
	s6 =	sshll.u32 @p0 s4, $0x11  }
0xaa: {  	s5 =	sor.u32 @p0 s6, s5  }
0xab: {  	[sflag:s5] =	ssyncadd.remote.s32 @p0 $0x1;
	_ =	sdelay $0x1  }
0xac: {  	s5 =	simm.s32 @p0 $0x1B8D  }
0xad: {  	_ =	swait.eq @p0 [sflag:s5], $0x1  }
0xae: {  	[sflag:s5] =	ssyncadd.s32 @p0 $0xFFFFFFFF  }
0xaf: {  	s6 =	sshll.u32 @!p0 s1, $0xE  }
0xb0: {  	s6 =	sor.u32 @!p0 $0x4000, s6;
	s5 =	simm.s32 @!p0 $0x1B8D  }
0xb1: {  	s4 =	sshll.u32 @!p0 s4, $0x11;
	s6 =	sadd.s32 @!p0 $0x11B8D, s6;
	_ =	swait.eq @!p0 [sflag:s5], $0x1  }
0xb2: {  	s4 =	sor.u32 @!p0 s4, s6;
	[sflag:s5] =	ssyncadd.s32 @!p0 $0xFFFFFFFF  }
0xb3: {  	s25 =	simm.s32 $0x1B8E;
	s24 =	sld [smem:$0x3FFE];
	[sflag:s4] =	ssyncadd.remote.s32 @!p0 $0x1  }
0xb4: {  	s26 =	simm.s32 $execute0_lowered;
	[smem:$0x3FD2] =	sst s25  }
0xb5: {  	s5 =	sshll.u32 s26, $0x1;
	_ =	strace $0x80000049;
	[dreg:$0x1] =	wrdreg $0xFFFFFFFF  }
0xb6: {  	s28 =	simm.s32 $_size_execute0_lowered;
	s3 =	sadd.s32 s3, s5;
	[dreg:$0x0] =	wrdreg $0x0  }
0xb7: {  	s5 =	sshll.u32 s28, $0x1;
	[dreg:$0x2] =	wrdreg s3  }
0xb8: {  	[dreg:$0x3] =	wrdreg s5  }
0xb9: {  	[dreg:$0x4] =	wrdreg $0xC0  }
0xba: {  	_ =	task [dreg:s22], $0x5FFFF  }
0xbb: {  	[dreg:$0x1] =	wrdreg $0xFFFFFFFF  }
0xbc: {  	[dreg:$0x0] =	wrdreg $0x60  }
0xbd: {  	[dreg:$0x2] =	wrdreg s24  }
0xbe: {  	[dreg:$0x3] =	wrdreg $0x0  }
0xbf: {  	[dreg:$0x4] =	wrdreg $0x9  }
0xc0: {  	_ =	task.clear_ibuf [dreg:s22], $0x5FFFF;
	_ =	strace $0x90000049  }
0xc1: {  	s29 =	simm.s32 $0x9;
	_ =	strace $0x8000004B  }
0xc2: {  	_ =	swait.ge [sflag:s29], $0x1  }
0xc3: {  	[sflag:s29] =	ssyncadd.s32 $0xFFFFFFFF  }
0xc4: {  	_ =	strace $0x9000004B  }
0xc5: {  	_ =	sfence  }
0xc6: {  	s30 =	sld [smem:$0x0];
	_ =	sdelay $0x2  }
0xc7: {  	s31 =	sshll.u32 s1, $0xD;
	s1 =	sshrl.u32 s1, $0x2  }
0xc8: {  	s4 =	sand.u32 $0x4000, s31;
	s1 =	sadd.s32 s1, s30  }
0xc9: {  	s0 =	sor.u32 s4, s0;
	s1 =	sshll.u32 s1, $0x11  }
0xca: {  	s0 =	sor.u32 s1, s0  }
0xcb: {  	s0 =	sadd.s32 $0x8F2B, s0  }
0xcc: {  	[sflag:s0] =	ssyncadd.remote.s32 $0x1  }
0xcd: {  	_ =	sfence.sel $0xFFFF  }
0xce: {  	[dreg:$0x0] =	wrdreg $0xFFFFFFFF;
	(pc) =	sbr.abs _section_cstart, $3  }
0xcf: {  	[dreg:$0x1] =	wrdreg $0xFFFFFFFF  }
0xd0: {  	_ =	task.clear_ibuf [dreg:s22], $0x2FFFF;
	_ =	strace $0x9FFFFFFF  }
0xd1: {  	(tm) =	ssettm $0x7FFFFFFF  }
tec
execute0_lowered:
.L_overlay_start_1:
0x0: {  	(tag) =	ssettag $0x1  }
0x1: {  	s7 =	rddreg [dreg:$0x0]  }
0x2: {  	s1 =	rddreg [dreg:$0x1]  }
0x3: {  	s0 =	rddreg [dreg:$0x2]  }
0x4: {  	s2 =	simm.s32 $0x0;
	s3 =	srdreg.scid;
	s22 =	simm.s32 $0x14100  }
0x5: {  	[smem:$0x7FF] =	sst s2;
	s4 =	sadd.s32 $0x9DE00, s7;
	s8 =	sand.u32 $0x1, s3  }
0x6: {  	s5 =	sadd.s32 $0x4B600, s7;
	s3 =	stileid.u32;
	s6 =	sadd.s32 $0xA7E00, s7  }
0x7: {  	s18 =	sadd.s32 $0xA8600, s7;
	_ =	strace $0x8000004A;
	s11 =	smul.u32 $0x50000, s3  }
0x8: {  	s9 =	ssub.s32 $0x2, s8;
	s16 =	smul.u32 $0x140000, s8;
	s23 =	sshll.u32 s8, $0x4  }
0x9: {  	s15 =	smul.u32 $0x14000, s3;
	s26 =	sshll.u32 s3, $0x6;
	s10 =	sshrl.u32 s9, $0x1  }
0xa: {  	s25 =	sor.u32 s3, s23;
	s8 =	sor.u32 $0x1C01, s26;
	s23 =	simm.s32 $0x14000  }
0xb: {  	s26 =	simm.s32 $0x0;
	s19 =	ssub.s32 s9, s10;
	s24 =	sshrl.u32 s11, $0x2  }
0xc: {  	s28 =	sadd.s32 s15, s16;
	s29 =	sadd.s32 $0x4000, s15;
	s9 =	smul.u32 $0x2800, s25  }
0xd: {  	s13 =	sadd.s32 $0x8000, s15;
	s17 =	sadd.s32 $0xC000, s15;
	s21 =	sadd.s32 $0x10000, s15  }
0xe: {  	s25 =	simm.s32 $0x14080;
	s7 =	sadd.s32 s24, s1;
	s10 =	sshrl.u32 s28, $0x3  }
0xf: {  	s12 =	sadd.s32 s16, s29;
	s11 =	sadd.s32 s29, s1;
	s14 =	sadd.s32 s16, s13  }
0x10: {  	s13 =	sadd.s32 s13, s1;
	s20 =	sadd.s32 s16, s17;
	s15 =	sadd.s32 s17, s1  }
0x11: {  	s31 =	sadd.s32 s16, s21;
	s17 =	sadd.s32 s21, s1;
	s19 =	smax.u32 s19, $0x1  }
0x12: {  	s21 =	simm.s32 $0x1;
	s24 =	simm.s32 $0x80;
	s10 =	sadd.s32 s18, s10  }
0x13: {  	s12 =	sshrl.u32 s12, $0x3;
	s14 =	sshrl.u32 s14, $0x3;
	s30 =	sshrl.u32 s20, $0x3  }
0x14: {  	s20 =	sshrl.u32 s31, $0x3;
	s12 =	sadd.s32 s18, s12;
	s14 =	sadd.s32 s18, s14  }
0x15: {  	s16 =	sadd.s32 s18, s30;
	s18 =	sadd.s32 s18, s20;
	s20 =	sshrl.u32 s7, $0x3  }
.LBB2_1:
0x16: {  	[spmem:s20], [sflag:s8] =	dma.local [hbm:s5], $0x2800  }
0x17: {  	_ =	swait.ge [sflag:s21], $0x2800  }
0x18: {  	[sflag:s21] =	ssyncset.done $0x0  }
0x19: {  	s28 =	sand.u32 $0x3C00, s2;
	[sflag:s21] =	ssyncadd.s32 $0xFFFFD800  }
0x1a: {  	[tilespmem:s22], [sflag:$0x1] =	stream.linear.gather [hbm4b:s6+s2], $0x4000, $0x38;
	[tilespmem:$0x18100] =	vst v63  }
0x1b: {  	s29 =	sand.u32 $0x300, s2;
	s28 =	sadd.s32 s9, s28;
	_ =	swait.ge [sflag:s21], $0x4000  }
0x1c: {  	s28 =	sor.u32 s29, s28;
	[sflag:s21] =	ssyncset.done $0x0  }
0x1d: {  	s28 =	sshrl.u32 s28, $0x3;
	[sflag:s21] =	ssyncadd.s32 $0xFFFFC000  }
0x1e: {  	s28 =	sadd.s32 s4, s28;
	[bflag:$0x0] =	sbarrier.arrive $0xFFFF  }
0x1f: {  	[tilespmem:s23], [sflag:$0x1] =	stream.linear.gather [hbm4b:s28+s2], $0x100, $0x38;
	[tilespmem:$0x18100] =	vst v63  }
0x20: {  	_ =	swait.ge [sflag:s21], $0x100  }
0x21: {  	[sflag:s21] =	ssyncset.done $0x0  }
0x22: {  	[sflag:s21] =	ssyncadd.s32 $0xFFFFFF00  }
0x23: {  	[spmem:s1] =	stream.indirect.scatter.add.f32 [tilespmem:s22], [sflag:$0x1], $0x80, s23, s24, $0xb8;
	[tilespmem:$0x18100] =	vst v63  }
0x24: {  	_ =	swait.ge [sflag:s21], $0x4000  }
0x25: {  	s28 =	simm.s32 $0x100;
	[sflag:s21] =	ssyncset.done $0x0  }
0x26: {  	s29 =	sand.u32 $0x3C00, s28;
	[sflag:s21] =	ssyncadd.s32 $0xFFFFC000  }
0x27: {  	[spmem:s1] =	stream.indirect.scatter.add.f32 [tilespmem:s22], [sflag:$0x1], $0x80, s25, s24, $0xb8;
	[tilespmem:$0x18100] =	vst v63  }
0x28: {  	s30 =	sand.u32 $0x300, s28;
	s29 =	sadd.s32 s9, s29;
	_ =	swait.ge [sflag:s21], $0x4000  }
0x29: {  	s28 =	simm.s32 $0x200;
	s29 =	sor.u32 s30, s29;
	[sflag:s21] =	ssyncset.done $0x0  }
.LBB2_2:
0x2a: {  	s29 =	sshrl.u32 s29, $0x3  }
0x2b: {  	[sflag:s21] =	ssyncadd.s32 $0xFFFFC000;
	s30 =	smov.u32 s28;
	s31 =	sadd.s32 $0x100, s28  }
0x2c: {  	p0 =	sne.s32 s28, $0x2700;
	s28 =	sadd.s32 s4, s29  }
0x2d: {  	[tilespmem:s23], [sflag:$0x1] =	stream.linear.gather [hbm4b:s28+s2], $0x100, $0x38;
	[tilespmem:$0x18100] =	vst v63  }
0x2e: {  	_ =	swait.ge [sflag:s21], $0x100  }
0x2f: {  	[sflag:s21] =	ssyncset.done $0x0  }
0x30: {  	[sflag:s21] =	ssyncadd.s32 $0xFFFFFF00  }
0x31: {  	[spmem:s1] =	stream.indirect.scatter.add.f32 [tilespmem:s22], [sflag:$0x1], $0x80, s23, s24, $0xb8;
	[tilespmem:$0x18100] =	vst v63  }
0x32: {  	_ =	swait.ge [sflag:s21], $0x4000  }
.Ltmp0:
0x33: {  	[sflag:s21] =	ssyncset.done $0x0;
	(pc) =	sbr.rel @p0 .LBB2_2-.Ltmp0, $4  }
0x34: {  	s28 =	sand.u32 $0x3C00, s30;
	[sflag:s21] =	ssyncadd.s32 $0xFFFFC000  }
0x35: {  	[spmem:s1] =	stream.indirect.scatter.add.f32 [tilespmem:s22], [sflag:$0x1], $0x80, s25, s24, $0xb8;
	[tilespmem:$0x18100] =	vst v63  }
0x36: {  	s29 =	sand.u32 $0x300, s30;
	s28 =	sadd.s32 s9, s28;
	_ =	swait.ge [sflag:s21], $0x4000  }
0x37: {  	s29 =	sor.u32 s29, s28;
	s28 =	smov.u32 s31;
	[sflag:s21] =	ssyncset.done $0x0  }
0x38: {  	s28 =	sshrl.u32 s29, $0x3  }
0x39: {  	[sflag:s21] =	ssyncadd.s32 $0xFFFFC000;
	s28 =	sadd.s32 s4, s28  }
0x3a: {  	[tilespmem:s23], [sflag:$0x1] =	stream.linear.gather [hbm4b:s28+s2], $0x100, $0x38;
	[tilespmem:$0x18100] =	vst v63  }
0x3b: {  	_ =	swait.ge [sflag:s21], $0x100  }
0x3c: {  	[sflag:s21] =	ssyncset.done $0x0  }
0x3d: {  	[sflag:s21] =	ssyncadd.s32 $0xFFFFFF00  }
0x3e: {  	[spmem:s1] =	stream.indirect.scatter.add.f32 [tilespmem:s22], [sflag:$0x1], $0x80, s23, s24, $0xb8;
	[tilespmem:$0x18100] =	vst v63  }
0x3f: {  	_ =	swait.ge [sflag:s21], $0x4000  }
0x40: {  	[sflag:s21] =	ssyncset.done $0x0  }
0x41: {  	[sflag:s21] =	ssyncadd.s32 $0xFFFFC000  }
0x42: {  	[spmem:s1] =	stream.indirect.scatter.add.f32 [tilespmem:s22], [sflag:$0x1], $0x80, s25, s24, $0xb8;
	[tilespmem:$0x18100] =	vst v63  }
0x43: {  	_ =	swait.ge [sflag:s21], $0x4000  }
0x44: {  	[sflag:s21] =	ssyncset.done $0x0  }
0x45: {  	[sflag:s21] =	ssyncadd.s32 $0xFFFFC000  }
0x46: {  	[bflag:$0x0] =	sbarrier.arrive $0xFFFF  }
0x47: {  	[tilespmem:s22], [sflag:$0x1] =	stream.linear.gather [spmem:s7], $0x4000, $0x38;
	[tilespmem:$0x18100] =	vst v63  }
0x48: {  	_ =	swait.ge [sflag:s21], $0x4000  }
0x49: {  	[sflag:s21] =	ssyncset.done $0x0  }
0x4a: {  	[sflag:s21] =	ssyncadd.s32 $0xFFFFC000  }
0x4b: {  	[hbm4b:s10+s2] =	stream.linear.scatter [tilespmem:s22], [sflag:$0x1], $0x4000, $0x38;
	[tilespmem:$0x18100] =	vst v63  }
0x4c: {  	_ =	swait.ge [sflag:s21], $0x4000  }
0x4d: {  	[sflag:s21] =	ssyncset.done $0x0  }
0x4e: {  	[sflag:s21] =	ssyncadd.s32 $0xFFFFC000  }
0x4f: {  	[tilespmem:s22], [sflag:$0x1] =	stream.linear.gather [spmem:s11], $0x4000, $0x38;
	[tilespmem:$0x18100] =	vst v63  }
0x50: {  	_ =	swait.ge [sflag:s21], $0x4000  }
0x51: {  	[sflag:s21] =	ssyncset.done $0x0  }
0x52: {  	[sflag:s21] =	ssyncadd.s32 $0xFFFFC000  }
0x53: {  	[hbm4b:s12+s2] =	stream.linear.scatter [tilespmem:s22], [sflag:$0x1], $0x4000, $0x38;
	[tilespmem:$0x18100] =	vst v63  }
0x54: {  	_ =	swait.ge [sflag:s21], $0x4000  }
0x55: {  	[sflag:s21] =	ssyncset.done $0x0  }
0x56: {  	[sflag:s21] =	ssyncadd.s32 $0xFFFFC000  }
0x57: {  	[tilespmem:s22], [sflag:$0x1] =	stream.linear.gather [spmem:s13], $0x4000, $0x38;
	[tilespmem:$0x18100] =	vst v63  }
0x58: {  	_ =	swait.ge [sflag:s21], $0x4000  }
0x59: {  	[sflag:s21] =	ssyncset.done $0x0  }
0x5a: {  	[sflag:s21] =	ssyncadd.s32 $0xFFFFC000  }
0x5b: {  	[hbm4b:s14+s2] =	stream.linear.scatter [tilespmem:s22], [sflag:$0x1], $0x4000, $0x38;
	[tilespmem:$0x18100] =	vst v63  }
0x5c: {  	_ =	swait.ge [sflag:s21], $0x4000  }
0x5d: {  	[sflag:s21] =	ssyncset.done $0x0  }
0x5e: {  	[sflag:s21] =	ssyncadd.s32 $0xFFFFC000  }
0x5f: {  	[tilespmem:s22], [sflag:$0x1] =	stream.linear.gather [spmem:s15], $0x4000, $0x38;
	[tilespmem:$0x18100] =	vst v63  }
0x60: {  	_ =	swait.ge [sflag:s21], $0x4000  }
0x61: {  	[sflag:s21] =	ssyncset.done $0x0  }
0x62: {  	[sflag:s21] =	ssyncadd.s32 $0xFFFFC000  }
0x63: {  	[hbm4b:s16+s2] =	stream.linear.scatter [tilespmem:s22], [sflag:$0x1], $0x4000, $0x38;
	[tilespmem:$0x18100] =	vst v63  }
0x64: {  	_ =	swait.ge [sflag:s21], $0x4000  }
0x65: {  	[sflag:s21] =	ssyncset.done $0x0  }
0x66: {  	[sflag:s21] =	ssyncadd.s32 $0xFFFFC000  }
0x67: {  	[tilespmem:s22], [sflag:$0x1] =	stream.linear.gather [spmem:s17], $0x4000, $0x38;
	[tilespmem:$0x18100] =	vst v63  }
0x68: {  	s26 =	sadd.s32 $0x1, s26;
	_ =	swait.ge [sflag:s21], $0x4000  }
0x69: {  	p0 =	sne.s32 s26, s19;
	[sflag:s21] =	ssyncset.done $0x0  }
.Ltmp1:
0x6a: {  	[sflag:s21] =	ssyncadd.s32 $0xFFFFC000;
	(pc) =	sbr.rel @p0 .LBB2_1-.Ltmp1, $4  }
0x6b: {  	[hbm4b:s18+s2] =	stream.linear.scatter [tilespmem:s22], [sflag:$0x1], $0x4000, $0x38;
	[tilespmem:$0x18100] =	vst v63  }
0x6c: {  	_ =	swait.ge [sflag:s21], $0x4000  }
0x6d: {  	[sflag:s21] =	ssyncset.done $0x0  }
0x6e: {  	[sflag:s21] =	ssyncadd.s32 $0xFFFFC000  }
0x6f: {  	_ =	sfence.sel $0x180000  }
0x70: {  	[bflag:$0x0] =	sbarrier.arrive $0xFFFF  }
0x71: {  	p0 =	sne.s32 s3, $0x0;
	_ =	strace $0x9000004A  }
0x72: {  	s0 =	sadd.s32 @!p0 $0x100000, s0;
	[bflag:$0x2] =	sbarrier.arrive $0xFFFF  }
0x73: {  	[sflag:s0] =	ssyncadd.tile.s32 @!p0 $0x1;
	_ =	shalt  }
.Lfunc_end2:
_tile_overlayer_lowered:
.L_overlay_start_2:
0x74: {  	(tag) =	ssettag $0x2  }
0x75: {  	s0 =	rddreg [dreg:$0x0];
	s2 =	stileid.u32  }
0x76: {  	s1 =	rddreg [dreg:$0x1];
	p0 =	sne.s32 s2, $0x0  }
0x77: {  	s3 =	rddreg [dreg:$0x2];
	[bflag:$0x3] =	sbarrier.arrive $0xFFFF;
	s2 =	simm.s32 @!p0 $0x1C01  }
0x78: {  	[timem:s3], [sflag:s2] =	dma.local @!p0 [hbm:s0], s1  }
0x79: {  	s0 =	simm.s32 @!p0 $0x1  }
0x7a: {  	_ =	swait.ge @!p0 [sflag:s0], s1  }
0x7b: {  	s1 =	ssub.s32 @!p0 $0x0, s1;
	[sflag:s0] =	ssyncset.done @!p0 $0x0  }
0x7c: {  	[sflag:s0] =	ssyncadd.s32 @!p0 s1  }
0x7d: {  	[bflag:$0x3] =	sbarrier.arrive $0xFFFF  }
0x7e: {  	_ =	shalt  }

// kernel: kernel.15.cloned.1.call-start
scs
__scs_entry_jumppad:
0x0: {  	(pc) =	sbr.rel $0x88, $3  }
0x1: {  	(tag) =	ssettag $0x0;
	lr =	simm.s32 $0x1  }
0x2: {  	[smem:$0x3F93] =	sst lr;
	_ =	strace $0xD0000000  }
0x3: {  	_ = 	snop  }
0x4: {  	_ = 	snop  }
0x5: {  	_ = 	snop  }
0x6: {  	_ = 	snop  }
0x7: {  	_ = 	snop  }
__scs_overlays_trampoline_lowered:
0x8: {  	[smem:$0x3FA2] =	sst s0  }
0x9: {  	[smem:$0x3FA3] =	sst s1  }
0xa: {  	[smem:$0x3FA4] =	sst s2  }
0xb: {  	[smem:$0x3FA5] =	sst s3  }
0xc: {  	[smem:$0x3FA6] =	sst s4  }
0xd: {  	[smem:$0x3FA7] =	sst s5  }
0xe: {  	[smem:$0x3FA8] =	sst s6  }
0xf: {  	[smem:$0x3FA9] =	sst s7  }
0x10: {  	[smem:$0x3FAA] =	sst s8  }
0x11: {  	[smem:$0x3FAB] =	sst s9;
	s0 =	simm.s32 @!p0 $0x0  }
0x12: {  	s1 =	sld [smem:$0x3F91];
	s0 =	simm.s32 @p0 $0x1  }
0x13: {  	[smem:$0x3FAC] =	sst s0;
	s0 =	simm.s32 @!p1 $0x0  }
0x14: {  	s2 =	sld [smem:$0x3F90];
	s0 =	simm.s32 @p1 $0x1  }
0x15: {  	[smem:$0x3FAD] =	sst s0;
	s0 =	simm.s32 @!p2 $0x0  }
0x16: {  	s3 =	sld [smem:$0x3FDB];
	s0 =	simm.s32 @p2 $0x1  }
0x17: {  	s4 =	simm.s32 $0x1BF5;
	[smem:$0x3FAF] =	sst s0  }
0x18: {  	s0 =	sld [smem:$0x3F92];
	_ =	swait.ge [sflag:s4], $0x0  }
0x19: {  	s7 =	sld [smem:$0x3F93]  }
0x1a: {  	s8 =	sadd.s32 $0xFFFFE003, lr  }
0x1b: {  	s9 =	sadd.s32 $0xFFFFFEF7, lr;
	s5 =	simm.s32 $0xFFFFFFFF;
	p2 =	slt.u32 s8, $0xFFFFF086  }
0x1c: {  	p1 =	slt.u32 s9, $0xF7A;
	s5 =	simm.s32 @!p2 $0x0  }
0x1d: {  	s5 =	simm.s32 @p1 $0x1;
	p0 =	seq.s32 s7, s2  }
0x1e: {  	s7 =	smul.u32 @!p0 $0xF7A, s2;
	p2 =	seq.s32 @!p0 s5, $0x0  }
0x1f: {  	s9 =	smul.u32 $0xF7A, s1;
	s8 =	simm.s32 @!p0 $0x1BF5;
	p2 =	por !p2, p0  }
0x20: {  	[sflag:s8] =	ssyncset.s32 @!p0 $0xFFFFF086;
	s6 =	sadd.s32 @!p0 s3, s7;
	s7 =	simm.s32 @!p0 $0x108  }
0x21: {  	s3 =	sadd.s32 s3, s9;
	s6 =	sadd.s32 @!p0 $0x88, s6;
	s7 =	simm.s32 @p2 $0x1082  }
0x22: {  	[simem:s7], [sflag:s8] =	dma.local @!p0 [hbm:s6], $0xF7A  }
0x23: {  	s9 =	sor.u32 $0xD0000000, s2;
	s6 =	simm.s32 $0x108;
	_ =	swait.ge @!p0 [sflag:s8], $0x0  }
0x24: {  	s3 =	sadd.s32 $0x88, s3;
	s6 =	simm.s32 @!p1 $0x1082;
	[sflag:s4] =	ssyncset.s32 $0xFFFFF086  }
0x25: {  	[simem:s6], [sflag:s4] =	dma.local [hbm:s3], $0xF7A  }
0x26: {  	[smem:$0x3F93] =	sst s1;
	(tag) =	ssettag s2;
	_ =	strace s9  }
0x27: {  	s1 =	sld [smem:$0x3FA3]  }
0x28: {  	s2 =	sld [smem:$0x3FA4]  }
0x29: {  	s4 =	sld [smem:$0x3FA6]  }
0x2a: {  	p0 =	seq.s32 s5, $0x0;
	s5 =	sld [smem:$0x3FA7]  }
0x2b: {  	s6 =	sld [smem:$0x3FA8]  }
0x2c: {  	s7 =	sld [smem:$0x3FA9]  }
0x2d: {  	s3 =	simm.s32 $0x108;
	s8 =	sld [smem:$0x3FAA]  }
0x2e: {  	s3 =	simm.s32 @!p0 $0x1082;
	s9 =	sld [smem:$0x3FAB]  }
0x2f: {  	lr =	sadd.s32 s0, s3;
	s0 =	sld [smem:$0x3FA2]  }
0x30: {  	s3 =	sld [smem:$0x3FA5]  }
0x31: {  	[smem:$0x3FAE] =	sst s10  }
0x32: {  	s10 =	sld [smem:$0x3FAC];
	_ =	sdelay $0x3  }
0x33: {  	p0 =	seq.s32 s10, $0x1;
	s10 =	sld [smem:$0x3FAE];
	_ =	sdelay $0x3  }
0x34: {  	[smem:$0x3FAE] =	sst s10  }
0x35: {  	s10 =	sld [smem:$0x3FAD];
	_ =	sdelay $0x3  }
0x36: {  	p1 =	seq.s32 s10, $0x1;
	s10 =	sld [smem:$0x3FAE];
	_ =	sdelay $0x3  }
0x37: {  	[smem:$0x3FAE] =	sst s10  }
0x38: {  	s10 =	sld [smem:$0x3FAF]  }
0x39: {  	_ = 	snop;
	(pc) =	sbr.ind lr, $3  }
0x3a: {  	_ = 	snop  }
0x3b: {  	_ = 	snop  }
0x3c: {  	p2 =	seq.s32 s10, $0x1;
	s10 =	sld [smem:$0x3FAE]  }
0x3d: {  	_ =	shalt  }
0x3e: {  	_ =	shalt  }
0x3f: {  	_ =	shalt  }
0x40: {  	_ =	shalt  }
0x41: {  	_ =	shalt  }
0x42: {  	_ =	shalt  }
0x43: {  	_ =	shalt  }
0x44: {  	_ =	shalt  }
0x45: {  	_ =	shalt  }
0x46: {  	_ =	shalt  }
0x47: {  	_ =	shalt  }
0x48: {  	_ =	shalt  }
0x49: {  	_ =	shalt  }
0x4a: {  	_ =	shalt  }
0x4b: {  	_ =	shalt  }
0x4c: {  	_ =	shalt  }
0x4d: {  	_ =	shalt  }
0x4e: {  	_ =	shalt  }
0x4f: {  	_ =	shalt  }
0x50: {  	_ =	shalt  }
0x51: {  	_ =	shalt  }
0x52: {  	_ =	shalt  }
0x53: {  	_ =	shalt  }
0x54: {  	_ =	shalt  }
0x55: {  	_ =	shalt  }
0x56: {  	_ =	shalt  }
0x57: {  	_ =	shalt  }
0x58: {  	_ =	shalt  }
0x59: {  	_ =	shalt  }
0x5a: {  	_ =	shalt  }
0x5b: {  	_ =	shalt  }
0x5c: {  	_ =	shalt  }
0x5d: {  	_ =	shalt  }
0x5e: {  	_ =	shalt  }
0x5f: {  	_ =	shalt  }
0x60: {  	_ =	shalt  }
0x61: {  	_ =	shalt  }
0x62: {  	_ =	shalt  }
0x63: {  	_ =	shalt  }
0x64: {  	_ =	shalt  }
0x65: {  	_ =	shalt  }
0x66: {  	_ =	shalt  }
0x67: {  	_ =	shalt  }
0x68: {  	_ =	shalt  }
0x69: {  	_ =	shalt  }
0x6a: {  	_ =	shalt  }
0x6b: {  	_ =	shalt  }
0x6c: {  	_ =	shalt  }
0x6d: {  	_ =	shalt  }
0x6e: {  	_ =	shalt  }
0x6f: {  	_ =	shalt  }
0x70: {  	_ =	shalt  }
0x71: {  	_ =	shalt  }
0x72: {  	_ =	shalt  }
0x73: {  	_ =	shalt  }
0x74: {  	_ =	shalt  }
0x75: {  	_ =	shalt  }
0x76: {  	_ =	shalt  }
0x77: {  	_ =	shalt  }
0x78: {  	_ =	shalt  }
0x79: {  	_ =	shalt  }
0x7a: {  	_ =	shalt  }
0x7b: {  	_ =	shalt  }
0x7c: {  	_ =	shalt  }
0x7d: {  	_ =	shalt  }
0x7e: {  	_ =	shalt  }
0x7f: {  	_ =	shalt  }
0x80: {  	_ =	shalt  }
0x81: {  	_ =	shalt  }
0x82: {  	_ =	shalt  }
0x83: {  	_ =	shalt  }
0x84: {  	_ =	shalt  }
0x85: {  	_ =	shalt  }
0x86: {  	_ =	shalt  }
0x87: {  	_ =	shalt  }
.Lfunc_end0:
.L_simem_size_0:
called_computation.1_lowered:
.L_overlay_start_0:
0x88: {  	s2 =	sld [smem:$0x3FD9]  }
0x89: {  	s3 =	sld [smem:$0x3FFE];
	_ =	sdelay $0x1  }
0x8a: {  	s1 =	srdreg.scid  }
0x8b: {  	s0 =	sand.u32 $0x1, s1  }
0x8c: {  	s16 =	sshll.u32 s0, $0xA;
	s2 =	sadd.s32 s3, s2  }
0x8d: {  	s2 =	sadd.s32 s2, s16  }
0x8e: {  	[smem:$0x3FBA] =	sst s2  }
0x8f: {  	_ = 	snop  }
0x90: {  	(tm) =	ssettm $0x1  }
0x91: {  	s17 =	sld [smem:$0x3FFB];
	_ =	sdelay $0x3  }
0x92: {  	_ =	strace s17  }
0x93: {  	s2 =	sld [smem:$0x3FFC];
	_ =	sdelay $0x3  }
0x94: {  	_ =	strace s2  }
0x95: {  	s2 =	sld [smem:$0x3FFD];
	_ =	sdelay $0x3  }
0x96: {  	_ =	strace s2  }
0x97: {  	_ =	strace $0x8FFFFFFF  }
0x98: {  	s18 =	sld [smem:$0x3FDB];
	_ =	sdelay $0x1  }
0x99: {  	s19 =	simm.s32 $_scs_section_size  }
0x9a: {  	s4 =	simm.s32 $_size__tile_overlayer_lowered;
	s5 =	simm.s32 $_tile_overlayer_lowered  }
0x9b: {  	s22 =	simm.s32 $0x1BFF;
	s21 =	sshll.u32 s5, $0x1;
	s2 =	sadd.s32 s19, s18  }
0x9c: {  	s6 =	simm.s32 $0x0;
	s20 =	sshll.u32 s4, $0x1;
	s4 =	sadd.s32 s21, s2  }
0x9d: {  	[timem:s6], [sflag:s22] =	dma.local [hbm:s4], s20  }
0x9e: {  	_ =	swait.ge [sflag:s22], s20  }
0x9f: {  	s3 =	ssub.s32 $0x0, s20;
	[sflag:s22] =	ssyncset.done $0x0  }
0xa0: {  	[sflag:s22] =	ssyncadd.s32 s3;
	_ =	sdelay $0x1  }
0xa1: {  	s23 =	simm.s32 $0x1B8B  }
0xa2: {  	_ =	swait.ge [sflag:s23], $0x1  }
0xa3: {  	[sflag:s23] =	ssyncset.done $0x0  }
0xa4: {  	s25 =	simm.s32 $0x1B8E;
	s24 =	sld [smem:$0x3FFE];
	[sflag:s23] =	ssyncadd.s32 $0xFFFFFFFF  }
0xa5: {  	s26 =	simm.s32 $execute0_lowered;
	[smem:$0x3FD2] =	sst s25  }
0xa6: {  	s4 =	sshll.u32 s26, $0x1;
	_ =	strace $0x80000046;
	[dreg:$0x1] =	wrdreg $0xFFFFFFFF  }
0xa7: {  	s28 =	simm.s32 $_size_execute0_lowered;
	s2 =	sadd.s32 s2, s4;
	[dreg:$0x0] =	wrdreg $0x0  }
0xa8: {  	s4 =	sshll.u32 s28, $0x1;
	[dreg:$0x2] =	wrdreg s2  }
0xa9: {  	[dreg:$0x3] =	wrdreg s4  }
0xaa: {  	[dreg:$0x4] =	wrdreg $0xC0  }
0xab: {  	_ =	task [dreg:s6], $0x5FFFF  }
0xac: {  	[dreg:$0x1] =	wrdreg $0xFFFFFFFF  }
0xad: {  	[dreg:$0x0] =	wrdreg $0x60  }
0xae: {  	[dreg:$0x2] =	wrdreg s24  }
0xaf: {  	[dreg:$0x3] =	wrdreg $0x0  }
0xb0: {  	[dreg:$0x4] =	wrdreg $0xA  }
0xb1: {  	_ =	task.clear_ibuf [dreg:s6], $0x5FFFF;
	_ =	strace $0x90000046  }
0xb2: {  	s29 =	simm.s32 $0xA;
	_ =	strace $0x80000048  }
0xb3: {  	_ =	swait.ge [sflag:s29], $0x1  }
0xb4: {  	[sflag:s29] =	ssyncadd.s32 $0xFFFFFFFF  }
0xb5: {  	_ =	strace $0x90000048  }
0xb6: {  	_ =	sfence  }
0xb7: {  	s30 =	sld [smem:$0x0];
	_ =	sdelay $0x2  }
0xb8: {  	s31 =	sshll.u32 s1, $0xD;
	s1 =	sshrl.u32 s1, $0x2  }
0xb9: {  	s3 =	sand.u32 $0x4000, s31;
	s1 =	sadd.s32 s1, s30  }
0xba: {  	s0 =	sor.u32 s3, s0;
	s1 =	sshll.u32 s1, $0x11  }
0xbb: {  	s0 =	sor.u32 s1, s0  }
0xbc: {  	s0 =	sadd.s32 $0x8F2B, s0  }
0xbd: {  	[sflag:s0] =	ssyncadd.remote.s32 $0x1  }
0xbe: {  	_ =	sfence.sel $0xFFFF  }
0xbf: {  	[dreg:$0x0] =	wrdreg $0xFFFFFFFF;
	(pc) =	sbr.abs _section_cstart, $3  }
0xc0: {  	[dreg:$0x1] =	wrdreg $0xFFFFFFFF  }
0xc1: {  	_ =	task.clear_ibuf [dreg:s6], $0x2FFFF;
	_ =	strace $0x9FFFFFFF  }
0xc2: {  	(tm) =	ssettm $0x7FFFFFFF  }
0xc3: {  	_ =	shalt  }
tec
execute0_lowered:
.L_overlay_start_1:
0x0: {  	(tag) =	ssettag $0x1  }
0x1: {  	s0 =	rddreg [dreg:$0x0]  }
0x2: {  	s1 =	rddreg [dreg:$0x1]  }
0x3: {  	s2 =	simm.s32 $0x0;
	s4 =	srdreg.scid;
	s11 =	stileid.u32  }
0x4: {  	s28 =	simm.s32 $0x14080;
	s29 =	simm.s32 $0x18200;
	s30 =	simm.s32 $0x1  }
0x5: {  	s31 =	simm.s32 $0x2;
	[smem:$0x7FF] =	sst s2;
	s3 =	sadd.s32 $0x5600, s0  }
0x6: {  	s5 =	sadd.s32 $0x3C600, s0;
	s6 =	sadd.s32 $0x2D600, s0;
	s4 =	sand.u32 $0x1, s4  }
0x7: {  	s7 =	sadd.s32 $0x4B600, s0;
	s0 =	sadd.s32 $0x4DE00, s0;
	s9 =	smul.u32 $0x50000, s11  }
0x8: {  	s10 =	sshll.u32 s11, $0x6;
	_ =	strace $0x80000047;
	[dreg:$0x3] =	wrdreg s7  }
0x9: {  	s16 =	ssub.s32 $0x2, s4;
	s17 =	sshll.u32 s4, $0x4;
	s12 =	smul.u32 $0x140000, s4  }
0xa: {  	s18 =	sor.u32 $0x1C03, s10;
	p0 =	seq.s32 s4, $0x0;
	s10 =	simm.s32 $0x3C00  }
0xb: {  	s8 =	sshrl.u32 s16, $0x1;
	s9 =	sshrl.u32 s9, $0x2;
	[dreg:$0x4] =	wrdreg s18  }
0xc: {  	s7 =	ssub.s32 s16, s8;
	s16 =	smul.u32 $0x14000, s11;
	s11 =	sor.u32 s11, s17  }
0xd: {  	s10 =	simm.s32 @!p0 $0x1300;
	s8 =	sadd.s32 s9, s1;
	s11 =	smul.u32 $0x3C00, s11  }
0xe: {  	s19 =	sadd.s32 s16, s12;
	s20 =	sadd.s32 $0x4000, s16;
	s22 =	sadd.s32 $0x8000, s16  }
0xf: {  	s24 =	sadd.s32 $0xC000, s16;
	s4 =	sshrl.u32 s19, $0x3;
	s21 =	sadd.s32 s12, s20  }
0x10: {  	s9 =	sadd.s32 s20, s1;
	s15 =	sadd.s32 s22, s1;
	s23 =	sadd.s32 s12, s22  }
0x11: {  	s19 =	sadd.s32 $0x10000, s16;
	s25 =	sadd.s32 s12, s24;
	s17 =	sadd.s32 s24, s1  }
0x12: {  	s22 =	simm.s32 $0x3;
	s24 =	simm.s32 $0x14100;
	s4 =	sadd.s32 s0, s4  }
0x13: {  	[dreg:$0x6] =	wrdreg s9;
	s12 =	sadd.s32 s12, s19;
	s19 =	sadd.s32 s19, s1  }
0x14: {  	[dreg:$0x5] =	wrdreg s4;
	s4 =	sshrl.u32 s21, $0x3;
	s26 =	sshrl.u32 s12, $0x3  }
0x15: {  	s21 =	smax.u32 s7, $0x1;
	s14 =	sadd.s32 s0, s4;
	s4 =	sshrl.u32 s23, $0x3  }
0x16: {  	s20 =	sadd.s32 s0, s26;
	s23 =	simm.s32 $0x14000;
	s26 =	simm.s32 $0x14200  }
0x17: {  	s16 =	sadd.s32 s0, s4;
	s4 =	sshrl.u32 s25, $0x3;
	s25 =	simm.s32 $0x80  }
0x18: {  	s18 =	sadd.s32 s0, s4;
	s0 =	simm.s32 $0x14180;
	s4 =	simm.s32 $0x0  }
.LBB2_1:
0x19: {  	s9 =	rddreg [dreg:$0x3]  }
0x1a: {  	s7 =	sshrl.u32 s8, $0x3;
	s12 =	rddreg [dreg:$0x4];
	p1 =	sne.s32 s10, $0x100  }
0x1b: {  	[spmem:s7], [sflag:s12] =	dma.local [hbm:s9], $0x2800  }
.Ltmp0:
0x1c: {  	_ =	swait.ge [sflag:s22], $0x2800;
	(pc) =	sbr.rel @!p1 .LBB2_4-.Ltmp0, $4  }
0x1d: {  	s12 =	sand.u32 $0xFFFFFC00, s2;
	[sflag:s22] =	ssyncset.done $0x0  }
0x1e: {  	s13 =	sand.u32 $0x300, s2;
	s7 =	sadd.s32 s11, s12;
	[sflag:s22] =	ssyncadd.s32 $0xFFFFD800  }
0x1f: {  	s7 =	sor.u32 s13, s7;
	[bflag:$0x0] =	sbarrier.arrive $0xFFFF  }
0x20: {  	p0 =	por $0x0, $0x0;
	s12 =	simm.s32 $0x100;
	s9 =	sshrl.u32 s7, $0x3  }
0x21: {  	s7 =	sadd.s32 s5, s9  }
0x22: {  	[tilespmem:s23], [sflag:$0x3] =	stream.linear.gather [hbm4b:s7+s2], $0x100, $0x38;
	[tilespmem:$0x1C200] =	vst v63  }
0x23: {  	_ =	swait.ge [sflag:s22], $0x100  }
0x24: {  	[sflag:s22] =	ssyncset.done $0x0  }
0x25: {  	s9 =	sadd.s32 s6, s9;
	[sflag:s22] =	ssyncadd.s32 $0xFFFFFF00  }
0x26: {  	[tilespmem:s24], [sflag:$0x3] =	stream.linear.gather [hbm4b:s9+s2], $0x100, $0x38;
	[tilespmem:$0x1C200] =	vst v63  }
0x27: {  	_ =	swait.ge [sflag:s22], $0x100  }
0x28: {  	[sflag:s22] =	ssyncset.done $0x0  }
0x29: {  	[sflag:s22] =	ssyncadd.s32 $0xFFFFFF00  }
0x2a: {  	[tilespmem:s26], [sflag:$0x1] =	stream.indirect.gather [hbm4b:s3+s25], $0x80, s23, s25, $0xb8;
	[tilespmem:$0x1C200] =	vst v63  }
0x2b: {  	_ = 	snop  }
0x2c: {  	[tilespmem:s29], [sflag:$0x2] =	stream.indirect.gather [hbm4b:s3+s25], $0x80, s28, s25, $0xb8;
	[tilespmem:$0x1C200] =	vst v63  }
0x2d: {  	_ =	swait.ge [sflag:s30], $0x4000  }
0x2e: {  	[sflag:s30] =	ssyncset.done $0x0  }
0x2f: {  	[sflag:s30] =	ssyncadd.s32 $0xFFFFC000  }
0x30: {  	[spmem:s1] =	stream.indirect.scatter.add.f32 [tilespmem:s26], [sflag:$0x3], $0x80, s24, s25, $0xb8;
	[tilespmem:$0x1C200] =	vst v63  }
0x31: {  	p1 =	sne.s32 s10, $0x200;
	_ =	swait.ge [sflag:s22], $0x4000  }
.Ltmp1:
0x32: {  	[sflag:s22] =	ssyncset.done $0x0;
	(pc) =	sbr.rel @!p1 .LBB2_4-.Ltmp1, $4  }
0x33: {  	s13 =	sand.u32 $0xFFFFFC00, s12;
	[sflag:s22] =	ssyncadd.s32 $0xFFFFC000  }
0x34: {  	s9 =	sadd.s32 s11, s13;
	s13 =	sand.u32 $0x300, s12;
	_ =	swait.ge [sflag:s31], $0x4000  }
0x35: {  	p0 =	por $0x1, $0x1;
	s9 =	sor.u32 s13, s9;
	[sflag:s31] =	ssyncset.done $0x0  }
0x36: {  	s7 =	simm.s32 $0x200;
	s9 =	sshrl.u32 s9, $0x3;
	[sflag:s31] =	ssyncadd.s32 $0xFFFFC000  }
.LBB2_3:
0x37: {  	[spmem:s1] =	stream.indirect.scatter.add.f32 [tilespmem:s29], [sflag:$0x3], $0x80, s0, s25, $0xb8;
	[tilespmem:$0x1C200] =	vst v63  }
0x38: {  	s12 =	smov.u32 s7;
	s7 =	sadd.s32 $0x100, s7;
	_ =	swait.ge [sflag:s22], $0x4000  }
0x39: {  	p1 =	sne.s32 s10, s7;
	[sflag:s22] =	ssyncset.done $0x0  }
0x3a: {  	s13 =	sadd.s32 s5, s9;
	[sflag:s22] =	ssyncadd.s32 $0xFFFFC000  }
0x3b: {  	[tilespmem:s23], [sflag:$0x3] =	stream.linear.gather [hbm4b:s13+s2], $0x100, $0x38;
	[tilespmem:$0x1C200] =	vst v63  }
0x3c: {  	_ =	swait.ge [sflag:s22], $0x100  }
0x3d: {  	[sflag:s22] =	ssyncset.done $0x0  }
0x3e: {  	s9 =	sadd.s32 s6, s9;
	[sflag:s22] =	ssyncadd.s32 $0xFFFFFF00  }
0x3f: {  	[tilespmem:s24], [sflag:$0x3] =	stream.linear.gather [hbm4b:s9+s2], $0x100, $0x38;
	[tilespmem:$0x1C200] =	vst v63  }
0x40: {  	_ =	swait.ge [sflag:s22], $0x100  }
0x41: {  	[sflag:s22] =	ssyncset.done $0x0  }
0x42: {  	[sflag:s22] =	ssyncadd.s32 $0xFFFFFF00  }
0x43: {  	[tilespmem:s26], [sflag:$0x1] =	stream.indirect.gather [hbm4b:s3+s25], $0x80, s23, s25, $0xb8;
	[tilespmem:$0x1C200] =	vst v63  }
0x44: {  	_ = 	snop  }
0x45: {  	[tilespmem:s29], [sflag:$0x2] =	stream.indirect.gather [hbm4b:s3+s25], $0x80, s28, s25, $0xb8;
	[tilespmem:$0x1C200] =	vst v63  }
0x46: {  	_ =	swait.ge [sflag:s30], $0x4000  }
0x47: {  	[sflag:s30] =	ssyncset.done $0x0  }
0x48: {  	[sflag:s30] =	ssyncadd.s32 $0xFFFFC000  }
0x49: {  	[spmem:s1] =	stream.indirect.scatter.add.f32 [tilespmem:s26], [sflag:$0x3], $0x80, s24, s25, $0xb8;
	[tilespmem:$0x1C200] =	vst v63  }
0x4a: {  	_ =	swait.ge [sflag:s22], $0x4000  }
.Ltmp2:
0x4b: {  	[sflag:s22] =	ssyncset.done $0x0;
	(pc) =	sbr.rel @p1 .LBB2_3-.Ltmp2, $4  }
0x4c: {  	s9 =	sand.u32 $0xFFFFFC00, s12;
	[sflag:s22] =	ssyncadd.s32 $0xFFFFC000  }
0x4d: {  	s12 =	sand.u32 $0x300, s12;
	s9 =	sadd.s32 s11, s9;
	_ =	swait.ge [sflag:s31], $0x4000  }
0x4e: {  	s9 =	sor.u32 s12, s9;
	[sflag:s31] =	ssyncset.done $0x0  }
0x4f: {  	s9 =	sshrl.u32 s9, $0x3;
	[sflag:s31] =	ssyncadd.s32 $0xFFFFC000  }
.LBB2_4:
0x50: {  	[spmem:s1] =	stream.indirect.scatter.add.f32 @p0 [tilespmem:s29], [sflag:$0x3], $0x80, s0, s25, $0xb8;
	[tilespmem:$0x1C200] =	vst v63  }
0x51: {  	_ =	swait.ge @p0 [sflag:s22], $0x4000  }
0x52: {  	[sflag:s22] =	ssyncset.done @p0 $0x0  }
0x53: {  	s7 =	sadd.s32 s5, s9;
	[sflag:s22] =	ssyncadd.s32 @p0 $0xFFFFC000  }
0x54: {  	[tilespmem:s23], [sflag:$0x3] =	stream.linear.gather [hbm4b:s7+s2], $0x100, $0x38;
	[tilespmem:$0x1C200] =	vst v63  }
0x55: {  	_ =	swait.ge [sflag:s22], $0x100  }
0x56: {  	[sflag:s22] =	ssyncset.done $0x0  }
0x57: {  	s9 =	sadd.s32 s6, s9;
	[sflag:s22] =	ssyncadd.s32 $0xFFFFFF00  }
0x58: {  	[tilespmem:s24], [sflag:$0x3] =	stream.linear.gather [hbm4b:s9+s2], $0x100, $0x38;
	[tilespmem:$0x1C200] =	vst v63  }
0x59: {  	_ =	swait.ge [sflag:s22], $0x100  }
0x5a: {  	[sflag:s22] =	ssyncset.done $0x0  }
0x5b: {  	[sflag:s22] =	ssyncadd.s32 $0xFFFFFF00  }
0x5c: {  	[tilespmem:s26], [sflag:$0x1] =	stream.indirect.gather [hbm4b:s3+s25], $0x80, s23, s25, $0xb8;
	[tilespmem:$0x1C200] =	vst v63  }
0x5d: {  	_ = 	snop  }
0x5e: {  	[tilespmem:s29], [sflag:$0x2] =	stream.indirect.gather [hbm4b:s3+s25], $0x80, s28, s25, $0xb8;
	[tilespmem:$0x1C200] =	vst v63  }
0x5f: {  	_ =	swait.ge [sflag:s30], $0x4000  }
0x60: {  	[sflag:s30] =	ssyncset.done $0x0  }
0x61: {  	[sflag:s30] =	ssyncadd.s32 $0xFFFFC000  }
0x62: {  	[spmem:s1] =	stream.indirect.scatter.add.f32 [tilespmem:s26], [sflag:$0x3], $0x80, s24, s25, $0xb8;
	[tilespmem:$0x1C200] =	vst v63  }
0x63: {  	_ =	swait.ge [sflag:s22], $0x4000  }
0x64: {  	[sflag:s22] =	ssyncset.done $0x0  }
0x65: {  	[sflag:s22] =	ssyncadd.s32 $0xFFFFC000  }
0x66: {  	_ =	swait.ge [sflag:s31], $0x4000  }
0x67: {  	[sflag:s31] =	ssyncset.done $0x0  }
0x68: {  	[sflag:s31] =	ssyncadd.s32 $0xFFFFC000  }
0x69: {  	[spmem:s1] =	stream.indirect.scatter.add.f32 [tilespmem:s29], [sflag:$0x3], $0x80, s0, s25, $0xb8;
	[tilespmem:$0x1C200] =	vst v63  }
0x6a: {  	_ =	swait.ge [sflag:s22], $0x4000  }
0x6b: {  	[sflag:s22] =	ssyncset.done $0x0  }
0x6c: {  	[sflag:s22] =	ssyncadd.s32 $0xFFFFC000  }
0x6d: {  	[bflag:$0x0] =	sbarrier.arrive $0xFFFF  }
0x6e: {  	[tilespmem:s26], [sflag:$0x3] =	stream.linear.gather [spmem:s8], $0x4000, $0x38;
	[tilespmem:$0x1C200] =	vst v63  }
0x6f: {  	_ =	swait.ge [sflag:s22], $0x4000  }
0x70: {  	[sflag:s22] =	ssyncset.done $0x0  }
0x71: {  	s12 =	rddreg [dreg:$0x5];
	[sflag:s22] =	ssyncadd.s32 $0xFFFFC000  }
0x72: {  	[hbm4b:s12+s2] =	stream.linear.scatter [tilespmem:s26], [sflag:$0x3], $0x4000, $0x38;
	[tilespmem:$0x1C200] =	vst v63  }
0x73: {  	_ =	swait.ge [sflag:s22], $0x4000  }
0x74: {  	[sflag:s22] =	ssyncset.done $0x0  }
0x75: {  	s13 =	rddreg [dreg:$0x6];
	[sflag:s22] =	ssyncadd.s32 $0xFFFFC000  }
0x76: {  	[tilespmem:s26], [sflag:$0x3] =	stream.linear.gather [spmem:s13], $0x4000, $0x38;
	[tilespmem:$0x1C200] =	vst v63  }
0x77: {  	_ =	swait.ge [sflag:s22], $0x4000  }
0x78: {  	[sflag:s22] =	ssyncset.done $0x0  }
0x79: {  	[sflag:s22] =	ssyncadd.s32 $0xFFFFC000  }
0x7a: {  	[hbm4b:s14+s2] =	stream.linear.scatter [tilespmem:s26], [sflag:$0x3], $0x4000, $0x38;
	[tilespmem:$0x1C200] =	vst v63  }
0x7b: {  	_ =	swait.ge [sflag:s22], $0x4000  }
0x7c: {  	[sflag:s22] =	ssyncset.done $0x0  }
0x7d: {  	[sflag:s22] =	ssyncadd.s32 $0xFFFFC000  }
0x7e: {  	[tilespmem:s26], [sflag:$0x3] =	stream.linear.gather [spmem:s15], $0x4000, $0x38;
	[tilespmem:$0x1C200] =	vst v63  }
0x7f: {  	_ =	swait.ge [sflag:s22], $0x4000  }
0x80: {  	[sflag:s22] =	ssyncset.done $0x0  }
0x81: {  	[sflag:s22] =	ssyncadd.s32 $0xFFFFC000  }
0x82: {  	[hbm4b:s16+s2] =	stream.linear.scatter [tilespmem:s26], [sflag:$0x3], $0x4000, $0x38;
	[tilespmem:$0x1C200] =	vst v63  }
0x83: {  	_ =	swait.ge [sflag:s22], $0x4000  }
0x84: {  	[sflag:s22] =	ssyncset.done $0x0  }
0x85: {  	[sflag:s22] =	ssyncadd.s32 $0xFFFFC000  }
0x86: {  	[tilespmem:s26], [sflag:$0x3] =	stream.linear.gather [spmem:s17], $0x4000, $0x38;
	[tilespmem:$0x1C200] =	vst v63  }
0x87: {  	_ =	swait.ge [sflag:s22], $0x4000  }
0x88: {  	[sflag:s22] =	ssyncset.done $0x0  }
0x89: {  	[sflag:s22] =	ssyncadd.s32 $0xFFFFC000  }
0x8a: {  	[hbm4b:s18+s2] =	stream.linear.scatter [tilespmem:s26], [sflag:$0x3], $0x4000, $0x38;
	[tilespmem:$0x1C200] =	vst v63  }
0x8b: {  	_ =	swait.ge [sflag:s22], $0x4000  }
0x8c: {  	[sflag:s22] =	ssyncset.done $0x0  }
0x8d: {  	[sflag:s22] =	ssyncadd.s32 $0xFFFFC000  }
0x8e: {  	[tilespmem:s26], [sflag:$0x3] =	stream.linear.gather [spmem:s19], $0x4000, $0x38;
	[tilespmem:$0x1C200] =	vst v63  }
0x8f: {  	s4 =	sadd.s32 $0x1, s4;
	_ =	swait.ge [sflag:s22], $0x4000  }
0x90: {  	p0 =	sne.s32 s4, s21;
	[sflag:s22] =	ssyncset.done $0x0  }
.Ltmp3:
0x91: {  	[sflag:s22] =	ssyncadd.s32 $0xFFFFC000;
	(pc) =	sbr.rel @p0 .LBB2_1-.Ltmp3, $4  }
0x92: {  	[hbm4b:s20+s2] =	stream.linear.scatter [tilespmem:s26], [sflag:$0x3], $0x4000, $0x38;
	[tilespmem:$0x1C200] =	vst v63  }
0x93: {  	_ =	swait.ge [sflag:s22], $0x4000  }
0x94: {  	[sflag:s22] =	ssyncset.done $0x0  }
0x95: {  	[sflag:s22] =	ssyncadd.s32 $0xFFFFC000  }
0x96: {  	_ =	sfence.sel $0x180000  }
0x97: {  	[bflag:$0x0] =	sbarrier.arrive $0xFFFF  }
0x98: {  	_ =	strace $0x90000047  }
0x99: {  	s0 =	stileid.u32;
	[bflag:$0x2] =	sbarrier.arrive $0xFFFF  }
0x9a: {  	p0 =	sne.s32 s0, $0x0;
	s0 =	rddreg [dreg:$0x2]  }
0x9b: {  	s0 =	sadd.s32 @!p0 $0x100000, s0  }
0x9c: {  	[sflag:s0] =	ssyncadd.tile.s32 @!p0 $0x1;
	_ =	shalt  }
.Lfunc_end2:
_tile_overlayer_lowered:
.L_overlay_start_2:
0x9d: {  	(tag) =	ssettag $0x2  }
0x9e: {  	s0 =	rddreg [dreg:$0x0];
	s2 =	stileid.u32  }
0x9f: {  	s1 =	rddreg [dreg:$0x1];
	p0 =	sne.s32 s2, $0x0  }
0xa0: {  	s3 =	rddreg [dreg:$0x2];
	[bflag:$0x3] =	sbarrier.arrive $0xFFFF;
	s2 =	simm.s32 @!p0 $0x1C03  }
0xa1: {  	[timem:s3], [sflag:s2] =	dma.local @!p0 [hbm:s0], s1  }
0xa2: {  	s0 =	simm.s32 @!p0 $0x3  }
0xa3: {  	_ =	swait.ge @!p0 [sflag:s0], s1  }
0xa4: {  	s1 =	ssub.s32 @!p0 $0x0, s1;
	[sflag:s0] =	ssyncset.done @!p0 $0x0  }
0xa5: {  	[sflag:s0] =	ssyncadd.s32 @!p0 s1  }
0xa6: {  	[bflag:$0x3] =	sbarrier.arrive $0xFFFF  }
0xa7: {  	_ =	shalt  }

// kernel: kernel.18.cloned.1.call-start
scs
__scs_entry_jumppad:
0x0: {  	(pc) =	sbr.rel $0x88, $3  }
0x1: {  	(tag) =	ssettag $0x0;
	lr =	simm.s32 $0x1  }
0x2: {  	[smem:$0x3F93] =	sst lr;
	_ =	strace $0xD0000000  }
0x3: {  	_ = 	snop  }
0x4: {  	_ = 	snop  }
0x5: {  	_ = 	snop  }
0x6: {  	_ = 	snop  }
0x7: {  	_ = 	snop  }
__scs_overlays_trampoline_lowered:
0x8: {  	[smem:$0x3FA2] =	sst s0  }
0x9: {  	[smem:$0x3FA3] =	sst s1  }
0xa: {  	[smem:$0x3FA4] =	sst s2  }
0xb: {  	[smem:$0x3FA5] =	sst s3  }
0xc: {  	[smem:$0x3FA6] =	sst s4  }
0xd: {  	[smem:$0x3FA7] =	sst s5  }
0xe: {  	[smem:$0x3FA8] =	sst s6  }
0xf: {  	[smem:$0x3FA9] =	sst s7  }
0x10: {  	[smem:$0x3FAA] =	sst s8  }
0x11: {  	[smem:$0x3FAB] =	sst s9;
	s0 =	simm.s32 @!p0 $0x0  }
0x12: {  	s1 =	sld [smem:$0x3F91];
	s0 =	simm.s32 @p0 $0x1  }
0x13: {  	[smem:$0x3FAC] =	sst s0;
	s0 =	simm.s32 @!p1 $0x0  }
0x14: {  	s2 =	sld [smem:$0x3F90];
	s0 =	simm.s32 @p1 $0x1  }
0x15: {  	[smem:$0x3FAD] =	sst s0;
	s0 =	simm.s32 @!p2 $0x0  }
0x16: {  	s3 =	sld [smem:$0x3FDB];
	s0 =	simm.s32 @p2 $0x1  }
0x17: {  	s4 =	simm.s32 $0x1BF5;
	[smem:$0x3FAF] =	sst s0  }
0x18: {  	s0 =	sld [smem:$0x3F92];
	_ =	swait.ge [sflag:s4], $0x0  }
0x19: {  	s7 =	sld [smem:$0x3F93]  }
0x1a: {  	s8 =	sadd.s32 $0xFFFFE003, lr  }
0x1b: {  	s9 =	sadd.s32 $0xFFFFFEF7, lr;
	s5 =	simm.s32 $0xFFFFFFFF;
	p2 =	slt.u32 s8, $0xFFFFF086  }
0x1c: {  	p1 =	slt.u32 s9, $0xF7A;
	s5 =	simm.s32 @!p2 $0x0  }
0x1d: {  	s5 =	simm.s32 @p1 $0x1;
	p0 =	seq.s32 s7, s2  }
0x1e: {  	s7 =	smul.u32 @!p0 $0xF7A, s2;
	p2 =	seq.s32 @!p0 s5, $0x0  }
0x1f: {  	s9 =	smul.u32 $0xF7A, s1;
	s8 =	simm.s32 @!p0 $0x1BF5;
	p2 =	por !p2, p0  }
0x20: {  	[sflag:s8] =	ssyncset.s32 @!p0 $0xFFFFF086;
	s6 =	sadd.s32 @!p0 s3, s7;
	s7 =	simm.s32 @!p0 $0x108  }
0x21: {  	s3 =	sadd.s32 s3, s9;
	s6 =	sadd.s32 @!p0 $0x88, s6;
	s7 =	simm.s32 @p2 $0x1082  }
0x22: {  	[simem:s7], [sflag:s8] =	dma.local @!p0 [hbm:s6], $0xF7A  }
0x23: {  	s9 =	sor.u32 $0xD0000000, s2;
	s6 =	simm.s32 $0x108;
	_ =	swait.ge @!p0 [sflag:s8], $0x0  }
0x24: {  	s3 =	sadd.s32 $0x88, s3;
	s6 =	simm.s32 @!p1 $0x1082;
	[sflag:s4] =	ssyncset.s32 $0xFFFFF086  }
0x25: {  	[simem:s6], [sflag:s4] =	dma.local [hbm:s3], $0xF7A  }
0x26: {  	[smem:$0x3F93] =	sst s1;
	(tag) =	ssettag s2;
	_ =	strace s9  }
0x27: {  	s1 =	sld [smem:$0x3FA3]  }
0x28: {  	s2 =	sld [smem:$0x3FA4]  }
0x29: {  	s4 =	sld [smem:$0x3FA6]  }
0x2a: {  	p0 =	seq.s32 s5, $0x0;
	s5 =	sld [smem:$0x3FA7]  }
0x2b: {  	s6 =	sld [smem:$0x3FA8]  }
0x2c: {  	s7 =	sld [smem:$0x3FA9]  }
0x2d: {  	s3 =	simm.s32 $0x108;
	s8 =	sld [smem:$0x3FAA]  }
0x2e: {  	s3 =	simm.s32 @!p0 $0x1082;
	s9 =	sld [smem:$0x3FAB]  }
0x2f: {  	lr =	sadd.s32 s0, s3;
	s0 =	sld [smem:$0x3FA2]  }
0x30: {  	s3 =	sld [smem:$0x3FA5]  }
0x31: {  	[smem:$0x3FAE] =	sst s10  }
0x32: {  	s10 =	sld [smem:$0x3FAC];
	_ =	sdelay $0x3  }
0x33: {  	p0 =	seq.s32 s10, $0x1;
	s10 =	sld [smem:$0x3FAE];
	_ =	sdelay $0x3  }
0x34: {  	[smem:$0x3FAE] =	sst s10  }
0x35: {  	s10 =	sld [smem:$0x3FAD];
	_ =	sdelay $0x3  }
0x36: {  	p1 =	seq.s32 s10, $0x1;
	s10 =	sld [smem:$0x3FAE];
	_ =	sdelay $0x3  }
0x37: {  	[smem:$0x3FAE] =	sst s10  }
0x38: {  	s10 =	sld [smem:$0x3FAF]  }
0x39: {  	_ = 	snop;
	(pc) =	sbr.ind lr, $3  }
0x3a: {  	_ = 	snop  }
0x3b: {  	_ = 	snop  }
0x3c: {  	p2 =	seq.s32 s10, $0x1;
	s10 =	sld [smem:$0x3FAE]  }
0x3d: {  	_ =	shalt  }
0x3e: {  	_ =	shalt  }
0x3f: {  	_ =	shalt  }
0x40: {  	_ =	shalt  }
0x41: {  	_ =	shalt  }
0x42: {  	_ =	shalt  }
0x43: {  	_ =	shalt  }
0x44: {  	_ =	shalt  }
0x45: {  	_ =	shalt  }
0x46: {  	_ =	shalt  }
0x47: {  	_ =	shalt  }
0x48: {  	_ =	shalt  }
0x49: {  	_ =	shalt  }
0x4a: {  	_ =	shalt  }
0x4b: {  	_ =	shalt  }
0x4c: {  	_ =	shalt  }
0x4d: {  	_ =	shalt  }
0x4e: {  	_ =	shalt  }
0x4f: {  	_ =	shalt  }
0x50: {  	_ =	shalt  }
0x51: {  	_ =	shalt  }
0x52: {  	_ =	shalt  }
0x53: {  	_ =	shalt  }
0x54: {  	_ =	shalt  }
0x55: {  	_ =	shalt  }
0x56: {  	_ =	shalt  }
0x57: {  	_ =	shalt  }
0x58: {  	_ =	shalt  }
0x59: {  	_ =	shalt  }
0x5a: {  	_ =	shalt  }
0x5b: {  	_ =	shalt  }
0x5c: {  	_ =	shalt  }
0x5d: {  	_ =	shalt  }
0x5e: {  	_ =	shalt  }
0x5f: {  	_ =	shalt  }
0x60: {  	_ =	shalt  }
0x61: {  	_ =	shalt  }
0x62: {  	_ =	shalt  }
0x63: {  	_ =	shalt  }
0x64: {  	_ =	shalt  }
0x65: {  	_ =	shalt  }
0x66: {  	_ =	shalt  }
0x67: {  	_ =	shalt  }
0x68: {  	_ =	shalt  }
0x69: {  	_ =	shalt  }
0x6a: {  	_ =	shalt  }
0x6b: {  	_ =	shalt  }
0x6c: {  	_ =	shalt  }
0x6d: {  	_ =	shalt  }
0x6e: {  	_ =	shalt  }
0x6f: {  	_ =	shalt  }
0x70: {  	_ =	shalt  }
0x71: {  	_ =	shalt  }
0x72: {  	_ =	shalt  }
0x73: {  	_ =	shalt  }
0x74: {  	_ =	shalt  }
0x75: {  	_ =	shalt  }
0x76: {  	_ =	shalt  }
0x77: {  	_ =	shalt  }
0x78: {  	_ =	shalt  }
0x79: {  	_ =	shalt  }
0x7a: {  	_ =	shalt  }
0x7b: {  	_ =	shalt  }
0x7c: {  	_ =	shalt  }
0x7d: {  	_ =	shalt  }
0x7e: {  	_ =	shalt  }
0x7f: {  	_ =	shalt  }
0x80: {  	_ =	shalt  }
0x81: {  	_ =	shalt  }
0x82: {  	_ =	shalt  }
0x83: {  	_ =	shalt  }
0x84: {  	_ =	shalt  }
0x85: {  	_ =	shalt  }
0x86: {  	_ =	shalt  }
0x87: {  	_ =	shalt  }
.Lfunc_end0:
.L_simem_size_0:
called_computation.2_lowered:
.L_overlay_start_0:
0x88: {  	s2 =	sld [smem:$0x3FD9]  }
0x89: {  	s3 =	sld [smem:$0x3FFE];
	_ =	sdelay $0x1  }
0x8a: {  	s1 =	srdreg.scid  }
0x8b: {  	s0 =	sand.u32 $0x1, s1  }
0x8c: {  	s16 =	sshll.u32 s0, $0xA;
	s2 =	sadd.s32 s3, s2  }
0x8d: {  	s2 =	sadd.s32 s2, s16  }
0x8e: {  	[smem:$0x3FBA] =	sst s2  }
0x8f: {  	_ = 	snop  }
0x90: {  	(tm) =	ssettm $0x1  }
0x91: {  	s17 =	sld [smem:$0x3FFB];
	_ =	sdelay $0x3  }
0x92: {  	_ =	strace s17  }
0x93: {  	s2 =	sld [smem:$0x3FFC];
	_ =	sdelay $0x3  }
0x94: {  	_ =	strace s2  }
0x95: {  	s2 =	sld [smem:$0x3FFD];
	_ =	sdelay $0x3  }
0x96: {  	_ =	strace s2  }
0x97: {  	_ =	strace $0x8FFFFFFF  }
0x98: {  	s18 =	sld [smem:$0x3FDB];
	_ =	sdelay $0x1  }
0x99: {  	s19 =	simm.s32 $_scs_section_size  }
0x9a: {  	s4 =	simm.s32 $_size__tile_overlayer_lowered;
	s5 =	simm.s32 $_tile_overlayer_lowered  }
0x9b: {  	s22 =	simm.s32 $0x1BFF;
	s21 =	sshll.u32 s5, $0x1;
	s2 =	sadd.s32 s19, s18  }
0x9c: {  	s6 =	simm.s32 $0x0;
	s20 =	sshll.u32 s4, $0x1;
	s4 =	sadd.s32 s21, s2  }
0x9d: {  	[timem:s6], [sflag:s22] =	dma.local [hbm:s4], s20  }
0x9e: {  	_ =	swait.ge [sflag:s22], s20  }
0x9f: {  	s3 =	ssub.s32 $0x0, s20;
	[sflag:s22] =	ssyncset.done $0x0  }
0xa0: {  	[sflag:s22] =	ssyncadd.s32 s3;
	_ =	sdelay $0x1  }
0xa1: {  	s23 =	simm.s32 $0x1B8B  }
0xa2: {  	_ =	swait.ge [sflag:s23], $0x1  }
0xa3: {  	[sflag:s23] =	ssyncset.done $0x0  }
0xa4: {  	s25 =	simm.s32 $0x1B8E;
	s24 =	sld [smem:$0x3FFE];
	[sflag:s23] =	ssyncadd.s32 $0xFFFFFFFF  }
0xa5: {  	s26 =	simm.s32 $execute0_lowered;
	[smem:$0x3FD2] =	sst s25  }
0xa6: {  	s4 =	sshll.u32 s26, $0x1;
	_ =	strace $0x8000004C;
	[dreg:$0x1] =	wrdreg $0xFFFFFFFF  }
0xa7: {  	s28 =	simm.s32 $_size_execute0_lowered;
	s2 =	sadd.s32 s2, s4;
	[dreg:$0x0] =	wrdreg $0x0  }
0xa8: {  	s4 =	sshll.u32 s28, $0x1;
	[dreg:$0x2] =	wrdreg s2  }
0xa9: {  	[dreg:$0x3] =	wrdreg s4  }
0xaa: {  	[dreg:$0x4] =	wrdreg $0xC0  }
0xab: {  	_ =	task [dreg:s6], $0x5FFFF  }
0xac: {  	[dreg:$0x1] =	wrdreg $0xFFFFFFFF  }
0xad: {  	[dreg:$0x0] =	wrdreg $0x60  }
0xae: {  	[dreg:$0x2] =	wrdreg s24  }
0xaf: {  	[dreg:$0x3] =	wrdreg $0x0  }
0xb0: {  	[dreg:$0x4] =	wrdreg $0x9  }
0xb1: {  	_ =	task.clear_ibuf [dreg:s6], $0x5FFFF;
	_ =	strace $0x9000004C  }
0xb2: {  	s29 =	simm.s32 $0x9;
	_ =	strace $0x8000004E  }
0xb3: {  	_ =	swait.ge [sflag:s29], $0x1  }
0xb4: {  	[sflag:s29] =	ssyncadd.s32 $0xFFFFFFFF  }
0xb5: {  	_ =	strace $0x9000004E  }
0xb6: {  	_ =	sfence  }
0xb7: {  	s30 =	sld [smem:$0x0];
	_ =	sdelay $0x2  }
0xb8: {  	s31 =	sshll.u32 s1, $0xD;
	s1 =	sshrl.u32 s1, $0x2  }
0xb9: {  	s3 =	sand.u32 $0x4000, s31;
	s1 =	sadd.s32 s1, s30  }
0xba: {  	s0 =	sor.u32 s3, s0;
	s1 =	sshll.u32 s1, $0x11  }
0xbb: {  	s0 =	sor.u32 s1, s0  }
0xbc: {  	s0 =	sadd.s32 $0x8F2B, s0  }
0xbd: {  	[sflag:s0] =	ssyncadd.remote.s32 $0x1  }
0xbe: {  	_ =	sfence.sel $0xFFFF  }
0xbf: {  	[dreg:$0x0] =	wrdreg $0xFFFFFFFF;
	(pc) =	sbr.abs _section_cstart, $3  }
0xc0: {  	[dreg:$0x1] =	wrdreg $0xFFFFFFFF  }
0xc1: {  	_ =	task.clear_ibuf [dreg:s6], $0x2FFFF;
	_ =	strace $0x9FFFFFFF  }
0xc2: {  	(tm) =	ssettm $0x7FFFFFFF  }
0xc3: {  	_ =	shalt  }
tec
execute0_lowered:
.L_overlay_start_1:
0x0: {  	(tag) =	ssettag $0x1  }
0x1: {  	s0 =	rddreg [dreg:$0x0]  }
0x2: {  	s1 =	rddreg [dreg:$0x1]  }
0x3: {  	s2 =	simm.s32 $0x0;
	s4 =	srdreg.scid;
	s11 =	stileid.u32  }
0x4: {  	s28 =	simm.s32 $0x14080;
	s29 =	simm.s32 $0x18200;
	s30 =	simm.s32 $0x1  }
0x5: {  	s31 =	simm.s32 $0x2;
	[smem:$0x7FF] =	sst s2;
	s3 =	sadd.s32 $0x5600, s0  }
0x6: {  	s5 =	sadd.s32 $0x3C600, s0;
	s6 =	sadd.s32 $0x2D600, s0;
	s4 =	sand.u32 $0x1, s4  }
0x7: {  	s7 =	sadd.s32 $0x4B600, s0;
	s0 =	sadd.s32 $0x4DE00, s0;
	s9 =	smul.u32 $0x50000, s11  }
0x8: {  	s10 =	sshll.u32 s11, $0x6;
	_ =	strace $0x8000004D;
	[dreg:$0x3] =	wrdreg s7  }
0x9: {  	s16 =	ssub.s32 $0x2, s4;
	s17 =	sshll.u32 s4, $0x4;
	s12 =	smul.u32 $0x140000, s4  }
0xa: {  	s18 =	sor.u32 $0x1C03, s10;
	p0 =	seq.s32 s4, $0x0;
	s10 =	simm.s32 $0x3C00  }
0xb: {  	s8 =	sshrl.u32 s16, $0x1;
	s9 =	sshrl.u32 s9, $0x2;
	[dreg:$0x4] =	wrdreg s18  }
0xc: {  	s7 =	ssub.s32 s16, s8;
	s16 =	smul.u32 $0x14000, s11;
	s11 =	sor.u32 s11, s17  }
0xd: {  	s10 =	simm.s32 @!p0 $0x1300;
	s8 =	sadd.s32 s9, s1;
	s11 =	smul.u32 $0x3C00, s11  }
0xe: {  	s19 =	sadd.s32 s16, s12;
	s20 =	sadd.s32 $0x4000, s16;
	s22 =	sadd.s32 $0x8000, s16  }
0xf: {  	s24 =	sadd.s32 $0xC000, s16;
	s4 =	sshrl.u32 s19, $0x3;
	s21 =	sadd.s32 s12, s20  }
0x10: {  	s9 =	sadd.s32 s20, s1;
	s15 =	sadd.s32 s22, s1;
	s23 =	sadd.s32 s12, s22  }
0x11: {  	s19 =	sadd.s32 $0x10000, s16;
	s25 =	sadd.s32 s12, s24;
	s17 =	sadd.s32 s24, s1  }
0x12: {  	s22 =	simm.s32 $0x3;
	s24 =	simm.s32 $0x14100;
	s4 =	sadd.s32 s0, s4  }
0x13: {  	[dreg:$0x6] =	wrdreg s9;
	s12 =	sadd.s32 s12, s19;
	s19 =	sadd.s32 s19, s1  }
0x14: {  	[dreg:$0x5] =	wrdreg s4;
	s4 =	sshrl.u32 s21, $0x3;
	s26 =	sshrl.u32 s12, $0x3  }
0x15: {  	s21 =	smax.u32 s7, $0x1;
	s14 =	sadd.s32 s0, s4;
	s4 =	sshrl.u32 s23, $0x3  }
0x16: {  	s20 =	sadd.s32 s0, s26;
	s23 =	simm.s32 $0x14000;
	s26 =	simm.s32 $0x14200  }
0x17: {  	s16 =	sadd.s32 s0, s4;
	s4 =	sshrl.u32 s25, $0x3;
	s25 =	simm.s32 $0x80  }
0x18: {  	s18 =	sadd.s32 s0, s4;
	s0 =	simm.s32 $0x14180;
	s4 =	simm.s32 $0x0  }
.LBB2_1:
0x19: {  	s9 =	rddreg [dreg:$0x3]  }
0x1a: {  	s7 =	sshrl.u32 s8, $0x3;
	s12 =	rddreg [dreg:$0x4];
	p1 =	sne.s32 s10, $0x100  }
0x1b: {  	[spmem:s7], [sflag:s12] =	dma.local [hbm:s9], $0x2800  }
.Ltmp0:
0x1c: {  	_ =	swait.ge [sflag:s22], $0x2800;
	(pc) =	sbr.rel @!p1 .LBB2_4-.Ltmp0, $4  }
0x1d: {  	s12 =	sand.u32 $0xFFFFFC00, s2;
	[sflag:s22] =	ssyncset.done $0x0  }
0x1e: {  	s13 =	sand.u32 $0x300, s2;
	s7 =	sadd.s32 s11, s12;
	[sflag:s22] =	ssyncadd.s32 $0xFFFFD800  }
0x1f: {  	s7 =	sor.u32 s13, s7;
	[bflag:$0x0] =	sbarrier.arrive $0xFFFF  }
0x20: {  	p0 =	por $0x0, $0x0;
	s12 =	simm.s32 $0x100;
	s9 =	sshrl.u32 s7, $0x3  }
0x21: {  	s7 =	sadd.s32 s5, s9  }
0x22: {  	[tilespmem:s23], [sflag:$0x3] =	stream.linear.gather [hbm4b:s7+s2], $0x100, $0x38;
	[tilespmem:$0x1C200] =	vst v63  }
0x23: {  	_ =	swait.ge [sflag:s22], $0x100  }
0x24: {  	[sflag:s22] =	ssyncset.done $0x0  }
0x25: {  	s9 =	sadd.s32 s6, s9;
	[sflag:s22] =	ssyncadd.s32 $0xFFFFFF00  }
0x26: {  	[tilespmem:s24], [sflag:$0x3] =	stream.linear.gather [hbm4b:s9+s2], $0x100, $0x38;
	[tilespmem:$0x1C200] =	vst v63  }
0x27: {  	_ =	swait.ge [sflag:s22], $0x100  }
0x28: {  	[sflag:s22] =	ssyncset.done $0x0  }
0x29: {  	[sflag:s22] =	ssyncadd.s32 $0xFFFFFF00  }
0x2a: {  	[tilespmem:s26], [sflag:$0x1] =	stream.indirect.gather [hbm4b:s3+s25], $0x80, s23, s25, $0xb8;
	[tilespmem:$0x1C200] =	vst v63  }
0x2b: {  	_ = 	snop  }
0x2c: {  	[tilespmem:s29], [sflag:$0x2] =	stream.indirect.gather [hbm4b:s3+s25], $0x80, s28, s25, $0xb8;
	[tilespmem:$0x1C200] =	vst v63  }
0x2d: {  	_ =	swait.ge [sflag:s30], $0x4000  }
0x2e: {  	[sflag:s30] =	ssyncset.done $0x0  }
0x2f: {  	[sflag:s30] =	ssyncadd.s32 $0xFFFFC000  }
0x30: {  	[spmem:s1] =	stream.indirect.scatter.add.f32 [tilespmem:s26], [sflag:$0x3], $0x80, s24, s25, $0xb8;
	[tilespmem:$0x1C200] =	vst v63  }
0x31: {  	p1 =	sne.s32 s10, $0x200;
	_ =	swait.ge [sflag:s22], $0x4000  }
.Ltmp1:
0x32: {  	[sflag:s22] =	ssyncset.done $0x0;
	(pc) =	sbr.rel @!p1 .LBB2_4-.Ltmp1, $4  }
0x33: {  	s13 =	sand.u32 $0xFFFFFC00, s12;
	[sflag:s22] =	ssyncadd.s32 $0xFFFFC000  }
0x34: {  	s9 =	sadd.s32 s11, s13;
	s13 =	sand.u32 $0x300, s12;
	_ =	swait.ge [sflag:s31], $0x4000  }
0x35: {  	p0 =	por $0x1, $0x1;
	s9 =	sor.u32 s13, s9;
	[sflag:s31] =	ssyncset.done $0x0  }
0x36: {  	s7 =	simm.s32 $0x200;
	s9 =	sshrl.u32 s9, $0x3;
	[sflag:s31] =	ssyncadd.s32 $0xFFFFC000  }
.LBB2_3:
0x37: {  	[spmem:s1] =	stream.indirect.scatter.add.f32 [tilespmem:s29], [sflag:$0x3], $0x80, s0, s25, $0xb8;
	[tilespmem:$0x1C200] =	vst v63  }
0x38: {  	s12 =	smov.u32 s7;
	s7 =	sadd.s32 $0x100, s7;
	_ =	swait.ge [sflag:s22], $0x4000  }
0x39: {  	p1 =	sne.s32 s10, s7;
	[sflag:s22] =	ssyncset.done $0x0  }
0x3a: {  	s13 =	sadd.s32 s5, s9;
	[sflag:s22] =	ssyncadd.s32 $0xFFFFC000  }
0x3b: {  	[tilespmem:s23], [sflag:$0x3] =	stream.linear.gather [hbm4b:s13+s2], $0x100, $0x38;
	[tilespmem:$0x1C200] =	vst v63  }
0x3c: {  	_ =	swait.ge [sflag:s22], $0x100  }
0x3d: {  	[sflag:s22] =	ssyncset.done $0x0  }
0x3e: {  	s9 =	sadd.s32 s6, s9;
	[sflag:s22] =	ssyncadd.s32 $0xFFFFFF00  }
0x3f: {  	[tilespmem:s24], [sflag:$0x3] =	stream.linear.gather [hbm4b:s9+s2], $0x100, $0x38;
	[tilespmem:$0x1C200] =	vst v63  }
0x40: {  	_ =	swait.ge [sflag:s22], $0x100  }
0x41: {  	[sflag:s22] =	ssyncset.done $0x0  }
0x42: {  	[sflag:s22] =	ssyncadd.s32 $0xFFFFFF00  }
0x43: {  	[tilespmem:s26], [sflag:$0x1] =	stream.indirect.gather [hbm4b:s3+s25], $0x80, s23, s25, $0xb8;
	[tilespmem:$0x1C200] =	vst v63  }
0x44: {  	_ = 	snop  }
0x45: {  	[tilespmem:s29], [sflag:$0x2] =	stream.indirect.gather [hbm4b:s3+s25], $0x80, s28, s25, $0xb8;
	[tilespmem:$0x1C200] =	vst v63  }
0x46: {  	_ =	swait.ge [sflag:s30], $0x4000  }
0x47: {  	[sflag:s30] =	ssyncset.done $0x0  }
0x48: {  	[sflag:s30] =	ssyncadd.s32 $0xFFFFC000  }
0x49: {  	[spmem:s1] =	stream.indirect.scatter.add.f32 [tilespmem:s26], [sflag:$0x3], $0x80, s24, s25, $0xb8;
	[tilespmem:$0x1C200] =	vst v63  }
0x4a: {  	_ =	swait.ge [sflag:s22], $0x4000  }
.Ltmp2:
0x4b: {  	[sflag:s22] =	ssyncset.done $0x0;
	(pc) =	sbr.rel @p1 .LBB2_3-.Ltmp2, $4  }
0x4c: {  	s9 =	sand.u32 $0xFFFFFC00, s12;
	[sflag:s22] =	ssyncadd.s32 $0xFFFFC000  }
0x4d: {  	s12 =	sand.u32 $0x300, s12;
	s9 =	sadd.s32 s11, s9;
	_ =	swait.ge [sflag:s31], $0x4000  }
0x4e: {  	s9 =	sor.u32 s12, s9;
	[sflag:s31] =	ssyncset.done $0x0  }
0x4f: {  	s9 =	sshrl.u32 s9, $0x3;
	[sflag:s31] =	ssyncadd.s32 $0xFFFFC000  }
.LBB2_4:
0x50: {  	[spmem:s1] =	stream.indirect.scatter.add.f32 @p0 [tilespmem:s29], [sflag:$0x3], $0x80, s0, s25, $0xb8;
	[tilespmem:$0x1C200] =	vst v63  }
0x51: {  	_ =	swait.ge @p0 [sflag:s22], $0x4000  }
0x52: {  	[sflag:s22] =	ssyncset.done @p0 $0x0  }
0x53: {  	s7 =	sadd.s32 s5, s9;
	[sflag:s22] =	ssyncadd.s32 @p0 $0xFFFFC000  }
0x54: {  	[tilespmem:s23], [sflag:$0x3] =	stream.linear.gather [hbm4b:s7+s2], $0x100, $0x38;
	[tilespmem:$0x1C200] =	vst v63  }
0x55: {  	_ =	swait.ge [sflag:s22], $0x100  }
0x56: {  	[sflag:s22] =	ssyncset.done $0x0  }
0x57: {  	s9 =	sadd.s32 s6, s9;
	[sflag:s22] =	ssyncadd.s32 $0xFFFFFF00  }
0x58: {  	[tilespmem:s24], [sflag:$0x3] =	stream.linear.gather [hbm4b:s9+s2], $0x100, $0x38;
	[tilespmem:$0x1C200] =	vst v63  }
0x59: {  	_ =	swait.ge [sflag:s22], $0x100  }
0x5a: {  	[sflag:s22] =	ssyncset.done $0x0  }
0x5b: {  	[sflag:s22] =	ssyncadd.s32 $0xFFFFFF00  }
0x5c: {  	[tilespmem:s26], [sflag:$0x1] =	stream.indirect.gather [hbm4b:s3+s25], $0x80, s23, s25, $0xb8;
	[tilespmem:$0x1C200] =	vst v63  }
0x5d: {  	_ = 	snop  }
0x5e: {  	[tilespmem:s29], [sflag:$0x2] =	stream.indirect.gather [hbm4b:s3+s25], $0x80, s28, s25, $0xb8;
	[tilespmem:$0x1C200] =	vst v63  }
0x5f: {  	_ =	swait.ge [sflag:s30], $0x4000  }
0x60: {  	[sflag:s30] =	ssyncset.done $0x0  }
0x61: {  	[sflag:s30] =	ssyncadd.s32 $0xFFFFC000  }
0x62: {  	[spmem:s1] =	stream.indirect.scatter.add.f32 [tilespmem:s26], [sflag:$0x3], $0x80, s24, s25, $0xb8;
	[tilespmem:$0x1C200] =	vst v63  }
0x63: {  	_ =	swait.ge [sflag:s22], $0x4000  }
0x64: {  	[sflag:s22] =	ssyncset.done $0x0  }
0x65: {  	[sflag:s22] =	ssyncadd.s32 $0xFFFFC000  }
0x66: {  	_ =	swait.ge [sflag:s31], $0x4000  }
0x67: {  	[sflag:s31] =	ssyncset.done $0x0  }
0x68: {  	[sflag:s31] =	ssyncadd.s32 $0xFFFFC000  }
0x69: {  	[spmem:s1] =	stream.indirect.scatter.add.f32 [tilespmem:s29], [sflag:$0x3], $0x80, s0, s25, $0xb8;
	[tilespmem:$0x1C200] =	vst v63  }
0x6a: {  	_ =	swait.ge [sflag:s22], $0x4000  }
0x6b: {  	[sflag:s22] =	ssyncset.done $0x0  }
0x6c: {  	[sflag:s22] =	ssyncadd.s32 $0xFFFFC000  }
0x6d: {  	[bflag:$0x0] =	sbarrier.arrive $0xFFFF  }
0x6e: {  	[tilespmem:s26], [sflag:$0x3] =	stream.linear.gather [spmem:s8], $0x4000, $0x38;
	[tilespmem:$0x1C200] =	vst v63  }
0x6f: {  	_ =	swait.ge [sflag:s22], $0x4000  }
0x70: {  	[sflag:s22] =	ssyncset.done $0x0  }
0x71: {  	s12 =	rddreg [dreg:$0x5];
	[sflag:s22] =	ssyncadd.s32 $0xFFFFC000  }
0x72: {  	[hbm4b:s12+s2] =	stream.linear.scatter [tilespmem:s26], [sflag:$0x3], $0x4000, $0x38;
	[tilespmem:$0x1C200] =	vst v63  }
0x73: {  	_ =	swait.ge [sflag:s22], $0x4000  }
0x74: {  	[sflag:s22] =	ssyncset.done $0x0  }
0x75: {  	s13 =	rddreg [dreg:$0x6];
	[sflag:s22] =	ssyncadd.s32 $0xFFFFC000  }
0x76: {  	[tilespmem:s26], [sflag:$0x3] =	stream.linear.gather [spmem:s13], $0x4000, $0x38;
	[tilespmem:$0x1C200] =	vst v63  }
0x77: {  	_ =	swait.ge [sflag:s22], $0x4000  }
0x78: {  	[sflag:s22] =	ssyncset.done $0x0  }
0x79: {  	[sflag:s22] =	ssyncadd.s32 $0xFFFFC000  }
0x7a: {  	[hbm4b:s14+s2] =	stream.linear.scatter [tilespmem:s26], [sflag:$0x3], $0x4000, $0x38;
	[tilespmem:$0x1C200] =	vst v63  }
0x7b: {  	_ =	swait.ge [sflag:s22], $0x4000  }
0x7c: {  	[sflag:s22] =	ssyncset.done $0x0  }
0x7d: {  	[sflag:s22] =	ssyncadd.s32 $0xFFFFC000  }
0x7e: {  	[tilespmem:s26], [sflag:$0x3] =	stream.linear.gather [spmem:s15], $0x4000, $0x38;
	[tilespmem:$0x1C200] =	vst v63  }
0x7f: {  	_ =	swait.ge [sflag:s22], $0x4000  }
0x80: {  	[sflag:s22] =	ssyncset.done $0x0  }
0x81: {  	[sflag:s22] =	ssyncadd.s32 $0xFFFFC000  }
0x82: {  	[hbm4b:s16+s2] =	stream.linear.scatter [tilespmem:s26], [sflag:$0x3], $0x4000, $0x38;
	[tilespmem:$0x1C200] =	vst v63  }
0x83: {  	_ =	swait.ge [sflag:s22], $0x4000  }
0x84: {  	[sflag:s22] =	ssyncset.done $0x0  }
0x85: {  	[sflag:s22] =	ssyncadd.s32 $0xFFFFC000  }
0x86: {  	[tilespmem:s26], [sflag:$0x3] =	stream.linear.gather [spmem:s17], $0x4000, $0x38;
	[tilespmem:$0x1C200] =	vst v63  }
0x87: {  	_ =	swait.ge [sflag:s22], $0x4000  }
0x88: {  	[sflag:s22] =	ssyncset.done $0x0  }
0x89: {  	[sflag:s22] =	ssyncadd.s32 $0xFFFFC000  }
0x8a: {  	[hbm4b:s18+s2] =	stream.linear.scatter [tilespmem:s26], [sflag:$0x3], $0x4000, $0x38;
	[tilespmem:$0x1C200] =	vst v63  }
0x8b: {  	_ =	swait.ge [sflag:s22], $0x4000  }
0x8c: {  	[sflag:s22] =	ssyncset.done $0x0  }
0x8d: {  	[sflag:s22] =	ssyncadd.s32 $0xFFFFC000  }
0x8e: {  	[tilespmem:s26], [sflag:$0x3] =	stream.linear.gather [spmem:s19], $0x4000, $0x38;
	[tilespmem:$0x1C200] =	vst v63  }
0x8f: {  	s4 =	sadd.s32 $0x1, s4;
	_ =	swait.ge [sflag:s22], $0x4000  }
0x90: {  	p0 =	sne.s32 s4, s21;
	[sflag:s22] =	ssyncset.done $0x0  }
.Ltmp3:
0x91: {  	[sflag:s22] =	ssyncadd.s32 $0xFFFFC000;
	(pc) =	sbr.rel @p0 .LBB2_1-.Ltmp3, $4  }
0x92: {  	[hbm4b:s20+s2] =	stream.linear.scatter [tilespmem:s26], [sflag:$0x3], $0x4000, $0x38;
	[tilespmem:$0x1C200] =	vst v63  }
0x93: {  	_ =	swait.ge [sflag:s22], $0x4000  }
0x94: {  	[sflag:s22] =	ssyncset.done $0x0  }
0x95: {  	[sflag:s22] =	ssyncadd.s32 $0xFFFFC000  }
0x96: {  	_ =	sfence.sel $0x180000  }
0x97: {  	[bflag:$0x0] =	sbarrier.arrive $0xFFFF  }
0x98: {  	_ =	strace $0x9000004D  }
0x99: {  	s0 =	stileid.u32;
	[bflag:$0x2] =	sbarrier.arrive $0xFFFF  }
0x9a: {  	p0 =	sne.s32 s0, $0x0;
	s0 =	rddreg [dreg:$0x2]  }
0x9b: {  	s0 =	sadd.s32 @!p0 $0x100000, s0  }
0x9c: {  	[sflag:s0] =	ssyncadd.tile.s32 @!p0 $0x1;
	_ =	shalt  }
.Lfunc_end2:
_tile_overlayer_lowered:
.L_overlay_start_2:
0x9d: {  	(tag) =	ssettag $0x2  }
0x9e: {  	s0 =	rddreg [dreg:$0x0];
	s2 =	stileid.u32  }
0x9f: {  	s1 =	rddreg [dreg:$0x1];
	p0 =	sne.s32 s2, $0x0  }
0xa0: {  	s3 =	rddreg [dreg:$0x2];
	[bflag:$0x3] =	sbarrier.arrive $0xFFFF;
	s2 =	simm.s32 @!p0 $0x1C03  }
0xa1: {  	[timem:s3], [sflag:s2] =	dma.local @!p0 [hbm:s0], s1  }
0xa2: {  	s0 =	simm.s32 @!p0 $0x3  }
0xa3: {  	_ =	swait.ge @!p0 [sflag:s0], s1  }
0xa4: {  	s1 =	ssub.s32 @!p0 $0x0, s1;
	[sflag:s0] =	ssyncset.done @!p0 $0x0  }
0xa5: {  	[sflag:s0] =	ssyncadd.s32 @!p0 s1  }
0xa6: {  	[bflag:$0x3] =	sbarrier.arrive $0xFFFF  }
0xa7: {  	_ =	shalt  }

// kernel: kernel.21.cloned.1.call-start
scs
__scs_entry_jumppad:
0x0: {  	(pc) =	sbr.rel $0x88, $3  }
0x1: {  	(tag) =	ssettag $0x0;
	lr =	simm.s32 $0x1  }
0x2: {  	[smem:$0x3F93] =	sst lr;
	_ =	strace $0xD0000000  }
0x3: {  	_ = 	snop  }
0x4: {  	_ = 	snop  }
0x5: {  	_ = 	snop  }
0x6: {  	_ = 	snop  }
0x7: {  	_ = 	snop  }
__scs_overlays_trampoline_lowered:
0x8: {  	[smem:$0x3FA2] =	sst s0  }
0x9: {  	[smem:$0x3FA3] =	sst s1  }
0xa: {  	[smem:$0x3FA4] =	sst s2  }
0xb: {  	[smem:$0x3FA5] =	sst s3  }
0xc: {  	[smem:$0x3FA6] =	sst s4  }
0xd: {  	[smem:$0x3FA7] =	sst s5  }
0xe: {  	[smem:$0x3FA8] =	sst s6  }
0xf: {  	[smem:$0x3FA9] =	sst s7  }
0x10: {  	[smem:$0x3FAA] =	sst s8  }
0x11: {  	[smem:$0x3FAB] =	sst s9;
	s0 =	simm.s32 @!p0 $0x0  }
0x12: {  	s1 =	sld [smem:$0x3F91];
	s0 =	simm.s32 @p0 $0x1  }
0x13: {  	[smem:$0x3FAC] =	sst s0;
	s0 =	simm.s32 @!p1 $0x0  }
0x14: {  	s2 =	sld [smem:$0x3F90];
	s0 =	simm.s32 @p1 $0x1  }
0x15: {  	[smem:$0x3FAD] =	sst s0;
	s0 =	simm.s32 @!p2 $0x0  }
0x16: {  	s3 =	sld [smem:$0x3FDB];
	s0 =	simm.s32 @p2 $0x1  }
0x17: {  	s4 =	simm.s32 $0x1BF5;
	[smem:$0x3FAF] =	sst s0  }
0x18: {  	s0 =	sld [smem:$0x3F92];
	_ =	swait.ge [sflag:s4], $0x0  }
0x19: {  	s7 =	sld [smem:$0x3F93]  }
0x1a: {  	s8 =	sadd.s32 $0xFFFFE003, lr  }
0x1b: {  	s9 =	sadd.s32 $0xFFFFFEF7, lr;
	s5 =	simm.s32 $0xFFFFFFFF;
	p2 =	slt.u32 s8, $0xFFFFF086  }
0x1c: {  	p1 =	slt.u32 s9, $0xF7A;
	s5 =	simm.s32 @!p2 $0x0  }
0x1d: {  	s5 =	simm.s32 @p1 $0x1;
	p0 =	seq.s32 s7, s2  }
0x1e: {  	s7 =	smul.u32 @!p0 $0xF7A, s2;
	p2 =	seq.s32 @!p0 s5, $0x0  }
0x1f: {  	s9 =	smul.u32 $0xF7A, s1;
	s8 =	simm.s32 @!p0 $0x1BF5;
	p2 =	por !p2, p0  }
0x20: {  	[sflag:s8] =	ssyncset.s32 @!p0 $0xFFFFF086;
	s6 =	sadd.s32 @!p0 s3, s7;
	s7 =	simm.s32 @!p0 $0x108  }
0x21: {  	s3 =	sadd.s32 s3, s9;
	s6 =	sadd.s32 @!p0 $0x88, s6;
	s7 =	simm.s32 @p2 $0x1082  }
0x22: {  	[simem:s7], [sflag:s8] =	dma.local @!p0 [hbm:s6], $0xF7A  }
0x23: {  	s9 =	sor.u32 $0xD0000000, s2;
	s6 =	simm.s32 $0x108;
	_ =	swait.ge @!p0 [sflag:s8], $0x0  }
0x24: {  	s3 =	sadd.s32 $0x88, s3;
	s6 =	simm.s32 @!p1 $0x1082;
	[sflag:s4] =	ssyncset.s32 $0xFFFFF086  }
0x25: {  	[simem:s6], [sflag:s4] =	dma.local [hbm:s3], $0xF7A  }
0x26: {  	[smem:$0x3F93] =	sst s1;
	(tag) =	ssettag s2;
	_ =	strace s9  }
0x27: {  	s1 =	sld [smem:$0x3FA3]  }
0x28: {  	s2 =	sld [smem:$0x3FA4]  }
0x29: {  	s4 =	sld [smem:$0x3FA6]  }
0x2a: {  	p0 =	seq.s32 s5, $0x0;
	s5 =	sld [smem:$0x3FA7]  }
0x2b: {  	s6 =	sld [smem:$0x3FA8]  }
0x2c: {  	s7 =	sld [smem:$0x3FA9]  }
0x2d: {  	s3 =	simm.s32 $0x108;
	s8 =	sld [smem:$0x3FAA]  }
0x2e: {  	s3 =	simm.s32 @!p0 $0x1082;
	s9 =	sld [smem:$0x3FAB]  }
0x2f: {  	lr =	sadd.s32 s0, s3;
	s0 =	sld [smem:$0x3FA2]  }
0x30: {  	s3 =	sld [smem:$0x3FA5]  }
0x31: {  	[smem:$0x3FAE] =	sst s10  }
0x32: {  	s10 =	sld [smem:$0x3FAC];
	_ =	sdelay $0x3  }
0x33: {  	p0 =	seq.s32 s10, $0x1;
	s10 =	sld [smem:$0x3FAE];
	_ =	sdelay $0x3  }
0x34: {  	[smem:$0x3FAE] =	sst s10  }
0x35: {  	s10 =	sld [smem:$0x3FAD];
	_ =	sdelay $0x3  }
0x36: {  	p1 =	seq.s32 s10, $0x1;
	s10 =	sld [smem:$0x3FAE];
	_ =	sdelay $0x3  }
0x37: {  	[smem:$0x3FAE] =	sst s10  }
0x38: {  	s10 =	sld [smem:$0x3FAF]  }
0x39: {  	_ = 	snop;
	(pc) =	sbr.ind lr, $3  }
0x3a: {  	_ = 	snop  }
0x3b: {  	_ = 	snop  }
0x3c: {  	p2 =	seq.s32 s10, $0x1;
	s10 =	sld [smem:$0x3FAE]  }
0x3d: {  	_ =	shalt  }
0x3e: {  	_ =	shalt  }
0x3f: {  	_ =	shalt  }
0x40: {  	_ =	shalt  }
0x41: {  	_ =	shalt  }
0x42: {  	_ =	shalt  }
0x43: {  	_ =	shalt  }
0x44: {  	_ =	shalt  }
0x45: {  	_ =	shalt  }
0x46: {  	_ =	shalt  }
0x47: {  	_ =	shalt  }
0x48: {  	_ =	shalt  }
0x49: {  	_ =	shalt  }
0x4a: {  	_ =	shalt  }
0x4b: {  	_ =	shalt  }
0x4c: {  	_ =	shalt  }
0x4d: {  	_ =	shalt  }
0x4e: {  	_ =	shalt  }
0x4f: {  	_ =	shalt  }
0x50: {  	_ =	shalt  }
0x51: {  	_ =	shalt  }
0x52: {  	_ =	shalt  }
0x53: {  	_ =	shalt  }
0x54: {  	_ =	shalt  }
0x55: {  	_ =	shalt  }
0x56: {  	_ =	shalt  }
0x57: {  	_ =	shalt  }
0x58: {  	_ =	shalt  }
0x59: {  	_ =	shalt  }
0x5a: {  	_ =	shalt  }
0x5b: {  	_ =	shalt  }
0x5c: {  	_ =	shalt  }
0x5d: {  	_ =	shalt  }
0x5e: {  	_ =	shalt  }
0x5f: {  	_ =	shalt  }
0x60: {  	_ =	shalt  }
0x61: {  	_ =	shalt  }
0x62: {  	_ =	shalt  }
0x63: {  	_ =	shalt  }
0x64: {  	_ =	shalt  }
0x65: {  	_ =	shalt  }
0x66: {  	_ =	shalt  }
0x67: {  	_ =	shalt  }
0x68: {  	_ =	shalt  }
0x69: {  	_ =	shalt  }
0x6a: {  	_ =	shalt  }
0x6b: {  	_ =	shalt  }
0x6c: {  	_ =	shalt  }
0x6d: {  	_ =	shalt  }
0x6e: {  	_ =	shalt  }
0x6f: {  	_ =	shalt  }
0x70: {  	_ =	shalt  }
0x71: {  	_ =	shalt  }
0x72: {  	_ =	shalt  }
0x73: {  	_ =	shalt  }
0x74: {  	_ =	shalt  }
0x75: {  	_ =	shalt  }
0x76: {  	_ =	shalt  }
0x77: {  	_ =	shalt  }
0x78: {  	_ =	shalt  }
0x79: {  	_ =	shalt  }
0x7a: {  	_ =	shalt  }
0x7b: {  	_ =	shalt  }
0x7c: {  	_ =	shalt  }
0x7d: {  	_ =	shalt  }
0x7e: {  	_ =	shalt  }
0x7f: {  	_ =	shalt  }
0x80: {  	_ =	shalt  }
0x81: {  	_ =	shalt  }
0x82: {  	_ =	shalt  }
0x83: {  	_ =	shalt  }
0x84: {  	_ =	shalt  }
0x85: {  	_ =	shalt  }
0x86: {  	_ =	shalt  }
0x87: {  	_ =	shalt  }
.Lfunc_end0:
.L_simem_size_0:
called_computation.3_lowered:
.L_overlay_start_0:
0x88: {  	s2 =	sld [smem:$0x3FD9]  }
0x89: {  	s3 =	sld [smem:$0x3FFE];
	_ =	sdelay $0x1  }
0x8a: {  	s1 =	srdreg.scid  }
0x8b: {  	s0 =	sand.u32 $0x1, s1  }
0x8c: {  	s16 =	sshll.u32 s0, $0xA;
	s2 =	sadd.s32 s3, s2  }
0x8d: {  	s2 =	sadd.s32 s2, s16  }
0x8e: {  	[smem:$0x3FBA] =	sst s2  }
0x8f: {  	_ = 	snop  }
0x90: {  	(tm) =	ssettm $0x1  }
0x91: {  	s17 =	sld [smem:$0x3FFB];
	_ =	sdelay $0x3  }
0x92: {  	_ =	strace s17  }
0x93: {  	s2 =	sld [smem:$0x3FFC];
	_ =	sdelay $0x3  }
0x94: {  	_ =	strace s2  }
0x95: {  	s2 =	sld [smem:$0x3FFD];
	_ =	sdelay $0x3  }
0x96: {  	_ =	strace s2  }
0x97: {  	_ =	strace $0x8FFFFFFF  }
0x98: {  	s18 =	sld [smem:$0x3FDB];
	_ =	sdelay $0x1  }
0x99: {  	s19 =	simm.s32 $_scs_section_size  }
0x9a: {  	s4 =	simm.s32 $_size__tile_overlayer_lowered;
	s5 =	simm.s32 $_tile_overlayer_lowered  }
0x9b: {  	s22 =	simm.s32 $0x1BFF;
	s21 =	sshll.u32 s5, $0x1;
	s2 =	sadd.s32 s19, s18  }
0x9c: {  	s6 =	simm.s32 $0x0;
	s20 =	sshll.u32 s4, $0x1;
	s4 =	sadd.s32 s21, s2  }
0x9d: {  	[timem:s6], [sflag:s22] =	dma.local [hbm:s4], s20  }
0x9e: {  	_ =	swait.ge [sflag:s22], s20  }
0x9f: {  	s3 =	ssub.s32 $0x0, s20;
	[sflag:s22] =	ssyncset.done $0x0  }
0xa0: {  	[sflag:s22] =	ssyncadd.s32 s3;
	_ =	sdelay $0x1  }
0xa1: {  	s23 =	simm.s32 $0x1B8B  }
0xa2: {  	_ =	swait.ge [sflag:s23], $0x1  }
0xa3: {  	[sflag:s23] =	ssyncset.done $0x0  }
0xa4: {  	s25 =	simm.s32 $0x1B8E;
	s24 =	sld [smem:$0x3FFE];
	[sflag:s23] =	ssyncadd.s32 $0xFFFFFFFF  }
0xa5: {  	s26 =	simm.s32 $execute0_lowered;
	[smem:$0x3FD2] =	sst s25  }
0xa6: {  	s4 =	sshll.u32 s26, $0x1;
	_ =	strace $0x8000004F;
	[dreg:$0x1] =	wrdreg $0xFFFFFFFF  }
0xa7: {  	s28 =	simm.s32 $_size_execute0_lowered;
	s2 =	sadd.s32 s2, s4;
	[dreg:$0x0] =	wrdreg $0x0  }
0xa8: {  	s4 =	sshll.u32 s28, $0x1;
	[dreg:$0x2] =	wrdreg s2  }
0xa9: {  	[dreg:$0x3] =	wrdreg s4  }
0xaa: {  	[dreg:$0x4] =	wrdreg $0xC0  }
0xab: {  	_ =	task [dreg:s6], $0x5FFFF  }
0xac: {  	[dreg:$0x1] =	wrdreg $0xFFFFFFFF  }
0xad: {  	[dreg:$0x0] =	wrdreg $0x60  }
0xae: {  	[dreg:$0x2] =	wrdreg s24  }
0xaf: {  	[dreg:$0x3] =	wrdreg $0x0  }
0xb0: {  	[dreg:$0x4] =	wrdreg $0x9  }
0xb1: {  	_ =	task.clear_ibuf [dreg:s6], $0x5FFFF;
	_ =	strace $0x9000004F  }
0xb2: {  	s29 =	simm.s32 $0x9;
	_ =	strace $0x80000051  }
0xb3: {  	_ =	swait.ge [sflag:s29], $0x1  }
0xb4: {  	[sflag:s29] =	ssyncadd.s32 $0xFFFFFFFF  }
0xb5: {  	_ =	strace $0x90000051  }
0xb6: {  	_ =	sfence  }
0xb7: {  	s30 =	sld [smem:$0x0];
	_ =	sdelay $0x2  }
0xb8: {  	s31 =	sshll.u32 s1, $0xD;
	s1 =	sshrl.u32 s1, $0x2  }
0xb9: {  	s3 =	sand.u32 $0x4000, s31;
	s1 =	sadd.s32 s1, s30  }
0xba: {  	s0 =	sor.u32 s3, s0;
	s1 =	sshll.u32 s1, $0x11  }
0xbb: {  	s0 =	sor.u32 s1, s0  }
0xbc: {  	s0 =	sadd.s32 $0x8F2B, s0  }
0xbd: {  	[sflag:s0] =	ssyncadd.remote.s32 $0x1  }
0xbe: {  	_ =	sfence.sel $0xFFFF  }
0xbf: {  	[dreg:$0x0] =	wrdreg $0xFFFFFFFF;
	(pc) =	sbr.abs _section_cstart, $3  }
0xc0: {  	[dreg:$0x1] =	wrdreg $0xFFFFFFFF  }
0xc1: {  	_ =	task.clear_ibuf [dreg:s6], $0x2FFFF;
	_ =	strace $0x9FFFFFFF  }
0xc2: {  	(tm) =	ssettm $0x7FFFFFFF  }
0xc3: {  	_ =	shalt  }
tec
execute0_lowered:
.L_overlay_start_1:
0x0: {  	(tag) =	ssettag $0x1  }
0x1: {  	s0 =	rddreg [dreg:$0x0]  }
0x2: {  	s1 =	rddreg [dreg:$0x1]  }
0x3: {  	s2 =	simm.s32 $0x0;
	s4 =	srdreg.scid;
	s11 =	stileid.u32  }
0x4: {  	s28 =	simm.s32 $0x14080;
	s29 =	simm.s32 $0x18200;
	s30 =	simm.s32 $0x1  }
0x5: {  	s31 =	simm.s32 $0x2;
	[smem:$0x7FF] =	sst s2;
	s3 =	sadd.s32 $0x5600, s0  }
0x6: {  	s5 =	sadd.s32 $0x3C600, s0;
	s6 =	sadd.s32 $0x2D600, s0;
	s4 =	sand.u32 $0x1, s4  }
0x7: {  	s7 =	sadd.s32 $0x4B600, s0;
	s0 =	sadd.s32 $0x4DE00, s0;
	s9 =	smul.u32 $0x50000, s11  }
0x8: {  	s10 =	sshll.u32 s11, $0x6;
	_ =	strace $0x80000050;
	[dreg:$0x3] =	wrdreg s7  }
0x9: {  	s16 =	ssub.s32 $0x2, s4;
	s17 =	sshll.u32 s4, $0x4;
	s12 =	smul.u32 $0x140000, s4  }
0xa: {  	s18 =	sor.u32 $0x1C03, s10;
	p0 =	seq.s32 s4, $0x0;
	s10 =	simm.s32 $0x3C00  }
0xb: {  	s8 =	sshrl.u32 s16, $0x1;
	s9 =	sshrl.u32 s9, $0x2;
	[dreg:$0x4] =	wrdreg s18  }
0xc: {  	s7 =	ssub.s32 s16, s8;
	s16 =	smul.u32 $0x14000, s11;
	s11 =	sor.u32 s11, s17  }
0xd: {  	s10 =	simm.s32 @!p0 $0x1300;
	s8 =	sadd.s32 s9, s1;
	s11 =	smul.u32 $0x3C00, s11  }
0xe: {  	s19 =	sadd.s32 s16, s12;
	s20 =	sadd.s32 $0x4000, s16;
	s22 =	sadd.s32 $0x8000, s16  }
0xf: {  	s24 =	sadd.s32 $0xC000, s16;
	s4 =	sshrl.u32 s19, $0x3;
	s21 =	sadd.s32 s12, s20  }
0x10: {  	s9 =	sadd.s32 s20, s1;
	s15 =	sadd.s32 s22, s1;
	s23 =	sadd.s32 s12, s22  }
0x11: {  	s19 =	sadd.s32 $0x10000, s16;
	s25 =	sadd.s32 s12, s24;
	s17 =	sadd.s32 s24, s1  }
0x12: {  	s22 =	simm.s32 $0x3;
	s24 =	simm.s32 $0x14100;
	s4 =	sadd.s32 s0, s4  }
0x13: {  	[dreg:$0x6] =	wrdreg s9;
	s12 =	sadd.s32 s12, s19;
	s19 =	sadd.s32 s19, s1  }
0x14: {  	[dreg:$0x5] =	wrdreg s4;
	s4 =	sshrl.u32 s21, $0x3;
	s26 =	sshrl.u32 s12, $0x3  }
0x15: {  	s21 =	smax.u32 s7, $0x1;
	s14 =	sadd.s32 s0, s4;
	s4 =	sshrl.u32 s23, $0x3  }
0x16: {  	s20 =	sadd.s32 s0, s26;
	s23 =	simm.s32 $0x14000;
	s26 =	simm.s32 $0x14200  }
0x17: {  	s16 =	sadd.s32 s0, s4;
	s4 =	sshrl.u32 s25, $0x3;
	s25 =	simm.s32 $0x80  }
0x18: {  	s18 =	sadd.s32 s0, s4;
	s0 =	simm.s32 $0x14180;
	s4 =	simm.s32 $0x0  }
.LBB2_1:
0x19: {  	s9 =	rddreg [dreg:$0x3]  }
0x1a: {  	s7 =	sshrl.u32 s8, $0x3;
	s12 =	rddreg [dreg:$0x4];
	p1 =	sne.s32 s10, $0x100  }
0x1b: {  	[spmem:s7], [sflag:s12] =	dma.local [hbm:s9], $0x2800  }
.Ltmp0:
0x1c: {  	_ =	swait.ge [sflag:s22], $0x2800;
	(pc) =	sbr.rel @!p1 .LBB2_4-.Ltmp0, $4  }
0x1d: {  	s12 =	sand.u32 $0xFFFFFC00, s2;
	[sflag:s22] =	ssyncset.done $0x0  }
0x1e: {  	s13 =	sand.u32 $0x300, s2;
	s7 =	sadd.s32 s11, s12;
	[sflag:s22] =	ssyncadd.s32 $0xFFFFD800  }
0x1f: {  	s7 =	sor.u32 s13, s7;
	[bflag:$0x0] =	sbarrier.arrive $0xFFFF  }
0x20: {  	p0 =	por $0x0, $0x0;
	s12 =	simm.s32 $0x100;
	s9 =	sshrl.u32 s7, $0x3  }
0x21: {  	s7 =	sadd.s32 s5, s9  }
0x22: {  	[tilespmem:s23], [sflag:$0x3] =	stream.linear.gather [hbm4b:s7+s2], $0x100, $0x38;
	[tilespmem:$0x1C200] =	vst v63  }
0x23: {  	_ =	swait.ge [sflag:s22], $0x100  }
0x24: {  	[sflag:s22] =	ssyncset.done $0x0  }
0x25: {  	s9 =	sadd.s32 s6, s9;
	[sflag:s22] =	ssyncadd.s32 $0xFFFFFF00  }
0x26: {  	[tilespmem:s24], [sflag:$0x3] =	stream.linear.gather [hbm4b:s9+s2], $0x100, $0x38;
	[tilespmem:$0x1C200] =	vst v63  }
0x27: {  	_ =	swait.ge [sflag:s22], $0x100  }
0x28: {  	[sflag:s22] =	ssyncset.done $0x0  }
0x29: {  	[sflag:s22] =	ssyncadd.s32 $0xFFFFFF00  }
0x2a: {  	[tilespmem:s26], [sflag:$0x1] =	stream.indirect.gather [hbm4b:s3+s25], $0x80, s23, s25, $0xb8;
	[tilespmem:$0x1C200] =	vst v63  }
0x2b: {  	_ = 	snop  }
0x2c: {  	[tilespmem:s29], [sflag:$0x2] =	stream.indirect.gather [hbm4b:s3+s25], $0x80, s28, s25, $0xb8;
	[tilespmem:$0x1C200] =	vst v63  }
0x2d: {  	_ =	swait.ge [sflag:s30], $0x4000  }
0x2e: {  	[sflag:s30] =	ssyncset.done $0x0  }
0x2f: {  	[sflag:s30] =	ssyncadd.s32 $0xFFFFC000  }
0x30: {  	[spmem:s1] =	stream.indirect.scatter.add.f32 [tilespmem:s26], [sflag:$0x3], $0x80, s24, s25, $0xb8;
	[tilespmem:$0x1C200] =	vst v63  }
0x31: {  	p1 =	sne.s32 s10, $0x200;
	_ =	swait.ge [sflag:s22], $0x4000  }
.Ltmp1:
0x32: {  	[sflag:s22] =	ssyncset.done $0x0;
	(pc) =	sbr.rel @!p1 .LBB2_4-.Ltmp1, $4  }
0x33: {  	s13 =	sand.u32 $0xFFFFFC00, s12;
	[sflag:s22] =	ssyncadd.s32 $0xFFFFC000  }
0x34: {  	s9 =	sadd.s32 s11, s13;
	s13 =	sand.u32 $0x300, s12;
	_ =	swait.ge [sflag:s31], $0x4000  }
0x35: {  	p0 =	por $0x1, $0x1;
	s9 =	sor.u32 s13, s9;
	[sflag:s31] =	ssyncset.done $0x0  }
0x36: {  	s7 =	simm.s32 $0x200;
	s9 =	sshrl.u32 s9, $0x3;
	[sflag:s31] =	ssyncadd.s32 $0xFFFFC000  }
.LBB2_3:
0x37: {  	[spmem:s1] =	stream.indirect.scatter.add.f32 [tilespmem:s29], [sflag:$0x3], $0x80, s0, s25, $0xb8;
	[tilespmem:$0x1C200] =	vst v63  }
0x38: {  	s12 =	smov.u32 s7;
	s7 =	sadd.s32 $0x100, s7;
	_ =	swait.ge [sflag:s22], $0x4000  }
0x39: {  	p1 =	sne.s32 s10, s7;
	[sflag:s22] =	ssyncset.done $0x0  }
0x3a: {  	s13 =	sadd.s32 s5, s9;
	[sflag:s22] =	ssyncadd.s32 $0xFFFFC000  }
0x3b: {  	[tilespmem:s23], [sflag:$0x3] =	stream.linear.gather [hbm4b:s13+s2], $0x100, $0x38;
	[tilespmem:$0x1C200] =	vst v63  }
0x3c: {  	_ =	swait.ge [sflag:s22], $0x100  }
0x3d: {  	[sflag:s22] =	ssyncset.done $0x0  }
0x3e: {  	s9 =	sadd.s32 s6, s9;
	[sflag:s22] =	ssyncadd.s32 $0xFFFFFF00  }
0x3f: {  	[tilespmem:s24], [sflag:$0x3] =	stream.linear.gather [hbm4b:s9+s2], $0x100, $0x38;
	[tilespmem:$0x1C200] =	vst v63  }
0x40: {  	_ =	swait.ge [sflag:s22], $0x100  }
0x41: {  	[sflag:s22] =	ssyncset.done $0x0  }
0x42: {  	[sflag:s22] =	ssyncadd.s32 $0xFFFFFF00  }
0x43: {  	[tilespmem:s26], [sflag:$0x1] =	stream.indirect.gather [hbm4b:s3+s25], $0x80, s23, s25, $0xb8;
	[tilespmem:$0x1C200] =	vst v63  }
0x44: {  	_ = 	snop  }
0x45: {  	[tilespmem:s29], [sflag:$0x2] =	stream.indirect.gather [hbm4b:s3+s25], $0x80, s28, s25, $0xb8;
	[tilespmem:$0x1C200] =	vst v63  }
0x46: {  	_ =	swait.ge [sflag:s30], $0x4000  }
0x47: {  	[sflag:s30] =	ssyncset.done $0x0  }
0x48: {  	[sflag:s30] =	ssyncadd.s32 $0xFFFFC000  }
0x49: {  	[spmem:s1] =	stream.indirect.scatter.add.f32 [tilespmem:s26], [sflag:$0x3], $0x80, s24, s25, $0xb8;
	[tilespmem:$0x1C200] =	vst v63  }
0x4a: {  	_ =	swait.ge [sflag:s22], $0x4000  }
.Ltmp2:
0x4b: {  	[sflag:s22] =	ssyncset.done $0x0;
	(pc) =	sbr.rel @p1 .LBB2_3-.Ltmp2, $4  }
0x4c: {  	s9 =	sand.u32 $0xFFFFFC00, s12;
	[sflag:s22] =	ssyncadd.s32 $0xFFFFC000  }
0x4d: {  	s12 =	sand.u32 $0x300, s12;
	s9 =	sadd.s32 s11, s9;
	_ =	swait.ge [sflag:s31], $0x4000  }
0x4e: {  	s9 =	sor.u32 s12, s9;
	[sflag:s31] =	ssyncset.done $0x0  }
0x4f: {  	s9 =	sshrl.u32 s9, $0x3;
	[sflag:s31] =	ssyncadd.s32 $0xFFFFC000  }
.LBB2_4:
0x50: {  	[spmem:s1] =	stream.indirect.scatter.add.f32 @p0 [tilespmem:s29], [sflag:$0x3], $0x80, s0, s25, $0xb8;
	[tilespmem:$0x1C200] =	vst v63  }
0x51: {  	_ =	swait.ge @p0 [sflag:s22], $0x4000  }
0x52: {  	[sflag:s22] =	ssyncset.done @p0 $0x0  }
0x53: {  	s7 =	sadd.s32 s5, s9;
	[sflag:s22] =	ssyncadd.s32 @p0 $0xFFFFC000  }
0x54: {  	[tilespmem:s23], [sflag:$0x3] =	stream.linear.gather [hbm4b:s7+s2], $0x100, $0x38;
	[tilespmem:$0x1C200] =	vst v63  }
0x55: {  	_ =	swait.ge [sflag:s22], $0x100  }
0x56: {  	[sflag:s22] =	ssyncset.done $0x0  }
0x57: {  	s9 =	sadd.s32 s6, s9;
	[sflag:s22] =	ssyncadd.s32 $0xFFFFFF00  }
0x58: {  	[tilespmem:s24], [sflag:$0x3] =	stream.linear.gather [hbm4b:s9+s2], $0x100, $0x38;
	[tilespmem:$0x1C200] =	vst v63  }
0x59: {  	_ =	swait.ge [sflag:s22], $0x100  }
0x5a: {  	[sflag:s22] =	ssyncset.done $0x0  }
0x5b: {  	[sflag:s22] =	ssyncadd.s32 $0xFFFFFF00  }
0x5c: {  	[tilespmem:s26], [sflag:$0x1] =	stream.indirect.gather [hbm4b:s3+s25], $0x80, s23, s25, $0xb8;
	[tilespmem:$0x1C200] =	vst v63  }
0x5d: {  	_ = 	snop  }
0x5e: {  	[tilespmem:s29], [sflag:$0x2] =	stream.indirect.gather [hbm4b:s3+s25], $0x80, s28, s25, $0xb8;
	[tilespmem:$0x1C200] =	vst v63  }
0x5f: {  	_ =	swait.ge [sflag:s30], $0x4000  }
0x60: {  	[sflag:s30] =	ssyncset.done $0x0  }
0x61: {  	[sflag:s30] =	ssyncadd.s32 $0xFFFFC000  }
0x62: {  	[spmem:s1] =	stream.indirect.scatter.add.f32 [tilespmem:s26], [sflag:$0x3], $0x80, s24, s25, $0xb8;
	[tilespmem:$0x1C200] =	vst v63  }
0x63: {  	_ =	swait.ge [sflag:s22], $0x4000  }
0x64: {  	[sflag:s22] =	ssyncset.done $0x0  }
0x65: {  	[sflag:s22] =	ssyncadd.s32 $0xFFFFC000  }
0x66: {  	_ =	swait.ge [sflag:s31], $0x4000  }
0x67: {  	[sflag:s31] =	ssyncset.done $0x0  }
0x68: {  	[sflag:s31] =	ssyncadd.s32 $0xFFFFC000  }
0x69: {  	[spmem:s1] =	stream.indirect.scatter.add.f32 [tilespmem:s29], [sflag:$0x3], $0x80, s0, s25, $0xb8;
	[tilespmem:$0x1C200] =	vst v63  }
0x6a: {  	_ =	swait.ge [sflag:s22], $0x4000  }
0x6b: {  	[sflag:s22] =	ssyncset.done $0x0  }
0x6c: {  	[sflag:s22] =	ssyncadd.s32 $0xFFFFC000  }
0x6d: {  	[bflag:$0x0] =	sbarrier.arrive $0xFFFF  }
0x6e: {  	[tilespmem:s26], [sflag:$0x3] =	stream.linear.gather [spmem:s8], $0x4000, $0x38;
	[tilespmem:$0x1C200] =	vst v63  }
0x6f: {  	_ =	swait.ge [sflag:s22], $0x4000  }
0x70: {  	[sflag:s22] =	ssyncset.done $0x0  }
0x71: {  	s12 =	rddreg [dreg:$0x5];
	[sflag:s22] =	ssyncadd.s32 $0xFFFFC000  }
0x72: {  	[hbm4b:s12+s2] =	stream.linear.scatter [tilespmem:s26], [sflag:$0x3], $0x4000, $0x38;
	[tilespmem:$0x1C200] =	vst v63  }
0x73: {  	_ =	swait.ge [sflag:s22], $0x4000  }
0x74: {  	[sflag:s22] =	ssyncset.done $0x0  }
0x75: {  	s13 =	rddreg [dreg:$0x6];
	[sflag:s22] =	ssyncadd.s32 $0xFFFFC000  }
0x76: {  	[tilespmem:s26], [sflag:$0x3] =	stream.linear.gather [spmem:s13], $0x4000, $0x38;
	[tilespmem:$0x1C200] =	vst v63  }
0x77: {  	_ =	swait.ge [sflag:s22], $0x4000  }
0x78: {  	[sflag:s22] =	ssyncset.done $0x0  }
0x79: {  	[sflag:s22] =	ssyncadd.s32 $0xFFFFC000  }
0x7a: {  	[hbm4b:s14+s2] =	stream.linear.scatter [tilespmem:s26], [sflag:$0x3], $0x4000, $0x38;
	[tilespmem:$0x1C200] =	vst v63  }
0x7b: {  	_ =	swait.ge [sflag:s22], $0x4000  }
0x7c: {  	[sflag:s22] =	ssyncset.done $0x0  }
0x7d: {  	[sflag:s22] =	ssyncadd.s32 $0xFFFFC000  }
0x7e: {  	[tilespmem:s26], [sflag:$0x3] =	stream.linear.gather [spmem:s15], $0x4000, $0x38;
	[tilespmem:$0x1C200] =	vst v63  }
0x7f: {  	_ =	swait.ge [sflag:s22], $0x4000  }
0x80: {  	[sflag:s22] =	ssyncset.done $0x0  }
0x81: {  	[sflag:s22] =	ssyncadd.s32 $0xFFFFC000  }
0x82: {  	[hbm4b:s16+s2] =	stream.linear.scatter [tilespmem:s26], [sflag:$0x3], $0x4000, $0x38;
	[tilespmem:$0x1C200] =	vst v63  }
0x83: {  	_ =	swait.ge [sflag:s22], $0x4000  }
0x84: {  	[sflag:s22] =	ssyncset.done $0x0  }
0x85: {  	[sflag:s22] =	ssyncadd.s32 $0xFFFFC000  }
0x86: {  	[tilespmem:s26], [sflag:$0x3] =	stream.linear.gather [spmem:s17], $0x4000, $0x38;
	[tilespmem:$0x1C200] =	vst v63  }
0x87: {  	_ =	swait.ge [sflag:s22], $0x4000  }
0x88: {  	[sflag:s22] =	ssyncset.done $0x0  }
0x89: {  	[sflag:s22] =	ssyncadd.s32 $0xFFFFC000  }
0x8a: {  	[hbm4b:s18+s2] =	stream.linear.scatter [tilespmem:s26], [sflag:$0x3], $0x4000, $0x38;
	[tilespmem:$0x1C200] =	vst v63  }
0x8b: {  	_ =	swait.ge [sflag:s22], $0x4000  }
0x8c: {  	[sflag:s22] =	ssyncset.done $0x0  }
0x8d: {  	[sflag:s22] =	ssyncadd.s32 $0xFFFFC000  }
0x8e: {  	[tilespmem:s26], [sflag:$0x3] =	stream.linear.gather [spmem:s19], $0x4000, $0x38;
	[tilespmem:$0x1C200] =	vst v63  }
0x8f: {  	s4 =	sadd.s32 $0x1, s4;
	_ =	swait.ge [sflag:s22], $0x4000  }
0x90: {  	p0 =	sne.s32 s4, s21;
	[sflag:s22] =	ssyncset.done $0x0  }
.Ltmp3:
0x91: {  	[sflag:s22] =	ssyncadd.s32 $0xFFFFC000;
	(pc) =	sbr.rel @p0 .LBB2_1-.Ltmp3, $4  }
0x92: {  	[hbm4b:s20+s2] =	stream.linear.scatter [tilespmem:s26], [sflag:$0x3], $0x4000, $0x38;
	[tilespmem:$0x1C200] =	vst v63  }
0x93: {  	_ =	swait.ge [sflag:s22], $0x4000  }
0x94: {  	[sflag:s22] =	ssyncset.done $0x0  }
0x95: {  	[sflag:s22] =	ssyncadd.s32 $0xFFFFC000  }
0x96: {  	_ =	sfence.sel $0x180000  }
0x97: {  	[bflag:$0x0] =	sbarrier.arrive $0xFFFF  }
0x98: {  	_ =	strace $0x90000050  }
0x99: {  	s0 =	stileid.u32;
	[bflag:$0x2] =	sbarrier.arrive $0xFFFF  }
0x9a: {  	p0 =	sne.s32 s0, $0x0;
	s0 =	rddreg [dreg:$0x2]  }
0x9b: {  	s0 =	sadd.s32 @!p0 $0x100000, s0  }
0x9c: {  	[sflag:s0] =	ssyncadd.tile.s32 @!p0 $0x1;
	_ =	shalt  }
.Lfunc_end2:
_tile_overlayer_lowered:
.L_overlay_start_2:
0x9d: {  	(tag) =	ssettag $0x2  }
0x9e: {  	s0 =	rddreg [dreg:$0x0];
	s2 =	stileid.u32  }
0x9f: {  	s1 =	rddreg [dreg:$0x1];
	p0 =	sne.s32 s2, $0x0  }
0xa0: {  	s3 =	rddreg [dreg:$0x2];
	[bflag:$0x3] =	sbarrier.arrive $0xFFFF;
	s2 =	simm.s32 @!p0 $0x1C03  }
0xa1: {  	[timem:s3], [sflag:s2] =	dma.local @!p0 [hbm:s0], s1  }
0xa2: {  	s0 =	simm.s32 @!p0 $0x3  }
0xa3: {  	_ =	swait.ge @!p0 [sflag:s0], s1  }
0xa4: {  	s1 =	ssub.s32 @!p0 $0x0, s1;
	[sflag:s0] =	ssyncset.done @!p0 $0x0  }
0xa5: {  	[sflag:s0] =	ssyncadd.s32 @!p0 s1  }
0xa6: {  	[bflag:$0x3] =	sbarrier.arrive $0xFFFF  }
0xa7: {  	_ =	shalt  }

// kernel: kernel.24.cloned.1.call-start
scs
__scs_entry_jumppad:
0x0: {  	(pc) =	sbr.rel $0x88, $3  }
0x1: {  	(tag) =	ssettag $0x0;
	lr =	simm.s32 $0x1  }
0x2: {  	[smem:$0x3F93] =	sst lr;
	_ =	strace $0xD0000000  }
0x3: {  	_ = 	snop  }
0x4: {  	_ = 	snop  }
0x5: {  	_ = 	snop  }
0x6: {  	_ = 	snop  }
0x7: {  	_ = 	snop  }
__scs_overlays_trampoline_lowered:
0x8: {  	[smem:$0x3FA2] =	sst s0  }
0x9: {  	[smem:$0x3FA3] =	sst s1  }
0xa: {  	[smem:$0x3FA4] =	sst s2  }
0xb: {  	[smem:$0x3FA5] =	sst s3  }
0xc: {  	[smem:$0x3FA6] =	sst s4  }
0xd: {  	[smem:$0x3FA7] =	sst s5  }
0xe: {  	[smem:$0x3FA8] =	sst s6  }
0xf: {  	[smem:$0x3FA9] =	sst s7  }
0x10: {  	[smem:$0x3FAA] =	sst s8  }
0x11: {  	[smem:$0x3FAB] =	sst s9;
	s0 =	simm.s32 @!p0 $0x0  }
0x12: {  	s1 =	sld [smem:$0x3F91];
	s0 =	simm.s32 @p0 $0x1  }
0x13: {  	[smem:$0x3FAC] =	sst s0;
	s0 =	simm.s32 @!p1 $0x0  }
0x14: {  	s2 =	sld [smem:$0x3F90];
	s0 =	simm.s32 @p1 $0x1  }
0x15: {  	[smem:$0x3FAD] =	sst s0;
	s0 =	simm.s32 @!p2 $0x0  }
0x16: {  	s3 =	sld [smem:$0x3FDB];
	s0 =	simm.s32 @p2 $0x1  }
0x17: {  	s4 =	simm.s32 $0x1BF5;
	[smem:$0x3FAF] =	sst s0  }
0x18: {  	s0 =	sld [smem:$0x3F92];
	_ =	swait.ge [sflag:s4], $0x0  }
0x19: {  	s7 =	sld [smem:$0x3F93]  }
0x1a: {  	s8 =	sadd.s32 $0xFFFFE003, lr  }
0x1b: {  	s9 =	sadd.s32 $0xFFFFFEF7, lr;
	s5 =	simm.s32 $0xFFFFFFFF;
	p2 =	slt.u32 s8, $0xFFFFF086  }
0x1c: {  	p1 =	slt.u32 s9, $0xF7A;
	s5 =	simm.s32 @!p2 $0x0  }
0x1d: {  	s5 =	simm.s32 @p1 $0x1;
	p0 =	seq.s32 s7, s2  }
0x1e: {  	s7 =	smul.u32 @!p0 $0xF7A, s2;
	p2 =	seq.s32 @!p0 s5, $0x0  }
0x1f: {  	s9 =	smul.u32 $0xF7A, s1;
	s8 =	simm.s32 @!p0 $0x1BF5;
	p2 =	por !p2, p0  }
0x20: {  	[sflag:s8] =	ssyncset.s32 @!p0 $0xFFFFF086;
	s6 =	sadd.s32 @!p0 s3, s7;
	s7 =	simm.s32 @!p0 $0x108  }
0x21: {  	s3 =	sadd.s32 s3, s9;
	s6 =	sadd.s32 @!p0 $0x88, s6;
	s7 =	simm.s32 @p2 $0x1082  }
0x22: {  	[simem:s7], [sflag:s8] =	dma.local @!p0 [hbm:s6], $0xF7A  }
0x23: {  	s9 =	sor.u32 $0xD0000000, s2;
	s6 =	simm.s32 $0x108;
	_ =	swait.ge @!p0 [sflag:s8], $0x0  }
0x24: {  	s3 =	sadd.s32 $0x88, s3;
	s6 =	simm.s32 @!p1 $0x1082;
	[sflag:s4] =	ssyncset.s32 $0xFFFFF086  }
0x25: {  	[simem:s6], [sflag:s4] =	dma.local [hbm:s3], $0xF7A  }
0x26: {  	[smem:$0x3F93] =	sst s1;
	(tag) =	ssettag s2;
	_ =	strace s9  }
0x27: {  	s1 =	sld [smem:$0x3FA3]  }
0x28: {  	s2 =	sld [smem:$0x3FA4]  }
0x29: {  	s4 =	sld [smem:$0x3FA6]  }
0x2a: {  	p0 =	seq.s32 s5, $0x0;
	s5 =	sld [smem:$0x3FA7]  }
0x2b: {  	s6 =	sld [smem:$0x3FA8]  }
0x2c: {  	s7 =	sld [smem:$0x3FA9]  }
0x2d: {  	s3 =	simm.s32 $0x108;
	s8 =	sld [smem:$0x3FAA]  }
0x2e: {  	s3 =	simm.s32 @!p0 $0x1082;
	s9 =	sld [smem:$0x3FAB]  }
0x2f: {  	lr =	sadd.s32 s0, s3;
	s0 =	sld [smem:$0x3FA2]  }
0x30: {  	s3 =	sld [smem:$0x3FA5]  }
0x31: {  	[smem:$0x3FAE] =	sst s10  }
0x32: {  	s10 =	sld [smem:$0x3FAC];
	_ =	sdelay $0x3  }
0x33: {  	p0 =	seq.s32 s10, $0x1;
	s10 =	sld [smem:$0x3FAE];
	_ =	sdelay $0x3  }
0x34: {  	[smem:$0x3FAE] =	sst s10  }
0x35: {  	s10 =	sld [smem:$0x3FAD];
	_ =	sdelay $0x3  }
0x36: {  	p1 =	seq.s32 s10, $0x1;
	s10 =	sld [smem:$0x3FAE];
	_ =	sdelay $0x3  }
0x37: {  	[smem:$0x3FAE] =	sst s10  }
0x38: {  	s10 =	sld [smem:$0x3FAF]  }
0x39: {  	_ = 	snop;
	(pc) =	sbr.ind lr, $3  }
0x3a: {  	_ = 	snop  }
0x3b: {  	_ = 	snop  }
0x3c: {  	p2 =	seq.s32 s10, $0x1;
	s10 =	sld [smem:$0x3FAE]  }
0x3d: {  	_ =	shalt  }
0x3e: {  	_ =	shalt  }
0x3f: {  	_ =	shalt  }
0x40: {  	_ =	shalt  }
0x41: {  	_ =	shalt  }
0x42: {  	_ =	shalt  }
0x43: {  	_ =	shalt  }
0x44: {  	_ =	shalt  }
0x45: {  	_ =	shalt  }
0x46: {  	_ =	shalt  }
0x47: {  	_ =	shalt  }
0x48: {  	_ =	shalt  }
0x49: {  	_ =	shalt  }
0x4a: {  	_ =	shalt  }
0x4b: {  	_ =	shalt  }
0x4c: {  	_ =	shalt  }
0x4d: {  	_ =	shalt  }
0x4e: {  	_ =	shalt  }
0x4f: {  	_ =	shalt  }
0x50: {  	_ =	shalt  }
0x51: {  	_ =	shalt  }
0x52: {  	_ =	shalt  }
0x53: {  	_ =	shalt  }
0x54: {  	_ =	shalt  }
0x55: {  	_ =	shalt  }
0x56: {  	_ =	shalt  }
0x57: {  	_ =	shalt  }
0x58: {  	_ =	shalt  }
0x59: {  	_ =	shalt  }
0x5a: {  	_ =	shalt  }
0x5b: {  	_ =	shalt  }
0x5c: {  	_ =	shalt  }
0x5d: {  	_ =	shalt  }
0x5e: {  	_ =	shalt  }
0x5f: {  	_ =	shalt  }
0x60: {  	_ =	shalt  }
0x61: {  	_ =	shalt  }
0x62: {  	_ =	shalt  }
0x63: {  	_ =	shalt  }
0x64: {  	_ =	shalt  }
0x65: {  	_ =	shalt  }
0x66: {  	_ =	shalt  }
0x67: {  	_ =	shalt  }
0x68: {  	_ =	shalt  }
0x69: {  	_ =	shalt  }
0x6a: {  	_ =	shalt  }
0x6b: {  	_ =	shalt  }
0x6c: {  	_ =	shalt  }
0x6d: {  	_ =	shalt  }
0x6e: {  	_ =	shalt  }
0x6f: {  	_ =	shalt  }
0x70: {  	_ =	shalt  }
0x71: {  	_ =	shalt  }
0x72: {  	_ =	shalt  }
0x73: {  	_ =	shalt  }
0x74: {  	_ =	shalt  }
0x75: {  	_ =	shalt  }
0x76: {  	_ =	shalt  }
0x77: {  	_ =	shalt  }
0x78: {  	_ =	shalt  }
0x79: {  	_ =	shalt  }
0x7a: {  	_ =	shalt  }
0x7b: {  	_ =	shalt  }
0x7c: {  	_ =	shalt  }
0x7d: {  	_ =	shalt  }
0x7e: {  	_ =	shalt  }
0x7f: {  	_ =	shalt  }
0x80: {  	_ =	shalt  }
0x81: {  	_ =	shalt  }
0x82: {  	_ =	shalt  }
0x83: {  	_ =	shalt  }
0x84: {  	_ =	shalt  }
0x85: {  	_ =	shalt  }
0x86: {  	_ =	shalt  }
0x87: {  	_ =	shalt  }
.Lfunc_end0:
.L_simem_size_0:
called_computation.4_lowered:
.L_overlay_start_0:
0x88: {  	s2 =	sld [smem:$0x3FD9]  }
0x89: {  	s3 =	sld [smem:$0x3FFE];
	_ =	sdelay $0x1  }
0x8a: {  	s1 =	srdreg.scid  }
0x8b: {  	s0 =	sand.u32 $0x1, s1  }
0x8c: {  	s16 =	sshll.u32 s0, $0xA;
	s2 =	sadd.s32 s3, s2  }
0x8d: {  	s2 =	sadd.s32 s2, s16  }
0x8e: {  	[smem:$0x3FBA] =	sst s2  }
0x8f: {  	_ = 	snop  }
0x90: {  	(tm) =	ssettm $0x1  }
0x91: {  	s17 =	sld [smem:$0x3FFB];
	_ =	sdelay $0x3  }
0x92: {  	_ =	strace s17  }
0x93: {  	s2 =	sld [smem:$0x3FFC];
	_ =	sdelay $0x3  }
0x94: {  	_ =	strace s2  }
0x95: {  	s2 =	sld [smem:$0x3FFD];
	_ =	sdelay $0x3  }
0x96: {  	_ =	strace s2  }
0x97: {  	_ =	strace $0x8FFFFFFF  }
0x98: {  	s18 =	sld [smem:$0x3FDB];
	_ =	sdelay $0x1  }
0x99: {  	s19 =	simm.s32 $_scs_section_size  }
0x9a: {  	s4 =	simm.s32 $_size__tile_overlayer_lowered;
	s5 =	simm.s32 $_tile_overlayer_lowered  }
0x9b: {  	s22 =	simm.s32 $0x1BFF;
	s21 =	sshll.u32 s5, $0x1;
	s2 =	sadd.s32 s19, s18  }
0x9c: {  	s6 =	simm.s32 $0x0;
	s20 =	sshll.u32 s4, $0x1;
	s4 =	sadd.s32 s21, s2  }
0x9d: {  	[timem:s6], [sflag:s22] =	dma.local [hbm:s4], s20  }
0x9e: {  	_ =	swait.ge [sflag:s22], s20  }
0x9f: {  	s3 =	ssub.s32 $0x0, s20;
	[sflag:s22] =	ssyncset.done $0x0  }
0xa0: {  	[sflag:s22] =	ssyncadd.s32 s3;
	_ =	sdelay $0x1  }
0xa1: {  	s23 =	simm.s32 $0x1B8B  }
0xa2: {  	_ =	swait.ge [sflag:s23], $0x1  }
0xa3: {  	[sflag:s23] =	ssyncset.done $0x0  }
0xa4: {  	s25 =	simm.s32 $0x1B8E;
	s24 =	sld [smem:$0x3FFE];
	[sflag:s23] =	ssyncadd.s32 $0xFFFFFFFF  }
0xa5: {  	s26 =	simm.s32 $execute0_lowered;
	[smem:$0x3FD2] =	sst s25  }
0xa6: {  	s4 =	sshll.u32 s26, $0x1;
	_ =	strace $0x80000052;
	[dreg:$0x1] =	wrdreg $0xFFFFFFFF  }
0xa7: {  	s28 =	simm.s32 $_size_execute0_lowered;
	s2 =	sadd.s32 s2, s4;
	[dreg:$0x0] =	wrdreg $0x0  }
0xa8: {  	s4 =	sshll.u32 s28, $0x1;
	[dreg:$0x2] =	wrdreg s2  }
0xa9: {  	[dreg:$0x3] =	wrdreg s4  }
0xaa: {  	[dreg:$0x4] =	wrdreg $0xC0  }
0xab: {  	_ =	task [dreg:s6], $0x5FFFF  }
0xac: {  	[dreg:$0x1] =	wrdreg $0xFFFFFFFF  }
0xad: {  	[dreg:$0x0] =	wrdreg $0x60  }
0xae: {  	[dreg:$0x2] =	wrdreg s24  }
0xaf: {  	[dreg:$0x3] =	wrdreg $0x0  }
0xb0: {  	[dreg:$0x4] =	wrdreg $0x9  }
0xb1: {  	_ =	task.clear_ibuf [dreg:s6], $0x5FFFF;
	_ =	strace $0x90000052  }
0xb2: {  	s29 =	simm.s32 $0x9;
	_ =	strace $0x80000054  }
0xb3: {  	_ =	swait.ge [sflag:s29], $0x1  }
0xb4: {  	[sflag:s29] =	ssyncadd.s32 $0xFFFFFFFF  }
0xb5: {  	_ =	strace $0x90000054  }
0xb6: {  	_ =	sfence  }
0xb7: {  	s30 =	sld [smem:$0x0];
	_ =	sdelay $0x2  }
0xb8: {  	s31 =	sshll.u32 s1, $0xD;
	s1 =	sshrl.u32 s1, $0x2  }
0xb9: {  	s3 =	sand.u32 $0x4000, s31;
	s1 =	sadd.s32 s1, s30  }
0xba: {  	s0 =	sor.u32 s3, s0;
	s1 =	sshll.u32 s1, $0x11  }
0xbb: {  	s0 =	sor.u32 s1, s0  }
0xbc: {  	s0 =	sadd.s32 $0x8F2B, s0  }
0xbd: {  	[sflag:s0] =	ssyncadd.remote.s32 $0x1  }
0xbe: {  	_ =	sfence.sel $0xFFFF  }
0xbf: {  	[dreg:$0x0] =	wrdreg $0xFFFFFFFF;
	(pc) =	sbr.abs _section_cstart, $3  }
0xc0: {  	[dreg:$0x1] =	wrdreg $0xFFFFFFFF  }
0xc1: {  	_ =	task.clear_ibuf [dreg:s6], $0x2FFFF;
	_ =	strace $0x9FFFFFFF  }
0xc2: {  	(tm) =	ssettm $0x7FFFFFFF  }
0xc3: {  	_ =	shalt  }
tec
execute0_lowered:
.L_overlay_start_1:
0x0: {  	(tag) =	ssettag $0x1  }
0x1: {  	s0 =	rddreg [dreg:$0x0]  }
0x2: {  	s1 =	rddreg [dreg:$0x1]  }
0x3: {  	s2 =	simm.s32 $0x0;
	s4 =	srdreg.scid;
	s11 =	stileid.u32  }
0x4: {  	s28 =	simm.s32 $0x14080;
	s29 =	simm.s32 $0x18200;
	s30 =	simm.s32 $0x1  }
0x5: {  	s31 =	simm.s32 $0x2;
	[smem:$0x7FF] =	sst s2;
	s3 =	sadd.s32 $0x5600, s0  }
0x6: {  	s5 =	sadd.s32 $0x3C600, s0;
	s6 =	sadd.s32 $0x2D600, s0;
	s4 =	sand.u32 $0x1, s4  }
0x7: {  	s7 =	sadd.s32 $0x4B600, s0;
	s0 =	sadd.s32 $0x4DE00, s0;
	s9 =	smul.u32 $0x50000, s11  }
0x8: {  	s10 =	sshll.u32 s11, $0x6;
	_ =	strace $0x80000053;
	[dreg:$0x3] =	wrdreg s7  }
0x9: {  	s16 =	ssub.s32 $0x2, s4;
	s17 =	sshll.u32 s4, $0x4;
	s12 =	smul.u32 $0x140000, s4  }
0xa: {  	s18 =	sor.u32 $0x1C03, s10;
	p0 =	seq.s32 s4, $0x0;
	s10 =	simm.s32 $0x3C00  }
0xb: {  	s8 =	sshrl.u32 s16, $0x1;
	s9 =	sshrl.u32 s9, $0x2;
	[dreg:$0x4] =	wrdreg s18  }
0xc: {  	s7 =	ssub.s32 s16, s8;
	s16 =	smul.u32 $0x14000, s11;
	s11 =	sor.u32 s11, s17  }
0xd: {  	s10 =	simm.s32 @!p0 $0x1300;
	s8 =	sadd.s32 s9, s1;
	s11 =	smul.u32 $0x3C00, s11  }
0xe: {  	s19 =	sadd.s32 s16, s12;
	s20 =	sadd.s32 $0x4000, s16;
	s22 =	sadd.s32 $0x8000, s16  }
0xf: {  	s24 =	sadd.s32 $0xC000, s16;
	s4 =	sshrl.u32 s19, $0x3;
	s21 =	sadd.s32 s12, s20  }
0x10: {  	s9 =	sadd.s32 s20, s1;
	s15 =	sadd.s32 s22, s1;
	s23 =	sadd.s32 s12, s22  }
0x11: {  	s19 =	sadd.s32 $0x10000, s16;
	s25 =	sadd.s32 s12, s24;
	s17 =	sadd.s32 s24, s1  }
0x12: {  	s22 =	simm.s32 $0x3;
	s24 =	simm.s32 $0x14100;
	s4 =	sadd.s32 s0, s4  }
0x13: {  	[dreg:$0x6] =	wrdreg s9;
	s12 =	sadd.s32 s12, s19;
	s19 =	sadd.s32 s19, s1  }
0x14: {  	[dreg:$0x5] =	wrdreg s4;
	s4 =	sshrl.u32 s21, $0x3;
	s26 =	sshrl.u32 s12, $0x3  }
0x15: {  	s21 =	smax.u32 s7, $0x1;
	s14 =	sadd.s32 s0, s4;
	s4 =	sshrl.u32 s23, $0x3  }
0x16: {  	s20 =	sadd.s32 s0, s26;
	s23 =	simm.s32 $0x14000;
	s26 =	simm.s32 $0x14200  }
0x17: {  	s16 =	sadd.s32 s0, s4;
	s4 =	sshrl.u32 s25, $0x3;
	s25 =	simm.s32 $0x80  }
0x18: {  	s18 =	sadd.s32 s0, s4;
	s0 =	simm.s32 $0x14180;
	s4 =	simm.s32 $0x0  }
.LBB2_1:
0x19: {  	s9 =	rddreg [dreg:$0x3]  }
0x1a: {  	s7 =	sshrl.u32 s8, $0x3;
	s12 =	rddreg [dreg:$0x4];
	p1 =	sne.s32 s10, $0x100  }
0x1b: {  	[spmem:s7], [sflag:s12] =	dma.local [hbm:s9], $0x2800  }
.Ltmp0:
0x1c: {  	_ =	swait.ge [sflag:s22], $0x2800;
	(pc) =	sbr.rel @!p1 .LBB2_4-.Ltmp0, $4  }
0x1d: {  	s12 =	sand.u32 $0xFFFFFC00, s2;
	[sflag:s22] =	ssyncset.done $0x0  }
0x1e: {  	s13 =	sand.u32 $0x300, s2;
	s7 =	sadd.s32 s11, s12;
	[sflag:s22] =	ssyncadd.s32 $0xFFFFD800  }
0x1f: {  	s7 =	sor.u32 s13, s7;
	[bflag:$0x0] =	sbarrier.arrive $0xFFFF  }
0x20: {  	p0 =	por $0x0, $0x0;
	s12 =	simm.s32 $0x100;
	s9 =	sshrl.u32 s7, $0x3  }
0x21: {  	s7 =	sadd.s32 s5, s9  }
0x22: {  	[tilespmem:s23], [sflag:$0x3] =	stream.linear.gather [hbm4b:s7+s2], $0x100, $0x38;
	[tilespmem:$0x1C200] =	vst v63  }
0x23: {  	_ =	swait.ge [sflag:s22], $0x100  }
0x24: {  	[sflag:s22] =	ssyncset.done $0x0  }
0x25: {  	s9 =	sadd.s32 s6, s9;
	[sflag:s22] =	ssyncadd.s32 $0xFFFFFF00  }
0x26: {  	[tilespmem:s24], [sflag:$0x3] =	stream.linear.gather [hbm4b:s9+s2], $0x100, $0x38;
	[tilespmem:$0x1C200] =	vst v63  }
0x27: {  	_ =	swait.ge [sflag:s22], $0x100  }
0x28: {  	[sflag:s22] =	ssyncset.done $0x0  }
0x29: {  	[sflag:s22] =	ssyncadd.s32 $0xFFFFFF00  }
0x2a: {  	[tilespmem:s26], [sflag:$0x1] =	stream.indirect.gather [hbm4b:s3+s25], $0x80, s23, s25, $0xb8;
	[tilespmem:$0x1C200] =	vst v63  }
0x2b: {  	_ = 	snop  }
0x2c: {  	[tilespmem:s29], [sflag:$0x2] =	stream.indirect.gather [hbm4b:s3+s25], $0x80, s28, s25, $0xb8;
	[tilespmem:$0x1C200] =	vst v63  }
0x2d: {  	_ =	swait.ge [sflag:s30], $0x4000  }
0x2e: {  	[sflag:s30] =	ssyncset.done $0x0  }
0x2f: {  	[sflag:s30] =	ssyncadd.s32 $0xFFFFC000  }
0x30: {  	[spmem:s1] =	stream.indirect.scatter.add.f32 [tilespmem:s26], [sflag:$0x3], $0x80, s24, s25, $0xb8;
	[tilespmem:$0x1C200] =	vst v63  }
0x31: {  	p1 =	sne.s32 s10, $0x200;
	_ =	swait.ge [sflag:s22], $0x4000  }
.Ltmp1:
0x32: {  	[sflag:s22] =	ssyncset.done $0x0;
	(pc) =	sbr.rel @!p1 .LBB2_4-.Ltmp1, $4  }
0x33: {  	s13 =	sand.u32 $0xFFFFFC00, s12;
	[sflag:s22] =	ssyncadd.s32 $0xFFFFC000  }
0x34: {  	s9 =	sadd.s32 s11, s13;
	s13 =	sand.u32 $0x300, s12;
	_ =	swait.ge [sflag:s31], $0x4000  }
0x35: {  	p0 =	por $0x1, $0x1;
	s9 =	sor.u32 s13, s9;
	[sflag:s31] =	ssyncset.done $0x0  }
0x36: {  	s7 =	simm.s32 $0x200;
	s9 =	sshrl.u32 s9, $0x3;
	[sflag:s31] =	ssyncadd.s32 $0xFFFFC000  }
.LBB2_3:
0x37: {  	[spmem:s1] =	stream.indirect.scatter.add.f32 [tilespmem:s29], [sflag:$0x3], $0x80, s0, s25, $0xb8;
	[tilespmem:$0x1C200] =	vst v63  }
0x38: {  	s12 =	smov.u32 s7;
	s7 =	sadd.s32 $0x100, s7;
	_ =	swait.ge [sflag:s22], $0x4000  }
0x39: {  	p1 =	sne.s32 s10, s7;
	[sflag:s22] =	ssyncset.done $0x0  }
0x3a: {  	s13 =	sadd.s32 s5, s9;
	[sflag:s22] =	ssyncadd.s32 $0xFFFFC000  }
0x3b: {  	[tilespmem:s23], [sflag:$0x3] =	stream.linear.gather [hbm4b:s13+s2], $0x100, $0x38;
	[tilespmem:$0x1C200] =	vst v63  }
0x3c: {  	_ =	swait.ge [sflag:s22], $0x100  }
0x3d: {  	[sflag:s22] =	ssyncset.done $0x0  }
0x3e: {  	s9 =	sadd.s32 s6, s9;
	[sflag:s22] =	ssyncadd.s32 $0xFFFFFF00  }
0x3f: {  	[tilespmem:s24], [sflag:$0x3] =	stream.linear.gather [hbm4b:s9+s2], $0x100, $0x38;
	[tilespmem:$0x1C200] =	vst v63  }
0x40: {  	_ =	swait.ge [sflag:s22], $0x100  }
0x41: {  	[sflag:s22] =	ssyncset.done $0x0  }
0x42: {  	[sflag:s22] =	ssyncadd.s32 $0xFFFFFF00  }
0x43: {  	[tilespmem:s26], [sflag:$0x1] =	stream.indirect.gather [hbm4b:s3+s25], $0x80, s23, s25, $0xb8;
	[tilespmem:$0x1C200] =	vst v63  }
0x44: {  	_ = 	snop  }
0x45: {  	[tilespmem:s29], [sflag:$0x2] =	stream.indirect.gather [hbm4b:s3+s25], $0x80, s28, s25, $0xb8;
	[tilespmem:$0x1C200] =	vst v63  }
0x46: {  	_ =	swait.ge [sflag:s30], $0x4000  }
0x47: {  	[sflag:s30] =	ssyncset.done $0x0  }
0x48: {  	[sflag:s30] =	ssyncadd.s32 $0xFFFFC000  }
0x49: {  	[spmem:s1] =	stream.indirect.scatter.add.f32 [tilespmem:s26], [sflag:$0x3], $0x80, s24, s25, $0xb8;
	[tilespmem:$0x1C200] =	vst v63  }
0x4a: {  	_ =	swait.ge [sflag:s22], $0x4000  }
.Ltmp2:
0x4b: {  	[sflag:s22] =	ssyncset.done $0x0;
	(pc) =	sbr.rel @p1 .LBB2_3-.Ltmp2, $4  }
0x4c: {  	s9 =	sand.u32 $0xFFFFFC00, s12;
	[sflag:s22] =	ssyncadd.s32 $0xFFFFC000  }
0x4d: {  	s12 =	sand.u32 $0x300, s12;
	s9 =	sadd.s32 s11, s9;
	_ =	swait.ge [sflag:s31], $0x4000  }
0x4e: {  	s9 =	sor.u32 s12, s9;
	[sflag:s31] =	ssyncset.done $0x0  }
0x4f: {  	s9 =	sshrl.u32 s9, $0x3;
	[sflag:s31] =	ssyncadd.s32 $0xFFFFC000  }
.LBB2_4:
0x50: {  	[spmem:s1] =	stream.indirect.scatter.add.f32 @p0 [tilespmem:s29], [sflag:$0x3], $0x80, s0, s25, $0xb8;
	[tilespmem:$0x1C200] =	vst v63  }
0x51: {  	_ =	swait.ge @p0 [sflag:s22], $0x4000  }
0x52: {  	[sflag:s22] =	ssyncset.done @p0 $0x0  }
0x53: {  	s7 =	sadd.s32 s5, s9;
	[sflag:s22] =	ssyncadd.s32 @p0 $0xFFFFC000  }
0x54: {  	[tilespmem:s23], [sflag:$0x3] =	stream.linear.gather [hbm4b:s7+s2], $0x100, $0x38;
	[tilespmem:$0x1C200] =	vst v63  }
0x55: {  	_ =	swait.ge [sflag:s22], $0x100  }
0x56: {  	[sflag:s22] =	ssyncset.done $0x0  }
0x57: {  	s9 =	sadd.s32 s6, s9;
	[sflag:s22] =	ssyncadd.s32 $0xFFFFFF00  }
0x58: {  	[tilespmem:s24], [sflag:$0x3] =	stream.linear.gather [hbm4b:s9+s2], $0x100, $0x38;
	[tilespmem:$0x1C200] =	vst v63  }
0x59: {  	_ =	swait.ge [sflag:s22], $0x100  }
0x5a: {  	[sflag:s22] =	ssyncset.done $0x0  }
0x5b: {  	[sflag:s22] =	ssyncadd.s32 $0xFFFFFF00  }
0x5c: {  	[tilespmem:s26], [sflag:$0x1] =	stream.indirect.gather [hbm4b:s3+s25], $0x80, s23, s25, $0xb8;
	[tilespmem:$0x1C200] =	vst v63  }
0x5d: {  	_ = 	snop  }
0x5e: {  	[tilespmem:s29], [sflag:$0x2] =	stream.indirect.gather [hbm4b:s3+s25], $0x80, s28, s25, $0xb8;
	[tilespmem:$0x1C200] =	vst v63  }
0x5f: {  	_ =	swait.ge [sflag:s30], $0x4000  }
0x60: {  	[sflag:s30] =	ssyncset.done $0x0  }
0x61: {  	[sflag:s30] =	ssyncadd.s32 $0xFFFFC000  }
0x62: {  	[spmem:s1] =	stream.indirect.scatter.add.f32 [tilespmem:s26], [sflag:$0x3], $0x80, s24, s25, $0xb8;
	[tilespmem:$0x1C200] =	vst v63  }
0x63: {  	_ =	swait.ge [sflag:s22], $0x4000  }
0x64: {  	[sflag:s22] =	ssyncset.done $0x0  }
0x65: {  	[sflag:s22] =	ssyncadd.s32 $0xFFFFC000  }
0x66: {  	_ =	swait.ge [sflag:s31], $0x4000  }
0x67: {  	[sflag:s31] =	ssyncset.done $0x0  }
0x68: {  	[sflag:s31] =	ssyncadd.s32 $0xFFFFC000  }
0x69: {  	[spmem:s1] =	stream.indirect.scatter.add.f32 [tilespmem:s29], [sflag:$0x3], $0x80, s0, s25, $0xb8;
	[tilespmem:$0x1C200] =	vst v63  }
0x6a: {  	_ =	swait.ge [sflag:s22], $0x4000  }
0x6b: {  	[sflag:s22] =	ssyncset.done $0x0  }
0x6c: {  	[sflag:s22] =	ssyncadd.s32 $0xFFFFC000  }
0x6d: {  	[bflag:$0x0] =	sbarrier.arrive $0xFFFF  }
0x6e: {  	[tilespmem:s26], [sflag:$0x3] =	stream.linear.gather [spmem:s8], $0x4000, $0x38;
	[tilespmem:$0x1C200] =	vst v63  }
0x6f: {  	_ =	swait.ge [sflag:s22], $0x4000  }
0x70: {  	[sflag:s22] =	ssyncset.done $0x0  }
0x71: {  	s12 =	rddreg [dreg:$0x5];
	[sflag:s22] =	ssyncadd.s32 $0xFFFFC000  }
0x72: {  	[hbm4b:s12+s2] =	stream.linear.scatter [tilespmem:s26], [sflag:$0x3], $0x4000, $0x38;
	[tilespmem:$0x1C200] =	vst v63  }
0x73: {  	_ =	swait.ge [sflag:s22], $0x4000  }
0x74: {  	[sflag:s22] =	ssyncset.done $0x0  }
0x75: {  	s13 =	rddreg [dreg:$0x6];
	[sflag:s22] =	ssyncadd.s32 $0xFFFFC000  }
0x76: {  	[tilespmem:s26], [sflag:$0x3] =	stream.linear.gather [spmem:s13], $0x4000, $0x38;
	[tilespmem:$0x1C200] =	vst v63  }
0x77: {  	_ =	swait.ge [sflag:s22], $0x4000  }
0x78: {  	[sflag:s22] =	ssyncset.done $0x0  }
0x79: {  	[sflag:s22] =	ssyncadd.s32 $0xFFFFC000  }
0x7a: {  	[hbm4b:s14+s2] =	stream.linear.scatter [tilespmem:s26], [sflag:$0x3], $0x4000, $0x38;
	[tilespmem:$0x1C200] =	vst v63  }
0x7b: {  	_ =	swait.ge [sflag:s22], $0x4000  }
0x7c: {  	[sflag:s22] =	ssyncset.done $0x0  }
0x7d: {  	[sflag:s22] =	ssyncadd.s32 $0xFFFFC000  }
0x7e: {  	[tilespmem:s26], [sflag:$0x3] =	stream.linear.gather [spmem:s15], $0x4000, $0x38;
	[tilespmem:$0x1C200] =	vst v63  }
0x7f: {  	_ =	swait.ge [sflag:s22], $0x4000  }
0x80: {  	[sflag:s22] =	ssyncset.done $0x0  }
0x81: {  	[sflag:s22] =	ssyncadd.s32 $0xFFFFC000  }
0x82: {  	[hbm4b:s16+s2] =	stream.linear.scatter [tilespmem:s26], [sflag:$0x3], $0x4000, $0x38;
	[tilespmem:$0x1C200] =	vst v63  }
0x83: {  	_ =	swait.ge [sflag:s22], $0x4000  }
0x84: {  	[sflag:s22] =	ssyncset.done $0x0  }
0x85: {  	[sflag:s22] =	ssyncadd.s32 $0xFFFFC000  }
0x86: {  	[tilespmem:s26], [sflag:$0x3] =	stream.linear.gather [spmem:s17], $0x4000, $0x38;
	[tilespmem:$0x1C200] =	vst v63  }
0x87: {  	_ =	swait.ge [sflag:s22], $0x4000  }
0x88: {  	[sflag:s22] =	ssyncset.done $0x0  }
0x89: {  	[sflag:s22] =	ssyncadd.s32 $0xFFFFC000  }
0x8a: {  	[hbm4b:s18+s2] =	stream.linear.scatter [tilespmem:s26], [sflag:$0x3], $0x4000, $0x38;
	[tilespmem:$0x1C200] =	vst v63  }
0x8b: {  	_ =	swait.ge [sflag:s22], $0x4000  }
0x8c: {  	[sflag:s22] =	ssyncset.done $0x0  }
0x8d: {  	[sflag:s22] =	ssyncadd.s32 $0xFFFFC000  }
0x8e: {  	[tilespmem:s26], [sflag:$0x3] =	stream.linear.gather [spmem:s19], $0x4000, $0x38;
	[tilespmem:$0x1C200] =	vst v63  }
0x8f: {  	s4 =	sadd.s32 $0x1, s4;
	_ =	swait.ge [sflag:s22], $0x4000  }
0x90: {  	p0 =	sne.s32 s4, s21;
	[sflag:s22] =	ssyncset.done $0x0  }
.Ltmp3:
0x91: {  	[sflag:s22] =	ssyncadd.s32 $0xFFFFC000;
	(pc) =	sbr.rel @p0 .LBB2_1-.Ltmp3, $4  }
0x92: {  	[hbm4b:s20+s2] =	stream.linear.scatter [tilespmem:s26], [sflag:$0x3], $0x4000, $0x38;
	[tilespmem:$0x1C200] =	vst v63  }
0x93: {  	_ =	swait.ge [sflag:s22], $0x4000  }
0x94: {  	[sflag:s22] =	ssyncset.done $0x0  }
0x95: {  	[sflag:s22] =	ssyncadd.s32 $0xFFFFC000  }
0x96: {  	_ =	sfence.sel $0x180000  }
0x97: {  	[bflag:$0x0] =	sbarrier.arrive $0xFFFF  }
0x98: {  	_ =	strace $0x90000053  }
0x99: {  	s0 =	stileid.u32;
	[bflag:$0x2] =	sbarrier.arrive $0xFFFF  }
0x9a: {  	p0 =	sne.s32 s0, $0x0;
	s0 =	rddreg [dreg:$0x2]  }
0x9b: {  	s0 =	sadd.s32 @!p0 $0x100000, s0  }
0x9c: {  	[sflag:s0] =	ssyncadd.tile.s32 @!p0 $0x1;
	_ =	shalt  }
.Lfunc_end2:
_tile_overlayer_lowered:
.L_overlay_start_2:
0x9d: {  	(tag) =	ssettag $0x2  }
0x9e: {  	s0 =	rddreg [dreg:$0x0];
	s2 =	stileid.u32  }
0x9f: {  	s1 =	rddreg [dreg:$0x1];
	p0 =	sne.s32 s2, $0x0  }
0xa0: {  	s3 =	rddreg [dreg:$0x2];
	[bflag:$0x3] =	sbarrier.arrive $0xFFFF;
	s2 =	simm.s32 @!p0 $0x1C03  }
0xa1: {  	[timem:s3], [sflag:s2] =	dma.local @!p0 [hbm:s0], s1  }
0xa2: {  	s0 =	simm.s32 @!p0 $0x3  }
0xa3: {  	_ =	swait.ge @!p0 [sflag:s0], s1  }
0xa4: {  	s1 =	ssub.s32 @!p0 $0x0, s1;
	[sflag:s0] =	ssyncset.done @!p0 $0x0  }
0xa5: {  	[sflag:s0] =	ssyncadd.s32 @!p0 s1  }
0xa6: {  	[bflag:$0x3] =	sbarrier.arrive $0xFFFF  }
0xa7: {  	_ =	shalt  }

</sc_bundles>
